<compile_context>
chip_gen: v7x
topology: tpu7x:2x2x1
jax: 0.10.2.dev20260603
libtpu: 0.0.44.dev20260713+nightly
codegen_flags: <defaults>
</compile_context>

<pallas_src>
import functools

import jax
import jax.numpy as jnp
from jax import lax
from jax.experimental import pallas as pl
from jax.experimental.pallas import tpu as pltpu
from jax.experimental.pallas import tpu_sc as plsc

_EMBED = 32
_BATCH = 16384
_NC = 2
_NS = 16
_NW = _NC * _NS
_BPW = _BATCH // _NW
_K = 8
_NG = _BPW // _K
_LROWS = (_BATCH // 128) * _EMBED


def _gather_body(user_hbm, item_hbm, utab_hbm, itab_hbm, uout_hbm, iout_hbm,
                 uidx_v, iidx_v, buf, stage, sem0, sem1, sem2, sem3):
    wid = lax.axis_index("s") * _NC + lax.axis_index("c")
    base = wid * _BPW
    pltpu.sync_copy(user_hbm.at[pl.ds(base, _BPW)], uidx_v.at[pl.ds(0, _BPW)])
    pltpu.sync_copy(item_hbm.at[pl.ds(base, _BPW)], iidx_v.at[pl.ds(0, _BPW)])
    half0 = lax.iota(jnp.int32, 16)
    half1 = half0 + 16
    sems = (sem0, sem1, sem2, sem3)
    lrow = wid * (_BPW // 128) * _EMBED

    def one_table(idx_v, tab_hbm, out_hbm):
        def fire(vec, k):
            s = vec[k]
            off = pl.multiple_of((s >> 7) * 128, 128)
            pltpu.async_copy(tab_hbm.at[:, pl.ds(off, 128)],
                             buf.at[pl.ds(k * _EMBED, _EMBED), :],
                             sems[k // 4])

        def extract(vec, e0, k):
            s = vec[k]
            c = jnp.full((16,), s & 127, jnp.int32)
            e = e0 + k
            col = jnp.full((16,), e & 127, jnp.int32)
            krow = (e // 128) * _EMBED
            for half in (half0, half1):
                v = plsc.load_gather(buf, [half + k * _EMBED, c])
                plsc.store_scatter(stage, [half + krow, col], v)

        vec0 = idx_v[pl.ds(0, 16)]
        for k in range(16):
            fire(vec0, k)

        def step(j, carry):
            e0 = j * 16
            vec = idx_v[pl.ds(e0, 16)]
            vnx = idx_v[pl.ds(e0 + 16, 16)]
            last = j == (_BPW // 16 - 1)
            for bank in range(4):
                for _ in range(4):
                    pltpu.make_async_copy(tab_hbm.at[:, pl.ds(0, 128)],
                                          buf.at[pl.ds(0, _EMBED), :],
                                          sems[bank]).wait()
                for k in range(4 * bank, 4 * bank + 4):
                    extract(vec, e0, k)

                @pl.when(jnp.logical_not(last))
                def _():
                    for k in range(4 * bank, 4 * bank + 4):
                        fire(vnx, k)
            return carry

        lax.fori_loop(0, _BPW // 16, step, 0)
        pltpu.sync_copy(stage, out_hbm.at[pl.ds(lrow, (_BPW // 128) * _EMBED), :])

    one_table(uidx_v, utab_hbm, uout_hbm)
    one_table(iidx_v, itab_hbm, iout_hbm)


_sc_gather = functools.partial(
    pl.kernel,
    mesh=plsc.VectorSubcoreMesh(core_axis_name="c", subcore_axis_name="s"),
    out_type=(
        jax.ShapeDtypeStruct((_LROWS, 128), jnp.float32),
        jax.ShapeDtypeStruct((_LROWS, 128), jnp.float32),
    ),
    scratch_types=[
        pltpu.VMEM((_BPW + 16,), jnp.int32),
        pltpu.VMEM((_BPW + 16,), jnp.int32),
        pltpu.VMEM((16 * _EMBED, 128), jnp.float32),
        pltpu.VMEM(((_BPW // 128) * _EMBED, 128), jnp.float32),
        pltpu.SemaphoreType.DMA,
        pltpu.SemaphoreType.DMA,
        pltpu.SemaphoreType.DMA,
        pltpu.SemaphoreType.DMA,
    ],
    compiler_params=pltpu.CompilerParams(needs_layout_passes=False),
)(_gather_body)


def _mlp_body(u_ref, i_ref, w1u_ref, w1i_ref, b1_ref, w2_ref, b2_ref,
              w3_ref, b3_ref, w4_ref, b4_ref, o_ref):
    x = jnp.dot(w1u_ref[...], u_ref[...], preferred_element_type=jnp.float32)
    x = x + jnp.dot(w1i_ref[...], i_ref[...], preferred_element_type=jnp.float32)
    x = jnp.maximum(x + b1_ref[...], 0.0)
    x = jnp.maximum(jnp.dot(w2_ref[...], x, preferred_element_type=jnp.float32)
                    + b2_ref[...], 0.0)
    x = jnp.maximum(jnp.dot(w3_ref[...], x, preferred_element_type=jnp.float32)
                    + b3_ref[...], 0.0)
    x = jnp.dot(w4_ref[...], x, preferred_element_type=jnp.float32) + b4_ref[...]
    o_ref[...] = jax.nn.sigmoid(x)


_GB = 16
_BR = _GB * _EMBED


def _mlp(u_l, i_l, w1u, w1i, b1, w2, b2, w3, b3, w4, b4):
    full = lambda shape: pl.BlockSpec(shape, lambda i: (0, 0))
    return pl.pallas_call(
        _mlp_body,
        grid=(_LROWS // _BR,),
        in_specs=[
            pl.BlockSpec((_BR, 128), lambda i: (i, 0)),
            pl.BlockSpec((_BR, 128), lambda i: (i, 0)),
            full(( _GB * 64, _BR)), full((_GB * 64, _BR)), full((_GB * 64, 1)),
            full((_GB * 32, _GB * 64)), full((_GB * 32, 1)),
            full((_GB * 16, _GB * 32)), full((_GB * 16, 1)),
            full((_GB, _GB * 16)), full((1, 1)),
        ],
        out_specs=pl.BlockSpec((_GB, 128), lambda i: (i, 0)),
        out_shape=jax.ShapeDtypeStruct((_BATCH // 128, 128), jnp.float32),
    )(u_l, i_l, w1u, w1i, b1, w2, b2, w3, b3, w4, b4)


def kernel(user, item, user_table, item_table, W1, b1, W2, b2, W3, b3, W4, b4):
    user = user.astype(jnp.int32)
    item = item.astype(jnp.int32)
    u_l, i_l = _sc_gather(user, item, user_table.T, item_table.T)
    eye = jnp.eye(_GB, dtype=jnp.float32)
    bd = lambda w: jnp.kron(eye, w)
    tile_b = lambda b: jnp.tile(b, (_GB,)).reshape(-1, 1)
    y = _mlp(
        u_l, i_l,
        bd(W1[:_EMBED].T), bd(W1[_EMBED:].T), tile_b(b1),
        bd(W2.T), tile_b(b2),
        bd(W3.T), tile_b(b3),
        bd(W4.T), b4.reshape(1, 1),
    )
    return y.reshape(_BATCH, 1)

# --- scband reference (transcript-rebuilt; emitter-appended) ---
"""Pipeline reference for scband-ncf-60361470378703 (READ-ONLY COPY).

The authoritative reference and input builder live on the scoring server;
editing this copy changes nothing except your own understanding.
"""

import jax, jax.numpy as jnp
import numpy as np

EMBED_DIM = 32
NUM_USER = 1000000
NUM_ITEM = 1000000
BATCH = 16384


def setup_inputs(seed: int = 0) -> dict:
    key = jax.random.key(seed)
    ks = jax.random.split(key, 12)
    user = jax.random.randint(ks[0], (BATCH,), 0, NUM_USER, dtype=jnp.int64) if jax.config.jax_enable_x64 else jax.random.randint(ks[0], (BATCH,), 0, NUM_USER, dtype=jnp.int32)
    item = jax.random.randint(ks[1], (BATCH,), 0, NUM_ITEM, dtype=jnp.int32)
    user_table = jax.random.normal(ks[2], (NUM_USER, EMBED_DIM), dtype=jnp.float32)
    item_table = jax.random.normal(ks[3], (NUM_ITEM, EMBED_DIM), dtype=jnp.float32)
    def linear_params(k, fan_in, fan_out):
        k1, k2 = jax.random.split(k)
        bound = 1.0 / np.sqrt(fan_in)
        W = jax.random.uniform(k1, (fan_in, fan_out), minval=-bound, maxval=bound, dtype=jnp.float32)
        b = jax.random.uniform(k2, (fan_out,), minval=-bound, maxval=bound, dtype=jnp.float32)
        return W, b
    W1, b1 = linear_params(ks[4], EMBED_DIM * 2, 64)
    W2, b2 = linear_params(ks[5], 64, 32)
    W3, b3 = linear_params(ks[6], 32, 16)
    W4, b4 = linear_params(ks[7], 16, 1)
    return {"user": user, "item": item, "user_table": user_table, "item_table": item_table,
            "W1": W1, "b1": b1, "W2": W2, "b2": b2, "W3": W3, "b3": b3, "W4": W4, "b4": b4}


def reference(user, item, user_table, item_table, W1, b1, W2, b2, W3, b3, W4, b4):
    user_embed = jnp.take(user_table, user, axis=0)
    item_embed = jnp.take(item_table, item, axis=0)
    concat_features = jnp.concatenate((user_embed, item_embed), axis=1)
    x = concat_features @ W1 + b1
    x = jax.nn.relu(x)
    x = x @ W2 + b2
    x = jax.nn.relu(x)
    x = x @ W3 + b3
    x = jax.nn.relu(x)
    x = x @ W4 + b4
    x = jax.nn.sigmoid(x)
    return x

if __name__ == "__main__":
    import jax
    _d = setup_inputs()
    print(jax.jit(kernel)(*tuple(_d.values())))

</pallas_src>

<mosaic_0001>
#map = affine_map<(d0, d1) -> (0)>
#map1 = affine_map<(d0, d1) -> (0, 0)>
module attributes {stable_mosaic.version = 14 : i64} {
  func.func @_gather_body(%arg0: i32, %arg1: i32, %arg2: memref<16384xi32, #tpu.memory_space<hbm>>, %arg3: memref<16384xi32, #tpu.memory_space<hbm>>, %arg4: memref<32x1000000xf32, #tpu.memory_space<hbm>>, %arg5: memref<32x1000000xf32, #tpu.memory_space<hbm>>, %arg6: memref<4096x128xf32, #tpu.memory_space<hbm>>, %arg7: memref<4096x128xf32, #tpu.memory_space<hbm>>, %arg8: memref<528xi32, #tpu.memory_space<vmem>>, %arg9: memref<528xi32, #tpu.memory_space<vmem>>, %arg10: memref<512x128xf32, #tpu.memory_space<vmem>>, %arg11: memref<128x128xf32, #tpu.memory_space<vmem>>, %arg12: memref<!tpu.dma_semaphore, #tpu.memory_space<semaphore_mem>>, %arg13: memref<!tpu.dma_semaphore, #tpu.memory_space<semaphore_mem>>, %arg14: memref<!tpu.dma_semaphore, #tpu.memory_space<semaphore_mem>>, %arg15: memref<!tpu.dma_semaphore, #tpu.memory_space<semaphore_mem>>) attributes {dimension_semantics = [#tpu.dimension_semantics<core_parallel>, #tpu.dimension_semantics<subcore_parallel>], iteration_bounds = array<i64: 2, 16>, scalar_prefetch = 0 : i64, scratch_operands = 8 : i64, tpu.core_type = #tpu.core_type<sc_vector_subcore>, window_params = [{transform_indices = #map}, {transform_indices = #map}, {transform_indices = #map1}, {transform_indices = #map1}, {transform_indices = #map1}, {transform_indices = #map1}]} {
    %mul3A = arith.constant 2 : i32
    %mul3A_0 = arith.muli %arg1, %mul3A : i32
    %add3A = arith.addi %mul3A_0, %arg0 : i32
    %mul3A_1 = arith.constant 512 : i32
    %mul3A_2 = arith.muli %add3A, %mul3A_1 : i32
    "tpu.region"() ({
      %run_scoped3A = tpu.sem_alloc : memref<!tpu.dma_semaphore, #tpu.memory_space<semaphore_mem>>
      %dma_start3A_563 = arith.constant 0 : i32
      %dma_start3A_564 = tpu.memref_slice %arg8[%dma_start3A_563] : memref<528xi32, #tpu.memory_space<vmem>> -> memref<512xi32, #tpu.memory_space<vmem>>
      %dma_start3A_565 = tpu.memref_slice %arg2[%mul3A_2] : memref<16384xi32, #tpu.memory_space<hbm>> -> memref<512xi32, #tpu.memory_space<hbm>>
      %dma_start3A_566 = arith.constant 0 : i32
      %dma_start3A_567 = tpu.memref_slice %arg8[%dma_start3A_566] : memref<528xi32, #tpu.memory_space<vmem>> -> memref<512xi32, #tpu.memory_space<vmem>>
      %dma_start3A_568 = tpu.memref_slice %arg2[%mul3A_2] : memref<16384xi32, #tpu.memory_space<hbm>> -> memref<512xi32, #tpu.memory_space<hbm>>
      tpu.enqueue_dma source(%dma_start3A_568 : memref<512xi32, #tpu.memory_space<hbm>>) target(%dma_start3A_567 : memref<512xi32, #tpu.memory_space<vmem>>) target_semaphore(%run_scoped3A : memref<!tpu.dma_semaphore, #tpu.memory_space<semaphore_mem>>)
      %dma_wait3A = arith.constant 0 : i32
      %dma_wait3A_569 = tpu.memref_slice %arg8[%dma_wait3A] : memref<528xi32, #tpu.memory_space<vmem>> -> memref<512xi32, #tpu.memory_space<vmem>>
      %dma_wait3A_570 = tpu.memref_slice %arg2[%mul3A_2] : memref<16384xi32, #tpu.memory_space<hbm>> -> memref<512xi32, #tpu.memory_space<hbm>>
      %dma_wait3A_571 = arith.constant 0 : i32
      %dma_wait3A_572 = tpu.memref_slice %arg8[%dma_wait3A_571] : memref<528xi32, #tpu.memory_space<vmem>> -> memref<512xi32, #tpu.memory_space<vmem>>
      %dma_wait3A_573 = tpu.memref_slice %arg2[%mul3A_2] : memref<16384xi32, #tpu.memory_space<hbm>> -> memref<512xi32, #tpu.memory_space<hbm>>
      tpu.wait_dma2 semaphore(%run_scoped3A : memref<!tpu.dma_semaphore, #tpu.memory_space<semaphore_mem>>) src(%dma_wait3A_573 : memref<512xi32, #tpu.memory_space<hbm>>) dst(%dma_wait3A_572 : memref<512xi32, #tpu.memory_space<vmem>>)
      tpu.yield
    }) : () -> ()
    "tpu.region"() ({
      %run_scoped3A = tpu.sem_alloc : memref<!tpu.dma_semaphore, #tpu.memory_space<semaphore_mem>>
      %dma_start3A_563 = arith.constant 0 : i32
      %dma_start3A_564 = tpu.memref_slice %arg9[%dma_start3A_563] : memref<528xi32, #tpu.memory_space<vmem>> -> memref<512xi32, #tpu.memory_space<vmem>>
      %dma_start3A_565 = tpu.memref_slice %arg3[%mul3A_2] : memref<16384xi32, #tpu.memory_space<hbm>> -> memref<512xi32, #tpu.memory_space<hbm>>
      %dma_start3A_566 = arith.constant 0 : i32
      %dma_start3A_567 = tpu.memref_slice %arg9[%dma_start3A_566] : memref<528xi32, #tpu.memory_space<vmem>> -> memref<512xi32, #tpu.memory_space<vmem>>
      %dma_start3A_568 = tpu.memref_slice %arg3[%mul3A_2] : memref<16384xi32, #tpu.memory_space<hbm>> -> memref<512xi32, #tpu.memory_space<hbm>>
      tpu.enqueue_dma source(%dma_start3A_568 : memref<512xi32, #tpu.memory_space<hbm>>) target(%dma_start3A_567 : memref<512xi32, #tpu.memory_space<vmem>>) target_semaphore(%run_scoped3A : memref<!tpu.dma_semaphore, #tpu.memory_space<semaphore_mem>>)
      %dma_wait3A = arith.constant 0 : i32
      %dma_wait3A_569 = tpu.memref_slice %arg9[%dma_wait3A] : memref<528xi32, #tpu.memory_space<vmem>> -> memref<512xi32, #tpu.memory_space<vmem>>
      %dma_wait3A_570 = tpu.memref_slice %arg3[%mul3A_2] : memref<16384xi32, #tpu.memory_space<hbm>> -> memref<512xi32, #tpu.memory_space<hbm>>
      %dma_wait3A_571 = arith.constant 0 : i32
      %dma_wait3A_572 = tpu.memref_slice %arg9[%dma_wait3A_571] : memref<528xi32, #tpu.memory_space<vmem>> -> memref<512xi32, #tpu.memory_space<vmem>>
      %dma_wait3A_573 = tpu.memref_slice %arg3[%mul3A_2] : memref<16384xi32, #tpu.memory_space<hbm>> -> memref<512xi32, #tpu.memory_space<hbm>>
      tpu.wait_dma2 semaphore(%run_scoped3A : memref<!tpu.dma_semaphore, #tpu.memory_space<semaphore_mem>>) src(%dma_wait3A_573 : memref<512xi32, #tpu.memory_space<hbm>>) dst(%dma_wait3A_572 : memref<512xi32, #tpu.memory_space<vmem>>)
      tpu.yield
    }) : () -> ()
    %iota3A = tpu.iota {dimensions = array<i32: 0>} : vector<16xi32>
    %add3A_3 = arith.constant 16 : i32
    %add3A_4 = vector.broadcast %add3A_3 : i32 to vector<16xi32>
    %add3A_5 = arith.addi %iota3A, %add3A_4 : vector<16xi32>
    %mul3A_6 = arith.constant 4 : i32
    %mul3A_7 = arith.muli %add3A, %mul3A_6 : i32
    %mul3A_8 = arith.constant 32 : i32
    %mul3A_9 = arith.muli %mul3A_7, %mul3A_8 : i32
    %get3A = arith.constant 0 : index
    %get3A_10 = tpu.vector_load %arg8[%get3A] {strides = array<i32>} : memref<528xi32, #tpu.memory_space<vmem>>, vector<16xi32>,
    %slice3A = vector.extract_strided_slice %get3A_10 {offsets = [0], sizes = [1], strides = [1]} : vector<16xi32> to vector<1xi32>
    %squeeze3A = vector.extract %slice3A[0] : i32 from vector<1xi32>
    %shift_right_arithmetic3A = arith.constant 7 : i32
    %shift_right_arithmetic3A_11 = arith.shrsi %squeeze3A, %shift_right_arithmetic3A : i32
    %mul3A_12 = arith.constant 128 : i32
    %mul3A_13 = arith.muli %shift_right_arithmetic3A_11, %mul3A_12 : i32
    %multiple_of3A = tpu.assume_multiple %mul3A_13, 128 : i32
    %dma_start3A = arith.constant 0 : i32
    %dma_start3A_14 = arith.constant 0 : i32
    %dma_start3A_15 = tpu.memref_slice %arg10[%dma_start3A, %dma_start3A_14] : memref<512x128xf32, #tpu.memory_space<vmem>> -> memref<32x128xf32, #tpu.memory_space<vmem>>
    %dma_start3A_16 = arith.constant 0 : i32
    %dma_start3A_17 = tpu.memref_slice %arg4[%dma_start3A_16, %multiple_of3A] : memref<32x1000000xf32, #tpu.memory_space<hbm>> -> memref<32x128xf32, #tpu.memory_space<hbm>>
    %dma_start3A_18 = arith.constant 0 : i32
    %dma_start3A_19 = arith.constant 0 : i32
    %dma_start3A_20 = tpu.memref_slice %arg10[%dma_start3A_18, %dma_start3A_19] : memref<512x128xf32, #tpu.memory_space<vmem>> -> memref<32x128xf32, #tpu.memory_space<vmem>>
    %dma_start3A_21 = arith.constant 0 : i32
    %dma_start3A_22 = tpu.memref_slice %arg4[%dma_start3A_21, %multiple_of3A] : memref<32x1000000xf32, #tpu.memory_space<hbm>> -> memref<32x128xf32, #tpu.memory_space<hbm>>
    tpu.enqueue_dma source(%dma_start3A_22 : memref<32x128xf32, #tpu.memory_space<hbm>>) target(%dma_start3A_20 : memref<32x128xf32, #tpu.memory_space<vmem>>) target_semaphore(%arg12 : memref<!tpu.dma_semaphore, #tpu.memory_space<semaphore_mem>>)
    %slice3A_23 = vector.extract_strided_slice %get3A_10 {offsets = [1], sizes = [1], strides = [1]} : vector<16xi32> to vector<1xi32>
    %squeeze3A_24 = vector.extract %slice3A_23[0] : i32 from vector<1xi32>
    %shift_right_arithmetic3A_25 = arith.constant 7 : i32
    %shift_right_arithmetic3A_26 = arith.shrsi %squeeze3A_24, %shift_right_arithmetic3A_25 : i32
    %mul3A_27 = arith.constant 128 : i32
    %mul3A_28 = arith.muli %shift_right_arithmetic3A_26, %mul3A_27 : i32
    %multiple_of3A_29 = tpu.assume_multiple %mul3A_28, 128 : i32
    %dma_start3A_30 = arith.constant 32 : i32
    %dma_start3A_31 = arith.constant 0 : i32
    %dma_start3A_32 = tpu.memref_slice %arg10[%dma_start3A_30, %dma_start3A_31] : memref<512x128xf32, #tpu.memory_space<vmem>> -> memref<32x128xf32, #tpu.memory_space<vmem>>
    %dma_start3A_33 = arith.constant 0 : i32
    %dma_start3A_34 = tpu.memref_slice %arg4[%dma_start3A_33, %multiple_of3A_29] : memref<32x1000000xf32, #tpu.memory_space<hbm>> -> memref<32x128xf32, #tpu.memory_space<hbm>>
    %dma_start3A_35 = arith.constant 32 : i32
    %dma_start3A_36 = arith.constant 0 : i32
    %dma_start3A_37 = tpu.memref_slice %arg10[%dma_start3A_35, %dma_start3A_36] : memref<512x128xf32, #tpu.memory_space<vmem>> -> memref<32x128xf32, #tpu.memory_space<vmem>>
    %dma_start3A_38 = arith.constant 0 : i32
    %dma_start3A_39 = tpu.memref_slice %arg4[%dma_start3A_38, %multiple_of3A_29] : memref<32x1000000xf32, #tpu.memory_space<hbm>> -> memref<32x128xf32, #tpu.memory_space<hbm>>
    tpu.enqueue_dma source(%dma_start3A_39 : memref<32x128xf32, #tpu.memory_space<hbm>>) target(%dma_start3A_37 : memref<32x128xf32, #tpu.memory_space<vmem>>) target_semaphore(%arg12 : memref<!tpu.dma_semaphore, #tpu.memory_space<semaphore_mem>>)
    %slice3A_40 = vector.extract_strided_slice %get3A_10 {offsets = [2], sizes = [1], strides = [1]} : vector<16xi32> to vector<1xi32>
    %squeeze3A_41 = vector.extract %slice3A_40[0] : i32 from vector<1xi32>
    %shift_right_arithmetic3A_42 = arith.constant 7 : i32
    %shift_right_arithmetic3A_43 = arith.shrsi %squeeze3A_41, %shift_right_arithmetic3A_42 : i32
    %mul3A_44 = arith.constant 128 : i32
    %mul3A_45 = arith.muli %shift_right_arithmetic3A_43, %mul3A_44 : i32
    %multiple_of3A_46 = tpu.assume_multiple %mul3A_45, 128 : i32
    %dma_start3A_47 = arith.constant 64 : i32
    %dma_start3A_48 = arith.constant 0 : i32
    %dma_start3A_49 = tpu.memref_slice %arg10[%dma_start3A_47, %dma_start3A_48] : memref<512x128xf32, #tpu.memory_space<vmem>> -> memref<32x128xf32, #tpu.memory_space<vmem>>
    %dma_start3A_50 = arith.constant 0 : i32
    %dma_start3A_51 = tpu.memref_slice %arg4[%dma_start3A_50, %multiple_of3A_46] : memref<32x1000000xf32, #tpu.memory_space<hbm>> -> memref<32x128xf32, #tpu.memory_space<hbm>>
    %dma_start3A_52 = arith.constant 64 : i32
    %dma_start3A_53 = arith.constant 0 : i32
    %dma_start3A_54 = tpu.memref_slice %arg10[%dma_start3A_52, %dma_start3A_53] : memref<512x128xf32, #tpu.memory_space<vmem>> -> memref<32x128xf32, #tpu.memory_space<vmem>>
    %dma_start3A_55 = arith.constant 0 : i32
    %dma_start3A_56 = tpu.memref_slice %arg4[%dma_start3A_55, %multiple_of3A_46] : memref<32x1000000xf32, #tpu.memory_space<hbm>> -> memref<32x128xf32, #tpu.memory_space<hbm>>
    tpu.enqueue_dma source(%dma_start3A_56 : memref<32x128xf32, #tpu.memory_space<hbm>>) target(%dma_start3A_54 : memref<32x128xf32, #tpu.memory_space<vmem>>) target_semaphore(%arg12 : memref<!tpu.dma_semaphore, #tpu.memory_space<semaphore_mem>>)
    %slice3A_57 = vector.extract_strided_slice %get3A_10 {offsets = [3], sizes = [1], strides = [1]} : vector<16xi32> to vector<1xi32>
    %squeeze3A_58 = vector.extract %slice3A_57[0] : i32 from vector<1xi32>
    %shift_right_arithmetic3A_59 = arith.constant 7 : i32
    %shift_right_arithmetic3A_60 = arith.shrsi %squeeze3A_58, %shift_right_arithmetic3A_59 : i32
    %mul3A_61 = arith.constant 128 : i32
    %mul3A_62 = arith.muli %shift_right_arithmetic3A_60, %mul3A_61 : i32
    %multiple_of3A_63 = tpu.assume_multiple %mul3A_62, 128 : i32
    %dma_start3A_64 = arith.constant 96 : i32
    %dma_start3A_65 = arith.constant 0 : i32
    %dma_start3A_66 = tpu.memref_slice %arg10[%dma_start3A_64, %dma_start3A_65] : memref<512x128xf32, #tpu.memory_space<vmem>> -> memref<32x128xf32, #tpu.memory_space<vmem>>
    %dma_start3A_67 = arith.constant 0 : i32
    %dma_start3A_68 = tpu.memref_slice %arg4[%dma_start3A_67, %multiple_of3A_63] : memref<32x1000000xf32, #tpu.memory_space<hbm>> -> memref<32x128xf32, #tpu.memory_space<hbm>>
    %dma_start3A_69 = arith.constant 96 : i32
    %dma_start3A_70 = arith.constant 0 : i32
    %dma_start3A_71 = tpu.memref_slice %arg10[%dma_start3A_69, %dma_start3A_70] : memref<512x128xf32, #tpu.memory_space<vmem>> -> memref<32x128xf32, #tpu.memory_space<vmem>>
    %dma_start3A_72 = arith.constant 0 : i32
    %dma_start3A_73 = tpu.memref_slice %arg4[%dma_start3A_72, %multiple_of3A_63] : memref<32x1000000xf32, #tpu.memory_space<hbm>> -> memref<32x128xf32, #tpu.memory_space<hbm>>
    tpu.enqueue_dma source(%dma_start3A_73 : memref<32x128xf32, #tpu.memory_space<hbm>>) target(%dma_start3A_71 : memref<32x128xf32, #tpu.memory_space<vmem>>) target_semaphore(%arg12 : memref<!tpu.dma_semaphore, #tpu.memory_space<semaphore_mem>>)
    %slice3A_74 = vector.extract_strided_slice %get3A_10 {offsets = [4], sizes = [1], strides = [1]} : vector<16xi32> to vector<1xi32>
    %squeeze3A_75 = vector.extract %slice3A_74[0] : i32 from vector<1xi32>
    %shift_right_arithmetic3A_76 = arith.constant 7 : i32
    %shift_right_arithmetic3A_77 = arith.shrsi %squeeze3A_75, %shift_right_arithmetic3A_76 : i32
    %mul3A_78 = arith.constant 128 : i32
    %mul3A_79 = arith.muli %shift_right_arithmetic3A_77, %mul3A_78 : i32
    %multiple_of3A_80 = tpu.assume_multiple %mul3A_79, 128 : i32
    %dma_start3A_81 = arith.constant 128 : i32
    %dma_start3A_82 = arith.constant 0 : i32
    %dma_start3A_83 = tpu.memref_slice %arg10[%dma_start3A_81, %dma_start3A_82] : memref<512x128xf32, #tpu.memory_space<vmem>> -> memref<32x128xf32, #tpu.memory_space<vmem>>
    %dma_start3A_84 = arith.constant 0 : i32
    %dma_start3A_85 = tpu.memref_slice %arg4[%dma_start3A_84, %multiple_of3A_80] : memref<32x1000000xf32, #tpu.memory_space<hbm>> -> memref<32x128xf32, #tpu.memory_space<hbm>>
    %dma_start3A_86 = arith.constant 128 : i32
    %dma_start3A_87 = arith.constant 0 : i32
    %dma_start3A_88 = tpu.memref_slice %arg10[%dma_start3A_86, %dma_start3A_87] : memref<512x128xf32, #tpu.memory_space<vmem>> -> memref<32x128xf32, #tpu.memory_space<vmem>>
    %dma_start3A_89 = arith.constant 0 : i32
    %dma_start3A_90 = tpu.memref_slice %arg4[%dma_start3A_89, %multiple_of3A_80] : memref<32x1000000xf32, #tpu.memory_space<hbm>> -> memref<32x128xf32, #tpu.memory_space<hbm>>
    tpu.enqueue_dma source(%dma_start3A_90 : memref<32x128xf32, #tpu.memory_space<hbm>>) target(%dma_start3A_88 : memref<32x128xf32, #tpu.memory_space<vmem>>) target_semaphore(%arg13 : memref<!tpu.dma_semaphore, #tpu.memory_space<semaphore_mem>>)
    %slice3A_91 = vector.extract_strided_slice %get3A_10 {offsets = [5], sizes = [1], strides = [1]} : vector<16xi32> to vector<1xi32>
    %squeeze3A_92 = vector.extract %slice3A_91[0] : i32 from vector<1xi32>
    %shift_right_arithmetic3A_93 = arith.constant 7 : i32
    %shift_right_arithmetic3A_94 = arith.shrsi %squeeze3A_92, %shift_right_arithmetic3A_93 : i32
    %mul3A_95 = arith.constant 128 : i32
    %mul3A_96 = arith.muli %shift_right_arithmetic3A_94, %mul3A_95 : i32
    %multiple_of3A_97 = tpu.assume_multiple %mul3A_96, 128 : i32
    %dma_start3A_98 = arith.constant 160 : i32
    %dma_start3A_99 = arith.constant 0 : i32
    %dma_start3A_100 = tpu.memref_slice %arg10[%dma_start3A_98, %dma_start3A_99] : memref<512x128xf32, #tpu.memory_space<vmem>> -> memref<32x128xf32, #tpu.memory_space<vmem>>
    %dma_start3A_101 = arith.constant 0 : i32
    %dma_start3A_102 = tpu.memref_slice %arg4[%dma_start3A_101, %multiple_of3A_97] : memref<32x1000000xf32, #tpu.memory_space<hbm>> -> memref<32x128xf32, #tpu.memory_space<hbm>>
    %dma_start3A_103 = arith.constant 160 : i32
    %dma_start3A_104 = arith.constant 0 : i32
    %dma_start3A_105 = tpu.memref_slice %arg10[%dma_start3A_103, %dma_start3A_104] : memref<512x128xf32, #tpu.memory_space<vmem>> -> memref<32x128xf32, #tpu.memory_space<vmem>>
    %dma_start3A_106 = arith.constant 0 : i32
    %dma_start3A_107 = tpu.memref_slice %arg4[%dma_start3A_106, %multiple_of3A_97] : memref<32x1000000xf32, #tpu.memory_space<hbm>> -> memref<32x128xf32, #tpu.memory_space<hbm>>
    tpu.enqueue_dma source(%dma_start3A_107 : memref<32x128xf32, #tpu.memory_space<hbm>>) target(%dma_start3A_105 : memref<32x128xf32, #tpu.memory_space<vmem>>) target_semaphore(%arg13 : memref<!tpu.dma_semaphore, #tpu.memory_space<semaphore_mem>>)
    %slice3A_108 = vector.extract_strided_slice %get3A_10 {offsets = [6], sizes = [1], strides = [1]} : vector<16xi32> to vector<1xi32>
    %squeeze3A_109 = vector.extract %slice3A_108[0] : i32 from vector<1xi32>
    %shift_right_arithmetic3A_110 = arith.constant 7 : i32
    %shift_right_arithmetic3A_111 = arith.shrsi %squeeze3A_109, %shift_right_arithmetic3A_110 : i32
    %mul3A_112 = arith.constant 128 : i32
    %mul3A_113 = arith.muli %shift_right_arithmetic3A_111, %mul3A_112 : i32
    %multiple_of3A_114 = tpu.assume_multiple %mul3A_113, 128 : i32
    %dma_start3A_115 = arith.constant 192 : i32
    %dma_start3A_116 = arith.constant 0 : i32
    %dma_start3A_117 = tpu.memref_slice %arg10[%dma_start3A_115, %dma_start3A_116] : memref<512x128xf32, #tpu.memory_space<vmem>> -> memref<32x128xf32, #tpu.memory_space<vmem>>
    %dma_start3A_118 = arith.constant 0 : i32
    %dma_start3A_119 = tpu.memref_slice %arg4[%dma_start3A_118, %multiple_of3A_114] : memref<32x1000000xf32, #tpu.memory_space<hbm>> -> memref<32x128xf32, #tpu.memory_space<hbm>>
    %dma_start3A_120 = arith.constant 192 : i32
    %dma_start3A_121 = arith.constant 0 : i32
    %dma_start3A_122 = tpu.memref_slice %arg10[%dma_start3A_120, %dma_start3A_121] : memref<512x128xf32, #tpu.memory_space<vmem>> -> memref<32x128xf32, #tpu.memory_space<vmem>>
    %dma_start3A_123 = arith.constant 0 : i32
    %dma_start3A_124 = tpu.memref_slice %arg4[%dma_start3A_123, %multiple_of3A_114] : memref<32x1000000xf32, #tpu.memory_space<hbm>> -> memref<32x128xf32, #tpu.memory_space<hbm>>
    tpu.enqueue_dma source(%dma_start3A_124 : memref<32x128xf32, #tpu.memory_space<hbm>>) target(%dma_start3A_122 : memref<32x128xf32, #tpu.memory_space<vmem>>) target_semaphore(%arg13 : memref<!tpu.dma_semaphore, #tpu.memory_space<semaphore_mem>>)
    %slice3A_125 = vector.extract_strided_slice %get3A_10 {offsets = [7], sizes = [1], strides = [1]} : vector<16xi32> to vector<1xi32>
    %squeeze3A_126 = vector.extract %slice3A_125[0] : i32 from vector<1xi32>
    %shift_right_arithmetic3A_127 = arith.constant 7 : i32
    %shift_right_arithmetic3A_128 = arith.shrsi %squeeze3A_126, %shift_right_arithmetic3A_127 : i32
    %mul3A_129 = arith.constant 128 : i32
    %mul3A_130 = arith.muli %shift_right_arithmetic3A_128, %mul3A_129 : i32
    %multiple_of3A_131 = tpu.assume_multiple %mul3A_130, 128 : i32
    %dma_start3A_132 = arith.constant 224 : i32
    %dma_start3A_133 = arith.constant 0 : i32
    %dma_start3A_134 = tpu.memref_slice %arg10[%dma_start3A_132, %dma_start3A_133] : memref<512x128xf32, #tpu.memory_space<vmem>> -> memref<32x128xf32, #tpu.memory_space<vmem>>
    %dma_start3A_135 = arith.constant 0 : i32
    %dma_start3A_136 = tpu.memref_slice %arg4[%dma_start3A_135, %multiple_of3A_131] : memref<32x1000000xf32, #tpu.memory_space<hbm>> -> memref<32x128xf32, #tpu.memory_space<hbm>>
    %dma_start3A_137 = arith.constant 224 : i32
    %dma_start3A_138 = arith.constant 0 : i32
    %dma_start3A_139 = tpu.memref_slice %arg10[%dma_start3A_137, %dma_start3A_138] : memref<512x128xf32, #tpu.memory_space<vmem>> -> memref<32x128xf32, #tpu.memory_space<vmem>>
    %dma_start3A_140 = arith.constant 0 : i32
    %dma_start3A_141 = tpu.memref_slice %arg4[%dma_start3A_140, %multiple_of3A_131] : memref<32x1000000xf32, #tpu.memory_space<hbm>> -> memref<32x128xf32, #tpu.memory_space<hbm>>
    tpu.enqueue_dma source(%dma_start3A_141 : memref<32x128xf32, #tpu.memory_space<hbm>>) target(%dma_start3A_139 : memref<32x128xf32, #tpu.memory_space<vmem>>) target_semaphore(%arg13 : memref<!tpu.dma_semaphore, #tpu.memory_space<semaphore_mem>>)
    %slice3A_142 = vector.extract_strided_slice %get3A_10 {offsets = [8], sizes = [1], strides = [1]} : vector<16xi32> to vector<1xi32>
    %squeeze3A_143 = vector.extract %slice3A_142[0] : i32 from vector<1xi32>
    %shift_right_arithmetic3A_144 = arith.constant 7 : i32
    %shift_right_arithmetic3A_145 = arith.shrsi %squeeze3A_143, %shift_right_arithmetic3A_144 : i32
    %mul3A_146 = arith.constant 128 : i32
    %mul3A_147 = arith.muli %shift_right_arithmetic3A_145, %mul3A_146 : i32
    %multiple_of3A_148 = tpu.assume_multiple %mul3A_147, 128 : i32
    %dma_start3A_149 = arith.constant 256 : i32
    %dma_start3A_150 = arith.constant 0 : i32
    %dma_start3A_151 = tpu.memref_slice %arg10[%dma_start3A_149, %dma_start3A_150] : memref<512x128xf32, #tpu.memory_space<vmem>> -> memref<32x128xf32, #tpu.memory_space<vmem>>
    %dma_start3A_152 = arith.constant 0 : i32
    %dma_start3A_153 = tpu.memref_slice %arg4[%dma_start3A_152, %multiple_of3A_148] : memref<32x1000000xf32, #tpu.memory_space<hbm>> -> memref<32x128xf32, #tpu.memory_space<hbm>>
    %dma_start3A_154 = arith.constant 256 : i32
    %dma_start3A_155 = arith.constant 0 : i32
    %dma_start3A_156 = tpu.memref_slice %arg10[%dma_start3A_154, %dma_start3A_155] : memref<512x128xf32, #tpu.memory_space<vmem>> -> memref<32x128xf32, #tpu.memory_space<vmem>>
    %dma_start3A_157 = arith.constant 0 : i32
    %dma_start3A_158 = tpu.memref_slice %arg4[%dma_start3A_157, %multiple_of3A_148] : memref<32x1000000xf32, #tpu.memory_space<hbm>> -> memref<32x128xf32, #tpu.memory_space<hbm>>
    tpu.enqueue_dma source(%dma_start3A_158 : memref<32x128xf32, #tpu.memory_space<hbm>>) target(%dma_start3A_156 : memref<32x128xf32, #tpu.memory_space<vmem>>) target_semaphore(%arg14 : memref<!tpu.dma_semaphore, #tpu.memory_space<semaphore_mem>>)
    %slice3A_159 = vector.extract_strided_slice %get3A_10 {offsets = [9], sizes = [1], strides = [1]} : vector<16xi32> to vector<1xi32>
    %squeeze3A_160 = vector.extract %slice3A_159[0] : i32 from vector<1xi32>
    %shift_right_arithmetic3A_161 = arith.constant 7 : i32
    %shift_right_arithmetic3A_162 = arith.shrsi %squeeze3A_160, %shift_right_arithmetic3A_161 : i32
    %mul3A_163 = arith.constant 128 : i32
    %mul3A_164 = arith.muli %shift_right_arithmetic3A_162, %mul3A_163 : i32
    %multiple_of3A_165 = tpu.assume_multiple %mul3A_164, 128 : i32
    %dma_start3A_166 = arith.constant 288 : i32
    %dma_start3A_167 = arith.constant 0 : i32
    %dma_start3A_168 = tpu.memref_slice %arg10[%dma_start3A_166, %dma_start3A_167] : memref<512x128xf32, #tpu.memory_space<vmem>> -> memref<32x128xf32, #tpu.memory_space<vmem>>
    %dma_start3A_169 = arith.constant 0 : i32
    %dma_start3A_170 = tpu.memref_slice %arg4[%dma_start3A_169, %multiple_of3A_165] : memref<32x1000000xf32, #tpu.memory_space<hbm>> -> memref<32x128xf32, #tpu.memory_space<hbm>>
    %dma_start3A_171 = arith.constant 288 : i32
    %dma_start3A_172 = arith.constant 0 : i32
    %dma_start3A_173 = tpu.memref_slice %arg10[%dma_start3A_171, %dma_start3A_172] : memref<512x128xf32, #tpu.memory_space<vmem>> -> memref<32x128xf32, #tpu.memory_space<vmem>>
    %dma_start3A_174 = arith.constant 0 : i32
    %dma_start3A_175 = tpu.memref_slice %arg4[%dma_start3A_174, %multiple_of3A_165] : memref<32x1000000xf32, #tpu.memory_space<hbm>> -> memref<32x128xf32, #tpu.memory_space<hbm>>
    tpu.enqueue_dma source(%dma_start3A_175 : memref<32x128xf32, #tpu.memory_space<hbm>>) target(%dma_start3A_173 : memref<32x128xf32, #tpu.memory_space<vmem>>) target_semaphore(%arg14 : memref<!tpu.dma_semaphore, #tpu.memory_space<semaphore_mem>>)
    %slice3A_176 = vector.extract_strided_slice %get3A_10 {offsets = [10], sizes = [1], strides = [1]} : vector<16xi32> to vector<1xi32>
    %squeeze3A_177 = vector.extract %slice3A_176[0] : i32 from vector<1xi32>
    %shift_right_arithmetic3A_178 = arith.constant 7 : i32
    %shift_right_arithmetic3A_179 = arith.shrsi %squeeze3A_177, %shift_right_arithmetic3A_178 : i32
    %mul3A_180 = arith.constant 128 : i32
    %mul3A_181 = arith.muli %shift_right_arithmetic3A_179, %mul3A_180 : i32
    %multiple_of3A_182 = tpu.assume_multiple %mul3A_181, 128 : i32
    %dma_start3A_183 = arith.constant 320 : i32
    %dma_start3A_184 = arith.constant 0 : i32
    %dma_start3A_185 = tpu.memref_slice %arg10[%dma_start3A_183, %dma_start3A_184] : memref<512x128xf32, #tpu.memory_space<vmem>> -> memref<32x128xf32, #tpu.memory_space<vmem>>
    %dma_start3A_186 = arith.constant 0 : i32
    %dma_start3A_187 = tpu.memref_slice %arg4[%dma_start3A_186, %multiple_of3A_182] : memref<32x1000000xf32, #tpu.memory_space<hbm>> -> memref<32x128xf32, #tpu.memory_space<hbm>>
    %dma_start3A_188 = arith.constant 320 : i32
    %dma_start3A_189 = arith.constant 0 : i32
    %dma_start3A_190 = tpu.memref_slice %arg10[%dma_start3A_188, %dma_start3A_189] : memref<512x128xf32, #tpu.memory_space<vmem>> -> memref<32x128xf32, #tpu.memory_space<vmem>>
    %dma_start3A_191 = arith.constant 0 : i32
    %dma_start3A_192 = tpu.memref_slice %arg4[%dma_start3A_191, %multiple_of3A_182] : memref<32x1000000xf32, #tpu.memory_space<hbm>> -> memref<32x128xf32, #tpu.memory_space<hbm>>
    tpu.enqueue_dma source(%dma_start3A_192 : memref<32x128xf32, #tpu.memory_space<hbm>>) target(%dma_start3A_190 : memref<32x128xf32, #tpu.memory_space<vmem>>) target_semaphore(%arg14 : memref<!tpu.dma_semaphore, #tpu.memory_space<semaphore_mem>>)
    %slice3A_193 = vector.extract_strided_slice %get3A_10 {offsets = [11], sizes = [1], strides = [1]} : vector<16xi32> to vector<1xi32>
    %squeeze3A_194 = vector.extract %slice3A_193[0] : i32 from vector<1xi32>
    %shift_right_arithmetic3A_195 = arith.constant 7 : i32
    %shift_right_arithmetic3A_196 = arith.shrsi %squeeze3A_194, %shift_right_arithmetic3A_195 : i32
    %mul3A_197 = arith.constant 128 : i32
    %mul3A_198 = arith.muli %shift_right_arithmetic3A_196, %mul3A_197 : i32
    %multiple_of3A_199 = tpu.assume_multiple %mul3A_198, 128 : i32
    %dma_start3A_200 = arith.constant 352 : i32
    %dma_start3A_201 = arith.constant 0 : i32
    %dma_start3A_202 = tpu.memref_slice %arg10[%dma_start3A_200, %dma_start3A_201] : memref<512x128xf32, #tpu.memory_space<vmem>> -> memref<32x128xf32, #tpu.memory_space<vmem>>
    %dma_start3A_203 = arith.constant 0 : i32
    %dma_start3A_204 = tpu.memref_slice %arg4[%dma_start3A_203, %multiple_of3A_199] : memref<32x1000000xf32, #tpu.memory_space<hbm>> -> memref<32x128xf32, #tpu.memory_space<hbm>>
    %dma_start3A_205 = arith.constant 352 : i32
    %dma_start3A_206 = arith.constant 0 : i32
    %dma_start3A_207 = tpu.memref_slice %arg10[%dma_start3A_205, %dma_start3A_206] : memref<512x128xf32, #tpu.memory_space<vmem>> -> memref<32x128xf32, #tpu.memory_space<vmem>>
    %dma_start3A_208 = arith.constant 0 : i32
    %dma_start3A_209 = tpu.memref_slice %arg4[%dma_start3A_208, %multiple_of3A_199] : memref<32x1000000xf32, #tpu.memory_space<hbm>> -> memref<32x128xf32, #tpu.memory_space<hbm>>
    tpu.enqueue_dma source(%dma_start3A_209 : memref<32x128xf32, #tpu.memory_space<hbm>>) target(%dma_start3A_207 : memref<32x128xf32, #tpu.memory_space<vmem>>) target_semaphore(%arg14 : memref<!tpu.dma_semaphore, #tpu.memory_space<semaphore_mem>>)
    %slice3A_210 = vector.extract_strided_slice %get3A_10 {offsets = [12], sizes = [1], strides = [1]} : vector<16xi32> to vector<1xi32>
    %squeeze3A_211 = vector.extract %slice3A_210[0] : i32 from vector<1xi32>
    %shift_right_arithmetic3A_212 = arith.constant 7 : i32
    %shift_right_arithmetic3A_213 = arith.shrsi %squeeze3A_211, %shift_right_arithmetic3A_212 : i32
    %mul3A_214 = arith.constant 128 : i32
    %mul3A_215 = arith.muli %shift_right_arithmetic3A_213, %mul3A_214 : i32
    %multiple_of3A_216 = tpu.assume_multiple %mul3A_215, 128 : i32
    %dma_start3A_217 = arith.constant 384 : i32
    %dma_start3A_218 = arith.constant 0 : i32
    %dma_start3A_219 = tpu.memref_slice %arg10[%dma_start3A_217, %dma_start3A_218] : memref<512x128xf32, #tpu.memory_space<vmem>> -> memref<32x128xf32, #tpu.memory_space<vmem>>
    %dma_start3A_220 = arith.constant 0 : i32
    %dma_start3A_221 = tpu.memref_slice %arg4[%dma_start3A_220, %multiple_of3A_216] : memref<32x1000000xf32, #tpu.memory_space<hbm>> -> memref<32x128xf32, #tpu.memory_space<hbm>>
    %dma_start3A_222 = arith.constant 384 : i32
    %dma_start3A_223 = arith.constant 0 : i32
    %dma_start3A_224 = tpu.memref_slice %arg10[%dma_start3A_222, %dma_start3A_223] : memref<512x128xf32, #tpu.memory_space<vmem>> -> memref<32x128xf32, #tpu.memory_space<vmem>>
    %dma_start3A_225 = arith.constant 0 : i32
    %dma_start3A_226 = tpu.memref_slice %arg4[%dma_start3A_225, %multiple_of3A_216] : memref<32x1000000xf32, #tpu.memory_space<hbm>> -> memref<32x128xf32, #tpu.memory_space<hbm>>
    tpu.enqueue_dma source(%dma_start3A_226 : memref<32x128xf32, #tpu.memory_space<hbm>>) target(%dma_start3A_224 : memref<32x128xf32, #tpu.memory_space<vmem>>) target_semaphore(%arg15 : memref<!tpu.dma_semaphore, #tpu.memory_space<semaphore_mem>>)
    %slice3A_227 = vector.extract_strided_slice %get3A_10 {offsets = [13], sizes = [1], strides = [1]} : vector<16xi32> to vector<1xi32>
    %squeeze3A_228 = vector.extract %slice3A_227[0] : i32 from vector<1xi32>
    %shift_right_arithmetic3A_229 = arith.constant 7 : i32
    %shift_right_arithmetic3A_230 = arith.shrsi %squeeze3A_228, %shift_right_arithmetic3A_229 : i32
    %mul3A_231 = arith.constant 128 : i32
    %mul3A_232 = arith.muli %shift_right_arithmetic3A_230, %mul3A_231 : i32
    %multiple_of3A_233 = tpu.assume_multiple %mul3A_232, 128 : i32
    %dma_start3A_234 = arith.constant 416 : i32
    %dma_start3A_235 = arith.constant 0 : i32
    %dma_start3A_236 = tpu.memref_slice %arg10[%dma_start3A_234, %dma_start3A_235] : memref<512x128xf32, #tpu.memory_space<vmem>> -> memref<32x128xf32, #tpu.memory_space<vmem>>
    %dma_start3A_237 = arith.constant 0 : i32
    %dma_start3A_238 = tpu.memref_slice %arg4[%dma_start3A_237, %multiple_of3A_233] : memref<32x1000000xf32, #tpu.memory_space<hbm>> -> memref<32x128xf32, #tpu.memory_space<hbm>>
    %dma_start3A_239 = arith.constant 416 : i32
    %dma_start3A_240 = arith.constant 0 : i32
    %dma_start3A_241 = tpu.memref_slice %arg10[%dma_start3A_239, %dma_start3A_240] : memref<512x128xf32, #tpu.memory_space<vmem>> -> memref<32x128xf32, #tpu.memory_space<vmem>>
    %dma_start3A_242 = arith.constant 0 : i32
    %dma_start3A_243 = tpu.memref_slice %arg4[%dma_start3A_242, %multiple_of3A_233] : memref<32x1000000xf32, #tpu.memory_space<hbm>> -> memref<32x128xf32, #tpu.memory_space<hbm>>
    tpu.enqueue_dma source(%dma_start3A_243 : memref<32x128xf32, #tpu.memory_space<hbm>>) target(%dma_start3A_241 : memref<32x128xf32, #tpu.memory_space<vmem>>) target_semaphore(%arg15 : memref<!tpu.dma_semaphore, #tpu.memory_space<semaphore_mem>>)
    %slice3A_244 = vector.extract_strided_slice %get3A_10 {offsets = [14], sizes = [1], strides = [1]} : vector<16xi32> to vector<1xi32>
    %squeeze3A_245 = vector.extract %slice3A_244[0] : i32 from vector<1xi32>
    %shift_right_arithmetic3A_246 = arith.constant 7 : i32
    %shift_right_arithmetic3A_247 = arith.shrsi %squeeze3A_245, %shift_right_arithmetic3A_246 : i32
    %mul3A_248 = arith.constant 128 : i32
    %mul3A_249 = arith.muli %shift_right_arithmetic3A_247, %mul3A_248 : i32
    %multiple_of3A_250 = tpu.assume_multiple %mul3A_249, 128 : i32
    %dma_start3A_251 = arith.constant 448 : i32
    %dma_start3A_252 = arith.constant 0 : i32
    %dma_start3A_253 = tpu.memref_slice %arg10[%dma_start3A_251, %dma_start3A_252] : memref<512x128xf32, #tpu.memory_space<vmem>> -> memref<32x128xf32, #tpu.memory_space<vmem>>
    %dma_start3A_254 = arith.constant 0 : i32
    %dma_start3A_255 = tpu.memref_slice %arg4[%dma_start3A_254, %multiple_of3A_250] : memref<32x1000000xf32, #tpu.memory_space<hbm>> -> memref<32x128xf32, #tpu.memory_space<hbm>>
    %dma_start3A_256 = arith.constant 448 : i32
    %dma_start3A_257 = arith.constant 0 : i32
    %dma_start3A_258 = tpu.memref_slice %arg10[%dma_start3A_256, %dma_start3A_257] : memref<512x128xf32, #tpu.memory_space<vmem>> -> memref<32x128xf32, #tpu.memory_space<vmem>>
    %dma_start3A_259 = arith.constant 0 : i32
    %dma_start3A_260 = tpu.memref_slice %arg4[%dma_start3A_259, %multiple_of3A_250] : memref<32x1000000xf32, #tpu.memory_space<hbm>> -> memref<32x128xf32, #tpu.memory_space<hbm>>
    tpu.enqueue_dma source(%dma_start3A_260 : memref<32x128xf32, #tpu.memory_space<hbm>>) target(%dma_start3A_258 : memref<32x128xf32, #tpu.memory_space<vmem>>) target_semaphore(%arg15 : memref<!tpu.dma_semaphore, #tpu.memory_space<semaphore_mem>>)
    %slice3A_261 = vector.extract_strided_slice %get3A_10 {offsets = [15], sizes = [1], strides = [1]} : vector<16xi32> to vector<1xi32>
    %squeeze3A_262 = vector.extract %slice3A_261[0] : i32 from vector<1xi32>
    %shift_right_arithmetic3A_263 = arith.constant 7 : i32
    %shift_right_arithmetic3A_264 = arith.shrsi %squeeze3A_262, %shift_right_arithmetic3A_263 : i32
    %mul3A_265 = arith.constant 128 : i32
    %mul3A_266 = arith.muli %shift_right_arithmetic3A_264, %mul3A_265 : i32
    %multiple_of3A_267 = tpu.assume_multiple %mul3A_266, 128 : i32
    %dma_start3A_268 = arith.constant 480 : i32
    %dma_start3A_269 = arith.constant 0 : i32
    %dma_start3A_270 = tpu.memref_slice %arg10[%dma_start3A_268, %dma_start3A_269] : memref<512x128xf32, #tpu.memory_space<vmem>> -> memref<32x128xf32, #tpu.memory_space<vmem>>
    %dma_start3A_271 = arith.constant 0 : i32
    %dma_start3A_272 = tpu.memref_slice %arg4[%dma_start3A_271, %multiple_of3A_267] : memref<32x1000000xf32, #tpu.memory_space<hbm>> -> memref<32x128xf32, #tpu.memory_space<hbm>>
    %dma_start3A_273 = arith.constant 480 : i32
    %dma_start3A_274 = arith.constant 0 : i32
    %dma_start3A_275 = tpu.memref_slice %arg10[%dma_start3A_273, %dma_start3A_274] : memref<512x128xf32, #tpu.memory_space<vmem>> -> memref<32x128xf32, #tpu.memory_space<vmem>>
    %dma_start3A_276 = arith.constant 0 : i32
    %dma_start3A_277 = tpu.memref_slice %arg4[%dma_start3A_276, %multiple_of3A_267] : memref<32x1000000xf32, #tpu.memory_space<hbm>> -> memref<32x128xf32, #tpu.memory_space<hbm>>
    tpu.enqueue_dma source(%dma_start3A_277 : memref<32x128xf32, #tpu.memory_space<hbm>>) target(%dma_start3A_275 : memref<32x128xf32, #tpu.memory_space<vmem>>) target_semaphore(%arg15 : memref<!tpu.dma_semaphore, #tpu.memory_space<semaphore_mem>>)
    %scan3A = arith.constant 0 : i32
    %scan3A_278 = arith.constant 0 : i32
    %scan3A_279 = arith.constant 32 : i32
    %scan3A_280 = arith.addi %scan3A_278, %scan3A_279 : i32
    %scan3A_281 = arith.constant 1 : i32
    scf.for %scan3A_563 = %scan3A_278 to %scan3A_280 step %scan3A_281  : i32 {
      %mul3A_564 = arith.constant 16 : i32
      %mul3A_565 = arith.muli %scan3A_563, %mul3A_564 : i32
      %get3A_566 = arith.index_cast %mul3A_565 : i32 to index
      %get3A_567 = tpu.vector_load %arg8[%get3A_566] {strides = array<i32>} : memref<528xi32, #tpu.memory_space<vmem>>, vector<16xi32>,
      %add3A_568 = arith.constant 16 : i32
      %add3A_569 = arith.addi %mul3A_565, %add3A_568 : i32
      %get3A_570 = arith.index_cast %add3A_569 : i32 to index
      %get3A_571 = tpu.vector_load %arg8[%get3A_570] {strides = array<i32>} : memref<528xi32, #tpu.memory_space<vmem>>, vector<16xi32>,
      %eq3A = arith.constant 31 : i32
      %eq3A_572 = arith.cmpi eq, %scan3A_563, %eq3A : i32
      %dma_wait3A = arith.constant 0 : i32
      %dma_wait3A_573 = arith.constant 0 : i32
      %dma_wait3A_574 = tpu.memref_slice %arg10[%dma_wait3A, %dma_wait3A_573] : memref<512x128xf32, #tpu.memory_space<vmem>> -> memref<32x128xf32, #tpu.memory_space<vmem>>
      %dma_wait3A_575 = arith.constant 0 : i32
      %dma_wait3A_576 = arith.constant 0 : i32
      %dma_wait3A_577 = tpu.memref_slice %arg4[%dma_wait3A_575, %dma_wait3A_576] : memref<32x1000000xf32, #tpu.memory_space<hbm>> -> memref<32x128xf32, #tpu.memory_space<hbm>>
      %dma_wait3A_578 = arith.constant 0 : i32
      %dma_wait3A_579 = arith.constant 0 : i32
      %dma_wait3A_580 = tpu.memref_slice %arg10[%dma_wait3A_578, %dma_wait3A_579] : memref<512x128xf32, #tpu.memory_space<vmem>> -> memref<32x128xf32, #tpu.memory_space<vmem>>
      %dma_wait3A_581 = arith.constant 0 : i32
      %dma_wait3A_582 = arith.constant 0 : i32
      %dma_wait3A_583 = tpu.memref_slice %arg4[%dma_wait3A_581, %dma_wait3A_582] : memref<32x1000000xf32, #tpu.memory_space<hbm>> -> memref<32x128xf32, #tpu.memory_space<hbm>>
      tpu.wait_dma2 semaphore(%arg12 : memref<!tpu.dma_semaphore, #tpu.memory_space<semaphore_mem>>) src(%dma_wait3A_583 : memref<32x128xf32, #tpu.memory_space<hbm>>) dst(%dma_wait3A_580 : memref<32x128xf32, #tpu.memory_space<vmem>>)
      %dma_wait3A_584 = arith.constant 0 : i32
      %dma_wait3A_585 = arith.constant 0 : i32
      %dma_wait3A_586 = tpu.memref_slice %arg10[%dma_wait3A_584, %dma_wait3A_585] : memref<512x128xf32, #tpu.memory_space<vmem>> -> memref<32x128xf32, #tpu.memory_space<vmem>>
      %dma_wait3A_587 = arith.constant 0 : i32
      %dma_wait3A_588 = arith.constant 0 : i32
      %dma_wait3A_589 = tpu.memref_slice %arg4[%dma_wait3A_587, %dma_wait3A_588] : memref<32x1000000xf32, #tpu.memory_space<hbm>> -> memref<32x128xf32, #tpu.memory_space<hbm>>
      %dma_wait3A_590 = arith.constant 0 : i32
      %dma_wait3A_591 = arith.constant 0 : i32
      %dma_wait3A_592 = tpu.memref_slice %arg10[%dma_wait3A_590, %dma_wait3A_591] : memref<512x128xf32, #tpu.memory_space<vmem>> -> memref<32x128xf32, #tpu.memory_space<vmem>>
      %dma_wait3A_593 = arith.constant 0 : i32
      %dma_wait3A_594 = arith.constant 0 : i32
      %dma_wait3A_595 = tpu.memref_slice %arg4[%dma_wait3A_593, %dma_wait3A_594] : memref<32x1000000xf32, #tpu.memory_space<hbm>> -> memref<32x128xf32, #tpu.memory_space<hbm>>
      tpu.wait_dma2 semaphore(%arg12 : memref<!tpu.dma_semaphore, #tpu.memory_space<semaphore_mem>>) src(%dma_wait3A_595 : memref<32x128xf32, #tpu.memory_space<hbm>>) dst(%dma_wait3A_592 : memref<32x128xf32, #tpu.memory_space<vmem>>)
      %dma_wait3A_596 = arith.constant 0 : i32
      %dma_wait3A_597 = arith.constant 0 : i32
      %dma_wait3A_598 = tpu.memref_slice %arg10[%dma_wait3A_596, %dma_wait3A_597] : memref<512x128xf32, #tpu.memory_space<vmem>> -> memref<32x128xf32, #tpu.memory_space<vmem>>
      %dma_wait3A_599 = arith.constant 0 : i32
      %dma_wait3A_600 = arith.constant 0 : i32
      %dma_wait3A_601 = tpu.memref_slice %arg4[%dma_wait3A_599, %dma_wait3A_600] : memref<32x1000000xf32, #tpu.memory_space<hbm>> -> memref<32x128xf32, #tpu.memory_space<hbm>>
      %dma_wait3A_602 = arith.constant 0 : i32
      %dma_wait3A_603 = arith.constant 0 : i32
      %dma_wait3A_604 = tpu.memref_slice %arg10[%dma_wait3A_602, %dma_wait3A_603] : memref<512x128xf32, #tpu.memory_space<vmem>> -> memref<32x128xf32, #tpu.memory_space<vmem>>
      %dma_wait3A_605 = arith.constant 0 : i32
      %dma_wait3A_606 = arith.constant 0 : i32
      %dma_wait3A_607 = tpu.memref_slice %arg4[%dma_wait3A_605, %dma_wait3A_606] : memref<32x1000000xf32, #tpu.memory_space<hbm>> -> memref<32x128xf32, #tpu.memory_space<hbm>>
      tpu.wait_dma2 semaphore(%arg12 : memref<!tpu.dma_semaphore, #tpu.memory_space<semaphore_mem>>) src(%dma_wait3A_607 : memref<32x128xf32, #tpu.memory_space<hbm>>) dst(%dma_wait3A_604 : memref<32x128xf32, #tpu.memory_space<vmem>>)
      %dma_wait3A_608 = arith.constant 0 : i32
      %dma_wait3A_609 = arith.constant 0 : i32
      %dma_wait3A_610 = tpu.memref_slice %arg10[%dma_wait3A_608, %dma_wait3A_609] : memref<512x128xf32, #tpu.memory_space<vmem>> -> memref<32x128xf32, #tpu.memory_space<vmem>>
      %dma_wait3A_611 = arith.constant 0 : i32
      %dma_wait3A_612 = arith.constant 0 : i32
      %dma_wait3A_613 = tpu.memref_slice %arg4[%dma_wait3A_611, %dma_wait3A_612] : memref<32x1000000xf32, #tpu.memory_space<hbm>> -> memref<32x128xf32, #tpu.memory_space<hbm>>
      %dma_wait3A_614 = arith.constant 0 : i32
      %dma_wait3A_615 = arith.constant 0 : i32
      %dma_wait3A_616 = tpu.memref_slice %arg10[%dma_wait3A_614, %dma_wait3A_615] : memref<512x128xf32, #tpu.memory_space<vmem>> -> memref<32x128xf32, #tpu.memory_space<vmem>>
      %dma_wait3A_617 = arith.constant 0 : i32
      %dma_wait3A_618 = arith.constant 0 : i32
      %dma_wait3A_619 = tpu.memref_slice %arg4[%dma_wait3A_617, %dma_wait3A_618] : memref<32x1000000xf32, #tpu.memory_space<hbm>> -> memref<32x128xf32, #tpu.memory_space<hbm>>
      tpu.wait_dma2 semaphore(%arg12 : memref<!tpu.dma_semaphore, #tpu.memory_space<semaphore_mem>>) src(%dma_wait3A_619 : memref<32x128xf32, #tpu.memory_space<hbm>>) dst(%dma_wait3A_616 : memref<32x128xf32, #tpu.memory_space<vmem>>)
      %slice3A_620 = vector.extract_strided_slice %get3A_567 {offsets = [0], sizes = [1], strides = [1]} : vector<16xi32> to vector<1xi32>
      %squeeze3A_621 = vector.extract %slice3A_620[0] : i32 from vector<1xi32>
      %and3A = arith.constant 127 : i32
      %and3A_622 = arith.andi %squeeze3A_621, %and3A : i32
      %broadcast_in_dim3A = vector.broadcast %and3A_622 : i32 to vector<16xi32>
      %add3A_623 = arith.constant 0 : i32
      %add3A_624 = arith.addi %mul3A_565, %add3A_623 : i32
      %and3A_625 = arith.constant 127 : i32
      %and3A_626 = arith.andi %add3A_624, %and3A_625 : i32
      %broadcast_in_dim3A_627 = vector.broadcast %and3A_626 : i32 to vector<16xi32>
      %jit3A = arith.constant 128 : i32
      %div3A = arith.divsi %add3A_624, %jit3A : i32
      %sign3A = arith.constant 0 : i32
      %sign3A_628 = arith.cmpi sgt, %add3A_624, %sign3A : i32
      %sign3A_629 = arith.extui %sign3A_628 : i1 to i32
      %sign3A_630 = arith.constant 0 : i32
      %sign3A_631 = arith.cmpi slt, %add3A_624, %sign3A_630 : i32
      %sign3A_632 = arith.extui %sign3A_631 : i1 to i32
      %sign3A_633 = arith.subi %sign3A_629, %sign3A_632 : i32
      %sign3A_634 = arith.constant 0 : i32
      %sign3A_635 = arith.cmpi sgt, %jit3A, %sign3A_634 : i32
      %sign3A_636 = arith.extui %sign3A_635 : i1 to i32
      %sign3A_637 = arith.constant 0 : i32
      %sign3A_638 = arith.cmpi slt, %jit3A, %sign3A_637 : i32
      %sign3A_639 = arith.extui %sign3A_638 : i1 to i32
      %sign3A_640 = arith.subi %sign3A_636, %sign3A_639 : i32
      %ne3A = arith.cmpi ne, %sign3A_633, %sign3A_640 : i32
      %rem3A = arith.remsi %add3A_624, %jit3A : i32
      %ne3A_641 = arith.constant 0 : i32
      %ne3A_642 = arith.cmpi ne, %rem3A, %ne3A_641 : i32
      %and3A_643 = arith.andi %ne3A, %ne3A_642 : i1
      %sub3A = arith.constant 1 : i32
      %sub3A_644 = arith.subi %div3A, %sub3A : i32
      %select_n3A = arith.select %and3A_643, %sub3A_644, %div3A : i32
      %mul3A_645 = arith.constant 32 : i32
      %mul3A_646 = arith.muli %select_n3A, %mul3A_645 : i32
      %add3A_647 = arith.constant 0 : i32
      %add3A_648 = vector.broadcast %add3A_647 : i32 to vector<16xi32>
      %add3A_649 = arith.addi %iota3A, %add3A_648 : vector<16xi32>
      %gather3A = tpu.vector_load_idx %arg10[%add3A_649, %broadcast_in_dim3A] : memref<512x128xf32, #tpu.memory_space<vmem>>[vector<16xi32>, vector<16xi32>], vector<16xf32>,
      %add3A_650 = vector.broadcast %mul3A_646 : i32 to vector<16xi32>
      %add3A_651 = arith.addi %iota3A, %add3A_650 : vector<16xi32>
      tpu.vector_store_idx %arg11[%add3A_651, %broadcast_in_dim3A_627], %gather3A : memref<128x128xf32, #tpu.memory_space<vmem>>[vector<16xi32>, vector<16xi32>], vector<16xf32>,
      %add3A_652 = arith.constant 0 : i32
      %add3A_653 = vector.broadcast %add3A_652 : i32 to vector<16xi32>
      %add3A_654 = arith.addi %add3A_5, %add3A_653 : vector<16xi32>
      %gather3A_655 = tpu.vector_load_idx %arg10[%add3A_654, %broadcast_in_dim3A] : memref<512x128xf32, #tpu.memory_space<vmem>>[vector<16xi32>, vector<16xi32>], vector<16xf32>,
      %add3A_656 = vector.broadcast %mul3A_646 : i32 to vector<16xi32>
      %add3A_657 = arith.addi %add3A_5, %add3A_656 : vector<16xi32>
      tpu.vector_store_idx %arg11[%add3A_657, %broadcast_in_dim3A_627], %gather3A_655 : memref<128x128xf32, #tpu.memory_space<vmem>>[vector<16xi32>, vector<16xi32>], vector<16xf32>,
      %slice3A_658 = vector.extract_strided_slice %get3A_567 {offsets = [1], sizes = [1], strides = [1]} : vector<16xi32> to vector<1xi32>
      %squeeze3A_659 = vector.extract %slice3A_658[0] : i32 from vector<1xi32>
      %and3A_660 = arith.constant 127 : i32
      %and3A_661 = arith.andi %squeeze3A_659, %and3A_660 : i32
      %broadcast_in_dim3A_662 = vector.broadcast %and3A_661 : i32 to vector<16xi32>
      %add3A_663 = arith.constant 1 : i32
      %add3A_664 = arith.addi %mul3A_565, %add3A_663 : i32
      %and3A_665 = arith.constant 127 : i32
      %and3A_666 = arith.andi %add3A_664, %and3A_665 : i32
      %broadcast_in_dim3A_667 = vector.broadcast %and3A_666 : i32 to vector<16xi32>
      %jit3A_668 = arith.constant 128 : i32
      %div3A_669 = arith.divsi %add3A_664, %jit3A_668 : i32
      %sign3A_670 = arith.constant 0 : i32
      %sign3A_671 = arith.cmpi sgt, %add3A_664, %sign3A_670 : i32
      %sign3A_672 = arith.extui %sign3A_671 : i1 to i32
      %sign3A_673 = arith.constant 0 : i32
      %sign3A_674 = arith.cmpi slt, %add3A_664, %sign3A_673 : i32
      %sign3A_675 = arith.extui %sign3A_674 : i1 to i32
      %sign3A_676 = arith.subi %sign3A_672, %sign3A_675 : i32
      %sign3A_677 = arith.constant 0 : i32
      %sign3A_678 = arith.cmpi sgt, %jit3A_668, %sign3A_677 : i32
      %sign3A_679 = arith.extui %sign3A_678 : i1 to i32
      %sign3A_680 = arith.constant 0 : i32
      %sign3A_681 = arith.cmpi slt, %jit3A_668, %sign3A_680 : i32
      %sign3A_682 = arith.extui %sign3A_681 : i1 to i32
      %sign3A_683 = arith.subi %sign3A_679, %sign3A_682 : i32
      %ne3A_684 = arith.cmpi ne, %sign3A_676, %sign3A_683 : i32
      %rem3A_685 = arith.remsi %add3A_664, %jit3A_668 : i32
      %ne3A_686 = arith.constant 0 : i32
      %ne3A_687 = arith.cmpi ne, %rem3A_685, %ne3A_686 : i32
      %and3A_688 = arith.andi %ne3A_684, %ne3A_687 : i1
      %sub3A_689 = arith.constant 1 : i32
      %sub3A_690 = arith.subi %div3A_669, %sub3A_689 : i32
      %select_n3A_691 = arith.select %and3A_688, %sub3A_690, %div3A_669 : i32
      %mul3A_692 = arith.constant 32 : i32
      %mul3A_693 = arith.muli %select_n3A_691, %mul3A_692 : i32
      %add3A_694 = arith.constant 32 : i32
      %add3A_695 = vector.broadcast %add3A_694 : i32 to vector<16xi32>
      %add3A_696 = arith.addi %iota3A, %add3A_695 : vector<16xi32>
      %gather3A_697 = tpu.vector_load_idx %arg10[%add3A_696, %broadcast_in_dim3A_662] : memref<512x128xf32, #tpu.memory_space<vmem>>[vector<16xi32>, vector<16xi32>], vector<16xf32>,
      %add3A_698 = vector.broadcast %mul3A_693 : i32 to vector<16xi32>
      %add3A_699 = arith.addi %iota3A, %add3A_698 : vector<16xi32>
      tpu.vector_store_idx %arg11[%add3A_699, %broadcast_in_dim3A_667], %gather3A_697 : memref<128x128xf32, #tpu.memory_space<vmem>>[vector<16xi32>, vector<16xi32>], vector<16xf32>,
      %add3A_700 = arith.constant 32 : i32
      %add3A_701 = vector.broadcast %add3A_700 : i32 to vector<16xi32>
      %add3A_702 = arith.addi %add3A_5, %add3A_701 : vector<16xi32>
      %gather3A_703 = tpu.vector_load_idx %arg10[%add3A_702, %broadcast_in_dim3A_662] : memref<512x128xf32, #tpu.memory_space<vmem>>[vector<16xi32>, vector<16xi32>], vector<16xf32>,
      %add3A_704 = vector.broadcast %mul3A_693 : i32 to vector<16xi32>
      %add3A_705 = arith.addi %add3A_5, %add3A_704 : vector<16xi32>
      tpu.vector_store_idx %arg11[%add3A_705, %broadcast_in_dim3A_667], %gather3A_703 : memref<128x128xf32, #tpu.memory_space<vmem>>[vector<16xi32>, vector<16xi32>], vector<16xf32>,
      %slice3A_706 = vector.extract_strided_slice %get3A_567 {offsets = [2], sizes = [1], strides = [1]} : vector<16xi32> to vector<1xi32>
      %squeeze3A_707 = vector.extract %slice3A_706[0] : i32 from vector<1xi32>
      %and3A_708 = arith.constant 127 : i32
      %and3A_709 = arith.andi %squeeze3A_707, %and3A_708 : i32
      %broadcast_in_dim3A_710 = vector.broadcast %and3A_709 : i32 to vector<16xi32>
      %add3A_711 = arith.constant 2 : i32
      %add3A_712 = arith.addi %mul3A_565, %add3A_711 : i32
      %and3A_713 = arith.constant 127 : i32
      %and3A_714 = arith.andi %add3A_712, %and3A_713 : i32
      %broadcast_in_dim3A_715 = vector.broadcast %and3A_714 : i32 to vector<16xi32>
      %jit3A_716 = arith.constant 128 : i32
      %div3A_717 = arith.divsi %add3A_712, %jit3A_716 : i32
      %sign3A_718 = arith.constant 0 : i32
      %sign3A_719 = arith.cmpi sgt, %add3A_712, %sign3A_718 : i32
      %sign3A_720 = arith.extui %sign3A_719 : i1 to i32
      %sign3A_721 = arith.constant 0 : i32
      %sign3A_722 = arith.cmpi slt, %add3A_712, %sign3A_721 : i32
      %sign3A_723 = arith.extui %sign3A_722 : i1 to i32
      %sign3A_724 = arith.subi %sign3A_720, %sign3A_723 : i32
      %sign3A_725 = arith.constant 0 : i32
      %sign3A_726 = arith.cmpi sgt, %jit3A_716, %sign3A_725 : i32
      %sign3A_727 = arith.extui %sign3A_726 : i1 to i32
      %sign3A_728 = arith.constant 0 : i32
      %sign3A_729 = arith.cmpi slt, %jit3A_716, %sign3A_728 : i32
      %sign3A_730 = arith.extui %sign3A_729 : i1 to i32
      %sign3A_731 = arith.subi %sign3A_727, %sign3A_730 : i32
      %ne3A_732 = arith.cmpi ne, %sign3A_724, %sign3A_731 : i32
      %rem3A_733 = arith.remsi %add3A_712, %jit3A_716 : i32
      %ne3A_734 = arith.constant 0 : i32
      %ne3A_735 = arith.cmpi ne, %rem3A_733, %ne3A_734 : i32
      %and3A_736 = arith.andi %ne3A_732, %ne3A_735 : i1
      %sub3A_737 = arith.constant 1 : i32
      %sub3A_738 = arith.subi %div3A_717, %sub3A_737 : i32
      %select_n3A_739 = arith.select %and3A_736, %sub3A_738, %div3A_717 : i32
      %mul3A_740 = arith.constant 32 : i32
      %mul3A_741 = arith.muli %select_n3A_739, %mul3A_740 : i32
      %add3A_742 = arith.constant 64 : i32
      %add3A_743 = vector.broadcast %add3A_742 : i32 to vector<16xi32>
      %add3A_744 = arith.addi %iota3A, %add3A_743 : vector<16xi32>
      %gather3A_745 = tpu.vector_load_idx %arg10[%add3A_744, %broadcast_in_dim3A_710] : memref<512x128xf32, #tpu.memory_space<vmem>>[vector<16xi32>, vector<16xi32>], vector<16xf32>,
      %add3A_746 = vector.broadcast %mul3A_741 : i32 to vector<16xi32>
      %add3A_747 = arith.addi %iota3A, %add3A_746 : vector<16xi32>
      tpu.vector_store_idx %arg11[%add3A_747, %broadcast_in_dim3A_715], %gather3A_745 : memref<128x128xf32, #tpu.memory_space<vmem>>[vector<16xi32>, vector<16xi32>], vector<16xf32>,
      %add3A_748 = arith.constant 64 : i32
      %add3A_749 = vector.broadcast %add3A_748 : i32 to vector<16xi32>
      %add3A_750 = arith.addi %add3A_5, %add3A_749 : vector<16xi32>
      %gather3A_751 = tpu.vector_load_idx %arg10[%add3A_750, %broadcast_in_dim3A_710] : memref<512x128xf32, #tpu.memory_space<vmem>>[vector<16xi32>, vector<16xi32>], vector<16xf32>,
      %add3A_752 = vector.broadcast %mul3A_741 : i32 to vector<16xi32>
      %add3A_753 = arith.addi %add3A_5, %add3A_752 : vector<16xi32>
      tpu.vector_store_idx %arg11[%add3A_753, %broadcast_in_dim3A_715], %gather3A_751 : memref<128x128xf32, #tpu.memory_space<vmem>>[vector<16xi32>, vector<16xi32>], vector<16xf32>,
      %slice3A_754 = vector.extract_strided_slice %get3A_567 {offsets = [3], sizes = [1], strides = [1]} : vector<16xi32> to vector<1xi32>
      %squeeze3A_755 = vector.extract %slice3A_754[0] : i32 from vector<1xi32>
      %and3A_756 = arith.constant 127 : i32
      %and3A_757 = arith.andi %squeeze3A_755, %and3A_756 : i32
      %broadcast_in_dim3A_758 = vector.broadcast %and3A_757 : i32 to vector<16xi32>
      %add3A_759 = arith.constant 3 : i32
      %add3A_760 = arith.addi %mul3A_565, %add3A_759 : i32
      %and3A_761 = arith.constant 127 : i32
      %and3A_762 = arith.andi %add3A_760, %and3A_761 : i32
      %broadcast_in_dim3A_763 = vector.broadcast %and3A_762 : i32 to vector<16xi32>
      %jit3A_764 = arith.constant 128 : i32
      %div3A_765 = arith.divsi %add3A_760, %jit3A_764 : i32
      %sign3A_766 = arith.constant 0 : i32
      %sign3A_767 = arith.cmpi sgt, %add3A_760, %sign3A_766 : i32
      %sign3A_768 = arith.extui %sign3A_767 : i1 to i32
      %sign3A_769 = arith.constant 0 : i32
      %sign3A_770 = arith.cmpi slt, %add3A_760, %sign3A_769 : i32
      %sign3A_771 = arith.extui %sign3A_770 : i1 to i32
      %sign3A_772 = arith.subi %sign3A_768, %sign3A_771 : i32
      %sign3A_773 = arith.constant 0 : i32
      %sign3A_774 = arith.cmpi sgt, %jit3A_764, %sign3A_773 : i32
      %sign3A_775 = arith.extui %sign3A_774 : i1 to i32
      %sign3A_776 = arith.constant 0 : i32
      %sign3A_777 = arith.cmpi slt, %jit3A_764, %sign3A_776 : i32
      %sign3A_778 = arith.extui %sign3A_777 : i1 to i32
      %sign3A_779 = arith.subi %sign3A_775, %sign3A_778 : i32
      %ne3A_780 = arith.cmpi ne, %sign3A_772, %sign3A_779 : i32
      %rem3A_781 = arith.remsi %add3A_760, %jit3A_764 : i32
      %ne3A_782 = arith.constant 0 : i32
      %ne3A_783 = arith.cmpi ne, %rem3A_781, %ne3A_782 : i32
      %and3A_784 = arith.andi %ne3A_780, %ne3A_783 : i1
      %sub3A_785 = arith.constant 1 : i32
      %sub3A_786 = arith.subi %div3A_765, %sub3A_785 : i32
      %select_n3A_787 = arith.select %and3A_784, %sub3A_786, %div3A_765 : i32
      %mul3A_788 = arith.constant 32 : i32
      %mul3A_789 = arith.muli %select_n3A_787, %mul3A_788 : i32
      %add3A_790 = arith.constant 96 : i32
      %add3A_791 = vector.broadcast %add3A_790 : i32 to vector<16xi32>
      %add3A_792 = arith.addi %iota3A, %add3A_791 : vector<16xi32>
      %gather3A_793 = tpu.vector_load_idx %arg10[%add3A_792, %broadcast_in_dim3A_758] : memref<512x128xf32, #tpu.memory_space<vmem>>[vector<16xi32>, vector<16xi32>], vector<16xf32>,
      %add3A_794 = vector.broadcast %mul3A_789 : i32 to vector<16xi32>
      %add3A_795 = arith.addi %iota3A, %add3A_794 : vector<16xi32>
      tpu.vector_store_idx %arg11[%add3A_795, %broadcast_in_dim3A_763], %gather3A_793 : memref<128x128xf32, #tpu.memory_space<vmem>>[vector<16xi32>, vector<16xi32>], vector<16xf32>,
      %add3A_796 = arith.constant 96 : i32
      %add3A_797 = vector.broadcast %add3A_796 : i32 to vector<16xi32>
      %add3A_798 = arith.addi %add3A_5, %add3A_797 : vector<16xi32>
      %gather3A_799 = tpu.vector_load_idx %arg10[%add3A_798, %broadcast_in_dim3A_758] : memref<512x128xf32, #tpu.memory_space<vmem>>[vector<16xi32>, vector<16xi32>], vector<16xf32>,
      %add3A_800 = vector.broadcast %mul3A_789 : i32 to vector<16xi32>
      %add3A_801 = arith.addi %add3A_5, %add3A_800 : vector<16xi32>
      tpu.vector_store_idx %arg11[%add3A_801, %broadcast_in_dim3A_763], %gather3A_799 : memref<128x128xf32, #tpu.memory_space<vmem>>[vector<16xi32>, vector<16xi32>], vector<16xf32>,
      %not3A = arith.constant true
      %not3A_802 = arith.xori %eq3A_572, %not3A : i1
      %convert_element_type3A = arith.extui %not3A_802 : i1 to i32
      %cond3A = arith.constant 0 : i32
      %cond3A_803 = arith.cmpi ne, %convert_element_type3A, %cond3A : i32
      scf.if %cond3A_803 {
        %slice3A_1539 = vector.extract_strided_slice %get3A_571 {offsets = [0], sizes = [1], strides = [1]} : vector<16xi32> to vector<1xi32>
        %squeeze3A_1540 = vector.extract %slice3A_1539[0] : i32 from vector<1xi32>
        %shift_right_arithmetic3A_1541 = arith.constant 7 : i32
        %shift_right_arithmetic3A_1542 = arith.shrsi %squeeze3A_1540, %shift_right_arithmetic3A_1541 : i32
        %mul3A_1543 = arith.constant 128 : i32
        %mul3A_1544 = arith.muli %shift_right_arithmetic3A_1542, %mul3A_1543 : i32
        %multiple_of3A_1545 = tpu.assume_multiple %mul3A_1544, 128 : i32
        %dma_start3A_1546 = arith.constant 0 : i32
        %dma_start3A_1547 = arith.constant 0 : i32
        %dma_start3A_1548 = tpu.memref_slice %arg10[%dma_start3A_1546, %dma_start3A_1547] : memref<512x128xf32, #tpu.memory_space<vmem>> -> memref<32x128xf32, #tpu.memory_space<vmem>>
        %dma_start3A_1549 = arith.constant 0 : i32
        %dma_start3A_1550 = tpu.memref_slice %arg4[%dma_start3A_1549, %multiple_of3A_1545] : memref<32x1000000xf32, #tpu.memory_space<hbm>> -> memref<32x128xf32, #tpu.memory_space<hbm>>
        %dma_start3A_1551 = arith.constant 0 : i32
        %dma_start3A_1552 = arith.constant 0 : i32
        %dma_start3A_1553 = tpu.memref_slice %arg10[%dma_start3A_1551, %dma_start3A_1552] : memref<512x128xf32, #tpu.memory_space<vmem>> -> memref<32x128xf32, #tpu.memory_space<vmem>>
        %dma_start3A_1554 = arith.constant 0 : i32
        %dma_start3A_1555 = tpu.memref_slice %arg4[%dma_start3A_1554, %multiple_of3A_1545] : memref<32x1000000xf32, #tpu.memory_space<hbm>> -> memref<32x128xf32, #tpu.memory_space<hbm>>
        tpu.enqueue_dma source(%dma_start3A_1555 : memref<32x128xf32, #tpu.memory_space<hbm>>) target(%dma_start3A_1553 : memref<32x128xf32, #tpu.memory_space<vmem>>) target_semaphore(%arg12 : memref<!tpu.dma_semaphore, #tpu.memory_space<semaphore_mem>>)
        %slice3A_1556 = vector.extract_strided_slice %get3A_571 {offsets = [1], sizes = [1], strides = [1]} : vector<16xi32> to vector<1xi32>
        %squeeze3A_1557 = vector.extract %slice3A_1556[0] : i32 from vector<1xi32>
        %shift_right_arithmetic3A_1558 = arith.constant 7 : i32
        %shift_right_arithmetic3A_1559 = arith.shrsi %squeeze3A_1557, %shift_right_arithmetic3A_1558 : i32
        %mul3A_1560 = arith.constant 128 : i32
        %mul3A_1561 = arith.muli %shift_right_arithmetic3A_1559, %mul3A_1560 : i32
        %multiple_of3A_1562 = tpu.assume_multiple %mul3A_1561, 128 : i32
        %dma_start3A_1563 = arith.constant 32 : i32
        %dma_start3A_1564 = arith.constant 0 : i32
        %dma_start3A_1565 = tpu.memref_slice %arg10[%dma_start3A_1563, %dma_start3A_1564] : memref<512x128xf32, #tpu.memory_space<vmem>> -> memref<32x128xf32, #tpu.memory_space<vmem>>
        %dma_start3A_1566 = arith.constant 0 : i32
        %dma_start3A_1567 = tpu.memref_slice %arg4[%dma_start3A_1566, %multiple_of3A_1562] : memref<32x1000000xf32, #tpu.memory_space<hbm>> -> memref<32x128xf32, #tpu.memory_space<hbm>>
        %dma_start3A_1568 = arith.constant 32 : i32
        %dma_start3A_1569 = arith.constant 0 : i32
        %dma_start3A_1570 = tpu.memref_slice %arg10[%dma_start3A_1568, %dma_start3A_1569] : memref<512x128xf32, #tpu.memory_space<vmem>> -> memref<32x128xf32, #tpu.memory_space<vmem>>
        %dma_start3A_1571 = arith.constant 0 : i32
        %dma_start3A_1572 = tpu.memref_slice %arg4[%dma_start3A_1571, %multiple_of3A_1562] : memref<32x1000000xf32, #tpu.memory_space<hbm>> -> memref<32x128xf32, #tpu.memory_space<hbm>>
        tpu.enqueue_dma source(%dma_start3A_1572 : memref<32x128xf32, #tpu.memory_space<hbm>>) target(%dma_start3A_1570 : memref<32x128xf32, #tpu.memory_space<vmem>>) target_semaphore(%arg12 : memref<!tpu.dma_semaphore, #tpu.memory_space<semaphore_mem>>)
        %slice3A_1573 = vector.extract_strided_slice %get3A_571 {offsets = [2], sizes = [1], strides = [1]} : vector<16xi32> to vector<1xi32>
        %squeeze3A_1574 = vector.extract %slice3A_1573[0] : i32 from vector<1xi32>
        %shift_right_arithmetic3A_1575 = arith.constant 7 : i32
        %shift_right_arithmetic3A_1576 = arith.shrsi %squeeze3A_1574, %shift_right_arithmetic3A_1575 : i32
        %mul3A_1577 = arith.constant 128 : i32
        %mul3A_1578 = arith.muli %shift_right_arithmetic3A_1576, %mul3A_1577 : i32
        %multiple_of3A_1579 = tpu.assume_multiple %mul3A_1578, 128 : i32
        %dma_start3A_1580 = arith.constant 64 : i32
        %dma_start3A_1581 = arith.constant 0 : i32
        %dma_start3A_1582 = tpu.memref_slice %arg10[%dma_start3A_1580, %dma_start3A_1581] : memref<512x128xf32, #tpu.memory_space<vmem>> -> memref<32x128xf32, #tpu.memory_space<vmem>>
        %dma_start3A_1583 = arith.constant 0 : i32
        %dma_start3A_1584 = tpu.memref_slice %arg4[%dma_start3A_1583, %multiple_of3A_1579] : memref<32x1000000xf32, #tpu.memory_space<hbm>> -> memref<32x128xf32, #tpu.memory_space<hbm>>
        %dma_start3A_1585 = arith.constant 64 : i32
        %dma_start3A_1586 = arith.constant 0 : i32
        %dma_start3A_1587 = tpu.memref_slice %arg10[%dma_start3A_1585, %dma_start3A_1586] : memref<512x128xf32, #tpu.memory_space<vmem>> -> memref<32x128xf32, #tpu.memory_space<vmem>>
        %dma_start3A_1588 = arith.constant 0 : i32
        %dma_start3A_1589 = tpu.memref_slice %arg4[%dma_start3A_1588, %multiple_of3A_1579] : memref<32x1000000xf32, #tpu.memory_space<hbm>> -> memref<32x128xf32, #tpu.memory_space<hbm>>
        tpu.enqueue_dma source(%dma_start3A_1589 : memref<32x128xf32, #tpu.memory_space<hbm>>) target(%dma_start3A_1587 : memref<32x128xf32, #tpu.memory_space<vmem>>) target_semaphore(%arg12 : memref<!tpu.dma_semaphore, #tpu.memory_space<semaphore_mem>>)
        %slice3A_1590 = vector.extract_strided_slice %get3A_571 {offsets = [3], sizes = [1], strides = [1]} : vector<16xi32> to vector<1xi32>
        %squeeze3A_1591 = vector.extract %slice3A_1590[0] : i32 from vector<1xi32>
        %shift_right_arithmetic3A_1592 = arith.constant 7 : i32
        %shift_right_arithmetic3A_1593 = arith.shrsi %squeeze3A_1591, %shift_right_arithmetic3A_1592 : i32
        %mul3A_1594 = arith.constant 128 : i32
        %mul3A_1595 = arith.muli %shift_right_arithmetic3A_1593, %mul3A_1594 : i32
        %multiple_of3A_1596 = tpu.assume_multiple %mul3A_1595, 128 : i32
        %dma_start3A_1597 = arith.constant 96 : i32
        %dma_start3A_1598 = arith.constant 0 : i32
        %dma_start3A_1599 = tpu.memref_slice %arg10[%dma_start3A_1597, %dma_start3A_1598] : memref<512x128xf32, #tpu.memory_space<vmem>> -> memref<32x128xf32, #tpu.memory_space<vmem>>
        %dma_start3A_1600 = arith.constant 0 : i32
        %dma_start3A_1601 = tpu.memref_slice %arg4[%dma_start3A_1600, %multiple_of3A_1596] : memref<32x1000000xf32, #tpu.memory_space<hbm>> -> memref<32x128xf32, #tpu.memory_space<hbm>>
        %dma_start3A_1602 = arith.constant 96 : i32
        %dma_start3A_1603 = arith.constant 0 : i32
        %dma_start3A_1604 = tpu.memref_slice %arg10[%dma_start3A_1602, %dma_start3A_1603] : memref<512x128xf32, #tpu.memory_space<vmem>> -> memref<32x128xf32, #tpu.memory_space<vmem>>
        %dma_start3A_1605 = arith.constant 0 : i32
        %dma_start3A_1606 = tpu.memref_slice %arg4[%dma_start3A_1605, %multiple_of3A_1596] : memref<32x1000000xf32, #tpu.memory_space<hbm>> -> memref<32x128xf32, #tpu.memory_space<hbm>>
        tpu.enqueue_dma source(%dma_start3A_1606 : memref<32x128xf32, #tpu.memory_space<hbm>>) target(%dma_start3A_1604 : memref<32x128xf32, #tpu.memory_space<vmem>>) target_semaphore(%arg12 : memref<!tpu.dma_semaphore, #tpu.memory_space<semaphore_mem>>)
      } else {
      }
      %dma_wait3A_804 = arith.constant 0 : i32
      %dma_wait3A_805 = arith.constant 0 : i32
      %dma_wait3A_806 = tpu.memref_slice %arg10[%dma_wait3A_804, %dma_wait3A_805] : memref<512x128xf32, #tpu.memory_space<vmem>> -> memref<32x128xf32, #tpu.memory_space<vmem>>
      %dma_wait3A_807 = arith.constant 0 : i32
      %dma_wait3A_808 = arith.constant 0 : i32
      %dma_wait3A_809 = tpu.memref_slice %arg4[%dma_wait3A_807, %dma_wait3A_808] : memref<32x1000000xf32, #tpu.memory_space<hbm>> -> memref<32x128xf32, #tpu.memory_space<hbm>>
      %dma_wait3A_810 = arith.constant 0 : i32
      %dma_wait3A_811 = arith.constant 0 : i32
      %dma_wait3A_812 = tpu.memref_slice %arg10[%dma_wait3A_810, %dma_wait3A_811] : memref<512x128xf32, #tpu.memory_space<vmem>> -> memref<32x128xf32, #tpu.memory_space<vmem>>
      %dma_wait3A_813 = arith.constant 0 : i32
      %dma_wait3A_814 = arith.constant 0 : i32
      %dma_wait3A_815 = tpu.memref_slice %arg4[%dma_wait3A_813, %dma_wait3A_814] : memref<32x1000000xf32, #tpu.memory_space<hbm>> -> memref<32x128xf32, #tpu.memory_space<hbm>>
      tpu.wait_dma2 semaphore(%arg13 : memref<!tpu.dma_semaphore, #tpu.memory_space<semaphore_mem>>) src(%dma_wait3A_815 : memref<32x128xf32, #tpu.memory_space<hbm>>) dst(%dma_wait3A_812 : memref<32x128xf32, #tpu.memory_space<vmem>>)
      %dma_wait3A_816 = arith.constant 0 : i32
      %dma_wait3A_817 = arith.constant 0 : i32
      %dma_wait3A_818 = tpu.memref_slice %arg10[%dma_wait3A_816, %dma_wait3A_817] : memref<512x128xf32, #tpu.memory_space<vmem>> -> memref<32x128xf32, #tpu.memory_space<vmem>>
      %dma_wait3A_819 = arith.constant 0 : i32
      %dma_wait3A_820 = arith.constant 0 : i32
      %dma_wait3A_821 = tpu.memref_slice %arg4[%dma_wait3A_819, %dma_wait3A_820] : memref<32x1000000xf32, #tpu.memory_space<hbm>> -> memref<32x128xf32, #tpu.memory_space<hbm>>
      %dma_wait3A_822 = arith.constant 0 : i32
      %dma_wait3A_823 = arith.constant 0 : i32
      %dma_wait3A_824 = tpu.memref_slice %arg10[%dma_wait3A_822, %dma_wait3A_823] : memref<512x128xf32, #tpu.memory_space<vmem>> -> memref<32x128xf32, #tpu.memory_space<vmem>>
      %dma_wait3A_825 = arith.constant 0 : i32
      %dma_wait3A_826 = arith.constant 0 : i32
      %dma_wait3A_827 = tpu.memref_slice %arg4[%dma_wait3A_825, %dma_wait3A_826] : memref<32x1000000xf32, #tpu.memory_space<hbm>> -> memref<32x128xf32, #tpu.memory_space<hbm>>
      tpu.wait_dma2 semaphore(%arg13 : memref<!tpu.dma_semaphore, #tpu.memory_space<semaphore_mem>>) src(%dma_wait3A_827 : memref<32x128xf32, #tpu.memory_space<hbm>>) dst(%dma_wait3A_824 : memref<32x128xf32, #tpu.memory_space<vmem>>)
      %dma_wait3A_828 = arith.constant 0 : i32
      %dma_wait3A_829 = arith.constant 0 : i32
      %dma_wait3A_830 = tpu.memref_slice %arg10[%dma_wait3A_828, %dma_wait3A_829] : memref<512x128xf32, #tpu.memory_space<vmem>> -> memref<32x128xf32, #tpu.memory_space<vmem>>
      %dma_wait3A_831 = arith.constant 0 : i32
      %dma_wait3A_832 = arith.constant 0 : i32
      %dma_wait3A_833 = tpu.memref_slice %arg4[%dma_wait3A_831, %dma_wait3A_832] : memref<32x1000000xf32, #tpu.memory_space<hbm>> -> memref<32x128xf32, #tpu.memory_space<hbm>>
      %dma_wait3A_834 = arith.constant 0 : i32
      %dma_wait3A_835 = arith.constant 0 : i32
      %dma_wait3A_836 = tpu.memref_slice %arg10[%dma_wait3A_834, %dma_wait3A_835] : memref<512x128xf32, #tpu.memory_space<vmem>> -> memref<32x128xf32, #tpu.memory_space<vmem>>
      %dma_wait3A_837 = arith.constant 0 : i32
      %dma_wait3A_838 = arith.constant 0 : i32
      %dma_wait3A_839 = tpu.memref_slice %arg4[%dma_wait3A_837, %dma_wait3A_838] : memref<32x1000000xf32, #tpu.memory_space<hbm>> -> memref<32x128xf32, #tpu.memory_space<hbm>>
      tpu.wait_dma2 semaphore(%arg13 : memref<!tpu.dma_semaphore, #tpu.memory_space<semaphore_mem>>) src(%dma_wait3A_839 : memref<32x128xf32, #tpu.memory_space<hbm>>) dst(%dma_wait3A_836 : memref<32x128xf32, #tpu.memory_space<vmem>>)
      %dma_wait3A_840 = arith.constant 0 : i32
      %dma_wait3A_841 = arith.constant 0 : i32
      %dma_wait3A_842 = tpu.memref_slice %arg10[%dma_wait3A_840, %dma_wait3A_841] : memref<512x128xf32, #tpu.memory_space<vmem>> -> memref<32x128xf32, #tpu.memory_space<vmem>>
      %dma_wait3A_843 = arith.constant 0 : i32
      %dma_wait3A_844 = arith.constant 0 : i32
      %dma_wait3A_845 = tpu.memref_slice %arg4[%dma_wait3A_843, %dma_wait3A_844] : memref<32x1000000xf32, #tpu.memory_space<hbm>> -> memref<32x128xf32, #tpu.memory_space<hbm>>
      %dma_wait3A_846 = arith.constant 0 : i32
      %dma_wait3A_847 = arith.constant 0 : i32
      %dma_wait3A_848 = tpu.memref_slice %arg10[%dma_wait3A_846, %dma_wait3A_847] : memref<512x128xf32, #tpu.memory_space<vmem>> -> memref<32x128xf32, #tpu.memory_space<vmem>>
      %dma_wait3A_849 = arith.constant 0 : i32
      %dma_wait3A_850 = arith.constant 0 : i32
      %dma_wait3A_851 = tpu.memref_slice %arg4[%dma_wait3A_849, %dma_wait3A_850] : memref<32x1000000xf32, #tpu.memory_space<hbm>> -> memref<32x128xf32, #tpu.memory_space<hbm>>
      tpu.wait_dma2 semaphore(%arg13 : memref<!tpu.dma_semaphore, #tpu.memory_space<semaphore_mem>>) src(%dma_wait3A_851 : memref<32x128xf32, #tpu.memory_space<hbm>>) dst(%dma_wait3A_848 : memref<32x128xf32, #tpu.memory_space<vmem>>)
      %slice3A_852 = vector.extract_strided_slice %get3A_567 {offsets = [4], sizes = [1], strides = [1]} : vector<16xi32> to vector<1xi32>
      %squeeze3A_853 = vector.extract %slice3A_852[0] : i32 from vector<1xi32>
      %and3A_854 = arith.constant 127 : i32
      %and3A_855 = arith.andi %squeeze3A_853, %and3A_854 : i32
      %broadcast_in_dim3A_856 = vector.broadcast %and3A_855 : i32 to vector<16xi32>
      %add3A_857 = arith.constant 4 : i32
      %add3A_858 = arith.addi %mul3A_565, %add3A_857 : i32
      %and3A_859 = arith.constant 127 : i32
      %and3A_860 = arith.andi %add3A_858, %and3A_859 : i32
      %broadcast_in_dim3A_861 = vector.broadcast %and3A_860 : i32 to vector<16xi32>
      %jit3A_862 = arith.constant 128 : i32
      %div3A_863 = arith.divsi %add3A_858, %jit3A_862 : i32
      %sign3A_864 = arith.constant 0 : i32
      %sign3A_865 = arith.cmpi sgt, %add3A_858, %sign3A_864 : i32
      %sign3A_866 = arith.extui %sign3A_865 : i1 to i32
      %sign3A_867 = arith.constant 0 : i32
      %sign3A_868 = arith.cmpi slt, %add3A_858, %sign3A_867 : i32
      %sign3A_869 = arith.extui %sign3A_868 : i1 to i32
      %sign3A_870 = arith.subi %sign3A_866, %sign3A_869 : i32
      %sign3A_871 = arith.constant 0 : i32
      %sign3A_872 = arith.cmpi sgt, %jit3A_862, %sign3A_871 : i32
      %sign3A_873 = arith.extui %sign3A_872 : i1 to i32
      %sign3A_874 = arith.constant 0 : i32
      %sign3A_875 = arith.cmpi slt, %jit3A_862, %sign3A_874 : i32
      %sign3A_876 = arith.extui %sign3A_875 : i1 to i32
      %sign3A_877 = arith.subi %sign3A_873, %sign3A_876 : i32
      %ne3A_878 = arith.cmpi ne, %sign3A_870, %sign3A_877 : i32
      %rem3A_879 = arith.remsi %add3A_858, %jit3A_862 : i32
      %ne3A_880 = arith.constant 0 : i32
      %ne3A_881 = arith.cmpi ne, %rem3A_879, %ne3A_880 : i32
      %and3A_882 = arith.andi %ne3A_878, %ne3A_881 : i1
      %sub3A_883 = arith.constant 1 : i32
      %sub3A_884 = arith.subi %div3A_863, %sub3A_883 : i32
      %select_n3A_885 = arith.select %and3A_882, %sub3A_884, %div3A_863 : i32
      %mul3A_886 = arith.constant 32 : i32
      %mul3A_887 = arith.muli %select_n3A_885, %mul3A_886 : i32
      %add3A_888 = arith.constant 128 : i32
      %add3A_889 = vector.broadcast %add3A_888 : i32 to vector<16xi32>
      %add3A_890 = arith.addi %iota3A, %add3A_889 : vector<16xi32>
      %gather3A_891 = tpu.vector_load_idx %arg10[%add3A_890, %broadcast_in_dim3A_856] : memref<512x128xf32, #tpu.memory_space<vmem>>[vector<16xi32>, vector<16xi32>], vector<16xf32>,
      %add3A_892 = vector.broadcast %mul3A_887 : i32 to vector<16xi32>
      %add3A_893 = arith.addi %iota3A, %add3A_892 : vector<16xi32>
      tpu.vector_store_idx %arg11[%add3A_893, %broadcast_in_dim3A_861], %gather3A_891 : memref<128x128xf32, #tpu.memory_space<vmem>>[vector<16xi32>, vector<16xi32>], vector<16xf32>,
      %add3A_894 = arith.constant 128 : i32
      %add3A_895 = vector.broadcast %add3A_894 : i32 to vector<16xi32>
      %add3A_896 = arith.addi %add3A_5, %add3A_895 : vector<16xi32>
      %gather3A_897 = tpu.vector_load_idx %arg10[%add3A_896, %broadcast_in_dim3A_856] : memref<512x128xf32, #tpu.memory_space<vmem>>[vector<16xi32>, vector<16xi32>], vector<16xf32>,
      %add3A_898 = vector.broadcast %mul3A_887 : i32 to vector<16xi32>
      %add3A_899 = arith.addi %add3A_5, %add3A_898 : vector<16xi32>
      tpu.vector_store_idx %arg11[%add3A_899, %broadcast_in_dim3A_861], %gather3A_897 : memref<128x128xf32, #tpu.memory_space<vmem>>[vector<16xi32>, vector<16xi32>], vector<16xf32>,
      %slice3A_900 = vector.extract_strided_slice %get3A_567 {offsets = [5], sizes = [1], strides = [1]} : vector<16xi32> to vector<1xi32>
      %squeeze3A_901 = vector.extract %slice3A_900[0] : i32 from vector<1xi32>
      %and3A_902 = arith.constant 127 : i32
      %and3A_903 = arith.andi %squeeze3A_901, %and3A_902 : i32
      %broadcast_in_dim3A_904 = vector.broadcast %and3A_903 : i32 to vector<16xi32>
      %add3A_905 = arith.constant 5 : i32
      %add3A_906 = arith.addi %mul3A_565, %add3A_905 : i32
      %and3A_907 = arith.constant 127 : i32
      %and3A_908 = arith.andi %add3A_906, %and3A_907 : i32
      %broadcast_in_dim3A_909 = vector.broadcast %and3A_908 : i32 to vector<16xi32>
      %jit3A_910 = arith.constant 128 : i32
      %div3A_911 = arith.divsi %add3A_906, %jit3A_910 : i32
      %sign3A_912 = arith.constant 0 : i32
      %sign3A_913 = arith.cmpi sgt, %add3A_906, %sign3A_912 : i32
      %sign3A_914 = arith.extui %sign3A_913 : i1 to i32
      %sign3A_915 = arith.constant 0 : i32
      %sign3A_916 = arith.cmpi slt, %add3A_906, %sign3A_915 : i32
      %sign3A_917 = arith.extui %sign3A_916 : i1 to i32
      %sign3A_918 = arith.subi %sign3A_914, %sign3A_917 : i32
      %sign3A_919 = arith.constant 0 : i32
      %sign3A_920 = arith.cmpi sgt, %jit3A_910, %sign3A_919 : i32
      %sign3A_921 = arith.extui %sign3A_920 : i1 to i32
      %sign3A_922 = arith.constant 0 : i32
      %sign3A_923 = arith.cmpi slt, %jit3A_910, %sign3A_922 : i32
      %sign3A_924 = arith.extui %sign3A_923 : i1 to i32
      %sign3A_925 = arith.subi %sign3A_921, %sign3A_924 : i32
      %ne3A_926 = arith.cmpi ne, %sign3A_918, %sign3A_925 : i32
      %rem3A_927 = arith.remsi %add3A_906, %jit3A_910 : i32
      %ne3A_928 = arith.constant 0 : i32
      %ne3A_929 = arith.cmpi ne, %rem3A_927, %ne3A_928 : i32
      %and3A_930 = arith.andi %ne3A_926, %ne3A_929 : i1
      %sub3A_931 = arith.constant 1 : i32
      %sub3A_932 = arith.subi %div3A_911, %sub3A_931 : i32
      %select_n3A_933 = arith.select %and3A_930, %sub3A_932, %div3A_911 : i32
      %mul3A_934 = arith.constant 32 : i32
      %mul3A_935 = arith.muli %select_n3A_933, %mul3A_934 : i32
      %add3A_936 = arith.constant 160 : i32
      %add3A_937 = vector.broadcast %add3A_936 : i32 to vector<16xi32>
      %add3A_938 = arith.addi %iota3A, %add3A_937 : vector<16xi32>
      %gather3A_939 = tpu.vector_load_idx %arg10[%add3A_938, %broadcast_in_dim3A_904] : memref<512x128xf32, #tpu.memory_space<vmem>>[vector<16xi32>, vector<16xi32>], vector<16xf32>,
      %add3A_940 = vector.broadcast %mul3A_935 : i32 to vector<16xi32>
      %add3A_941 = arith.addi %iota3A, %add3A_940 : vector<16xi32>
      tpu.vector_store_idx %arg11[%add3A_941, %broadcast_in_dim3A_909], %gather3A_939 : memref<128x128xf32, #tpu.memory_space<vmem>>[vector<16xi32>, vector<16xi32>], vector<16xf32>,
      %add3A_942 = arith.constant 160 : i32
      %add3A_943 = vector.broadcast %add3A_942 : i32 to vector<16xi32>
      %add3A_944 = arith.addi %add3A_5, %add3A_943 : vector<16xi32>
      %gather3A_945 = tpu.vector_load_idx %arg10[%add3A_944, %broadcast_in_dim3A_904] : memref<512x128xf32, #tpu.memory_space<vmem>>[vector<16xi32>, vector<16xi32>], vector<16xf32>,
      %add3A_946 = vector.broadcast %mul3A_935 : i32 to vector<16xi32>
      %add3A_947 = arith.addi %add3A_5, %add3A_946 : vector<16xi32>
      tpu.vector_store_idx %arg11[%add3A_947, %broadcast_in_dim3A_909], %gather3A_945 : memref<128x128xf32, #tpu.memory_space<vmem>>[vector<16xi32>, vector<16xi32>], vector<16xf32>,
      %slice3A_948 = vector.extract_strided_slice %get3A_567 {offsets = [6], sizes = [1], strides = [1]} : vector<16xi32> to vector<1xi32>
      %squeeze3A_949 = vector.extract %slice3A_948[0] : i32 from vector<1xi32>
      %and3A_950 = arith.constant 127 : i32
      %and3A_951 = arith.andi %squeeze3A_949, %and3A_950 : i32
      %broadcast_in_dim3A_952 = vector.broadcast %and3A_951 : i32 to vector<16xi32>
      %add3A_953 = arith.constant 6 : i32
      %add3A_954 = arith.addi %mul3A_565, %add3A_953 : i32
      %and3A_955 = arith.constant 127 : i32
      %and3A_956 = arith.andi %add3A_954, %and3A_955 : i32
      %broadcast_in_dim3A_957 = vector.broadcast %and3A_956 : i32 to vector<16xi32>
      %jit3A_958 = arith.constant 128 : i32
      %div3A_959 = arith.divsi %add3A_954, %jit3A_958 : i32
      %sign3A_960 = arith.constant 0 : i32
      %sign3A_961 = arith.cmpi sgt, %add3A_954, %sign3A_960 : i32
      %sign3A_962 = arith.extui %sign3A_961 : i1 to i32
      %sign3A_963 = arith.constant 0 : i32
      %sign3A_964 = arith.cmpi slt, %add3A_954, %sign3A_963 : i32
      %sign3A_965 = arith.extui %sign3A_964 : i1 to i32
      %sign3A_966 = arith.subi %sign3A_962, %sign3A_965 : i32
      %sign3A_967 = arith.constant 0 : i32
      %sign3A_968 = arith.cmpi sgt, %jit3A_958, %sign3A_967 : i32
      %sign3A_969 = arith.extui %sign3A_968 : i1 to i32
      %sign3A_970 = arith.constant 0 : i32
      %sign3A_971 = arith.cmpi slt, %jit3A_958, %sign3A_970 : i32
      %sign3A_972 = arith.extui %sign3A_971 : i1 to i32
      %sign3A_973 = arith.subi %sign3A_969, %sign3A_972 : i32
      %ne3A_974 = arith.cmpi ne, %sign3A_966, %sign3A_973 : i32
      %rem3A_975 = arith.remsi %add3A_954, %jit3A_958 : i32
      %ne3A_976 = arith.constant 0 : i32
      %ne3A_977 = arith.cmpi ne, %rem3A_975, %ne3A_976 : i32
      %and3A_978 = arith.andi %ne3A_974, %ne3A_977 : i1
      %sub3A_979 = arith.constant 1 : i32
      %sub3A_980 = arith.subi %div3A_959, %sub3A_979 : i32
      %select_n3A_981 = arith.select %and3A_978, %sub3A_980, %div3A_959 : i32
      %mul3A_982 = arith.constant 32 : i32
      %mul3A_983 = arith.muli %select_n3A_981, %mul3A_982 : i32
      %add3A_984 = arith.constant 192 : i32
      %add3A_985 = vector.broadcast %add3A_984 : i32 to vector<16xi32>
      %add3A_986 = arith.addi %iota3A, %add3A_985 : vector<16xi32>
      %gather3A_987 = tpu.vector_load_idx %arg10[%add3A_986, %broadcast_in_dim3A_952] : memref<512x128xf32, #tpu.memory_space<vmem>>[vector<16xi32>, vector<16xi32>], vector<16xf32>,
      %add3A_988 = vector.broadcast %mul3A_983 : i32 to vector<16xi32>
      %add3A_989 = arith.addi %iota3A, %add3A_988 : vector<16xi32>
      tpu.vector_store_idx %arg11[%add3A_989, %broadcast_in_dim3A_957], %gather3A_987 : memref<128x128xf32, #tpu.memory_space<vmem>>[vector<16xi32>, vector<16xi32>], vector<16xf32>,
      %add3A_990 = arith.constant 192 : i32
      %add3A_991 = vector.broadcast %add3A_990 : i32 to vector<16xi32>
      %add3A_992 = arith.addi %add3A_5, %add3A_991 : vector<16xi32>
      %gather3A_993 = tpu.vector_load_idx %arg10[%add3A_992, %broadcast_in_dim3A_952] : memref<512x128xf32, #tpu.memory_space<vmem>>[vector<16xi32>, vector<16xi32>], vector<16xf32>,
      %add3A_994 = vector.broadcast %mul3A_983 : i32 to vector<16xi32>
      %add3A_995 = arith.addi %add3A_5, %add3A_994 : vector<16xi32>
      tpu.vector_store_idx %arg11[%add3A_995, %broadcast_in_dim3A_957], %gather3A_993 : memref<128x128xf32, #tpu.memory_space<vmem>>[vector<16xi32>, vector<16xi32>], vector<16xf32>,
      %slice3A_996 = vector.extract_strided_slice %get3A_567 {offsets = [7], sizes = [1], strides = [1]} : vector<16xi32> to vector<1xi32>
      %squeeze3A_997 = vector.extract %slice3A_996[0] : i32 from vector<1xi32>
      %and3A_998 = arith.constant 127 : i32
      %and3A_999 = arith.andi %squeeze3A_997, %and3A_998 : i32
      %broadcast_in_dim3A_1000 = vector.broadcast %and3A_999 : i32 to vector<16xi32>
      %add3A_1001 = arith.constant 7 : i32
      %add3A_1002 = arith.addi %mul3A_565, %add3A_1001 : i32
      %and3A_1003 = arith.constant 127 : i32
      %and3A_1004 = arith.andi %add3A_1002, %and3A_1003 : i32
      %broadcast_in_dim3A_1005 = vector.broadcast %and3A_1004 : i32 to vector<16xi32>
      %jit3A_1006 = arith.constant 128 : i32
      %div3A_1007 = arith.divsi %add3A_1002, %jit3A_1006 : i32
      %sign3A_1008 = arith.constant 0 : i32
      %sign3A_1009 = arith.cmpi sgt, %add3A_1002, %sign3A_1008 : i32
      %sign3A_1010 = arith.extui %sign3A_1009 : i1 to i32
      %sign3A_1011 = arith.constant 0 : i32
      %sign3A_1012 = arith.cmpi slt, %add3A_1002, %sign3A_1011 : i32
      %sign3A_1013 = arith.extui %sign3A_1012 : i1 to i32
      %sign3A_1014 = arith.subi %sign3A_1010, %sign3A_1013 : i32
      %sign3A_1015 = arith.constant 0 : i32
      %sign3A_1016 = arith.cmpi sgt, %jit3A_1006, %sign3A_1015 : i32
      %sign3A_1017 = arith.extui %sign3A_1016 : i1 to i32
      %sign3A_1018 = arith.constant 0 : i32
      %sign3A_1019 = arith.cmpi slt, %jit3A_1006, %sign3A_1018 : i32
      %sign3A_1020 = arith.extui %sign3A_1019 : i1 to i32
      %sign3A_1021 = arith.subi %sign3A_1017, %sign3A_1020 : i32
      %ne3A_1022 = arith.cmpi ne, %sign3A_1014, %sign3A_1021 : i32
      %rem3A_1023 = arith.remsi %add3A_1002, %jit3A_1006 : i32
      %ne3A_1024 = arith.constant 0 : i32
      %ne3A_1025 = arith.cmpi ne, %rem3A_1023, %ne3A_1024 : i32
      %and3A_1026 = arith.andi %ne3A_1022, %ne3A_1025 : i1
      %sub3A_1027 = arith.constant 1 : i32
      %sub3A_1028 = arith.subi %div3A_1007, %sub3A_1027 : i32
      %select_n3A_1029 = arith.select %and3A_1026, %sub3A_1028, %div3A_1007 : i32
      %mul3A_1030 = arith.constant 32 : i32
      %mul3A_1031 = arith.muli %select_n3A_1029, %mul3A_1030 : i32
      %add3A_1032 = arith.constant 224 : i32
      %add3A_1033 = vector.broadcast %add3A_1032 : i32 to vector<16xi32>
      %add3A_1034 = arith.addi %iota3A, %add3A_1033 : vector<16xi32>
      %gather3A_1035 = tpu.vector_load_idx %arg10[%add3A_1034, %broadcast_in_dim3A_1000] : memref<512x128xf32, #tpu.memory_space<vmem>>[vector<16xi32>, vector<16xi32>], vector<16xf32>,
      %add3A_1036 = vector.broadcast %mul3A_1031 : i32 to vector<16xi32>
      %add3A_1037 = arith.addi %iota3A, %add3A_1036 : vector<16xi32>
      tpu.vector_store_idx %arg11[%add3A_1037, %broadcast_in_dim3A_1005], %gather3A_1035 : memref<128x128xf32, #tpu.memory_space<vmem>>[vector<16xi32>, vector<16xi32>], vector<16xf32>,
      %add3A_1038 = arith.constant 224 : i32
      %add3A_1039 = vector.broadcast %add3A_1038 : i32 to vector<16xi32>
      %add3A_1040 = arith.addi %add3A_5, %add3A_1039 : vector<16xi32>
      %gather3A_1041 = tpu.vector_load_idx %arg10[%add3A_1040, %broadcast_in_dim3A_1000] : memref<512x128xf32, #tpu.memory_space<vmem>>[vector<16xi32>, vector<16xi32>], vector<16xf32>,
      %add3A_1042 = vector.broadcast %mul3A_1031 : i32 to vector<16xi32>
      %add3A_1043 = arith.addi %add3A_5, %add3A_1042 : vector<16xi32>
      tpu.vector_store_idx %arg11[%add3A_1043, %broadcast_in_dim3A_1005], %gather3A_1041 : memref<128x128xf32, #tpu.memory_space<vmem>>[vector<16xi32>, vector<16xi32>], vector<16xf32>,
      %not3A_1044 = arith.constant true
      %not3A_1045 = arith.xori %eq3A_572, %not3A_1044 : i1
      %convert_element_type3A_1046 = arith.extui %not3A_1045 : i1 to i32
      %cond3A_1047 = arith.constant 0 : i32
      %cond3A_1048 = arith.cmpi ne, %convert_element_type3A_1046, %cond3A_1047 : i32
      scf.if %cond3A_1048 {
        %slice3A_1539 = vector.extract_strided_slice %get3A_571 {offsets = [4], sizes = [1], strides = [1]} : vector<16xi32> to vector<1xi32>
        %squeeze3A_1540 = vector.extract %slice3A_1539[0] : i32 from vector<1xi32>
        %shift_right_arithmetic3A_1541 = arith.constant 7 : i32
        %shift_right_arithmetic3A_1542 = arith.shrsi %squeeze3A_1540, %shift_right_arithmetic3A_1541 : i32
        %mul3A_1543 = arith.constant 128 : i32
        %mul3A_1544 = arith.muli %shift_right_arithmetic3A_1542, %mul3A_1543 : i32
        %multiple_of3A_1545 = tpu.assume_multiple %mul3A_1544, 128 : i32
        %dma_start3A_1546 = arith.constant 128 : i32
        %dma_start3A_1547 = arith.constant 0 : i32
        %dma_start3A_1548 = tpu.memref_slice %arg10[%dma_start3A_1546, %dma_start3A_1547] : memref<512x128xf32, #tpu.memory_space<vmem>> -> memref<32x128xf32, #tpu.memory_space<vmem>>
        %dma_start3A_1549 = arith.constant 0 : i32
        %dma_start3A_1550 = tpu.memref_slice %arg4[%dma_start3A_1549, %multiple_of3A_1545] : memref<32x1000000xf32, #tpu.memory_space<hbm>> -> memref<32x128xf32, #tpu.memory_space<hbm>>
        %dma_start3A_1551 = arith.constant 128 : i32
        %dma_start3A_1552 = arith.constant 0 : i32
        %dma_start3A_1553 = tpu.memref_slice %arg10[%dma_start3A_1551, %dma_start3A_1552] : memref<512x128xf32, #tpu.memory_space<vmem>> -> memref<32x128xf32, #tpu.memory_space<vmem>>
        %dma_start3A_1554 = arith.constant 0 : i32
        %dma_start3A_1555 = tpu.memref_slice %arg4[%dma_start3A_1554, %multiple_of3A_1545] : memref<32x1000000xf32, #tpu.memory_space<hbm>> -> memref<32x128xf32, #tpu.memory_space<hbm>>
        tpu.enqueue_dma source(%dma_start3A_1555 : memref<32x128xf32, #tpu.memory_space<hbm>>) target(%dma_start3A_1553 : memref<32x128xf32, #tpu.memory_space<vmem>>) target_semaphore(%arg13 : memref<!tpu.dma_semaphore, #tpu.memory_space<semaphore_mem>>)
        %slice3A_1556 = vector.extract_strided_slice %get3A_571 {offsets = [5], sizes = [1], strides = [1]} : vector<16xi32> to vector<1xi32>
        %squeeze3A_1557 = vector.extract %slice3A_1556[0] : i32 from vector<1xi32>
        %shift_right_arithmetic3A_1558 = arith.constant 7 : i32
        %shift_right_arithmetic3A_1559 = arith.shrsi %squeeze3A_1557, %shift_right_arithmetic3A_1558 : i32
        %mul3A_1560 = arith.constant 128 : i32
        %mul3A_1561 = arith.muli %shift_right_arithmetic3A_1559, %mul3A_1560 : i32
        %multiple_of3A_1562 = tpu.assume_multiple %mul3A_1561, 128 : i32
        %dma_start3A_1563 = arith.constant 160 : i32
        %dma_start3A_1564 = arith.constant 0 : i32
        %dma_start3A_1565 = tpu.memref_slice %arg10[%dma_start3A_1563, %dma_start3A_1564] : memref<512x128xf32, #tpu.memory_space<vmem>> -> memref<32x128xf32, #tpu.memory_space<vmem>>
        %dma_start3A_1566 = arith.constant 0 : i32
        %dma_start3A_1567 = tpu.memref_slice %arg4[%dma_start3A_1566, %multiple_of3A_1562] : memref<32x1000000xf32, #tpu.memory_space<hbm>> -> memref<32x128xf32, #tpu.memory_space<hbm>>
        %dma_start3A_1568 = arith.constant 160 : i32
        %dma_start3A_1569 = arith.constant 0 : i32
        %dma_start3A_1570 = tpu.memref_slice %arg10[%dma_start3A_1568, %dma_start3A_1569] : memref<512x128xf32, #tpu.memory_space<vmem>> -> memref<32x128xf32, #tpu.memory_space<vmem>>
        %dma_start3A_1571 = arith.constant 0 : i32
        %dma_start3A_1572 = tpu.memref_slice %arg4[%dma_start3A_1571, %multiple_of3A_1562] : memref<32x1000000xf32, #tpu.memory_space<hbm>> -> memref<32x128xf32, #tpu.memory_space<hbm>>
        tpu.enqueue_dma source(%dma_start3A_1572 : memref<32x128xf32, #tpu.memory_space<hbm>>) target(%dma_start3A_1570 : memref<32x128xf32, #tpu.memory_space<vmem>>) target_semaphore(%arg13 : memref<!tpu.dma_semaphore, #tpu.memory_space<semaphore_mem>>)
        %slice3A_1573 = vector.extract_strided_slice %get3A_571 {offsets = [6], sizes = [1], strides = [1]} : vector<16xi32> to vector<1xi32>
        %squeeze3A_1574 = vector.extract %slice3A_1573[0] : i32 from vector<1xi32>
        %shift_right_arithmetic3A_1575 = arith.constant 7 : i32
        %shift_right_arithmetic3A_1576 = arith.shrsi %squeeze3A_1574, %shift_right_arithmetic3A_1575 : i32
        %mul3A_1577 = arith.constant 128 : i32
        %mul3A_1578 = arith.muli %shift_right_arithmetic3A_1576, %mul3A_1577 : i32
        %multiple_of3A_1579 = tpu.assume_multiple %mul3A_1578, 128 : i32
        %dma_start3A_1580 = arith.constant 192 : i32
        %dma_start3A_1581 = arith.constant 0 : i32
        %dma_start3A_1582 = tpu.memref_slice %arg10[%dma_start3A_1580, %dma_start3A_1581] : memref<512x128xf32, #tpu.memory_space<vmem>> -> memref<32x128xf32, #tpu.memory_space<vmem>>
        %dma_start3A_1583 = arith.constant 0 : i32
        %dma_start3A_1584 = tpu.memref_slice %arg4[%dma_start3A_1583, %multiple_of3A_1579] : memref<32x1000000xf32, #tpu.memory_space<hbm>> -> memref<32x128xf32, #tpu.memory_space<hbm>>
        %dma_start3A_1585 = arith.constant 192 : i32
        %dma_start3A_1586 = arith.constant 0 : i32
        %dma_start3A_1587 = tpu.memref_slice %arg10[%dma_start3A_1585, %dma_start3A_1586] : memref<512x128xf32, #tpu.memory_space<vmem>> -> memref<32x128xf32, #tpu.memory_space<vmem>>
        %dma_start3A_1588 = arith.constant 0 : i32
        %dma_start3A_1589 = tpu.memref_slice %arg4[%dma_start3A_1588, %multiple_of3A_1579] : memref<32x1000000xf32, #tpu.memory_space<hbm>> -> memref<32x128xf32, #tpu.memory_space<hbm>>
        tpu.enqueue_dma source(%dma_start3A_1589 : memref<32x128xf32, #tpu.memory_space<hbm>>) target(%dma_start3A_1587 : memref<32x128xf32, #tpu.memory_space<vmem>>) target_semaphore(%arg13 : memref<!tpu.dma_semaphore, #tpu.memory_space<semaphore_mem>>)
        %slice3A_1590 = vector.extract_strided_slice %get3A_571 {offsets = [7], sizes = [1], strides = [1]} : vector<16xi32> to vector<1xi32>
        %squeeze3A_1591 = vector.extract %slice3A_1590[0] : i32 from vector<1xi32>
        %shift_right_arithmetic3A_1592 = arith.constant 7 : i32
        %shift_right_arithmetic3A_1593 = arith.shrsi %squeeze3A_1591, %shift_right_arithmetic3A_1592 : i32
        %mul3A_1594 = arith.constant 128 : i32
        %mul3A_1595 = arith.muli %shift_right_arithmetic3A_1593, %mul3A_1594 : i32
        %multiple_of3A_1596 = tpu.assume_multiple %mul3A_1595, 128 : i32
        %dma_start3A_1597 = arith.constant 224 : i32
        %dma_start3A_1598 = arith.constant 0 : i32
        %dma_start3A_1599 = tpu.memref_slice %arg10[%dma_start3A_1597, %dma_start3A_1598] : memref<512x128xf32, #tpu.memory_space<vmem>> -> memref<32x128xf32, #tpu.memory_space<vmem>>
        %dma_start3A_1600 = arith.constant 0 : i32
        %dma_start3A_1601 = tpu.memref_slice %arg4[%dma_start3A_1600, %multiple_of3A_1596] : memref<32x1000000xf32, #tpu.memory_space<hbm>> -> memref<32x128xf32, #tpu.memory_space<hbm>>
        %dma_start3A_1602 = arith.constant 224 : i32
        %dma_start3A_1603 = arith.constant 0 : i32
        %dma_start3A_1604 = tpu.memref_slice %arg10[%dma_start3A_1602, %dma_start3A_1603] : memref<512x128xf32, #tpu.memory_space<vmem>> -> memref<32x128xf32, #tpu.memory_space<vmem>>
        %dma_start3A_1605 = arith.constant 0 : i32
        %dma_start3A_1606 = tpu.memref_slice %arg4[%dma_start3A_1605, %multiple_of3A_1596] : memref<32x1000000xf32, #tpu.memory_space<hbm>> -> memref<32x128xf32, #tpu.memory_space<hbm>>
        tpu.enqueue_dma source(%dma_start3A_1606 : memref<32x128xf32, #tpu.memory_space<hbm>>) target(%dma_start3A_1604 : memref<32x128xf32, #tpu.memory_space<vmem>>) target_semaphore(%arg13 : memref<!tpu.dma_semaphore, #tpu.memory_space<semaphore_mem>>)
      } else {
      }
      %dma_wait3A_1049 = arith.constant 0 : i32
      %dma_wait3A_1050 = arith.constant 0 : i32
      %dma_wait3A_1051 = tpu.memref_slice %arg10[%dma_wait3A_1049, %dma_wait3A_1050] : memref<512x128xf32, #tpu.memory_space<vmem>> -> memref<32x128xf32, #tpu.memory_space<vmem>>
      %dma_wait3A_1052 = arith.constant 0 : i32
      %dma_wait3A_1053 = arith.constant 0 : i32
      %dma_wait3A_1054 = tpu.memref_slice %arg4[%dma_wait3A_1052, %dma_wait3A_1053] : memref<32x1000000xf32, #tpu.memory_space<hbm>> -> memref<32x128xf32, #tpu.memory_space<hbm>>
      %dma_wait3A_1055 = arith.constant 0 : i32
      %dma_wait3A_1056 = arith.constant 0 : i32
      %dma_wait3A_1057 = tpu.memref_slice %arg10[%dma_wait3A_1055, %dma_wait3A_1056] : memref<512x128xf32, #tpu.memory_space<vmem>> -> memref<32x128xf32, #tpu.memory_space<vmem>>
      %dma_wait3A_1058 = arith.constant 0 : i32
      %dma_wait3A_1059 = arith.constant 0 : i32
      %dma_wait3A_1060 = tpu.memref_slice %arg4[%dma_wait3A_1058, %dma_wait3A_1059] : memref<32x1000000xf32, #tpu.memory_space<hbm>> -> memref<32x128xf32, #tpu.memory_space<hbm>>
      tpu.wait_dma2 semaphore(%arg14 : memref<!tpu.dma_semaphore, #tpu.memory_space<semaphore_mem>>) src(%dma_wait3A_1060 : memref<32x128xf32, #tpu.memory_space<hbm>>) dst(%dma_wait3A_1057 : memref<32x128xf32, #tpu.memory_space<vmem>>)
      %dma_wait3A_1061 = arith.constant 0 : i32
      %dma_wait3A_1062 = arith.constant 0 : i32
      %dma_wait3A_1063 = tpu.memref_slice %arg10[%dma_wait3A_1061, %dma_wait3A_1062] : memref<512x128xf32, #tpu.memory_space<vmem>> -> memref<32x128xf32, #tpu.memory_space<vmem>>
      %dma_wait3A_1064 = arith.constant 0 : i32
      %dma_wait3A_1065 = arith.constant 0 : i32
      %dma_wait3A_1066 = tpu.memref_slice %arg4[%dma_wait3A_1064, %dma_wait3A_1065] : memref<32x1000000xf32, #tpu.memory_space<hbm>> -> memref<32x128xf32, #tpu.memory_space<hbm>>
      %dma_wait3A_1067 = arith.constant 0 : i32
      %dma_wait3A_1068 = arith.constant 0 : i32
      %dma_wait3A_1069 = tpu.memref_slice %arg10[%dma_wait3A_1067, %dma_wait3A_1068] : memref<512x128xf32, #tpu.memory_space<vmem>> -> memref<32x128xf32, #tpu.memory_space<vmem>>
      %dma_wait3A_1070 = arith.constant 0 : i32
      %dma_wait3A_1071 = arith.constant 0 : i32
      %dma_wait3A_1072 = tpu.memref_slice %arg4[%dma_wait3A_1070, %dma_wait3A_1071] : memref<32x1000000xf32, #tpu.memory_space<hbm>> -> memref<32x128xf32, #tpu.memory_space<hbm>>
      tpu.wait_dma2 semaphore(%arg14 : memref<!tpu.dma_semaphore, #tpu.memory_space<semaphore_mem>>) src(%dma_wait3A_1072 : memref<32x128xf32, #tpu.memory_space<hbm>>) dst(%dma_wait3A_1069 : memref<32x128xf32, #tpu.memory_space<vmem>>)
      %dma_wait3A_1073 = arith.constant 0 : i32
      %dma_wait3A_1074 = arith.constant 0 : i32
      %dma_wait3A_1075 = tpu.memref_slice %arg10[%dma_wait3A_1073, %dma_wait3A_1074] : memref<512x128xf32, #tpu.memory_space<vmem>> -> memref<32x128xf32, #tpu.memory_space<vmem>>
      %dma_wait3A_1076 = arith.constant 0 : i32
      %dma_wait3A_1077 = arith.constant 0 : i32
      %dma_wait3A_1078 = tpu.memref_slice %arg4[%dma_wait3A_1076, %dma_wait3A_1077] : memref<32x1000000xf32, #tpu.memory_space<hbm>> -> memref<32x128xf32, #tpu.memory_space<hbm>>
      %dma_wait3A_1079 = arith.constant 0 : i32
      %dma_wait3A_1080 = arith.constant 0 : i32
      %dma_wait3A_1081 = tpu.memref_slice %arg10[%dma_wait3A_1079, %dma_wait3A_1080] : memref<512x128xf32, #tpu.memory_space<vmem>> -> memref<32x128xf32, #tpu.memory_space<vmem>>
      %dma_wait3A_1082 = arith.constant 0 : i32
      %dma_wait3A_1083 = arith.constant 0 : i32
      %dma_wait3A_1084 = tpu.memref_slice %arg4[%dma_wait3A_1082, %dma_wait3A_1083] : memref<32x1000000xf32, #tpu.memory_space<hbm>> -> memref<32x128xf32, #tpu.memory_space<hbm>>
      tpu.wait_dma2 semaphore(%arg14 : memref<!tpu.dma_semaphore, #tpu.memory_space<semaphore_mem>>) src(%dma_wait3A_1084 : memref<32x128xf32, #tpu.memory_space<hbm>>) dst(%dma_wait3A_1081 : memref<32x128xf32, #tpu.memory_space<vmem>>)
      %dma_wait3A_1085 = arith.constant 0 : i32
      %dma_wait3A_1086 = arith.constant 0 : i32
      %dma_wait3A_1087 = tpu.memref_slice %arg10[%dma_wait3A_1085, %dma_wait3A_1086] : memref<512x128xf32, #tpu.memory_space<vmem>> -> memref<32x128xf32, #tpu.memory_space<vmem>>
      %dma_wait3A_1088 = arith.constant 0 : i32
      %dma_wait3A_1089 = arith.constant 0 : i32
      %dma_wait3A_1090 = tpu.memref_slice %arg4[%dma_wait3A_1088, %dma_wait3A_1089] : memref<32x1000000xf32, #tpu.memory_space<hbm>> -> memref<32x128xf32, #tpu.memory_space<hbm>>
      %dma_wait3A_1091 = arith.constant 0 : i32
      %dma_wait3A_1092 = arith.constant 0 : i32
      %dma_wait3A_1093 = tpu.memref_slice %arg10[%dma_wait3A_1091, %dma_wait3A_1092] : memref<512x128xf32, #tpu.memory_space<vmem>> -> memref<32x128xf32, #tpu.memory_space<vmem>>
      %dma_wait3A_1094 = arith.constant 0 : i32
      %dma_wait3A_1095 = arith.constant 0 : i32
      %dma_wait3A_1096 = tpu.memref_slice %arg4[%dma_wait3A_1094, %dma_wait3A_1095] : memref<32x1000000xf32, #tpu.memory_space<hbm>> -> memref<32x128xf32, #tpu.memory_space<hbm>>
      tpu.wait_dma2 semaphore(%arg14 : memref<!tpu.dma_semaphore, #tpu.memory_space<semaphore_mem>>) src(%dma_wait3A_1096 : memref<32x128xf32, #tpu.memory_space<hbm>>) dst(%dma_wait3A_1093 : memref<32x128xf32, #tpu.memory_space<vmem>>)
      %slice3A_1097 = vector.extract_strided_slice %get3A_567 {offsets = [8], sizes = [1], strides = [1]} : vector<16xi32> to vector<1xi32>
      %squeeze3A_1098 = vector.extract %slice3A_1097[0] : i32 from vector<1xi32>
      %and3A_1099 = arith.constant 127 : i32
      %and3A_1100 = arith.andi %squeeze3A_1098, %and3A_1099 : i32
      %broadcast_in_dim3A_1101 = vector.broadcast %and3A_1100 : i32 to vector<16xi32>
      %add3A_1102 = arith.constant 8 : i32
      %add3A_1103 = arith.addi %mul3A_565, %add3A_1102 : i32
      %and3A_1104 = arith.constant 127 : i32
      %and3A_1105 = arith.andi %add3A_1103, %and3A_1104 : i32
      %broadcast_in_dim3A_1106 = vector.broadcast %and3A_1105 : i32 to vector<16xi32>
      %jit3A_1107 = arith.constant 128 : i32
      %div3A_1108 = arith.divsi %add3A_1103, %jit3A_1107 : i32
      %sign3A_1109 = arith.constant 0 : i32
      %sign3A_1110 = arith.cmpi sgt, %add3A_1103, %sign3A_1109 : i32
      %sign3A_1111 = arith.extui %sign3A_1110 : i1 to i32
      %sign3A_1112 = arith.constant 0 : i32
      %sign3A_1113 = arith.cmpi slt, %add3A_1103, %sign3A_1112 : i32
      %sign3A_1114 = arith.extui %sign3A_1113 : i1 to i32
      %sign3A_1115 = arith.subi %sign3A_1111, %sign3A_1114 : i32
      %sign3A_1116 = arith.constant 0 : i32
      %sign3A_1117 = arith.cmpi sgt, %jit3A_1107, %sign3A_1116 : i32
      %sign3A_1118 = arith.extui %sign3A_1117 : i1 to i32
      %sign3A_1119 = arith.constant 0 : i32
      %sign3A_1120 = arith.cmpi slt, %jit3A_1107, %sign3A_1119 : i32
      %sign3A_1121 = arith.extui %sign3A_1120 : i1 to i32
      %sign3A_1122 = arith.subi %sign3A_1118, %sign3A_1121 : i32
      %ne3A_1123 = arith.cmpi ne, %sign3A_1115, %sign3A_1122 : i32
      %rem3A_1124 = arith.remsi %add3A_1103, %jit3A_1107 : i32
      %ne3A_1125 = arith.constant 0 : i32
      %ne3A_1126 = arith.cmpi ne, %rem3A_1124, %ne3A_1125 : i32
      %and3A_1127 = arith.andi %ne3A_1123, %ne3A_1126 : i1
      %sub3A_1128 = arith.constant 1 : i32
      %sub3A_1129 = arith.subi %div3A_1108, %sub3A_1128 : i32
      %select_n3A_1130 = arith.select %and3A_1127, %sub3A_1129, %div3A_1108 : i32
      %mul3A_1131 = arith.constant 32 : i32
      %mul3A_1132 = arith.muli %select_n3A_1130, %mul3A_1131 : i32
      %add3A_1133 = arith.constant 256 : i32
      %add3A_1134 = vector.broadcast %add3A_1133 : i32 to vector<16xi32>
      %add3A_1135 = arith.addi %iota3A, %add3A_1134 : vector<16xi32>
      %gather3A_1136 = tpu.vector_load_idx %arg10[%add3A_1135, %broadcast_in_dim3A_1101] : memref<512x128xf32, #tpu.memory_space<vmem>>[vector<16xi32>, vector<16xi32>], vector<16xf32>,
      %add3A_1137 = vector.broadcast %mul3A_1132 : i32 to vector<16xi32>
      %add3A_1138 = arith.addi %iota3A, %add3A_1137 : vector<16xi32>
      tpu.vector_store_idx %arg11[%add3A_1138, %broadcast_in_dim3A_1106], %gather3A_1136 : memref<128x128xf32, #tpu.memory_space<vmem>>[vector<16xi32>, vector<16xi32>], vector<16xf32>,
      %add3A_1139 = arith.constant 256 : i32
      %add3A_1140 = vector.broadcast %add3A_1139 : i32 to vector<16xi32>
      %add3A_1141 = arith.addi %add3A_5, %add3A_1140 : vector<16xi32>
      %gather3A_1142 = tpu.vector_load_idx %arg10[%add3A_1141, %broadcast_in_dim3A_1101] : memref<512x128xf32, #tpu.memory_space<vmem>>[vector<16xi32>, vector<16xi32>], vector<16xf32>,
      %add3A_1143 = vector.broadcast %mul3A_1132 : i32 to vector<16xi32>
      %add3A_1144 = arith.addi %add3A_5, %add3A_1143 : vector<16xi32>
      tpu.vector_store_idx %arg11[%add3A_1144, %broadcast_in_dim3A_1106], %gather3A_1142 : memref<128x128xf32, #tpu.memory_space<vmem>>[vector<16xi32>, vector<16xi32>], vector<16xf32>,
      %slice3A_1145 = vector.extract_strided_slice %get3A_567 {offsets = [9], sizes = [1], strides = [1]} : vector<16xi32> to vector<1xi32>
      %squeeze3A_1146 = vector.extract %slice3A_1145[0] : i32 from vector<1xi32>
      %and3A_1147 = arith.constant 127 : i32
      %and3A_1148 = arith.andi %squeeze3A_1146, %and3A_1147 : i32
      %broadcast_in_dim3A_1149 = vector.broadcast %and3A_1148 : i32 to vector<16xi32>
      %add3A_1150 = arith.constant 9 : i32
      %add3A_1151 = arith.addi %mul3A_565, %add3A_1150 : i32
      %and3A_1152 = arith.constant 127 : i32
      %and3A_1153 = arith.andi %add3A_1151, %and3A_1152 : i32
      %broadcast_in_dim3A_1154 = vector.broadcast %and3A_1153 : i32 to vector<16xi32>
      %jit3A_1155 = arith.constant 128 : i32
      %div3A_1156 = arith.divsi %add3A_1151, %jit3A_1155 : i32
      %sign3A_1157 = arith.constant 0 : i32
      %sign3A_1158 = arith.cmpi sgt, %add3A_1151, %sign3A_1157 : i32
      %sign3A_1159 = arith.extui %sign3A_1158 : i1 to i32
      %sign3A_1160 = arith.constant 0 : i32
      %sign3A_1161 = arith.cmpi slt, %add3A_1151, %sign3A_1160 : i32
      %sign3A_1162 = arith.extui %sign3A_1161 : i1 to i32
      %sign3A_1163 = arith.subi %sign3A_1159, %sign3A_1162 : i32
      %sign3A_1164 = arith.constant 0 : i32
      %sign3A_1165 = arith.cmpi sgt, %jit3A_1155, %sign3A_1164 : i32
      %sign3A_1166 = arith.extui %sign3A_1165 : i1 to i32
      %sign3A_1167 = arith.constant 0 : i32
      %sign3A_1168 = arith.cmpi slt, %jit3A_1155, %sign3A_1167 : i32
      %sign3A_1169 = arith.extui %sign3A_1168 : i1 to i32
      %sign3A_1170 = arith.subi %sign3A_1166, %sign3A_1169 : i32
      %ne3A_1171 = arith.cmpi ne, %sign3A_1163, %sign3A_1170 : i32
      %rem3A_1172 = arith.remsi %add3A_1151, %jit3A_1155 : i32
      %ne3A_1173 = arith.constant 0 : i32
      %ne3A_1174 = arith.cmpi ne, %rem3A_1172, %ne3A_1173 : i32
      %and3A_1175 = arith.andi %ne3A_1171, %ne3A_1174 : i1
      %sub3A_1176 = arith.constant 1 : i32
      %sub3A_1177 = arith.subi %div3A_1156, %sub3A_1176 : i32
      %select_n3A_1178 = arith.select %and3A_1175, %sub3A_1177, %div3A_1156 : i32
      %mul3A_1179 = arith.constant 32 : i32
      %mul3A_1180 = arith.muli %select_n3A_1178, %mul3A_1179 : i32
      %add3A_1181 = arith.constant 288 : i32
      %add3A_1182 = vector.broadcast %add3A_1181 : i32 to vector<16xi32>
      %add3A_1183 = arith.addi %iota3A, %add3A_1182 : vector<16xi32>
      %gather3A_1184 = tpu.vector_load_idx %arg10[%add3A_1183, %broadcast_in_dim3A_1149] : memref<512x128xf32, #tpu.memory_space<vmem>>[vector<16xi32>, vector<16xi32>], vector<16xf32>,
      %add3A_1185 = vector.broadcast %mul3A_1180 : i32 to vector<16xi32>
      %add3A_1186 = arith.addi %iota3A, %add3A_1185 : vector<16xi32>
      tpu.vector_store_idx %arg11[%add3A_1186, %broadcast_in_dim3A_1154], %gather3A_1184 : memref<128x128xf32, #tpu.memory_space<vmem>>[vector<16xi32>, vector<16xi32>], vector<16xf32>,
      %add3A_1187 = arith.constant 288 : i32
      %add3A_1188 = vector.broadcast %add3A_1187 : i32 to vector<16xi32>
      %add3A_1189 = arith.addi %add3A_5, %add3A_1188 : vector<16xi32>
      %gather3A_1190 = tpu.vector_load_idx %arg10[%add3A_1189, %broadcast_in_dim3A_1149] : memref<512x128xf32, #tpu.memory_space<vmem>>[vector<16xi32>, vector<16xi32>], vector<16xf32>,
      %add3A_1191 = vector.broadcast %mul3A_1180 : i32 to vector<16xi32>
      %add3A_1192 = arith.addi %add3A_5, %add3A_1191 : vector<16xi32>
      tpu.vector_store_idx %arg11[%add3A_1192, %broadcast_in_dim3A_1154], %gather3A_1190 : memref<128x128xf32, #tpu.memory_space<vmem>>[vector<16xi32>, vector<16xi32>], vector<16xf32>,
      %slice3A_1193 = vector.extract_strided_slice %get3A_567 {offsets = [10], sizes = [1], strides = [1]} : vector<16xi32> to vector<1xi32>
      %squeeze3A_1194 = vector.extract %slice3A_1193[0] : i32 from vector<1xi32>
      %and3A_1195 = arith.constant 127 : i32
      %and3A_1196 = arith.andi %squeeze3A_1194, %and3A_1195 : i32
      %broadcast_in_dim3A_1197 = vector.broadcast %and3A_1196 : i32 to vector<16xi32>
      %add3A_1198 = arith.constant 10 : i32
      %add3A_1199 = arith.addi %mul3A_565, %add3A_1198 : i32
      %and3A_1200 = arith.constant 127 : i32
      %and3A_1201 = arith.andi %add3A_1199, %and3A_1200 : i32
      %broadcast_in_dim3A_1202 = vector.broadcast %and3A_1201 : i32 to vector<16xi32>
      %jit3A_1203 = arith.constant 128 : i32
      %div3A_1204 = arith.divsi %add3A_1199, %jit3A_1203 : i32
      %sign3A_1205 = arith.constant 0 : i32
      %sign3A_1206 = arith.cmpi sgt, %add3A_1199, %sign3A_1205 : i32
      %sign3A_1207 = arith.extui %sign3A_1206 : i1 to i32
      %sign3A_1208 = arith.constant 0 : i32
      %sign3A_1209 = arith.cmpi slt, %add3A_1199, %sign3A_1208 : i32
      %sign3A_1210 = arith.extui %sign3A_1209 : i1 to i32
      %sign3A_1211 = arith.subi %sign3A_1207, %sign3A_1210 : i32
      %sign3A_1212 = arith.constant 0 : i32
      %sign3A_1213 = arith.cmpi sgt, %jit3A_1203, %sign3A_1212 : i32
      %sign3A_1214 = arith.extui %sign3A_1213 : i1 to i32
      %sign3A_1215 = arith.constant 0 : i32
      %sign3A_1216 = arith.cmpi slt, %jit3A_1203, %sign3A_1215 : i32
      %sign3A_1217 = arith.extui %sign3A_1216 : i1 to i32
      %sign3A_1218 = arith.subi %sign3A_1214, %sign3A_1217 : i32
      %ne3A_1219 = arith.cmpi ne, %sign3A_1211, %sign3A_1218 : i32
      %rem3A_1220 = arith.remsi %add3A_1199, %jit3A_1203 : i32
      %ne3A_1221 = arith.constant 0 : i32
      %ne3A_1222 = arith.cmpi ne, %rem3A_1220, %ne3A_1221 : i32
      %and3A_1223 = arith.andi %ne3A_1219, %ne3A_1222 : i1
      %sub3A_1224 = arith.constant 1 : i32
      %sub3A_1225 = arith.subi %div3A_1204, %sub3A_1224 : i32
      %select_n3A_1226 = arith.select %and3A_1223, %sub3A_1225, %div3A_1204 : i32
      %mul3A_1227 = arith.constant 32 : i32
      %mul3A_1228 = arith.muli %select_n3A_1226, %mul3A_1227 : i32
      %add3A_1229 = arith.constant 320 : i32
      %add3A_1230 = vector.broadcast %add3A_1229 : i32 to vector<16xi32>
      %add3A_1231 = arith.addi %iota3A, %add3A_1230 : vector<16xi32>
      %gather3A_1232 = tpu.vector_load_idx %arg10[%add3A_1231, %broadcast_in_dim3A_1197] : memref<512x128xf32, #tpu.memory_space<vmem>>[vector<16xi32>, vector<16xi32>], vector<16xf32>,
      %add3A_1233 = vector.broadcast %mul3A_1228 : i32 to vector<16xi32>
      %add3A_1234 = arith.addi %iota3A, %add3A_1233 : vector<16xi32>
      tpu.vector_store_idx %arg11[%add3A_1234, %broadcast_in_dim3A_1202], %gather3A_1232 : memref<128x128xf32, #tpu.memory_space<vmem>>[vector<16xi32>, vector<16xi32>], vector<16xf32>,
      %add3A_1235 = arith.constant 320 : i32
      %add3A_1236 = vector.broadcast %add3A_1235 : i32 to vector<16xi32>
      %add3A_1237 = arith.addi %add3A_5, %add3A_1236 : vector<16xi32>
      %gather3A_1238 = tpu.vector_load_idx %arg10[%add3A_1237, %broadcast_in_dim3A_1197] : memref<512x128xf32, #tpu.memory_space<vmem>>[vector<16xi32>, vector<16xi32>], vector<16xf32>,
      %add3A_1239 = vector.broadcast %mul3A_1228 : i32 to vector<16xi32>
      %add3A_1240 = arith.addi %add3A_5, %add3A_1239 : vector<16xi32>
      tpu.vector_store_idx %arg11[%add3A_1240, %broadcast_in_dim3A_1202], %gather3A_1238 : memref<128x128xf32, #tpu.memory_space<vmem>>[vector<16xi32>, vector<16xi32>], vector<16xf32>,
      %slice3A_1241 = vector.extract_strided_slice %get3A_567 {offsets = [11], sizes = [1], strides = [1]} : vector<16xi32> to vector<1xi32>
      %squeeze3A_1242 = vector.extract %slice3A_1241[0] : i32 from vector<1xi32>
      %and3A_1243 = arith.constant 127 : i32
      %and3A_1244 = arith.andi %squeeze3A_1242, %and3A_1243 : i32
      %broadcast_in_dim3A_1245 = vector.broadcast %and3A_1244 : i32 to vector<16xi32>
      %add3A_1246 = arith.constant 11 : i32
      %add3A_1247 = arith.addi %mul3A_565, %add3A_1246 : i32
      %and3A_1248 = arith.constant 127 : i32
      %and3A_1249 = arith.andi %add3A_1247, %and3A_1248 : i32
      %broadcast_in_dim3A_1250 = vector.broadcast %and3A_1249 : i32 to vector<16xi32>
      %jit3A_1251 = arith.constant 128 : i32
      %div3A_1252 = arith.divsi %add3A_1247, %jit3A_1251 : i32
      %sign3A_1253 = arith.constant 0 : i32
      %sign3A_1254 = arith.cmpi sgt, %add3A_1247, %sign3A_1253 : i32
      %sign3A_1255 = arith.extui %sign3A_1254 : i1 to i32
      %sign3A_1256 = arith.constant 0 : i32
      %sign3A_1257 = arith.cmpi slt, %add3A_1247, %sign3A_1256 : i32
      %sign3A_1258 = arith.extui %sign3A_1257 : i1 to i32
      %sign3A_1259 = arith.subi %sign3A_1255, %sign3A_1258 : i32
      %sign3A_1260 = arith.constant 0 : i32
      %sign3A_1261 = arith.cmpi sgt, %jit3A_1251, %sign3A_1260 : i32
      %sign3A_1262 = arith.extui %sign3A_1261 : i1 to i32
      %sign3A_1263 = arith.constant 0 : i32
      %sign3A_1264 = arith.cmpi slt, %jit3A_1251, %sign3A_1263 : i32
      %sign3A_1265 = arith.extui %sign3A_1264 : i1 to i32
      %sign3A_1266 = arith.subi %sign3A_1262, %sign3A_1265 : i32
      %ne3A_1267 = arith.cmpi ne, %sign3A_1259, %sign3A_1266 : i32
      %rem3A_1268 = arith.remsi %add3A_1247, %jit3A_1251 : i32
      %ne3A_1269 = arith.constant 0 : i32
      %ne3A_1270 = arith.cmpi ne, %rem3A_1268, %ne3A_1269 : i32
      %and3A_1271 = arith.andi %ne3A_1267, %ne3A_1270 : i1
      %sub3A_1272 = arith.constant 1 : i32
      %sub3A_1273 = arith.subi %div3A_1252, %sub3A_1272 : i32
      %select_n3A_1274 = arith.select %and3A_1271, %sub3A_1273, %div3A_1252 : i32
      %mul3A_1275 = arith.constant 32 : i32
      %mul3A_1276 = arith.muli %select_n3A_1274, %mul3A_1275 : i32
      %add3A_1277 = arith.constant 352 : i32
      %add3A_1278 = vector.broadcast %add3A_1277 : i32 to vector<16xi32>
      %add3A_1279 = arith.addi %iota3A, %add3A_1278 : vector<16xi32>
      %gather3A_1280 = tpu.vector_load_idx %arg10[%add3A_1279, %broadcast_in_dim3A_1245] : memref<512x128xf32, #tpu.memory_space<vmem>>[vector<16xi32>, vector<16xi32>], vector<16xf32>,
      %add3A_1281 = vector.broadcast %mul3A_1276 : i32 to vector<16xi32>
      %add3A_1282 = arith.addi %iota3A, %add3A_1281 : vector<16xi32>
      tpu.vector_store_idx %arg11[%add3A_1282, %broadcast_in_dim3A_1250], %gather3A_1280 : memref<128x128xf32, #tpu.memory_space<vmem>>[vector<16xi32>, vector<16xi32>], vector<16xf32>,
      %add3A_1283 = arith.constant 352 : i32
      %add3A_1284 = vector.broadcast %add3A_1283 : i32 to vector<16xi32>
      %add3A_1285 = arith.addi %add3A_5, %add3A_1284 : vector<16xi32>
      %gather3A_1286 = tpu.vector_load_idx %arg10[%add3A_1285, %broadcast_in_dim3A_1245] : memref<512x128xf32, #tpu.memory_space<vmem>>[vector<16xi32>, vector<16xi32>], vector<16xf32>,
      %add3A_1287 = vector.broadcast %mul3A_1276 : i32 to vector<16xi32>
      %add3A_1288 = arith.addi %add3A_5, %add3A_1287 : vector<16xi32>
      tpu.vector_store_idx %arg11[%add3A_1288, %broadcast_in_dim3A_1250], %gather3A_1286 : memref<128x128xf32, #tpu.memory_space<vmem>>[vector<16xi32>, vector<16xi32>], vector<16xf32>,
      %not3A_1289 = arith.constant true
      %not3A_1290 = arith.xori %eq3A_572, %not3A_1289 : i1
      %convert_element_type3A_1291 = arith.extui %not3A_1290 : i1 to i32
      %cond3A_1292 = arith.constant 0 : i32
      %cond3A_1293 = arith.cmpi ne, %convert_element_type3A_1291, %cond3A_1292 : i32
      scf.if %cond3A_1293 {
        %slice3A_1539 = vector.extract_strided_slice %get3A_571 {offsets = [8], sizes = [1], strides = [1]} : vector<16xi32> to vector<1xi32>
        %squeeze3A_1540 = vector.extract %slice3A_1539[0] : i32 from vector<1xi32>
        %shift_right_arithmetic3A_1541 = arith.constant 7 : i32
        %shift_right_arithmetic3A_1542 = arith.shrsi %squeeze3A_1540, %shift_right_arithmetic3A_1541 : i32
        %mul3A_1543 = arith.constant 128 : i32
        %mul3A_1544 = arith.muli %shift_right_arithmetic3A_1542, %mul3A_1543 : i32
        %multiple_of3A_1545 = tpu.assume_multiple %mul3A_1544, 128 : i32
        %dma_start3A_1546 = arith.constant 256 : i32
        %dma_start3A_1547 = arith.constant 0 : i32
        %dma_start3A_1548 = tpu.memref_slice %arg10[%dma_start3A_1546, %dma_start3A_1547] : memref<512x128xf32, #tpu.memory_space<vmem>> -> memref<32x128xf32, #tpu.memory_space<vmem>>
        %dma_start3A_1549 = arith.constant 0 : i32
        %dma_start3A_1550 = tpu.memref_slice %arg4[%dma_start3A_1549, %multiple_of3A_1545] : memref<32x1000000xf32, #tpu.memory_space<hbm>> -> memref<32x128xf32, #tpu.memory_space<hbm>>
        %dma_start3A_1551 = arith.constant 256 : i32
        %dma_start3A_1552 = arith.constant 0 : i32
        %dma_start3A_1553 = tpu.memref_slice %arg10[%dma_start3A_1551, %dma_start3A_1552] : memref<512x128xf32, #tpu.memory_space<vmem>> -> memref<32x128xf32, #tpu.memory_space<vmem>>
        %dma_start3A_1554 = arith.constant 0 : i32
        %dma_start3A_1555 = tpu.memref_slice %arg4[%dma_start3A_1554, %multiple_of3A_1545] : memref<32x1000000xf32, #tpu.memory_space<hbm>> -> memref<32x128xf32, #tpu.memory_space<hbm>>
        tpu.enqueue_dma source(%dma_start3A_1555 : memref<32x128xf32, #tpu.memory_space<hbm>>) target(%dma_start3A_1553 : memref<32x128xf32, #tpu.memory_space<vmem>>) target_semaphore(%arg14 : memref<!tpu.dma_semaphore, #tpu.memory_space<semaphore_mem>>)
        %slice3A_1556 = vector.extract_strided_slice %get3A_571 {offsets = [9], sizes = [1], strides = [1]} : vector<16xi32> to vector<1xi32>
        %squeeze3A_1557 = vector.extract %slice3A_1556[0] : i32 from vector<1xi32>
        %shift_right_arithmetic3A_1558 = arith.constant 7 : i32
        %shift_right_arithmetic3A_1559 = arith.shrsi %squeeze3A_1557, %shift_right_arithmetic3A_1558 : i32
        %mul3A_1560 = arith.constant 128 : i32
        %mul3A_1561 = arith.muli %shift_right_arithmetic3A_1559, %mul3A_1560 : i32
        %multiple_of3A_1562 = tpu.assume_multiple %mul3A_1561, 128 : i32
        %dma_start3A_1563 = arith.constant 288 : i32
        %dma_start3A_1564 = arith.constant 0 : i32
        %dma_start3A_1565 = tpu.memref_slice %arg10[%dma_start3A_1563, %dma_start3A_1564] : memref<512x128xf32, #tpu.memory_space<vmem>> -> memref<32x128xf32, #tpu.memory_space<vmem>>
        %dma_start3A_1566 = arith.constant 0 : i32
        %dma_start3A_1567 = tpu.memref_slice %arg4[%dma_start3A_1566, %multiple_of3A_1562] : memref<32x1000000xf32, #tpu.memory_space<hbm>> -> memref<32x128xf32, #tpu.memory_space<hbm>>
        %dma_start3A_1568 = arith.constant 288 : i32
        %dma_start3A_1569 = arith.constant 0 : i32
        %dma_start3A_1570 = tpu.memref_slice %arg10[%dma_start3A_1568, %dma_start3A_1569] : memref<512x128xf32, #tpu.memory_space<vmem>> -> memref<32x128xf32, #tpu.memory_space<vmem>>
        %dma_start3A_1571 = arith.constant 0 : i32
        %dma_start3A_1572 = tpu.memref_slice %arg4[%dma_start3A_1571, %multiple_of3A_1562] : memref<32x1000000xf32, #tpu.memory_space<hbm>> -> memref<32x128xf32, #tpu.memory_space<hbm>>
        tpu.enqueue_dma source(%dma_start3A_1572 : memref<32x128xf32, #tpu.memory_space<hbm>>) target(%dma_start3A_1570 : memref<32x128xf32, #tpu.memory_space<vmem>>) target_semaphore(%arg14 : memref<!tpu.dma_semaphore, #tpu.memory_space<semaphore_mem>>)
        %slice3A_1573 = vector.extract_strided_slice %get3A_571 {offsets = [10], sizes = [1], strides = [1]} : vector<16xi32> to vector<1xi32>
        %squeeze3A_1574 = vector.extract %slice3A_1573[0] : i32 from vector<1xi32>
        %shift_right_arithmetic3A_1575 = arith.constant 7 : i32
        %shift_right_arithmetic3A_1576 = arith.shrsi %squeeze3A_1574, %shift_right_arithmetic3A_1575 : i32
        %mul3A_1577 = arith.constant 128 : i32
        %mul3A_1578 = arith.muli %shift_right_arithmetic3A_1576, %mul3A_1577 : i32
        %multiple_of3A_1579 = tpu.assume_multiple %mul3A_1578, 128 : i32
        %dma_start3A_1580 = arith.constant 320 : i32
        %dma_start3A_1581 = arith.constant 0 : i32
        %dma_start3A_1582 = tpu.memref_slice %arg10[%dma_start3A_1580, %dma_start3A_1581] : memref<512x128xf32, #tpu.memory_space<vmem>> -> memref<32x128xf32, #tpu.memory_space<vmem>>
        %dma_start3A_1583 = arith.constant 0 : i32
        %dma_start3A_1584 = tpu.memref_slice %arg4[%dma_start3A_1583, %multiple_of3A_1579] : memref<32x1000000xf32, #tpu.memory_space<hbm>> -> memref<32x128xf32, #tpu.memory_space<hbm>>
        %dma_start3A_1585 = arith.constant 320 : i32
        %dma_start3A_1586 = arith.constant 0 : i32
        %dma_start3A_1587 = tpu.memref_slice %arg10[%dma_start3A_1585, %dma_start3A_1586] : memref<512x128xf32, #tpu.memory_space<vmem>> -> memref<32x128xf32, #tpu.memory_space<vmem>>
        %dma_start3A_1588 = arith.constant 0 : i32
        %dma_start3A_1589 = tpu.memref_slice %arg4[%dma_start3A_1588, %multiple_of3A_1579] : memref<32x1000000xf32, #tpu.memory_space<hbm>> -> memref<32x128xf32, #tpu.memory_space<hbm>>
        tpu.enqueue_dma source(%dma_start3A_1589 : memref<32x128xf32, #tpu.memory_space<hbm>>) target(%dma_start3A_1587 : memref<32x128xf32, #tpu.memory_space<vmem>>) target_semaphore(%arg14 : memref<!tpu.dma_semaphore, #tpu.memory_space<semaphore_mem>>)
        %slice3A_1590 = vector.extract_strided_slice %get3A_571 {offsets = [11], sizes = [1], strides = [1]} : vector<16xi32> to vector<1xi32>
        %squeeze3A_1591 = vector.extract %slice3A_1590[0] : i32 from vector<1xi32>
        %shift_right_arithmetic3A_1592 = arith.constant 7 : i32
        %shift_right_arithmetic3A_1593 = arith.shrsi %squeeze3A_1591, %shift_right_arithmetic3A_1592 : i32
        %mul3A_1594 = arith.constant 128 : i32
        %mul3A_1595 = arith.muli %shift_right_arithmetic3A_1593, %mul3A_1594 : i32
        %multiple_of3A_1596 = tpu.assume_multiple %mul3A_1595, 128 : i32
        %dma_start3A_1597 = arith.constant 352 : i32
        %dma_start3A_1598 = arith.constant 0 : i32
        %dma_start3A_1599 = tpu.memref_slice %arg10[%dma_start3A_1597, %dma_start3A_1598] : memref<512x128xf32, #tpu.memory_space<vmem>> -> memref<32x128xf32, #tpu.memory_space<vmem>>
        %dma_start3A_1600 = arith.constant 0 : i32
        %dma_start3A_1601 = tpu.memref_slice %arg4[%dma_start3A_1600, %multiple_of3A_1596] : memref<32x1000000xf32, #tpu.memory_space<hbm>> -> memref<32x128xf32, #tpu.memory_space<hbm>>
        %dma_start3A_1602 = arith.constant 352 : i32
        %dma_start3A_1603 = arith.constant 0 : i32
        %dma_start3A_1604 = tpu.memref_slice %arg10[%dma_start3A_1602, %dma_start3A_1603] : memref<512x128xf32, #tpu.memory_space<vmem>> -> memref<32x128xf32, #tpu.memory_space<vmem>>
        %dma_start3A_1605 = arith.constant 0 : i32
        %dma_start3A_1606 = tpu.memref_slice %arg4[%dma_start3A_1605, %multiple_of3A_1596] : memref<32x1000000xf32, #tpu.memory_space<hbm>> -> memref<32x128xf32, #tpu.memory_space<hbm>>
        tpu.enqueue_dma source(%dma_start3A_1606 : memref<32x128xf32, #tpu.memory_space<hbm>>) target(%dma_start3A_1604 : memref<32x128xf32, #tpu.memory_space<vmem>>) target_semaphore(%arg14 : memref<!tpu.dma_semaphore, #tpu.memory_space<semaphore_mem>>)
      } else {
      }
      %dma_wait3A_1294 = arith.constant 0 : i32
      %dma_wait3A_1295 = arith.constant 0 : i32
      %dma_wait3A_1296 = tpu.memref_slice %arg10[%dma_wait3A_1294, %dma_wait3A_1295] : memref<512x128xf32, #tpu.memory_space<vmem>> -> memref<32x128xf32, #tpu.memory_space<vmem>>
      %dma_wait3A_1297 = arith.constant 0 : i32
      %dma_wait3A_1298 = arith.constant 0 : i32
      %dma_wait3A_1299 = tpu.memref_slice %arg4[%dma_wait3A_1297, %dma_wait3A_1298] : memref<32x1000000xf32, #tpu.memory_space<hbm>> -> memref<32x128xf32, #tpu.memory_space<hbm>>
      %dma_wait3A_1300 = arith.constant 0 : i32
      %dma_wait3A_1301 = arith.constant 0 : i32
      %dma_wait3A_1302 = tpu.memref_slice %arg10[%dma_wait3A_1300, %dma_wait3A_1301] : memref<512x128xf32, #tpu.memory_space<vmem>> -> memref<32x128xf32, #tpu.memory_space<vmem>>
      %dma_wait3A_1303 = arith.constant 0 : i32
      %dma_wait3A_1304 = arith.constant 0 : i32
      %dma_wait3A_1305 = tpu.memref_slice %arg4[%dma_wait3A_1303, %dma_wait3A_1304] : memref<32x1000000xf32, #tpu.memory_space<hbm>> -> memref<32x128xf32, #tpu.memory_space<hbm>>
      tpu.wait_dma2 semaphore(%arg15 : memref<!tpu.dma_semaphore, #tpu.memory_space<semaphore_mem>>) src(%dma_wait3A_1305 : memref<32x128xf32, #tpu.memory_space<hbm>>) dst(%dma_wait3A_1302 : memref<32x128xf32, #tpu.memory_space<vmem>>)
      %dma_wait3A_1306 = arith.constant 0 : i32
      %dma_wait3A_1307 = arith.constant 0 : i32
      %dma_wait3A_1308 = tpu.memref_slice %arg10[%dma_wait3A_1306, %dma_wait3A_1307] : memref<512x128xf32, #tpu.memory_space<vmem>> -> memref<32x128xf32, #tpu.memory_space<vmem>>
      %dma_wait3A_1309 = arith.constant 0 : i32
      %dma_wait3A_1310 = arith.constant 0 : i32
      %dma_wait3A_1311 = tpu.memref_slice %arg4[%dma_wait3A_1309, %dma_wait3A_1310] : memref<32x1000000xf32, #tpu.memory_space<hbm>> -> memref<32x128xf32, #tpu.memory_space<hbm>>
      %dma_wait3A_1312 = arith.constant 0 : i32
      %dma_wait3A_1313 = arith.constant 0 : i32
      %dma_wait3A_1314 = tpu.memref_slice %arg10[%dma_wait3A_1312, %dma_wait3A_1313] : memref<512x128xf32, #tpu.memory_space<vmem>> -> memref<32x128xf32, #tpu.memory_space<vmem>>
      %dma_wait3A_1315 = arith.constant 0 : i32
      %dma_wait3A_1316 = arith.constant 0 : i32
      %dma_wait3A_1317 = tpu.memref_slice %arg4[%dma_wait3A_1315, %dma_wait3A_1316] : memref<32x1000000xf32, #tpu.memory_space<hbm>> -> memref<32x128xf32, #tpu.memory_space<hbm>>
      tpu.wait_dma2 semaphore(%arg15 : memref<!tpu.dma_semaphore, #tpu.memory_space<semaphore_mem>>) src(%dma_wait3A_1317 : memref<32x128xf32, #tpu.memory_space<hbm>>) dst(%dma_wait3A_1314 : memref<32x128xf32, #tpu.memory_space<vmem>>)
      %dma_wait3A_1318 = arith.constant 0 : i32
      %dma_wait3A_1319 = arith.constant 0 : i32
      %dma_wait3A_1320 = tpu.memref_slice %arg10[%dma_wait3A_1318, %dma_wait3A_1319] : memref<512x128xf32, #tpu.memory_space<vmem>> -> memref<32x128xf32, #tpu.memory_space<vmem>>
      %dma_wait3A_1321 = arith.constant 0 : i32
      %dma_wait3A_1322 = arith.constant 0 : i32
      %dma_wait3A_1323 = tpu.memref_slice %arg4[%dma_wait3A_1321, %dma_wait3A_1322] : memref<32x1000000xf32, #tpu.memory_space<hbm>> -> memref<32x128xf32, #tpu.memory_space<hbm>>
      %dma_wait3A_1324 = arith.constant 0 : i32
      %dma_wait3A_1325 = arith.constant 0 : i32
      %dma_wait3A_1326 = tpu.memref_slice %arg10[%dma_wait3A_1324, %dma_wait3A_1325] : memref<512x128xf32, #tpu.memory_space<vmem>> -> memref<32x128xf32, #tpu.memory_space<vmem>>
      %dma_wait3A_1327 = arith.constant 0 : i32
      %dma_wait3A_1328 = arith.constant 0 : i32
      %dma_wait3A_1329 = tpu.memref_slice %arg4[%dma_wait3A_1327, %dma_wait3A_1328] : memref<32x1000000xf32, #tpu.memory_space<hbm>> -> memref<32x128xf32, #tpu.memory_space<hbm>>
      tpu.wait_dma2 semaphore(%arg15 : memref<!tpu.dma_semaphore, #tpu.memory_space<semaphore_mem>>) src(%dma_wait3A_1329 : memref<32x128xf32, #tpu.memory_space<hbm>>) dst(%dma_wait3A_1326 : memref<32x128xf32, #tpu.memory_space<vmem>>)
      %dma_wait3A_1330 = arith.constant 0 : i32
      %dma_wait3A_1331 = arith.constant 0 : i32
      %dma_wait3A_1332 = tpu.memref_slice %arg10[%dma_wait3A_1330, %dma_wait3A_1331] : memref<512x128xf32, #tpu.memory_space<vmem>> -> memref<32x128xf32, #tpu.memory_space<vmem>>
      %dma_wait3A_1333 = arith.constant 0 : i32
      %dma_wait3A_1334 = arith.constant 0 : i32
      %dma_wait3A_1335 = tpu.memref_slice %arg4[%dma_wait3A_1333, %dma_wait3A_1334] : memref<32x1000000xf32, #tpu.memory_space<hbm>> -> memref<32x128xf32, #tpu.memory_space<hbm>>
      %dma_wait3A_1336 = arith.constant 0 : i32
      %dma_wait3A_1337 = arith.constant 0 : i32
      %dma_wait3A_1338 = tpu.memref_slice %arg10[%dma_wait3A_1336, %dma_wait3A_1337] : memref<512x128xf32, #tpu.memory_space<vmem>> -> memref<32x128xf32, #tpu.memory_space<vmem>>
      %dma_wait3A_1339 = arith.constant 0 : i32
      %dma_wait3A_1340 = arith.constant 0 : i32
      %dma_wait3A_1341 = tpu.memref_slice %arg4[%dma_wait3A_1339, %dma_wait3A_1340] : memref<32x1000000xf32, #tpu.memory_space<hbm>> -> memref<32x128xf32, #tpu.memory_space<hbm>>
      tpu.wait_dma2 semaphore(%arg15 : memref<!tpu.dma_semaphore, #tpu.memory_space<semaphore_mem>>) src(%dma_wait3A_1341 : memref<32x128xf32, #tpu.memory_space<hbm>>) dst(%dma_wait3A_1338 : memref<32x128xf32, #tpu.memory_space<vmem>>)
      %slice3A_1342 = vector.extract_strided_slice %get3A_567 {offsets = [12], sizes = [1], strides = [1]} : vector<16xi32> to vector<1xi32>
      %squeeze3A_1343 = vector.extract %slice3A_1342[0] : i32 from vector<1xi32>
      %and3A_1344 = arith.constant 127 : i32
      %and3A_1345 = arith.andi %squeeze3A_1343, %and3A_1344 : i32
      %broadcast_in_dim3A_1346 = vector.broadcast %and3A_1345 : i32 to vector<16xi32>
      %add3A_1347 = arith.constant 12 : i32
      %add3A_1348 = arith.addi %mul3A_565, %add3A_1347 : i32
      %and3A_1349 = arith.constant 127 : i32
      %and3A_1350 = arith.andi %add3A_1348, %and3A_1349 : i32
      %broadcast_in_dim3A_1351 = vector.broadcast %and3A_1350 : i32 to vector<16xi32>
      %jit3A_1352 = arith.constant 128 : i32
      %div3A_1353 = arith.divsi %add3A_1348, %jit3A_1352 : i32
      %sign3A_1354 = arith.constant 0 : i32
      %sign3A_1355 = arith.cmpi sgt, %add3A_1348, %sign3A_1354 : i32
      %sign3A_1356 = arith.extui %sign3A_1355 : i1 to i32
      %sign3A_1357 = arith.constant 0 : i32
      %sign3A_1358 = arith.cmpi slt, %add3A_1348, %sign3A_1357 : i32
      %sign3A_1359 = arith.extui %sign3A_1358 : i1 to i32
      %sign3A_1360 = arith.subi %sign3A_1356, %sign3A_1359 : i32
      %sign3A_1361 = arith.constant 0 : i32
      %sign3A_1362 = arith.cmpi sgt, %jit3A_1352, %sign3A_1361 : i32
      %sign3A_1363 = arith.extui %sign3A_1362 : i1 to i32
      %sign3A_1364 = arith.constant 0 : i32
      %sign3A_1365 = arith.cmpi slt, %jit3A_1352, %sign3A_1364 : i32
      %sign3A_1366 = arith.extui %sign3A_1365 : i1 to i32
      %sign3A_1367 = arith.subi %sign3A_1363, %sign3A_1366 : i32
      %ne3A_1368 = arith.cmpi ne, %sign3A_1360, %sign3A_1367 : i32
      %rem3A_1369 = arith.remsi %add3A_1348, %jit3A_1352 : i32
      %ne3A_1370 = arith.constant 0 : i32
      %ne3A_1371 = arith.cmpi ne, %rem3A_1369, %ne3A_1370 : i32
      %and3A_1372 = arith.andi %ne3A_1368, %ne3A_1371 : i1
      %sub3A_1373 = arith.constant 1 : i32
      %sub3A_1374 = arith.subi %div3A_1353, %sub3A_1373 : i32
      %select_n3A_1375 = arith.select %and3A_1372, %sub3A_1374, %div3A_1353 : i32
      %mul3A_1376 = arith.constant 32 : i32
      %mul3A_1377 = arith.muli %select_n3A_1375, %mul3A_1376 : i32
      %add3A_1378 = arith.constant 384 : i32
      %add3A_1379 = vector.broadcast %add3A_1378 : i32 to vector<16xi32>
      %add3A_1380 = arith.addi %iota3A, %add3A_1379 : vector<16xi32>
      %gather3A_1381 = tpu.vector_load_idx %arg10[%add3A_1380, %broadcast_in_dim3A_1346] : memref<512x128xf32, #tpu.memory_space<vmem>>[vector<16xi32>, vector<16xi32>], vector<16xf32>,
      %add3A_1382 = vector.broadcast %mul3A_1377 : i32 to vector<16xi32>
      %add3A_1383 = arith.addi %iota3A, %add3A_1382 : vector<16xi32>
      tpu.vector_store_idx %arg11[%add3A_1383, %broadcast_in_dim3A_1351], %gather3A_1381 : memref<128x128xf32, #tpu.memory_space<vmem>>[vector<16xi32>, vector<16xi32>], vector<16xf32>,
      %add3A_1384 = arith.constant 384 : i32
      %add3A_1385 = vector.broadcast %add3A_1384 : i32 to vector<16xi32>
      %add3A_1386 = arith.addi %add3A_5, %add3A_1385 : vector<16xi32>
      %gather3A_1387 = tpu.vector_load_idx %arg10[%add3A_1386, %broadcast_in_dim3A_1346] : memref<512x128xf32, #tpu.memory_space<vmem>>[vector<16xi32>, vector<16xi32>], vector<16xf32>,
      %add3A_1388 = vector.broadcast %mul3A_1377 : i32 to vector<16xi32>
      %add3A_1389 = arith.addi %add3A_5, %add3A_1388 : vector<16xi32>
      tpu.vector_store_idx %arg11[%add3A_1389, %broadcast_in_dim3A_1351], %gather3A_1387 : memref<128x128xf32, #tpu.memory_space<vmem>>[vector<16xi32>, vector<16xi32>], vector<16xf32>,
      %slice3A_1390 = vector.extract_strided_slice %get3A_567 {offsets = [13], sizes = [1], strides = [1]} : vector<16xi32> to vector<1xi32>
      %squeeze3A_1391 = vector.extract %slice3A_1390[0] : i32 from vector<1xi32>
      %and3A_1392 = arith.constant 127 : i32
      %and3A_1393 = arith.andi %squeeze3A_1391, %and3A_1392 : i32
      %broadcast_in_dim3A_1394 = vector.broadcast %and3A_1393 : i32 to vector<16xi32>
      %add3A_1395 = arith.constant 13 : i32
      %add3A_1396 = arith.addi %mul3A_565, %add3A_1395 : i32
      %and3A_1397 = arith.constant 127 : i32
      %and3A_1398 = arith.andi %add3A_1396, %and3A_1397 : i32
      %broadcast_in_dim3A_1399 = vector.broadcast %and3A_1398 : i32 to vector<16xi32>
      %jit3A_1400 = arith.constant 128 : i32
      %div3A_1401 = arith.divsi %add3A_1396, %jit3A_1400 : i32
      %sign3A_1402 = arith.constant 0 : i32
      %sign3A_1403 = arith.cmpi sgt, %add3A_1396, %sign3A_1402 : i32
      %sign3A_1404 = arith.extui %sign3A_1403 : i1 to i32
      %sign3A_1405 = arith.constant 0 : i32
      %sign3A_1406 = arith.cmpi slt, %add3A_1396, %sign3A_1405 : i32
      %sign3A_1407 = arith.extui %sign3A_1406 : i1 to i32
      %sign3A_1408 = arith.subi %sign3A_1404, %sign3A_1407 : i32
      %sign3A_1409 = arith.constant 0 : i32
      %sign3A_1410 = arith.cmpi sgt, %jit3A_1400, %sign3A_1409 : i32
      %sign3A_1411 = arith.extui %sign3A_1410 : i1 to i32
      %sign3A_1412 = arith.constant 0 : i32
      %sign3A_1413 = arith.cmpi slt, %jit3A_1400, %sign3A_1412 : i32
      %sign3A_1414 = arith.extui %sign3A_1413 : i1 to i32
      %sign3A_1415 = arith.subi %sign3A_1411, %sign3A_1414 : i32
      %ne3A_1416 = arith.cmpi ne, %sign3A_1408, %sign3A_1415 : i32
      %rem3A_1417 = arith.remsi %add3A_1396, %jit3A_1400 : i32
      %ne3A_1418 = arith.constant 0 : i32
      %ne3A_1419 = arith.cmpi ne, %rem3A_1417, %ne3A_1418 : i32
      %and3A_1420 = arith.andi %ne3A_1416, %ne3A_1419 : i1
      %sub3A_1421 = arith.constant 1 : i32
      %sub3A_1422 = arith.subi %div3A_1401, %sub3A_1421 : i32
      %select_n3A_1423 = arith.select %and3A_1420, %sub3A_1422, %div3A_1401 : i32
      %mul3A_1424 = arith.constant 32 : i32
      %mul3A_1425 = arith.muli %select_n3A_1423, %mul3A_1424 : i32
      %add3A_1426 = arith.constant 416 : i32
      %add3A_1427 = vector.broadcast %add3A_1426 : i32 to vector<16xi32>
      %add3A_1428 = arith.addi %iota3A, %add3A_1427 : vector<16xi32>
      %gather3A_1429 = tpu.vector_load_idx %arg10[%add3A_1428, %broadcast_in_dim3A_1394] : memref<512x128xf32, #tpu.memory_space<vmem>>[vector<16xi32>, vector<16xi32>], vector<16xf32>,
      %add3A_1430 = vector.broadcast %mul3A_1425 : i32 to vector<16xi32>
      %add3A_1431 = arith.addi %iota3A, %add3A_1430 : vector<16xi32>
      tpu.vector_store_idx %arg11[%add3A_1431, %broadcast_in_dim3A_1399], %gather3A_1429 : memref<128x128xf32, #tpu.memory_space<vmem>>[vector<16xi32>, vector<16xi32>], vector<16xf32>,
      %add3A_1432 = arith.constant 416 : i32
      %add3A_1433 = vector.broadcast %add3A_1432 : i32 to vector<16xi32>
      %add3A_1434 = arith.addi %add3A_5, %add3A_1433 : vector<16xi32>
      %gather3A_1435 = tpu.vector_load_idx %arg10[%add3A_1434, %broadcast_in_dim3A_1394] : memref<512x128xf32, #tpu.memory_space<vmem>>[vector<16xi32>, vector<16xi32>], vector<16xf32>,
      %add3A_1436 = vector.broadcast %mul3A_1425 : i32 to vector<16xi32>
      %add3A_1437 = arith.addi %add3A_5, %add3A_1436 : vector<16xi32>
      tpu.vector_store_idx %arg11[%add3A_1437, %broadcast_in_dim3A_1399], %gather3A_1435 : memref<128x128xf32, #tpu.memory_space<vmem>>[vector<16xi32>, vector<16xi32>], vector<16xf32>,
      %slice3A_1438 = vector.extract_strided_slice %get3A_567 {offsets = [14], sizes = [1], strides = [1]} : vector<16xi32> to vector<1xi32>
      %squeeze3A_1439 = vector.extract %slice3A_1438[0] : i32 from vector<1xi32>
      %and3A_1440 = arith.constant 127 : i32
      %and3A_1441 = arith.andi %squeeze3A_1439, %and3A_1440 : i32
      %broadcast_in_dim3A_1442 = vector.broadcast %and3A_1441 : i32 to vector<16xi32>
      %add3A_1443 = arith.constant 14 : i32
      %add3A_1444 = arith.addi %mul3A_565, %add3A_1443 : i32
      %and3A_1445 = arith.constant 127 : i32
      %and3A_1446 = arith.andi %add3A_1444, %and3A_1445 : i32
      %broadcast_in_dim3A_1447 = vector.broadcast %and3A_1446 : i32 to vector<16xi32>
      %jit3A_1448 = arith.constant 128 : i32
      %div3A_1449 = arith.divsi %add3A_1444, %jit3A_1448 : i32
      %sign3A_1450 = arith.constant 0 : i32
      %sign3A_1451 = arith.cmpi sgt, %add3A_1444, %sign3A_1450 : i32
      %sign3A_1452 = arith.extui %sign3A_1451 : i1 to i32
      %sign3A_1453 = arith.constant 0 : i32
      %sign3A_1454 = arith.cmpi slt, %add3A_1444, %sign3A_1453 : i32
      %sign3A_1455 = arith.extui %sign3A_1454 : i1 to i32
      %sign3A_1456 = arith.subi %sign3A_1452, %sign3A_1455 : i32
      %sign3A_1457 = arith.constant 0 : i32
      %sign3A_1458 = arith.cmpi sgt, %jit3A_1448, %sign3A_1457 : i32
      %sign3A_1459 = arith.extui %sign3A_1458 : i1 to i32
      %sign3A_1460 = arith.constant 0 : i32
      %sign3A_1461 = arith.cmpi slt, %jit3A_1448, %sign3A_1460 : i32
      %sign3A_1462 = arith.extui %sign3A_1461 : i1 to i32
      %sign3A_1463 = arith.subi %sign3A_1459, %sign3A_1462 : i32
      %ne3A_1464 = arith.cmpi ne, %sign3A_1456, %sign3A_1463 : i32
      %rem3A_1465 = arith.remsi %add3A_1444, %jit3A_1448 : i32
      %ne3A_1466 = arith.constant 0 : i32
      %ne3A_1467 = arith.cmpi ne, %rem3A_1465, %ne3A_1466 : i32
      %and3A_1468 = arith.andi %ne3A_1464, %ne3A_1467 : i1
      %sub3A_1469 = arith.constant 1 : i32
      %sub3A_1470 = arith.subi %div3A_1449, %sub3A_1469 : i32
      %select_n3A_1471 = arith.select %and3A_1468, %sub3A_1470, %div3A_1449 : i32
      %mul3A_1472 = arith.constant 32 : i32
      %mul3A_1473 = arith.muli %select_n3A_1471, %mul3A_1472 : i32
      %add3A_1474 = arith.constant 448 : i32
      %add3A_1475 = vector.broadcast %add3A_1474 : i32 to vector<16xi32>
      %add3A_1476 = arith.addi %iota3A, %add3A_1475 : vector<16xi32>
      %gather3A_1477 = tpu.vector_load_idx %arg10[%add3A_1476, %broadcast_in_dim3A_1442] : memref<512x128xf32, #tpu.memory_space<vmem>>[vector<16xi32>, vector<16xi32>], vector<16xf32>,
      %add3A_1478 = vector.broadcast %mul3A_1473 : i32 to vector<16xi32>
      %add3A_1479 = arith.addi %iota3A, %add3A_1478 : vector<16xi32>
      tpu.vector_store_idx %arg11[%add3A_1479, %broadcast_in_dim3A_1447], %gather3A_1477 : memref<128x128xf32, #tpu.memory_space<vmem>>[vector<16xi32>, vector<16xi32>], vector<16xf32>,
      %add3A_1480 = arith.constant 448 : i32
      %add3A_1481 = vector.broadcast %add3A_1480 : i32 to vector<16xi32>
      %add3A_1482 = arith.addi %add3A_5, %add3A_1481 : vector<16xi32>
      %gather3A_1483 = tpu.vector_load_idx %arg10[%add3A_1482, %broadcast_in_dim3A_1442] : memref<512x128xf32, #tpu.memory_space<vmem>>[vector<16xi32>, vector<16xi32>], vector<16xf32>,
      %add3A_1484 = vector.broadcast %mul3A_1473 : i32 to vector<16xi32>
      %add3A_1485 = arith.addi %add3A_5, %add3A_1484 : vector<16xi32>
      tpu.vector_store_idx %arg11[%add3A_1485, %broadcast_in_dim3A_1447], %gather3A_1483 : memref<128x128xf32, #tpu.memory_space<vmem>>[vector<16xi32>, vector<16xi32>], vector<16xf32>,
      %slice3A_1486 = vector.extract_strided_slice %get3A_567 {offsets = [15], sizes = [1], strides = [1]} : vector<16xi32> to vector<1xi32>
      %squeeze3A_1487 = vector.extract %slice3A_1486[0] : i32 from vector<1xi32>
      %and3A_1488 = arith.constant 127 : i32
      %and3A_1489 = arith.andi %squeeze3A_1487, %and3A_1488 : i32
      %broadcast_in_dim3A_1490 = vector.broadcast %and3A_1489 : i32 to vector<16xi32>
      %add3A_1491 = arith.constant 15 : i32
      %add3A_1492 = arith.addi %mul3A_565, %add3A_1491 : i32
      %and3A_1493 = arith.constant 127 : i32
      %and3A_1494 = arith.andi %add3A_1492, %and3A_1493 : i32
      %broadcast_in_dim3A_1495 = vector.broadcast %and3A_1494 : i32 to vector<16xi32>
      %jit3A_1496 = arith.constant 128 : i32
      %div3A_1497 = arith.divsi %add3A_1492, %jit3A_1496 : i32
      %sign3A_1498 = arith.constant 0 : i32
      %sign3A_1499 = arith.cmpi sgt, %add3A_1492, %sign3A_1498 : i32
      %sign3A_1500 = arith.extui %sign3A_1499 : i1 to i32
      %sign3A_1501 = arith.constant 0 : i32
      %sign3A_1502 = arith.cmpi slt, %add3A_1492, %sign3A_1501 : i32
      %sign3A_1503 = arith.extui %sign3A_1502 : i1 to i32
      %sign3A_1504 = arith.subi %sign3A_1500, %sign3A_1503 : i32
      %sign3A_1505 = arith.constant 0 : i32
      %sign3A_1506 = arith.cmpi sgt, %jit3A_1496, %sign3A_1505 : i32
      %sign3A_1507 = arith.extui %sign3A_1506 : i1 to i32
      %sign3A_1508 = arith.constant 0 : i32
      %sign3A_1509 = arith.cmpi slt, %jit3A_1496, %sign3A_1508 : i32
      %sign3A_1510 = arith.extui %sign3A_1509 : i1 to i32
      %sign3A_1511 = arith.subi %sign3A_1507, %sign3A_1510 : i32
      %ne3A_1512 = arith.cmpi ne, %sign3A_1504, %sign3A_1511 : i32
      %rem3A_1513 = arith.remsi %add3A_1492, %jit3A_1496 : i32
      %ne3A_1514 = arith.constant 0 : i32
      %ne3A_1515 = arith.cmpi ne, %rem3A_1513, %ne3A_1514 : i32
      %and3A_1516 = arith.andi %ne3A_1512, %ne3A_1515 : i1
      %sub3A_1517 = arith.constant 1 : i32
      %sub3A_1518 = arith.subi %div3A_1497, %sub3A_1517 : i32
      %select_n3A_1519 = arith.select %and3A_1516, %sub3A_1518, %div3A_1497 : i32
      %mul3A_1520 = arith.constant 32 : i32
      %mul3A_1521 = arith.muli %select_n3A_1519, %mul3A_1520 : i32
      %add3A_1522 = arith.constant 480 : i32
      %add3A_1523 = vector.broadcast %add3A_1522 : i32 to vector<16xi32>
      %add3A_1524 = arith.addi %iota3A, %add3A_1523 : vector<16xi32>
      %gather3A_1525 = tpu.vector_load_idx %arg10[%add3A_1524, %broadcast_in_dim3A_1490] : memref<512x128xf32, #tpu.memory_space<vmem>>[vector<16xi32>, vector<16xi32>], vector<16xf32>,
      %add3A_1526 = vector.broadcast %mul3A_1521 : i32 to vector<16xi32>
      %add3A_1527 = arith.addi %iota3A, %add3A_1526 : vector<16xi32>
      tpu.vector_store_idx %arg11[%add3A_1527, %broadcast_in_dim3A_1495], %gather3A_1525 : memref<128x128xf32, #tpu.memory_space<vmem>>[vector<16xi32>, vector<16xi32>], vector<16xf32>,
      %add3A_1528 = arith.constant 480 : i32
      %add3A_1529 = vector.broadcast %add3A_1528 : i32 to vector<16xi32>
      %add3A_1530 = arith.addi %add3A_5, %add3A_1529 : vector<16xi32>
      %gather3A_1531 = tpu.vector_load_idx %arg10[%add3A_1530, %broadcast_in_dim3A_1490] : memref<512x128xf32, #tpu.memory_space<vmem>>[vector<16xi32>, vector<16xi32>], vector<16xf32>,
      %add3A_1532 = vector.broadcast %mul3A_1521 : i32 to vector<16xi32>
      %add3A_1533 = arith.addi %add3A_5, %add3A_1532 : vector<16xi32>
      tpu.vector_store_idx %arg11[%add3A_1533, %broadcast_in_dim3A_1495], %gather3A_1531 : memref<128x128xf32, #tpu.memory_space<vmem>>[vector<16xi32>, vector<16xi32>], vector<16xf32>,
      %not3A_1534 = arith.constant true
      %not3A_1535 = arith.xori %eq3A_572, %not3A_1534 : i1
      %convert_element_type3A_1536 = arith.extui %not3A_1535 : i1 to i32
      %cond3A_1537 = arith.constant 0 : i32
      %cond3A_1538 = arith.cmpi ne, %convert_element_type3A_1536, %cond3A_1537 : i32
      scf.if %cond3A_1538 {
        %slice3A_1539 = vector.extract_strided_slice %get3A_571 {offsets = [12], sizes = [1], strides = [1]} : vector<16xi32> to vector<1xi32>
        %squeeze3A_1540 = vector.extract %slice3A_1539[0] : i32 from vector<1xi32>
        %shift_right_arithmetic3A_1541 = arith.constant 7 : i32
        %shift_right_arithmetic3A_1542 = arith.shrsi %squeeze3A_1540, %shift_right_arithmetic3A_1541 : i32
        %mul3A_1543 = arith.constant 128 : i32
        %mul3A_1544 = arith.muli %shift_right_arithmetic3A_1542, %mul3A_1543 : i32
        %multiple_of3A_1545 = tpu.assume_multiple %mul3A_1544, 128 : i32
        %dma_start3A_1546 = arith.constant 384 : i32
        %dma_start3A_1547 = arith.constant 0 : i32
        %dma_start3A_1548 = tpu.memref_slice %arg10[%dma_start3A_1546, %dma_start3A_1547] : memref<512x128xf32, #tpu.memory_space<vmem>> -> memref<32x128xf32, #tpu.memory_space<vmem>>
        %dma_start3A_1549 = arith.constant 0 : i32
        %dma_start3A_1550 = tpu.memref_slice %arg4[%dma_start3A_1549, %multiple_of3A_1545] : memref<32x1000000xf32, #tpu.memory_space<hbm>> -> memref<32x128xf32, #tpu.memory_space<hbm>>
        %dma_start3A_1551 = arith.constant 384 : i32
        %dma_start3A_1552 = arith.constant 0 : i32
        %dma_start3A_1553 = tpu.memref_slice %arg10[%dma_start3A_1551, %dma_start3A_1552] : memref<512x128xf32, #tpu.memory_space<vmem>> -> memref<32x128xf32, #tpu.memory_space<vmem>>
        %dma_start3A_1554 = arith.constant 0 : i32
        %dma_start3A_1555 = tpu.memref_slice %arg4[%dma_start3A_1554, %multiple_of3A_1545] : memref<32x1000000xf32, #tpu.memory_space<hbm>> -> memref<32x128xf32, #tpu.memory_space<hbm>>
        tpu.enqueue_dma source(%dma_start3A_1555 : memref<32x128xf32, #tpu.memory_space<hbm>>) target(%dma_start3A_1553 : memref<32x128xf32, #tpu.memory_space<vmem>>) target_semaphore(%arg15 : memref<!tpu.dma_semaphore, #tpu.memory_space<semaphore_mem>>)
        %slice3A_1556 = vector.extract_strided_slice %get3A_571 {offsets = [13], sizes = [1], strides = [1]} : vector<16xi32> to vector<1xi32>
        %squeeze3A_1557 = vector.extract %slice3A_1556[0] : i32 from vector<1xi32>
        %shift_right_arithmetic3A_1558 = arith.constant 7 : i32
        %shift_right_arithmetic3A_1559 = arith.shrsi %squeeze3A_1557, %shift_right_arithmetic3A_1558 : i32
        %mul3A_1560 = arith.constant 128 : i32
        %mul3A_1561 = arith.muli %shift_right_arithmetic3A_1559, %mul3A_1560 : i32
        %multiple_of3A_1562 = tpu.assume_multiple %mul3A_1561, 128 : i32
        %dma_start3A_1563 = arith.constant 416 : i32
        %dma_start3A_1564 = arith.constant 0 : i32
        %dma_start3A_1565 = tpu.memref_slice %arg10[%dma_start3A_1563, %dma_start3A_1564] : memref<512x128xf32, #tpu.memory_space<vmem>> -> memref<32x128xf32, #tpu.memory_space<vmem>>
        %dma_start3A_1566 = arith.constant 0 : i32
        %dma_start3A_1567 = tpu.memref_slice %arg4[%dma_start3A_1566, %multiple_of3A_1562] : memref<32x1000000xf32, #tpu.memory_space<hbm>> -> memref<32x128xf32, #tpu.memory_space<hbm>>
        %dma_start3A_1568 = arith.constant 416 : i32
        %dma_start3A_1569 = arith.constant 0 : i32
        %dma_start3A_1570 = tpu.memref_slice %arg10[%dma_start3A_1568, %dma_start3A_1569] : memref<512x128xf32, #tpu.memory_space<vmem>> -> memref<32x128xf32, #tpu.memory_space<vmem>>
        %dma_start3A_1571 = arith.constant 0 : i32
        %dma_start3A_1572 = tpu.memref_slice %arg4[%dma_start3A_1571, %multiple_of3A_1562] : memref<32x1000000xf32, #tpu.memory_space<hbm>> -> memref<32x128xf32, #tpu.memory_space<hbm>>
        tpu.enqueue_dma source(%dma_start3A_1572 : memref<32x128xf32, #tpu.memory_space<hbm>>) target(%dma_start3A_1570 : memref<32x128xf32, #tpu.memory_space<vmem>>) target_semaphore(%arg15 : memref<!tpu.dma_semaphore, #tpu.memory_space<semaphore_mem>>)
        %slice3A_1573 = vector.extract_strided_slice %get3A_571 {offsets = [14], sizes = [1], strides = [1]} : vector<16xi32> to vector<1xi32>
        %squeeze3A_1574 = vector.extract %slice3A_1573[0] : i32 from vector<1xi32>
        %shift_right_arithmetic3A_1575 = arith.constant 7 : i32
        %shift_right_arithmetic3A_1576 = arith.shrsi %squeeze3A_1574, %shift_right_arithmetic3A_1575 : i32
        %mul3A_1577 = arith.constant 128 : i32
        %mul3A_1578 = arith.muli %shift_right_arithmetic3A_1576, %mul3A_1577 : i32
        %multiple_of3A_1579 = tpu.assume_multiple %mul3A_1578, 128 : i32
        %dma_start3A_1580 = arith.constant 448 : i32
        %dma_start3A_1581 = arith.constant 0 : i32
        %dma_start3A_1582 = tpu.memref_slice %arg10[%dma_start3A_1580, %dma_start3A_1581] : memref<512x128xf32, #tpu.memory_space<vmem>> -> memref<32x128xf32, #tpu.memory_space<vmem>>
        %dma_start3A_1583 = arith.constant 0 : i32
        %dma_start3A_1584 = tpu.memref_slice %arg4[%dma_start3A_1583, %multiple_of3A_1579] : memref<32x1000000xf32, #tpu.memory_space<hbm>> -> memref<32x128xf32, #tpu.memory_space<hbm>>
        %dma_start3A_1585 = arith.constant 448 : i32
        %dma_start3A_1586 = arith.constant 0 : i32
        %dma_start3A_1587 = tpu.memref_slice %arg10[%dma_start3A_1585, %dma_start3A_1586] : memref<512x128xf32, #tpu.memory_space<vmem>> -> memref<32x128xf32, #tpu.memory_space<vmem>>
        %dma_start3A_1588 = arith.constant 0 : i32
        %dma_start3A_1589 = tpu.memref_slice %arg4[%dma_start3A_1588, %multiple_of3A_1579] : memref<32x1000000xf32, #tpu.memory_space<hbm>> -> memref<32x128xf32, #tpu.memory_space<hbm>>
        tpu.enqueue_dma source(%dma_start3A_1589 : memref<32x128xf32, #tpu.memory_space<hbm>>) target(%dma_start3A_1587 : memref<32x128xf32, #tpu.memory_space<vmem>>) target_semaphore(%arg15 : memref<!tpu.dma_semaphore, #tpu.memory_space<semaphore_mem>>)
        %slice3A_1590 = vector.extract_strided_slice %get3A_571 {offsets = [15], sizes = [1], strides = [1]} : vector<16xi32> to vector<1xi32>
        %squeeze3A_1591 = vector.extract %slice3A_1590[0] : i32 from vector<1xi32>
        %shift_right_arithmetic3A_1592 = arith.constant 7 : i32
        %shift_right_arithmetic3A_1593 = arith.shrsi %squeeze3A_1591, %shift_right_arithmetic3A_1592 : i32
        %mul3A_1594 = arith.constant 128 : i32
        %mul3A_1595 = arith.muli %shift_right_arithmetic3A_1593, %mul3A_1594 : i32
        %multiple_of3A_1596 = tpu.assume_multiple %mul3A_1595, 128 : i32
        %dma_start3A_1597 = arith.constant 480 : i32
        %dma_start3A_1598 = arith.constant 0 : i32
        %dma_start3A_1599 = tpu.memref_slice %arg10[%dma_start3A_1597, %dma_start3A_1598] : memref<512x128xf32, #tpu.memory_space<vmem>> -> memref<32x128xf32, #tpu.memory_space<vmem>>
        %dma_start3A_1600 = arith.constant 0 : i32
        %dma_start3A_1601 = tpu.memref_slice %arg4[%dma_start3A_1600, %multiple_of3A_1596] : memref<32x1000000xf32, #tpu.memory_space<hbm>> -> memref<32x128xf32, #tpu.memory_space<hbm>>
        %dma_start3A_1602 = arith.constant 480 : i32
        %dma_start3A_1603 = arith.constant 0 : i32
        %dma_start3A_1604 = tpu.memref_slice %arg10[%dma_start3A_1602, %dma_start3A_1603] : memref<512x128xf32, #tpu.memory_space<vmem>> -> memref<32x128xf32, #tpu.memory_space<vmem>>
        %dma_start3A_1605 = arith.constant 0 : i32
        %dma_start3A_1606 = tpu.memref_slice %arg4[%dma_start3A_1605, %multiple_of3A_1596] : memref<32x1000000xf32, #tpu.memory_space<hbm>> -> memref<32x128xf32, #tpu.memory_space<hbm>>
        tpu.enqueue_dma source(%dma_start3A_1606 : memref<32x128xf32, #tpu.memory_space<hbm>>) target(%dma_start3A_1604 : memref<32x128xf32, #tpu.memory_space<vmem>>) target_semaphore(%arg15 : memref<!tpu.dma_semaphore, #tpu.memory_space<semaphore_mem>>)
      } else {
      }
    }
    %scan3A_282 = arith.constant 32 : i32
    "tpu.region"() ({
      %run_scoped3A = tpu.sem_alloc : memref<!tpu.dma_semaphore, #tpu.memory_space<semaphore_mem>>
      %dma_start3A_563 = arith.constant 0 : i32
      %dma_start3A_564 = tpu.memref_slice %arg6[%mul3A_9, %dma_start3A_563] : memref<4096x128xf32, #tpu.memory_space<hbm>> -> memref<128x128xf32, #tpu.memory_space<hbm>>
      %dma_start3A_565 = arith.constant 0 : i32
      %dma_start3A_566 = tpu.memref_slice %arg6[%mul3A_9, %dma_start3A_565] : memref<4096x128xf32, #tpu.memory_space<hbm>> -> memref<128x128xf32, #tpu.memory_space<hbm>>
      tpu.enqueue_dma source(%arg11 : memref<128x128xf32, #tpu.memory_space<vmem>>) target(%dma_start3A_566 : memref<128x128xf32, #tpu.memory_space<hbm>>) target_semaphore(%run_scoped3A : memref<!tpu.dma_semaphore, #tpu.memory_space<semaphore_mem>>)
      %dma_wait3A = arith.constant 0 : i32
      %dma_wait3A_567 = tpu.memref_slice %arg6[%mul3A_9, %dma_wait3A] : memref<4096x128xf32, #tpu.memory_space<hbm>> -> memref<128x128xf32, #tpu.memory_space<hbm>>
      %dma_wait3A_568 = arith.constant 0 : i32
      %dma_wait3A_569 = tpu.memref_slice %arg6[%mul3A_9, %dma_wait3A_568] : memref<4096x128xf32, #tpu.memory_space<hbm>> -> memref<128x128xf32, #tpu.memory_space<hbm>>
      tpu.wait_dma2 semaphore(%run_scoped3A : memref<!tpu.dma_semaphore, #tpu.memory_space<semaphore_mem>>) src(%arg11 : memref<128x128xf32, #tpu.memory_space<vmem>>) dst(%dma_wait3A_569 : memref<128x128xf32, #tpu.memory_space<hbm>>)
      tpu.yield
    }) : () -> ()
    %get3A_283 = arith.constant 0 : index
    %get3A_284 = tpu.vector_load %arg9[%get3A_283] {strides = array<i32>} : memref<528xi32, #tpu.memory_space<vmem>>, vector<16xi32>,
    %slice3A_285 = vector.extract_strided_slice %get3A_284 {offsets = [0], sizes = [1], strides = [1]} : vector<16xi32> to vector<1xi32>
    %squeeze3A_286 = vector.extract %slice3A_285[0] : i32 from vector<1xi32>
    %shift_right_arithmetic3A_287 = arith.constant 7 : i32
    %shift_right_arithmetic3A_288 = arith.shrsi %squeeze3A_286, %shift_right_arithmetic3A_287 : i32
    %mul3A_289 = arith.constant 128 : i32
    %mul3A_290 = arith.muli %shift_right_arithmetic3A_288, %mul3A_289 : i32
    %multiple_of3A_291 = tpu.assume_multiple %mul3A_290, 128 : i32
    %dma_start3A_292 = arith.constant 0 : i32
    %dma_start3A_293 = arith.constant 0 : i32
    %dma_start3A_294 = tpu.memref_slice %arg10[%dma_start3A_292, %dma_start3A_293] : memref<512x128xf32, #tpu.memory_space<vmem>> -> memref<32x128xf32, #tpu.memory_space<vmem>>
    %dma_start3A_295 = arith.constant 0 : i32
    %dma_start3A_296 = tpu.memref_slice %arg5[%dma_start3A_295, %multiple_of3A_291] : memref<32x1000000xf32, #tpu.memory_space<hbm>> -> memref<32x128xf32, #tpu.memory_space<hbm>>
    %dma_start3A_297 = arith.constant 0 : i32
    %dma_start3A_298 = arith.constant 0 : i32
    %dma_start3A_299 = tpu.memref_slice %arg10[%dma_start3A_297, %dma_start3A_298] : memref<512x128xf32, #tpu.memory_space<vmem>> -> memref<32x128xf32, #tpu.memory_space<vmem>>
    %dma_start3A_300 = arith.constant 0 : i32
    %dma_start3A_301 = tpu.memref_slice %arg5[%dma_start3A_300, %multiple_of3A_291] : memref<32x1000000xf32, #tpu.memory_space<hbm>> -> memref<32x128xf32, #tpu.memory_space<hbm>>
    tpu.enqueue_dma source(%dma_start3A_301 : memref<32x128xf32, #tpu.memory_space<hbm>>) target(%dma_start3A_299 : memref<32x128xf32, #tpu.memory_space<vmem>>) target_semaphore(%arg12 : memref<!tpu.dma_semaphore, #tpu.memory_space<semaphore_mem>>)
    %slice3A_302 = vector.extract_strided_slice %get3A_284 {offsets = [1], sizes = [1], strides = [1]} : vector<16xi32> to vector<1xi32>
    %squeeze3A_303 = vector.extract %slice3A_302[0] : i32 from vector<1xi32>
    %shift_right_arithmetic3A_304 = arith.constant 7 : i32
    %shift_right_arithmetic3A_305 = arith.shrsi %squeeze3A_303, %shift_right_arithmetic3A_304 : i32
    %mul3A_306 = arith.constant 128 : i32
    %mul3A_307 = arith.muli %shift_right_arithmetic3A_305, %mul3A_306 : i32
    %multiple_of3A_308 = tpu.assume_multiple %mul3A_307, 128 : i32
    %dma_start3A_309 = arith.constant 32 : i32
    %dma_start3A_310 = arith.constant 0 : i32
    %dma_start3A_311 = tpu.memref_slice %arg10[%dma_start3A_309, %dma_start3A_310] : memref<512x128xf32, #tpu.memory_space<vmem>> -> memref<32x128xf32, #tpu.memory_space<vmem>>
    %dma_start3A_312 = arith.constant 0 : i32
    %dma_start3A_313 = tpu.memref_slice %arg5[%dma_start3A_312, %multiple_of3A_308] : memref<32x1000000xf32, #tpu.memory_space<hbm>> -> memref<32x128xf32, #tpu.memory_space<hbm>>
    %dma_start3A_314 = arith.constant 32 : i32
    %dma_start3A_315 = arith.constant 0 : i32
    %dma_start3A_316 = tpu.memref_slice %arg10[%dma_start3A_314, %dma_start3A_315] : memref<512x128xf32, #tpu.memory_space<vmem>> -> memref<32x128xf32, #tpu.memory_space<vmem>>
    %dma_start3A_317 = arith.constant 0 : i32
    %dma_start3A_318 = tpu.memref_slice %arg5[%dma_start3A_317, %multiple_of3A_308] : memref<32x1000000xf32, #tpu.memory_space<hbm>> -> memref<32x128xf32, #tpu.memory_space<hbm>>
    tpu.enqueue_dma source(%dma_start3A_318 : memref<32x128xf32, #tpu.memory_space<hbm>>) target(%dma_start3A_316 : memref<32x128xf32, #tpu.memory_space<vmem>>) target_semaphore(%arg12 : memref<!tpu.dma_semaphore, #tpu.memory_space<semaphore_mem>>)
    %slice3A_319 = vector.extract_strided_slice %get3A_284 {offsets = [2], sizes = [1], strides = [1]} : vector<16xi32> to vector<1xi32>
    %squeeze3A_320 = vector.extract %slice3A_319[0] : i32 from vector<1xi32>
    %shift_right_arithmetic3A_321 = arith.constant 7 : i32
    %shift_right_arithmetic3A_322 = arith.shrsi %squeeze3A_320, %shift_right_arithmetic3A_321 : i32
    %mul3A_323 = arith.constant 128 : i32
    %mul3A_324 = arith.muli %shift_right_arithmetic3A_322, %mul3A_323 : i32
    %multiple_of3A_325 = tpu.assume_multiple %mul3A_324, 128 : i32
    %dma_start3A_326 = arith.constant 64 : i32
    %dma_start3A_327 = arith.constant 0 : i32
    %dma_start3A_328 = tpu.memref_slice %arg10[%dma_start3A_326, %dma_start3A_327] : memref<512x128xf32, #tpu.memory_space<vmem>> -> memref<32x128xf32, #tpu.memory_space<vmem>>
    %dma_start3A_329 = arith.constant 0 : i32
    %dma_start3A_330 = tpu.memref_slice %arg5[%dma_start3A_329, %multiple_of3A_325] : memref<32x1000000xf32, #tpu.memory_space<hbm>> -> memref<32x128xf32, #tpu.memory_space<hbm>>
    %dma_start3A_331 = arith.constant 64 : i32
    %dma_start3A_332 = arith.constant 0 : i32
    %dma_start3A_333 = tpu.memref_slice %arg10[%dma_start3A_331, %dma_start3A_332] : memref<512x128xf32, #tpu.memory_space<vmem>> -> memref<32x128xf32, #tpu.memory_space<vmem>>
    %dma_start3A_334 = arith.constant 0 : i32
    %dma_start3A_335 = tpu.memref_slice %arg5[%dma_start3A_334, %multiple_of3A_325] : memref<32x1000000xf32, #tpu.memory_space<hbm>> -> memref<32x128xf32, #tpu.memory_space<hbm>>
    tpu.enqueue_dma source(%dma_start3A_335 : memref<32x128xf32, #tpu.memory_space<hbm>>) target(%dma_start3A_333 : memref<32x128xf32, #tpu.memory_space<vmem>>) target_semaphore(%arg12 : memref<!tpu.dma_semaphore, #tpu.memory_space<semaphore_mem>>)
    %slice3A_336 = vector.extract_strided_slice %get3A_284 {offsets = [3], sizes = [1], strides = [1]} : vector<16xi32> to vector<1xi32>
    %squeeze3A_337 = vector.extract %slice3A_336[0] : i32 from vector<1xi32>
    %shift_right_arithmetic3A_338 = arith.constant 7 : i32
    %shift_right_arithmetic3A_339 = arith.shrsi %squeeze3A_337, %shift_right_arithmetic3A_338 : i32
    %mul3A_340 = arith.constant 128 : i32
    %mul3A_341 = arith.muli %shift_right_arithmetic3A_339, %mul3A_340 : i32
    %multiple_of3A_342 = tpu.assume_multiple %mul3A_341, 128 : i32
    %dma_start3A_343 = arith.constant 96 : i32
    %dma_start3A_344 = arith.constant 0 : i32
    %dma_start3A_345 = tpu.memref_slice %arg10[%dma_start3A_343, %dma_start3A_344] : memref<512x128xf32, #tpu.memory_space<vmem>> -> memref<32x128xf32, #tpu.memory_space<vmem>>
    %dma_start3A_346 = arith.constant 0 : i32
    %dma_start3A_347 = tpu.memref_slice %arg5[%dma_start3A_346, %multiple_of3A_342] : memref<32x1000000xf32, #tpu.memory_space<hbm>> -> memref<32x128xf32, #tpu.memory_space<hbm>>
    %dma_start3A_348 = arith.constant 96 : i32
    %dma_start3A_349 = arith.constant 0 : i32
    %dma_start3A_350 = tpu.memref_slice %arg10[%dma_start3A_348, %dma_start3A_349] : memref<512x128xf32, #tpu.memory_space<vmem>> -> memref<32x128xf32, #tpu.memory_space<vmem>>
    %dma_start3A_351 = arith.constant 0 : i32
    %dma_start3A_352 = tpu.memref_slice %arg5[%dma_start3A_351, %multiple_of3A_342] : memref<32x1000000xf32, #tpu.memory_space<hbm>> -> memref<32x128xf32, #tpu.memory_space<hbm>>
    tpu.enqueue_dma source(%dma_start3A_352 : memref<32x128xf32, #tpu.memory_space<hbm>>) target(%dma_start3A_350 : memref<32x128xf32, #tpu.memory_space<vmem>>) target_semaphore(%arg12 : memref<!tpu.dma_semaphore, #tpu.memory_space<semaphore_mem>>)
    %slice3A_353 = vector.extract_strided_slice %get3A_284 {offsets = [4], sizes = [1], strides = [1]} : vector<16xi32> to vector<1xi32>
    %squeeze3A_354 = vector.extract %slice3A_353[0] : i32 from vector<1xi32>
    %shift_right_arithmetic3A_355 = arith.constant 7 : i32
    %shift_right_arithmetic3A_356 = arith.shrsi %squeeze3A_354, %shift_right_arithmetic3A_355 : i32
    %mul3A_357 = arith.constant 128 : i32
    %mul3A_358 = arith.muli %shift_right_arithmetic3A_356, %mul3A_357 : i32
    %multiple_of3A_359 = tpu.assume_multiple %mul3A_358, 128 : i32
    %dma_start3A_360 = arith.constant 128 : i32
    %dma_start3A_361 = arith.constant 0 : i32
    %dma_start3A_362 = tpu.memref_slice %arg10[%dma_start3A_360, %dma_start3A_361] : memref<512x128xf32, #tpu.memory_space<vmem>> -> memref<32x128xf32, #tpu.memory_space<vmem>>
    %dma_start3A_363 = arith.constant 0 : i32
    %dma_start3A_364 = tpu.memref_slice %arg5[%dma_start3A_363, %multiple_of3A_359] : memref<32x1000000xf32, #tpu.memory_space<hbm>> -> memref<32x128xf32, #tpu.memory_space<hbm>>
    %dma_start3A_365 = arith.constant 128 : i32
    %dma_start3A_366 = arith.constant 0 : i32
    %dma_start3A_367 = tpu.memref_slice %arg10[%dma_start3A_365, %dma_start3A_366] : memref<512x128xf32, #tpu.memory_space<vmem>> -> memref<32x128xf32, #tpu.memory_space<vmem>>
    %dma_start3A_368 = arith.constant 0 : i32
    %dma_start3A_369 = tpu.memref_slice %arg5[%dma_start3A_368, %multiple_of3A_359] : memref<32x1000000xf32, #tpu.memory_space<hbm>> -> memref<32x128xf32, #tpu.memory_space<hbm>>
    tpu.enqueue_dma source(%dma_start3A_369 : memref<32x128xf32, #tpu.memory_space<hbm>>) target(%dma_start3A_367 : memref<32x128xf32, #tpu.memory_space<vmem>>) target_semaphore(%arg13 : memref<!tpu.dma_semaphore, #tpu.memory_space<semaphore_mem>>)
    %slice3A_370 = vector.extract_strided_slice %get3A_284 {offsets = [5], sizes = [1], strides = [1]} : vector<16xi32> to vector<1xi32>
    %squeeze3A_371 = vector.extract %slice3A_370[0] : i32 from vector<1xi32>
    %shift_right_arithmetic3A_372 = arith.constant 7 : i32
    %shift_right_arithmetic3A_373 = arith.shrsi %squeeze3A_371, %shift_right_arithmetic3A_372 : i32
    %mul3A_374 = arith.constant 128 : i32
    %mul3A_375 = arith.muli %shift_right_arithmetic3A_373, %mul3A_374 : i32
    %multiple_of3A_376 = tpu.assume_multiple %mul3A_375, 128 : i32
    %dma_start3A_377 = arith.constant 160 : i32
    %dma_start3A_378 = arith.constant 0 : i32
    %dma_start3A_379 = tpu.memref_slice %arg10[%dma_start3A_377, %dma_start3A_378] : memref<512x128xf32, #tpu.memory_space<vmem>> -> memref<32x128xf32, #tpu.memory_space<vmem>>
    %dma_start3A_380 = arith.constant 0 : i32
    %dma_start3A_381 = tpu.memref_slice %arg5[%dma_start3A_380, %multiple_of3A_376] : memref<32x1000000xf32, #tpu.memory_space<hbm>> -> memref<32x128xf32, #tpu.memory_space<hbm>>
    %dma_start3A_382 = arith.constant 160 : i32
    %dma_start3A_383 = arith.constant 0 : i32
    %dma_start3A_384 = tpu.memref_slice %arg10[%dma_start3A_382, %dma_start3A_383] : memref<512x128xf32, #tpu.memory_space<vmem>> -> memref<32x128xf32, #tpu.memory_space<vmem>>
    %dma_start3A_385 = arith.constant 0 : i32
    %dma_start3A_386 = tpu.memref_slice %arg5[%dma_start3A_385, %multiple_of3A_376] : memref<32x1000000xf32, #tpu.memory_space<hbm>> -> memref<32x128xf32, #tpu.memory_space<hbm>>
    tpu.enqueue_dma source(%dma_start3A_386 : memref<32x128xf32, #tpu.memory_space<hbm>>) target(%dma_start3A_384 : memref<32x128xf32, #tpu.memory_space<vmem>>) target_semaphore(%arg13 : memref<!tpu.dma_semaphore, #tpu.memory_space<semaphore_mem>>)
    %slice3A_387 = vector.extract_strided_slice %get3A_284 {offsets = [6], sizes = [1], strides = [1]} : vector<16xi32> to vector<1xi32>
    %squeeze3A_388 = vector.extract %slice3A_387[0] : i32 from vector<1xi32>
    %shift_right_arithmetic3A_389 = arith.constant 7 : i32
    %shift_right_arithmetic3A_390 = arith.shrsi %squeeze3A_388, %shift_right_arithmetic3A_389 : i32
    %mul3A_391 = arith.constant 128 : i32
    %mul3A_392 = arith.muli %shift_right_arithmetic3A_390, %mul3A_391 : i32
    %multiple_of3A_393 = tpu.assume_multiple %mul3A_392, 128 : i32
    %dma_start3A_394 = arith.constant 192 : i32
    %dma_start3A_395 = arith.constant 0 : i32
    %dma_start3A_396 = tpu.memref_slice %arg10[%dma_start3A_394, %dma_start3A_395] : memref<512x128xf32, #tpu.memory_space<vmem>> -> memref<32x128xf32, #tpu.memory_space<vmem>>
    %dma_start3A_397 = arith.constant 0 : i32
    %dma_start3A_398 = tpu.memref_slice %arg5[%dma_start3A_397, %multiple_of3A_393] : memref<32x1000000xf32, #tpu.memory_space<hbm>> -> memref<32x128xf32, #tpu.memory_space<hbm>>
    %dma_start3A_399 = arith.constant 192 : i32
    %dma_start3A_400 = arith.constant 0 : i32
    %dma_start3A_401 = tpu.memref_slice %arg10[%dma_start3A_399, %dma_start3A_400] : memref<512x128xf32, #tpu.memory_space<vmem>> -> memref<32x128xf32, #tpu.memory_space<vmem>>
    %dma_start3A_402 = arith.constant 0 : i32
    %dma_start3A_403 = tpu.memref_slice %arg5[%dma_start3A_402, %multiple_of3A_393] : memref<32x1000000xf32, #tpu.memory_space<hbm>> -> memref<32x128xf32, #tpu.memory_space<hbm>>
    tpu.enqueue_dma source(%dma_start3A_403 : memref<32x128xf32, #tpu.memory_space<hbm>>) target(%dma_start3A_401 : memref<32x128xf32, #tpu.memory_space<vmem>>) target_semaphore(%arg13 : memref<!tpu.dma_semaphore, #tpu.memory_space<semaphore_mem>>)
    %slice3A_404 = vector.extract_strided_slice %get3A_284 {offsets = [7], sizes = [1], strides = [1]} : vector<16xi32> to vector<1xi32>
    %squeeze3A_405 = vector.extract %slice3A_404[0] : i32 from vector<1xi32>
    %shift_right_arithmetic3A_406 = arith.constant 7 : i32
    %shift_right_arithmetic3A_407 = arith.shrsi %squeeze3A_405, %shift_right_arithmetic3A_406 : i32
    %mul3A_408 = arith.constant 128 : i32
    %mul3A_409 = arith.muli %shift_right_arithmetic3A_407, %mul3A_408 : i32
    %multiple_of3A_410 = tpu.assume_multiple %mul3A_409, 128 : i32
    %dma_start3A_411 = arith.constant 224 : i32
    %dma_start3A_412 = arith.constant 0 : i32
    %dma_start3A_413 = tpu.memref_slice %arg10[%dma_start3A_411, %dma_start3A_412] : memref<512x128xf32, #tpu.memory_space<vmem>> -> memref<32x128xf32, #tpu.memory_space<vmem>>
    %dma_start3A_414 = arith.constant 0 : i32
    %dma_start3A_415 = tpu.memref_slice %arg5[%dma_start3A_414, %multiple_of3A_410] : memref<32x1000000xf32, #tpu.memory_space<hbm>> -> memref<32x128xf32, #tpu.memory_space<hbm>>
    %dma_start3A_416 = arith.constant 224 : i32
    %dma_start3A_417 = arith.constant 0 : i32
    %dma_start3A_418 = tpu.memref_slice %arg10[%dma_start3A_416, %dma_start3A_417] : memref<512x128xf32, #tpu.memory_space<vmem>> -> memref<32x128xf32, #tpu.memory_space<vmem>>
    %dma_start3A_419 = arith.constant 0 : i32
    %dma_start3A_420 = tpu.memref_slice %arg5[%dma_start3A_419, %multiple_of3A_410] : memref<32x1000000xf32, #tpu.memory_space<hbm>> -> memref<32x128xf32, #tpu.memory_space<hbm>>
    tpu.enqueue_dma source(%dma_start3A_420 : memref<32x128xf32, #tpu.memory_space<hbm>>) target(%dma_start3A_418 : memref<32x128xf32, #tpu.memory_space<vmem>>) target_semaphore(%arg13 : memref<!tpu.dma_semaphore, #tpu.memory_space<semaphore_mem>>)
    %slice3A_421 = vector.extract_strided_slice %get3A_284 {offsets = [8], sizes = [1], strides = [1]} : vector<16xi32> to vector<1xi32>
    %squeeze3A_422 = vector.extract %slice3A_421[0] : i32 from vector<1xi32>
    %shift_right_arithmetic3A_423 = arith.constant 7 : i32
    %shift_right_arithmetic3A_424 = arith.shrsi %squeeze3A_422, %shift_right_arithmetic3A_423 : i32
    %mul3A_425 = arith.constant 128 : i32
    %mul3A_426 = arith.muli %shift_right_arithmetic3A_424, %mul3A_425 : i32
    %multiple_of3A_427 = tpu.assume_multiple %mul3A_426, 128 : i32
    %dma_start3A_428 = arith.constant 256 : i32
    %dma_start3A_429 = arith.constant 0 : i32
    %dma_start3A_430 = tpu.memref_slice %arg10[%dma_start3A_428, %dma_start3A_429] : memref<512x128xf32, #tpu.memory_space<vmem>> -> memref<32x128xf32, #tpu.memory_space<vmem>>
    %dma_start3A_431 = arith.constant 0 : i32
    %dma_start3A_432 = tpu.memref_slice %arg5[%dma_start3A_431, %multiple_of3A_427] : memref<32x1000000xf32, #tpu.memory_space<hbm>> -> memref<32x128xf32, #tpu.memory_space<hbm>>
    %dma_start3A_433 = arith.constant 256 : i32
    %dma_start3A_434 = arith.constant 0 : i32
    %dma_start3A_435 = tpu.memref_slice %arg10[%dma_start3A_433, %dma_start3A_434] : memref<512x128xf32, #tpu.memory_space<vmem>> -> memref<32x128xf32, #tpu.memory_space<vmem>>
    %dma_start3A_436 = arith.constant 0 : i32
    %dma_start3A_437 = tpu.memref_slice %arg5[%dma_start3A_436, %multiple_of3A_427] : memref<32x1000000xf32, #tpu.memory_space<hbm>> -> memref<32x128xf32, #tpu.memory_space<hbm>>
    tpu.enqueue_dma source(%dma_start3A_437 : memref<32x128xf32, #tpu.memory_space<hbm>>) target(%dma_start3A_435 : memref<32x128xf32, #tpu.memory_space<vmem>>) target_semaphore(%arg14 : memref<!tpu.dma_semaphore, #tpu.memory_space<semaphore_mem>>)
    %slice3A_438 = vector.extract_strided_slice %get3A_284 {offsets = [9], sizes = [1], strides = [1]} : vector<16xi32> to vector<1xi32>
    %squeeze3A_439 = vector.extract %slice3A_438[0] : i32 from vector<1xi32>
    %shift_right_arithmetic3A_440 = arith.constant 7 : i32
    %shift_right_arithmetic3A_441 = arith.shrsi %squeeze3A_439, %shift_right_arithmetic3A_440 : i32
    %mul3A_442 = arith.constant 128 : i32
    %mul3A_443 = arith.muli %shift_right_arithmetic3A_441, %mul3A_442 : i32
    %multiple_of3A_444 = tpu.assume_multiple %mul3A_443, 128 : i32
    %dma_start3A_445 = arith.constant 288 : i32
    %dma_start3A_446 = arith.constant 0 : i32
    %dma_start3A_447 = tpu.memref_slice %arg10[%dma_start3A_445, %dma_start3A_446] : memref<512x128xf32, #tpu.memory_space<vmem>> -> memref<32x128xf32, #tpu.memory_space<vmem>>
    %dma_start3A_448 = arith.constant 0 : i32
    %dma_start3A_449 = tpu.memref_slice %arg5[%dma_start3A_448, %multiple_of3A_444] : memref<32x1000000xf32, #tpu.memory_space<hbm>> -> memref<32x128xf32, #tpu.memory_space<hbm>>
    %dma_start3A_450 = arith.constant 288 : i32
    %dma_start3A_451 = arith.constant 0 : i32
    %dma_start3A_452 = tpu.memref_slice %arg10[%dma_start3A_450, %dma_start3A_451] : memref<512x128xf32, #tpu.memory_space<vmem>> -> memref<32x128xf32, #tpu.memory_space<vmem>>
    %dma_start3A_453 = arith.constant 0 : i32
    %dma_start3A_454 = tpu.memref_slice %arg5[%dma_start3A_453, %multiple_of3A_444] : memref<32x1000000xf32, #tpu.memory_space<hbm>> -> memref<32x128xf32, #tpu.memory_space<hbm>>
    tpu.enqueue_dma source(%dma_start3A_454 : memref<32x128xf32, #tpu.memory_space<hbm>>) target(%dma_start3A_452 : memref<32x128xf32, #tpu.memory_space<vmem>>) target_semaphore(%arg14 : memref<!tpu.dma_semaphore, #tpu.memory_space<semaphore_mem>>)
    %slice3A_455 = vector.extract_strided_slice %get3A_284 {offsets = [10], sizes = [1], strides = [1]} : vector<16xi32> to vector<1xi32>
    %squeeze3A_456 = vector.extract %slice3A_455[0] : i32 from vector<1xi32>
    %shift_right_arithmetic3A_457 = arith.constant 7 : i32
    %shift_right_arithmetic3A_458 = arith.shrsi %squeeze3A_456, %shift_right_arithmetic3A_457 : i32
    %mul3A_459 = arith.constant 128 : i32
    %mul3A_460 = arith.muli %shift_right_arithmetic3A_458, %mul3A_459 : i32
    %multiple_of3A_461 = tpu.assume_multiple %mul3A_460, 128 : i32
    %dma_start3A_462 = arith.constant 320 : i32
    %dma_start3A_463 = arith.constant 0 : i32
    %dma_start3A_464 = tpu.memref_slice %arg10[%dma_start3A_462, %dma_start3A_463] : memref<512x128xf32, #tpu.memory_space<vmem>> -> memref<32x128xf32, #tpu.memory_space<vmem>>
    %dma_start3A_465 = arith.constant 0 : i32
    %dma_start3A_466 = tpu.memref_slice %arg5[%dma_start3A_465, %multiple_of3A_461] : memref<32x1000000xf32, #tpu.memory_space<hbm>> -> memref<32x128xf32, #tpu.memory_space<hbm>>
    %dma_start3A_467 = arith.constant 320 : i32
    %dma_start3A_468 = arith.constant 0 : i32
    %dma_start3A_469 = tpu.memref_slice %arg10[%dma_start3A_467, %dma_start3A_468] : memref<512x128xf32, #tpu.memory_space<vmem>> -> memref<32x128xf32, #tpu.memory_space<vmem>>
    %dma_start3A_470 = arith.constant 0 : i32
    %dma_start3A_471 = tpu.memref_slice %arg5[%dma_start3A_470, %multiple_of3A_461] : memref<32x1000000xf32, #tpu.memory_space<hbm>> -> memref<32x128xf32, #tpu.memory_space<hbm>>
    tpu.enqueue_dma source(%dma_start3A_471 : memref<32x128xf32, #tpu.memory_space<hbm>>) target(%dma_start3A_469 : memref<32x128xf32, #tpu.memory_space<vmem>>) target_semaphore(%arg14 : memref<!tpu.dma_semaphore, #tpu.memory_space<semaphore_mem>>)
    %slice3A_472 = vector.extract_strided_slice %get3A_284 {offsets = [11], sizes = [1], strides = [1]} : vector<16xi32> to vector<1xi32>
    %squeeze3A_473 = vector.extract %slice3A_472[0] : i32 from vector<1xi32>
    %shift_right_arithmetic3A_474 = arith.constant 7 : i32
    %shift_right_arithmetic3A_475 = arith.shrsi %squeeze3A_473, %shift_right_arithmetic3A_474 : i32
    %mul3A_476 = arith.constant 128 : i32
    %mul3A_477 = arith.muli %shift_right_arithmetic3A_475, %mul3A_476 : i32
    %multiple_of3A_478 = tpu.assume_multiple %mul3A_477, 128 : i32
    %dma_start3A_479 = arith.constant 352 : i32
    %dma_start3A_480 = arith.constant 0 : i32
    %dma_start3A_481 = tpu.memref_slice %arg10[%dma_start3A_479, %dma_start3A_480] : memref<512x128xf32, #tpu.memory_space<vmem>> -> memref<32x128xf32, #tpu.memory_space<vmem>>
    %dma_start3A_482 = arith.constant 0 : i32
    %dma_start3A_483 = tpu.memref_slice %arg5[%dma_start3A_482, %multiple_of3A_478] : memref<32x1000000xf32, #tpu.memory_space<hbm>> -> memref<32x128xf32, #tpu.memory_space<hbm>>
    %dma_start3A_484 = arith.constant 352 : i32
    %dma_start3A_485 = arith.constant 0 : i32
    %dma_start3A_486 = tpu.memref_slice %arg10[%dma_start3A_484, %dma_start3A_485] : memref<512x128xf32, #tpu.memory_space<vmem>> -> memref<32x128xf32, #tpu.memory_space<vmem>>
    %dma_start3A_487 = arith.constant 0 : i32
    %dma_start3A_488 = tpu.memref_slice %arg5[%dma_start3A_487, %multiple_of3A_478] : memref<32x1000000xf32, #tpu.memory_space<hbm>> -> memref<32x128xf32, #tpu.memory_space<hbm>>
    tpu.enqueue_dma source(%dma_start3A_488 : memref<32x128xf32, #tpu.memory_space<hbm>>) target(%dma_start3A_486 : memref<32x128xf32, #tpu.memory_space<vmem>>) target_semaphore(%arg14 : memref<!tpu.dma_semaphore, #tpu.memory_space<semaphore_mem>>)
    %slice3A_489 = vector.extract_strided_slice %get3A_284 {offsets = [12], sizes = [1], strides = [1]} : vector<16xi32> to vector<1xi32>
    %squeeze3A_490 = vector.extract %slice3A_489[0] : i32 from vector<1xi32>
    %shift_right_arithmetic3A_491 = arith.constant 7 : i32
    %shift_right_arithmetic3A_492 = arith.shrsi %squeeze3A_490, %shift_right_arithmetic3A_491 : i32
    %mul3A_493 = arith.constant 128 : i32
    %mul3A_494 = arith.muli %shift_right_arithmetic3A_492, %mul3A_493 : i32
    %multiple_of3A_495 = tpu.assume_multiple %mul3A_494, 128 : i32
    %dma_start3A_496 = arith.constant 384 : i32
    %dma_start3A_497 = arith.constant 0 : i32
    %dma_start3A_498 = tpu.memref_slice %arg10[%dma_start3A_496, %dma_start3A_497] : memref<512x128xf32, #tpu.memory_space<vmem>> -> memref<32x128xf32, #tpu.memory_space<vmem>>
    %dma_start3A_499 = arith.constant 0 : i32
    %dma_start3A_500 = tpu.memref_slice %arg5[%dma_start3A_499, %multiple_of3A_495] : memref<32x1000000xf32, #tpu.memory_space<hbm>> -> memref<32x128xf32, #tpu.memory_space<hbm>>
    %dma_start3A_501 = arith.constant 384 : i32
    %dma_start3A_502 = arith.constant 0 : i32
    %dma_start3A_503 = tpu.memref_slice %arg10[%dma_start3A_501, %dma_start3A_502] : memref<512x128xf32, #tpu.memory_space<vmem>> -> memref<32x128xf32, #tpu.memory_space<vmem>>
    %dma_start3A_504 = arith.constant 0 : i32
    %dma_start3A_505 = tpu.memref_slice %arg5[%dma_start3A_504, %multiple_of3A_495] : memref<32x1000000xf32, #tpu.memory_space<hbm>> -> memref<32x128xf32, #tpu.memory_space<hbm>>
    tpu.enqueue_dma source(%dma_start3A_505 : memref<32x128xf32, #tpu.memory_space<hbm>>) target(%dma_start3A_503 : memref<32x128xf32, #tpu.memory_space<vmem>>) target_semaphore(%arg15 : memref<!tpu.dma_semaphore, #tpu.memory_space<semaphore_mem>>)
    %slice3A_506 = vector.extract_strided_slice %get3A_284 {offsets = [13], sizes = [1], strides = [1]} : vector<16xi32> to vector<1xi32>
    %squeeze3A_507 = vector.extract %slice3A_506[0] : i32 from vector<1xi32>
    %shift_right_arithmetic3A_508 = arith.constant 7 : i32
    %shift_right_arithmetic3A_509 = arith.shrsi %squeeze3A_507, %shift_right_arithmetic3A_508 : i32
    %mul3A_510 = arith.constant 128 : i32
    %mul3A_511 = arith.muli %shift_right_arithmetic3A_509, %mul3A_510 : i32
    %multiple_of3A_512 = tpu.assume_multiple %mul3A_511, 128 : i32
    %dma_start3A_513 = arith.constant 416 : i32
    %dma_start3A_514 = arith.constant 0 : i32
    %dma_start3A_515 = tpu.memref_slice %arg10[%dma_start3A_513, %dma_start3A_514] : memref<512x128xf32, #tpu.memory_space<vmem>> -> memref<32x128xf32, #tpu.memory_space<vmem>>
    %dma_start3A_516 = arith.constant 0 : i32
    %dma_start3A_517 = tpu.memref_slice %arg5[%dma_start3A_516, %multiple_of3A_512] : memref<32x1000000xf32, #tpu.memory_space<hbm>> -> memref<32x128xf32, #tpu.memory_space<hbm>>
    %dma_start3A_518 = arith.constant 416 : i32
    %dma_start3A_519 = arith.constant 0 : i32
    %dma_start3A_520 = tpu.memref_slice %arg10[%dma_start3A_518, %dma_start3A_519] : memref<512x128xf32, #tpu.memory_space<vmem>> -> memref<32x128xf32, #tpu.memory_space<vmem>>
    %dma_start3A_521 = arith.constant 0 : i32
    %dma_start3A_522 = tpu.memref_slice %arg5[%dma_start3A_521, %multiple_of3A_512] : memref<32x1000000xf32, #tpu.memory_space<hbm>> -> memref<32x128xf32, #tpu.memory_space<hbm>>
    tpu.enqueue_dma source(%dma_start3A_522 : memref<32x128xf32, #tpu.memory_space<hbm>>) target(%dma_start3A_520 : memref<32x128xf32, #tpu.memory_space<vmem>>) target_semaphore(%arg15 : memref<!tpu.dma_semaphore, #tpu.memory_space<semaphore_mem>>)
    %slice3A_523 = vector.extract_strided_slice %get3A_284 {offsets = [14], sizes = [1], strides = [1]} : vector<16xi32> to vector<1xi32>
    %squeeze3A_524 = vector.extract %slice3A_523[0] : i32 from vector<1xi32>
    %shift_right_arithmetic3A_525 = arith.constant 7 : i32
    %shift_right_arithmetic3A_526 = arith.shrsi %squeeze3A_524, %shift_right_arithmetic3A_525 : i32
    %mul3A_527 = arith.constant 128 : i32
    %mul3A_528 = arith.muli %shift_right_arithmetic3A_526, %mul3A_527 : i32
    %multiple_of3A_529 = tpu.assume_multiple %mul3A_528, 128 : i32
    %dma_start3A_530 = arith.constant 448 : i32
    %dma_start3A_531 = arith.constant 0 : i32
    %dma_start3A_532 = tpu.memref_slice %arg10[%dma_start3A_530, %dma_start3A_531] : memref<512x128xf32, #tpu.memory_space<vmem>> -> memref<32x128xf32, #tpu.memory_space<vmem>>
    %dma_start3A_533 = arith.constant 0 : i32
    %dma_start3A_534 = tpu.memref_slice %arg5[%dma_start3A_533, %multiple_of3A_529] : memref<32x1000000xf32, #tpu.memory_space<hbm>> -> memref<32x128xf32, #tpu.memory_space<hbm>>
    %dma_start3A_535 = arith.constant 448 : i32
    %dma_start3A_536 = arith.constant 0 : i32
    %dma_start3A_537 = tpu.memref_slice %arg10[%dma_start3A_535, %dma_start3A_536] : memref<512x128xf32, #tpu.memory_space<vmem>> -> memref<32x128xf32, #tpu.memory_space<vmem>>
    %dma_start3A_538 = arith.constant 0 : i32
    %dma_start3A_539 = tpu.memref_slice %arg5[%dma_start3A_538, %multiple_of3A_529] : memref<32x1000000xf32, #tpu.memory_space<hbm>> -> memref<32x128xf32, #tpu.memory_space<hbm>>
    tpu.enqueue_dma source(%dma_start3A_539 : memref<32x128xf32, #tpu.memory_space<hbm>>) target(%dma_start3A_537 : memref<32x128xf32, #tpu.memory_space<vmem>>) target_semaphore(%arg15 : memref<!tpu.dma_semaphore, #tpu.memory_space<semaphore_mem>>)
    %slice3A_540 = vector.extract_strided_slice %get3A_284 {offsets = [15], sizes = [1], strides = [1]} : vector<16xi32> to vector<1xi32>
    %squeeze3A_541 = vector.extract %slice3A_540[0] : i32 from vector<1xi32>
    %shift_right_arithmetic3A_542 = arith.constant 7 : i32
    %shift_right_arithmetic3A_543 = arith.shrsi %squeeze3A_541, %shift_right_arithmetic3A_542 : i32
    %mul3A_544 = arith.constant 128 : i32
    %mul3A_545 = arith.muli %shift_right_arithmetic3A_543, %mul3A_544 : i32
    %multiple_of3A_546 = tpu.assume_multiple %mul3A_545, 128 : i32
    %dma_start3A_547 = arith.constant 480 : i32
    %dma_start3A_548 = arith.constant 0 : i32
    %dma_start3A_549 = tpu.memref_slice %arg10[%dma_start3A_547, %dma_start3A_548] : memref<512x128xf32, #tpu.memory_space<vmem>> -> memref<32x128xf32, #tpu.memory_space<vmem>>
    %dma_start3A_550 = arith.constant 0 : i32
    %dma_start3A_551 = tpu.memref_slice %arg5[%dma_start3A_550, %multiple_of3A_546] : memref<32x1000000xf32, #tpu.memory_space<hbm>> -> memref<32x128xf32, #tpu.memory_space<hbm>>
    %dma_start3A_552 = arith.constant 480 : i32
    %dma_start3A_553 = arith.constant 0 : i32
    %dma_start3A_554 = tpu.memref_slice %arg10[%dma_start3A_552, %dma_start3A_553] : memref<512x128xf32, #tpu.memory_space<vmem>> -> memref<32x128xf32, #tpu.memory_space<vmem>>
    %dma_start3A_555 = arith.constant 0 : i32
    %dma_start3A_556 = tpu.memref_slice %arg5[%dma_start3A_555, %multiple_of3A_546] : memref<32x1000000xf32, #tpu.memory_space<hbm>> -> memref<32x128xf32, #tpu.memory_space<hbm>>
    tpu.enqueue_dma source(%dma_start3A_556 : memref<32x128xf32, #tpu.memory_space<hbm>>) target(%dma_start3A_554 : memref<32x128xf32, #tpu.memory_space<vmem>>) target_semaphore(%arg15 : memref<!tpu.dma_semaphore, #tpu.memory_space<semaphore_mem>>)
    %scan3A_557 = arith.constant 0 : i32
    %scan3A_558 = arith.constant 0 : i32
    %scan3A_559 = arith.constant 32 : i32
    %scan3A_560 = arith.addi %scan3A_558, %scan3A_559 : i32
    %scan3A_561 = arith.constant 1 : i32
    scf.for %scan3A_563 = %scan3A_558 to %scan3A_560 step %scan3A_561  : i32 {
      %mul3A_564 = arith.constant 16 : i32
      %mul3A_565 = arith.muli %scan3A_563, %mul3A_564 : i32
      %get3A_566 = arith.index_cast %mul3A_565 : i32 to index
      %get3A_567 = tpu.vector_load %arg9[%get3A_566] {strides = array<i32>} : memref<528xi32, #tpu.memory_space<vmem>>, vector<16xi32>,
      %add3A_568 = arith.constant 16 : i32
      %add3A_569 = arith.addi %mul3A_565, %add3A_568 : i32
      %get3A_570 = arith.index_cast %add3A_569 : i32 to index
      %get3A_571 = tpu.vector_load %arg9[%get3A_570] {strides = array<i32>} : memref<528xi32, #tpu.memory_space<vmem>>, vector<16xi32>,
      %eq3A = arith.constant 31 : i32
      %eq3A_572 = arith.cmpi eq, %scan3A_563, %eq3A : i32
      %dma_wait3A = arith.constant 0 : i32
      %dma_wait3A_573 = arith.constant 0 : i32
      %dma_wait3A_574 = tpu.memref_slice %arg10[%dma_wait3A, %dma_wait3A_573] : memref<512x128xf32, #tpu.memory_space<vmem>> -> memref<32x128xf32, #tpu.memory_space<vmem>>
      %dma_wait3A_575 = arith.constant 0 : i32
      %dma_wait3A_576 = arith.constant 0 : i32
      %dma_wait3A_577 = tpu.memref_slice %arg5[%dma_wait3A_575, %dma_wait3A_576] : memref<32x1000000xf32, #tpu.memory_space<hbm>> -> memref<32x128xf32, #tpu.memory_space<hbm>>
      %dma_wait3A_578 = arith.constant 0 : i32
      %dma_wait3A_579 = arith.constant 0 : i32
      %dma_wait3A_580 = tpu.memref_slice %arg10[%dma_wait3A_578, %dma_wait3A_579] : memref<512x128xf32, #tpu.memory_space<vmem>> -> memref<32x128xf32, #tpu.memory_space<vmem>>
      %dma_wait3A_581 = arith.constant 0 : i32
      %dma_wait3A_582 = arith.constant 0 : i32
      %dma_wait3A_583 = tpu.memref_slice %arg5[%dma_wait3A_581, %dma_wait3A_582] : memref<32x1000000xf32, #tpu.memory_space<hbm>> -> memref<32x128xf32, #tpu.memory_space<hbm>>
      tpu.wait_dma2 semaphore(%arg12 : memref<!tpu.dma_semaphore, #tpu.memory_space<semaphore_mem>>) src(%dma_wait3A_583 : memref<32x128xf32, #tpu.memory_space<hbm>>) dst(%dma_wait3A_580 : memref<32x128xf32, #tpu.memory_space<vmem>>)
      %dma_wait3A_584 = arith.constant 0 : i32
      %dma_wait3A_585 = arith.constant 0 : i32
      %dma_wait3A_586 = tpu.memref_slice %arg10[%dma_wait3A_584, %dma_wait3A_585] : memref<512x128xf32, #tpu.memory_space<vmem>> -> memref<32x128xf32, #tpu.memory_space<vmem>>
      %dma_wait3A_587 = arith.constant 0 : i32
      %dma_wait3A_588 = arith.constant 0 : i32
      %dma_wait3A_589 = tpu.memref_slice %arg5[%dma_wait3A_587, %dma_wait3A_588] : memref<32x1000000xf32, #tpu.memory_space<hbm>> -> memref<32x128xf32, #tpu.memory_space<hbm>>
      %dma_wait3A_590 = arith.constant 0 : i32
      %dma_wait3A_591 = arith.constant 0 : i32
      %dma_wait3A_592 = tpu.memref_slice %arg10[%dma_wait3A_590, %dma_wait3A_591] : memref<512x128xf32, #tpu.memory_space<vmem>> -> memref<32x128xf32, #tpu.memory_space<vmem>>
      %dma_wait3A_593 = arith.constant 0 : i32
      %dma_wait3A_594 = arith.constant 0 : i32
      %dma_wait3A_595 = tpu.memref_slice %arg5[%dma_wait3A_593, %dma_wait3A_594] : memref<32x1000000xf32, #tpu.memory_space<hbm>> -> memref<32x128xf32, #tpu.memory_space<hbm>>
      tpu.wait_dma2 semaphore(%arg12 : memref<!tpu.dma_semaphore, #tpu.memory_space<semaphore_mem>>) src(%dma_wait3A_595 : memref<32x128xf32, #tpu.memory_space<hbm>>) dst(%dma_wait3A_592 : memref<32x128xf32, #tpu.memory_space<vmem>>)
      %dma_wait3A_596 = arith.constant 0 : i32
      %dma_wait3A_597 = arith.constant 0 : i32
      %dma_wait3A_598 = tpu.memref_slice %arg10[%dma_wait3A_596, %dma_wait3A_597] : memref<512x128xf32, #tpu.memory_space<vmem>> -> memref<32x128xf32, #tpu.memory_space<vmem>>
      %dma_wait3A_599 = arith.constant 0 : i32
      %dma_wait3A_600 = arith.constant 0 : i32
      %dma_wait3A_601 = tpu.memref_slice %arg5[%dma_wait3A_599, %dma_wait3A_600] : memref<32x1000000xf32, #tpu.memory_space<hbm>> -> memref<32x128xf32, #tpu.memory_space<hbm>>
      %dma_wait3A_602 = arith.constant 0 : i32
      %dma_wait3A_603 = arith.constant 0 : i32
      %dma_wait3A_604 = tpu.memref_slice %arg10[%dma_wait3A_602, %dma_wait3A_603] : memref<512x128xf32, #tpu.memory_space<vmem>> -> memref<32x128xf32, #tpu.memory_space<vmem>>
      %dma_wait3A_605 = arith.constant 0 : i32
      %dma_wait3A_606 = arith.constant 0 : i32
      %dma_wait3A_607 = tpu.memref_slice %arg5[%dma_wait3A_605, %dma_wait3A_606] : memref<32x1000000xf32, #tpu.memory_space<hbm>> -> memref<32x128xf32, #tpu.memory_space<hbm>>
      tpu.wait_dma2 semaphore(%arg12 : memref<!tpu.dma_semaphore, #tpu.memory_space<semaphore_mem>>) src(%dma_wait3A_607 : memref<32x128xf32, #tpu.memory_space<hbm>>) dst(%dma_wait3A_604 : memref<32x128xf32, #tpu.memory_space<vmem>>)
      %dma_wait3A_608 = arith.constant 0 : i32
      %dma_wait3A_609 = arith.constant 0 : i32
      %dma_wait3A_610 = tpu.memref_slice %arg10[%dma_wait3A_608, %dma_wait3A_609] : memref<512x128xf32, #tpu.memory_space<vmem>> -> memref<32x128xf32, #tpu.memory_space<vmem>>
      %dma_wait3A_611 = arith.constant 0 : i32
      %dma_wait3A_612 = arith.constant 0 : i32
      %dma_wait3A_613 = tpu.memref_slice %arg5[%dma_wait3A_611, %dma_wait3A_612] : memref<32x1000000xf32, #tpu.memory_space<hbm>> -> memref<32x128xf32, #tpu.memory_space<hbm>>
      %dma_wait3A_614 = arith.constant 0 : i32
      %dma_wait3A_615 = arith.constant 0 : i32
      %dma_wait3A_616 = tpu.memref_slice %arg10[%dma_wait3A_614, %dma_wait3A_615] : memref<512x128xf32, #tpu.memory_space<vmem>> -> memref<32x128xf32, #tpu.memory_space<vmem>>
      %dma_wait3A_617 = arith.constant 0 : i32
      %dma_wait3A_618 = arith.constant 0 : i32
      %dma_wait3A_619 = tpu.memref_slice %arg5[%dma_wait3A_617, %dma_wait3A_618] : memref<32x1000000xf32, #tpu.memory_space<hbm>> -> memref<32x128xf32, #tpu.memory_space<hbm>>
      tpu.wait_dma2 semaphore(%arg12 : memref<!tpu.dma_semaphore, #tpu.memory_space<semaphore_mem>>) src(%dma_wait3A_619 : memref<32x128xf32, #tpu.memory_space<hbm>>) dst(%dma_wait3A_616 : memref<32x128xf32, #tpu.memory_space<vmem>>)
      %slice3A_620 = vector.extract_strided_slice %get3A_567 {offsets = [0], sizes = [1], strides = [1]} : vector<16xi32> to vector<1xi32>
      %squeeze3A_621 = vector.extract %slice3A_620[0] : i32 from vector<1xi32>
      %and3A = arith.constant 127 : i32
      %and3A_622 = arith.andi %squeeze3A_621, %and3A : i32
      %broadcast_in_dim3A = vector.broadcast %and3A_622 : i32 to vector<16xi32>
      %add3A_623 = arith.constant 0 : i32
      %add3A_624 = arith.addi %mul3A_565, %add3A_623 : i32
      %and3A_625 = arith.constant 127 : i32
      %and3A_626 = arith.andi %add3A_624, %and3A_625 : i32
      %broadcast_in_dim3A_627 = vector.broadcast %and3A_626 : i32 to vector<16xi32>
      %jit3A = arith.constant 128 : i32
      %div3A = arith.divsi %add3A_624, %jit3A : i32
      %sign3A = arith.constant 0 : i32
      %sign3A_628 = arith.cmpi sgt, %add3A_624, %sign3A : i32
      %sign3A_629 = arith.extui %sign3A_628 : i1 to i32
      %sign3A_630 = arith.constant 0 : i32
      %sign3A_631 = arith.cmpi slt, %add3A_624, %sign3A_630 : i32
      %sign3A_632 = arith.extui %sign3A_631 : i1 to i32
      %sign3A_633 = arith.subi %sign3A_629, %sign3A_632 : i32
      %sign3A_634 = arith.constant 0 : i32
      %sign3A_635 = arith.cmpi sgt, %jit3A, %sign3A_634 : i32
      %sign3A_636 = arith.extui %sign3A_635 : i1 to i32
      %sign3A_637 = arith.constant 0 : i32
      %sign3A_638 = arith.cmpi slt, %jit3A, %sign3A_637 : i32
      %sign3A_639 = arith.extui %sign3A_638 : i1 to i32
      %sign3A_640 = arith.subi %sign3A_636, %sign3A_639 : i32
      %ne3A = arith.cmpi ne, %sign3A_633, %sign3A_640 : i32
      %rem3A = arith.remsi %add3A_624, %jit3A : i32
      %ne3A_641 = arith.constant 0 : i32
      %ne3A_642 = arith.cmpi ne, %rem3A, %ne3A_641 : i32
      %and3A_643 = arith.andi %ne3A, %ne3A_642 : i1
      %sub3A = arith.constant 1 : i32
      %sub3A_644 = arith.subi %div3A, %sub3A : i32
      %select_n3A = arith.select %and3A_643, %sub3A_644, %div3A : i32
      %mul3A_645 = arith.constant 32 : i32
      %mul3A_646 = arith.muli %select_n3A, %mul3A_645 : i32
      %add3A_647 = arith.constant 0 : i32
      %add3A_648 = vector.broadcast %add3A_647 : i32 to vector<16xi32>
      %add3A_649 = arith.addi %iota3A, %add3A_648 : vector<16xi32>
      %gather3A = tpu.vector_load_idx %arg10[%add3A_649, %broadcast_in_dim3A] : memref<512x128xf32, #tpu.memory_space<vmem>>[vector<16xi32>, vector<16xi32>], vector<16xf32>,
      %add3A_650 = vector.broadcast %mul3A_646 : i32 to vector<16xi32>
      %add3A_651 = arith.addi %iota3A, %add3A_650 : vector<16xi32>
      tpu.vector_store_idx %arg11[%add3A_651, %broadcast_in_dim3A_627], %gather3A : memref<128x128xf32, #tpu.memory_space<vmem>>[vector<16xi32>, vector<16xi32>], vector<16xf32>,
      %add3A_652 = arith.constant 0 : i32
      %add3A_653 = vector.broadcast %add3A_652 : i32 to vector<16xi32>
      %add3A_654 = arith.addi %add3A_5, %add3A_653 : vector<16xi32>
      %gather3A_655 = tpu.vector_load_idx %arg10[%add3A_654, %broadcast_in_dim3A] : memref<512x128xf32, #tpu.memory_space<vmem>>[vector<16xi32>, vector<16xi32>], vector<16xf32>,
      %add3A_656 = vector.broadcast %mul3A_646 : i32 to vector<16xi32>
      %add3A_657 = arith.addi %add3A_5, %add3A_656 : vector<16xi32>
      tpu.vector_store_idx %arg11[%add3A_657, %broadcast_in_dim3A_627], %gather3A_655 : memref<128x128xf32, #tpu.memory_space<vmem>>[vector<16xi32>, vector<16xi32>], vector<16xf32>,
      %slice3A_658 = vector.extract_strided_slice %get3A_567 {offsets = [1], sizes = [1], strides = [1]} : vector<16xi32> to vector<1xi32>
      %squeeze3A_659 = vector.extract %slice3A_658[0] : i32 from vector<1xi32>
      %and3A_660 = arith.constant 127 : i32
      %and3A_661 = arith.andi %squeeze3A_659, %and3A_660 : i32
      %broadcast_in_dim3A_662 = vector.broadcast %and3A_661 : i32 to vector<16xi32>
      %add3A_663 = arith.constant 1 : i32
      %add3A_664 = arith.addi %mul3A_565, %add3A_663 : i32
      %and3A_665 = arith.constant 127 : i32
      %and3A_666 = arith.andi %add3A_664, %and3A_665 : i32
      %broadcast_in_dim3A_667 = vector.broadcast %and3A_666 : i32 to vector<16xi32>
      %jit3A_668 = arith.constant 128 : i32
      %div3A_669 = arith.divsi %add3A_664, %jit3A_668 : i32
      %sign3A_670 = arith.constant 0 : i32
      %sign3A_671 = arith.cmpi sgt, %add3A_664, %sign3A_670 : i32
      %sign3A_672 = arith.extui %sign3A_671 : i1 to i32
      %sign3A_673 = arith.constant 0 : i32
      %sign3A_674 = arith.cmpi slt, %add3A_664, %sign3A_673 : i32
      %sign3A_675 = arith.extui %sign3A_674 : i1 to i32
      %sign3A_676 = arith.subi %sign3A_672, %sign3A_675 : i32
      %sign3A_677 = arith.constant 0 : i32
      %sign3A_678 = arith.cmpi sgt, %jit3A_668, %sign3A_677 : i32
      %sign3A_679 = arith.extui %sign3A_678 : i1 to i32
      %sign3A_680 = arith.constant 0 : i32
      %sign3A_681 = arith.cmpi slt, %jit3A_668, %sign3A_680 : i32
      %sign3A_682 = arith.extui %sign3A_681 : i1 to i32
      %sign3A_683 = arith.subi %sign3A_679, %sign3A_682 : i32
      %ne3A_684 = arith.cmpi ne, %sign3A_676, %sign3A_683 : i32
      %rem3A_685 = arith.remsi %add3A_664, %jit3A_668 : i32
      %ne3A_686 = arith.constant 0 : i32
      %ne3A_687 = arith.cmpi ne, %rem3A_685, %ne3A_686 : i32
      %and3A_688 = arith.andi %ne3A_684, %ne3A_687 : i1
      %sub3A_689 = arith.constant 1 : i32
      %sub3A_690 = arith.subi %div3A_669, %sub3A_689 : i32
      %select_n3A_691 = arith.select %and3A_688, %sub3A_690, %div3A_669 : i32
      %mul3A_692 = arith.constant 32 : i32
      %mul3A_693 = arith.muli %select_n3A_691, %mul3A_692 : i32
      %add3A_694 = arith.constant 32 : i32
      %add3A_695 = vector.broadcast %add3A_694 : i32 to vector<16xi32>
      %add3A_696 = arith.addi %iota3A, %add3A_695 : vector<16xi32>
      %gather3A_697 = tpu.vector_load_idx %arg10[%add3A_696, %broadcast_in_dim3A_662] : memref<512x128xf32, #tpu.memory_space<vmem>>[vector<16xi32>, vector<16xi32>], vector<16xf32>,
      %add3A_698 = vector.broadcast %mul3A_693 : i32 to vector<16xi32>
      %add3A_699 = arith.addi %iota3A, %add3A_698 : vector<16xi32>
      tpu.vector_store_idx %arg11[%add3A_699, %broadcast_in_dim3A_667], %gather3A_697 : memref<128x128xf32, #tpu.memory_space<vmem>>[vector<16xi32>, vector<16xi32>], vector<16xf32>,
      %add3A_700 = arith.constant 32 : i32
      %add3A_701 = vector.broadcast %add3A_700 : i32 to vector<16xi32>
      %add3A_702 = arith.addi %add3A_5, %add3A_701 : vector<16xi32>
      %gather3A_703 = tpu.vector_load_idx %arg10[%add3A_702, %broadcast_in_dim3A_662] : memref<512x128xf32, #tpu.memory_space<vmem>>[vector<16xi32>, vector<16xi32>], vector<16xf32>,
      %add3A_704 = vector.broadcast %mul3A_693 : i32 to vector<16xi32>
      %add3A_705 = arith.addi %add3A_5, %add3A_704 : vector<16xi32>
      tpu.vector_store_idx %arg11[%add3A_705, %broadcast_in_dim3A_667], %gather3A_703 : memref<128x128xf32, #tpu.memory_space<vmem>>[vector<16xi32>, vector<16xi32>], vector<16xf32>,
      %slice3A_706 = vector.extract_strided_slice %get3A_567 {offsets = [2], sizes = [1], strides = [1]} : vector<16xi32> to vector<1xi32>
      %squeeze3A_707 = vector.extract %slice3A_706[0] : i32 from vector<1xi32>
      %and3A_708 = arith.constant 127 : i32
      %and3A_709 = arith.andi %squeeze3A_707, %and3A_708 : i32
      %broadcast_in_dim3A_710 = vector.broadcast %and3A_709 : i32 to vector<16xi32>
      %add3A_711 = arith.constant 2 : i32
      %add3A_712 = arith.addi %mul3A_565, %add3A_711 : i32
      %and3A_713 = arith.constant 127 : i32
      %and3A_714 = arith.andi %add3A_712, %and3A_713 : i32
      %broadcast_in_dim3A_715 = vector.broadcast %and3A_714 : i32 to vector<16xi32>
      %jit3A_716 = arith.constant 128 : i32
      %div3A_717 = arith.divsi %add3A_712, %jit3A_716 : i32
      %sign3A_718 = arith.constant 0 : i32
      %sign3A_719 = arith.cmpi sgt, %add3A_712, %sign3A_718 : i32
      %sign3A_720 = arith.extui %sign3A_719 : i1 to i32
      %sign3A_721 = arith.constant 0 : i32
      %sign3A_722 = arith.cmpi slt, %add3A_712, %sign3A_721 : i32
      %sign3A_723 = arith.extui %sign3A_722 : i1 to i32
      %sign3A_724 = arith.subi %sign3A_720, %sign3A_723 : i32
      %sign3A_725 = arith.constant 0 : i32
      %sign3A_726 = arith.cmpi sgt, %jit3A_716, %sign3A_725 : i32
      %sign3A_727 = arith.extui %sign3A_726 : i1 to i32
      %sign3A_728 = arith.constant 0 : i32
      %sign3A_729 = arith.cmpi slt, %jit3A_716, %sign3A_728 : i32
      %sign3A_730 = arith.extui %sign3A_729 : i1 to i32
      %sign3A_731 = arith.subi %sign3A_727, %sign3A_730 : i32
      %ne3A_732 = arith.cmpi ne, %sign3A_724, %sign3A_731 : i32
      %rem3A_733 = arith.remsi %add3A_712, %jit3A_716 : i32
      %ne3A_734 = arith.constant 0 : i32
      %ne3A_735 = arith.cmpi ne, %rem3A_733, %ne3A_734 : i32
      %and3A_736 = arith.andi %ne3A_732, %ne3A_735 : i1
      %sub3A_737 = arith.constant 1 : i32
      %sub3A_738 = arith.subi %div3A_717, %sub3A_737 : i32
      %select_n3A_739 = arith.select %and3A_736, %sub3A_738, %div3A_717 : i32
      %mul3A_740 = arith.constant 32 : i32
      %mul3A_741 = arith.muli %select_n3A_739, %mul3A_740 : i32
      %add3A_742 = arith.constant 64 : i32
      %add3A_743 = vector.broadcast %add3A_742 : i32 to vector<16xi32>
      %add3A_744 = arith.addi %iota3A, %add3A_743 : vector<16xi32>
      %gather3A_745 = tpu.vector_load_idx %arg10[%add3A_744, %broadcast_in_dim3A_710] : memref<512x128xf32, #tpu.memory_space<vmem>>[vector<16xi32>, vector<16xi32>], vector<16xf32>,
      %add3A_746 = vector.broadcast %mul3A_741 : i32 to vector<16xi32>
      %add3A_747 = arith.addi %iota3A, %add3A_746 : vector<16xi32>
      tpu.vector_store_idx %arg11[%add3A_747, %broadcast_in_dim3A_715], %gather3A_745 : memref<128x128xf32, #tpu.memory_space<vmem>>[vector<16xi32>, vector<16xi32>], vector<16xf32>,
      %add3A_748 = arith.constant 64 : i32
      %add3A_749 = vector.broadcast %add3A_748 : i32 to vector<16xi32>
      %add3A_750 = arith.addi %add3A_5, %add3A_749 : vector<16xi32>
      %gather3A_751 = tpu.vector_load_idx %arg10[%add3A_750, %broadcast_in_dim3A_710] : memref<512x128xf32, #tpu.memory_space<vmem>>[vector<16xi32>, vector<16xi32>], vector<16xf32>,
      %add3A_752 = vector.broadcast %mul3A_741 : i32 to vector<16xi32>
      %add3A_753 = arith.addi %add3A_5, %add3A_752 : vector<16xi32>
      tpu.vector_store_idx %arg11[%add3A_753, %broadcast_in_dim3A_715], %gather3A_751 : memref<128x128xf32, #tpu.memory_space<vmem>>[vector<16xi32>, vector<16xi32>], vector<16xf32>,
      %slice3A_754 = vector.extract_strided_slice %get3A_567 {offsets = [3], sizes = [1], strides = [1]} : vector<16xi32> to vector<1xi32>
      %squeeze3A_755 = vector.extract %slice3A_754[0] : i32 from vector<1xi32>
      %and3A_756 = arith.constant 127 : i32
      %and3A_757 = arith.andi %squeeze3A_755, %and3A_756 : i32
      %broadcast_in_dim3A_758 = vector.broadcast %and3A_757 : i32 to vector<16xi32>
      %add3A_759 = arith.constant 3 : i32
      %add3A_760 = arith.addi %mul3A_565, %add3A_759 : i32
      %and3A_761 = arith.constant 127 : i32
      %and3A_762 = arith.andi %add3A_760, %and3A_761 : i32
      %broadcast_in_dim3A_763 = vector.broadcast %and3A_762 : i32 to vector<16xi32>
      %jit3A_764 = arith.constant 128 : i32
      %div3A_765 = arith.divsi %add3A_760, %jit3A_764 : i32
      %sign3A_766 = arith.constant 0 : i32
      %sign3A_767 = arith.cmpi sgt, %add3A_760, %sign3A_766 : i32
      %sign3A_768 = arith.extui %sign3A_767 : i1 to i32
      %sign3A_769 = arith.constant 0 : i32
      %sign3A_770 = arith.cmpi slt, %add3A_760, %sign3A_769 : i32
      %sign3A_771 = arith.extui %sign3A_770 : i1 to i32
      %sign3A_772 = arith.subi %sign3A_768, %sign3A_771 : i32
      %sign3A_773 = arith.constant 0 : i32
      %sign3A_774 = arith.cmpi sgt, %jit3A_764, %sign3A_773 : i32
      %sign3A_775 = arith.extui %sign3A_774 : i1 to i32
      %sign3A_776 = arith.constant 0 : i32
      %sign3A_777 = arith.cmpi slt, %jit3A_764, %sign3A_776 : i32
      %sign3A_778 = arith.extui %sign3A_777 : i1 to i32
      %sign3A_779 = arith.subi %sign3A_775, %sign3A_778 : i32
      %ne3A_780 = arith.cmpi ne, %sign3A_772, %sign3A_779 : i32
      %rem3A_781 = arith.remsi %add3A_760, %jit3A_764 : i32
      %ne3A_782 = arith.constant 0 : i32
      %ne3A_783 = arith.cmpi ne, %rem3A_781, %ne3A_782 : i32
      %and3A_784 = arith.andi %ne3A_780, %ne3A_783 : i1
      %sub3A_785 = arith.constant 1 : i32
      %sub3A_786 = arith.subi %div3A_765, %sub3A_785 : i32
      %select_n3A_787 = arith.select %and3A_784, %sub3A_786, %div3A_765 : i32
      %mul3A_788 = arith.constant 32 : i32
      %mul3A_789 = arith.muli %select_n3A_787, %mul3A_788 : i32
      %add3A_790 = arith.constant 96 : i32
      %add3A_791 = vector.broadcast %add3A_790 : i32 to vector<16xi32>
      %add3A_792 = arith.addi %iota3A, %add3A_791 : vector<16xi32>
      %gather3A_793 = tpu.vector_load_idx %arg10[%add3A_792, %broadcast_in_dim3A_758] : memref<512x128xf32, #tpu.memory_space<vmem>>[vector<16xi32>, vector<16xi32>], vector<16xf32>,
      %add3A_794 = vector.broadcast %mul3A_789 : i32 to vector<16xi32>
      %add3A_795 = arith.addi %iota3A, %add3A_794 : vector<16xi32>
      tpu.vector_store_idx %arg11[%add3A_795, %broadcast_in_dim3A_763], %gather3A_793 : memref<128x128xf32, #tpu.memory_space<vmem>>[vector<16xi32>, vector<16xi32>], vector<16xf32>,
      %add3A_796 = arith.constant 96 : i32
      %add3A_797 = vector.broadcast %add3A_796 : i32 to vector<16xi32>
      %add3A_798 = arith.addi %add3A_5, %add3A_797 : vector<16xi32>
      %gather3A_799 = tpu.vector_load_idx %arg10[%add3A_798, %broadcast_in_dim3A_758] : memref<512x128xf32, #tpu.memory_space<vmem>>[vector<16xi32>, vector<16xi32>], vector<16xf32>,
      %add3A_800 = vector.broadcast %mul3A_789 : i32 to vector<16xi32>
      %add3A_801 = arith.addi %add3A_5, %add3A_800 : vector<16xi32>
      tpu.vector_store_idx %arg11[%add3A_801, %broadcast_in_dim3A_763], %gather3A_799 : memref<128x128xf32, #tpu.memory_space<vmem>>[vector<16xi32>, vector<16xi32>], vector<16xf32>,
      %not3A = arith.constant true
      %not3A_802 = arith.xori %eq3A_572, %not3A : i1
      %convert_element_type3A = arith.extui %not3A_802 : i1 to i32
      %cond3A = arith.constant 0 : i32
      %cond3A_803 = arith.cmpi ne, %convert_element_type3A, %cond3A : i32
      scf.if %cond3A_803 {
        %slice3A_1539 = vector.extract_strided_slice %get3A_571 {offsets = [0], sizes = [1], strides = [1]} : vector<16xi32> to vector<1xi32>
        %squeeze3A_1540 = vector.extract %slice3A_1539[0] : i32 from vector<1xi32>
        %shift_right_arithmetic3A_1541 = arith.constant 7 : i32
        %shift_right_arithmetic3A_1542 = arith.shrsi %squeeze3A_1540, %shift_right_arithmetic3A_1541 : i32
        %mul3A_1543 = arith.constant 128 : i32
        %mul3A_1544 = arith.muli %shift_right_arithmetic3A_1542, %mul3A_1543 : i32
        %multiple_of3A_1545 = tpu.assume_multiple %mul3A_1544, 128 : i32
        %dma_start3A_1546 = arith.constant 0 : i32
        %dma_start3A_1547 = arith.constant 0 : i32
        %dma_start3A_1548 = tpu.memref_slice %arg10[%dma_start3A_1546, %dma_start3A_1547] : memref<512x128xf32, #tpu.memory_space<vmem>> -> memref<32x128xf32, #tpu.memory_space<vmem>>
        %dma_start3A_1549 = arith.constant 0 : i32
        %dma_start3A_1550 = tpu.memref_slice %arg5[%dma_start3A_1549, %multiple_of3A_1545] : memref<32x1000000xf32, #tpu.memory_space<hbm>> -> memref<32x128xf32, #tpu.memory_space<hbm>>
        %dma_start3A_1551 = arith.constant 0 : i32
        %dma_start3A_1552 = arith.constant 0 : i32
        %dma_start3A_1553 = tpu.memref_slice %arg10[%dma_start3A_1551, %dma_start3A_1552] : memref<512x128xf32, #tpu.memory_space<vmem>> -> memref<32x128xf32, #tpu.memory_space<vmem>>
        %dma_start3A_1554 = arith.constant 0 : i32
        %dma_start3A_1555 = tpu.memref_slice %arg5[%dma_start3A_1554, %multiple_of3A_1545] : memref<32x1000000xf32, #tpu.memory_space<hbm>> -> memref<32x128xf32, #tpu.memory_space<hbm>>
        tpu.enqueue_dma source(%dma_start3A_1555 : memref<32x128xf32, #tpu.memory_space<hbm>>) target(%dma_start3A_1553 : memref<32x128xf32, #tpu.memory_space<vmem>>) target_semaphore(%arg12 : memref<!tpu.dma_semaphore, #tpu.memory_space<semaphore_mem>>)
        %slice3A_1556 = vector.extract_strided_slice %get3A_571 {offsets = [1], sizes = [1], strides = [1]} : vector<16xi32> to vector<1xi32>
        %squeeze3A_1557 = vector.extract %slice3A_1556[0] : i32 from vector<1xi32>
        %shift_right_arithmetic3A_1558 = arith.constant 7 : i32
        %shift_right_arithmetic3A_1559 = arith.shrsi %squeeze3A_1557, %shift_right_arithmetic3A_1558 : i32
        %mul3A_1560 = arith.constant 128 : i32
        %mul3A_1561 = arith.muli %shift_right_arithmetic3A_1559, %mul3A_1560 : i32
        %multiple_of3A_1562 = tpu.assume_multiple %mul3A_1561, 128 : i32
        %dma_start3A_1563 = arith.constant 32 : i32
        %dma_start3A_1564 = arith.constant 0 : i32
        %dma_start3A_1565 = tpu.memref_slice %arg10[%dma_start3A_1563, %dma_start3A_1564] : memref<512x128xf32, #tpu.memory_space<vmem>> -> memref<32x128xf32, #tpu.memory_space<vmem>>
        %dma_start3A_1566 = arith.constant 0 : i32
        %dma_start3A_1567 = tpu.memref_slice %arg5[%dma_start3A_1566, %multiple_of3A_1562] : memref<32x1000000xf32, #tpu.memory_space<hbm>> -> memref<32x128xf32, #tpu.memory_space<hbm>>
        %dma_start3A_1568 = arith.constant 32 : i32
        %dma_start3A_1569 = arith.constant 0 : i32
        %dma_start3A_1570 = tpu.memref_slice %arg10[%dma_start3A_1568, %dma_start3A_1569] : memref<512x128xf32, #tpu.memory_space<vmem>> -> memref<32x128xf32, #tpu.memory_space<vmem>>
        %dma_start3A_1571 = arith.constant 0 : i32
        %dma_start3A_1572 = tpu.memref_slice %arg5[%dma_start3A_1571, %multiple_of3A_1562] : memref<32x1000000xf32, #tpu.memory_space<hbm>> -> memref<32x128xf32, #tpu.memory_space<hbm>>
        tpu.enqueue_dma source(%dma_start3A_1572 : memref<32x128xf32, #tpu.memory_space<hbm>>) target(%dma_start3A_1570 : memref<32x128xf32, #tpu.memory_space<vmem>>) target_semaphore(%arg12 : memref<!tpu.dma_semaphore, #tpu.memory_space<semaphore_mem>>)
        %slice3A_1573 = vector.extract_strided_slice %get3A_571 {offsets = [2], sizes = [1], strides = [1]} : vector<16xi32> to vector<1xi32>
        %squeeze3A_1574 = vector.extract %slice3A_1573[0] : i32 from vector<1xi32>
        %shift_right_arithmetic3A_1575 = arith.constant 7 : i32
        %shift_right_arithmetic3A_1576 = arith.shrsi %squeeze3A_1574, %shift_right_arithmetic3A_1575 : i32
        %mul3A_1577 = arith.constant 128 : i32
        %mul3A_1578 = arith.muli %shift_right_arithmetic3A_1576, %mul3A_1577 : i32
        %multiple_of3A_1579 = tpu.assume_multiple %mul3A_1578, 128 : i32
        %dma_start3A_1580 = arith.constant 64 : i32
        %dma_start3A_1581 = arith.constant 0 : i32
        %dma_start3A_1582 = tpu.memref_slice %arg10[%dma_start3A_1580, %dma_start3A_1581] : memref<512x128xf32, #tpu.memory_space<vmem>> -> memref<32x128xf32, #tpu.memory_space<vmem>>
        %dma_start3A_1583 = arith.constant 0 : i32
        %dma_start3A_1584 = tpu.memref_slice %arg5[%dma_start3A_1583, %multiple_of3A_1579] : memref<32x1000000xf32, #tpu.memory_space<hbm>> -> memref<32x128xf32, #tpu.memory_space<hbm>>
        %dma_start3A_1585 = arith.constant 64 : i32
        %dma_start3A_1586 = arith.constant 0 : i32
        %dma_start3A_1587 = tpu.memref_slice %arg10[%dma_start3A_1585, %dma_start3A_1586] : memref<512x128xf32, #tpu.memory_space<vmem>> -> memref<32x128xf32, #tpu.memory_space<vmem>>
        %dma_start3A_1588 = arith.constant 0 : i32
        %dma_start3A_1589 = tpu.memref_slice %arg5[%dma_start3A_1588, %multiple_of3A_1579] : memref<32x1000000xf32, #tpu.memory_space<hbm>> -> memref<32x128xf32, #tpu.memory_space<hbm>>
        tpu.enqueue_dma source(%dma_start3A_1589 : memref<32x128xf32, #tpu.memory_space<hbm>>) target(%dma_start3A_1587 : memref<32x128xf32, #tpu.memory_space<vmem>>) target_semaphore(%arg12 : memref<!tpu.dma_semaphore, #tpu.memory_space<semaphore_mem>>)
        %slice3A_1590 = vector.extract_strided_slice %get3A_571 {offsets = [3], sizes = [1], strides = [1]} : vector<16xi32> to vector<1xi32>
        %squeeze3A_1591 = vector.extract %slice3A_1590[0] : i32 from vector<1xi32>
        %shift_right_arithmetic3A_1592 = arith.constant 7 : i32
        %shift_right_arithmetic3A_1593 = arith.shrsi %squeeze3A_1591, %shift_right_arithmetic3A_1592 : i32
        %mul3A_1594 = arith.constant 128 : i32
        %mul3A_1595 = arith.muli %shift_right_arithmetic3A_1593, %mul3A_1594 : i32
        %multiple_of3A_1596 = tpu.assume_multiple %mul3A_1595, 128 : i32
        %dma_start3A_1597 = arith.constant 96 : i32
        %dma_start3A_1598 = arith.constant 0 : i32
        %dma_start3A_1599 = tpu.memref_slice %arg10[%dma_start3A_1597, %dma_start3A_1598] : memref<512x128xf32, #tpu.memory_space<vmem>> -> memref<32x128xf32, #tpu.memory_space<vmem>>
        %dma_start3A_1600 = arith.constant 0 : i32
        %dma_start3A_1601 = tpu.memref_slice %arg5[%dma_start3A_1600, %multiple_of3A_1596] : memref<32x1000000xf32, #tpu.memory_space<hbm>> -> memref<32x128xf32, #tpu.memory_space<hbm>>
        %dma_start3A_1602 = arith.constant 96 : i32
        %dma_start3A_1603 = arith.constant 0 : i32
        %dma_start3A_1604 = tpu.memref_slice %arg10[%dma_start3A_1602, %dma_start3A_1603] : memref<512x128xf32, #tpu.memory_space<vmem>> -> memref<32x128xf32, #tpu.memory_space<vmem>>
        %dma_start3A_1605 = arith.constant 0 : i32
        %dma_start3A_1606 = tpu.memref_slice %arg5[%dma_start3A_1605, %multiple_of3A_1596] : memref<32x1000000xf32, #tpu.memory_space<hbm>> -> memref<32x128xf32, #tpu.memory_space<hbm>>
        tpu.enqueue_dma source(%dma_start3A_1606 : memref<32x128xf32, #tpu.memory_space<hbm>>) target(%dma_start3A_1604 : memref<32x128xf32, #tpu.memory_space<vmem>>) target_semaphore(%arg12 : memref<!tpu.dma_semaphore, #tpu.memory_space<semaphore_mem>>)
      } else {
      }
      %dma_wait3A_804 = arith.constant 0 : i32
      %dma_wait3A_805 = arith.constant 0 : i32
      %dma_wait3A_806 = tpu.memref_slice %arg10[%dma_wait3A_804, %dma_wait3A_805] : memref<512x128xf32, #tpu.memory_space<vmem>> -> memref<32x128xf32, #tpu.memory_space<vmem>>
      %dma_wait3A_807 = arith.constant 0 : i32
      %dma_wait3A_808 = arith.constant 0 : i32
      %dma_wait3A_809 = tpu.memref_slice %arg5[%dma_wait3A_807, %dma_wait3A_808] : memref<32x1000000xf32, #tpu.memory_space<hbm>> -> memref<32x128xf32, #tpu.memory_space<hbm>>
      %dma_wait3A_810 = arith.constant 0 : i32
      %dma_wait3A_811 = arith.constant 0 : i32
      %dma_wait3A_812 = tpu.memref_slice %arg10[%dma_wait3A_810, %dma_wait3A_811] : memref<512x128xf32, #tpu.memory_space<vmem>> -> memref<32x128xf32, #tpu.memory_space<vmem>>
      %dma_wait3A_813 = arith.constant 0 : i32
      %dma_wait3A_814 = arith.constant 0 : i32
      %dma_wait3A_815 = tpu.memref_slice %arg5[%dma_wait3A_813, %dma_wait3A_814] : memref<32x1000000xf32, #tpu.memory_space<hbm>> -> memref<32x128xf32, #tpu.memory_space<hbm>>
      tpu.wait_dma2 semaphore(%arg13 : memref<!tpu.dma_semaphore, #tpu.memory_space<semaphore_mem>>) src(%dma_wait3A_815 : memref<32x128xf32, #tpu.memory_space<hbm>>) dst(%dma_wait3A_812 : memref<32x128xf32, #tpu.memory_space<vmem>>)
      %dma_wait3A_816 = arith.constant 0 : i32
      %dma_wait3A_817 = arith.constant 0 : i32
      %dma_wait3A_818 = tpu.memref_slice %arg10[%dma_wait3A_816, %dma_wait3A_817] : memref<512x128xf32, #tpu.memory_space<vmem>> -> memref<32x128xf32, #tpu.memory_space<vmem>>
      %dma_wait3A_819 = arith.constant 0 : i32
      %dma_wait3A_820 = arith.constant 0 : i32
      %dma_wait3A_821 = tpu.memref_slice %arg5[%dma_wait3A_819, %dma_wait3A_820] : memref<32x1000000xf32, #tpu.memory_space<hbm>> -> memref<32x128xf32, #tpu.memory_space<hbm>>
      %dma_wait3A_822 = arith.constant 0 : i32
      %dma_wait3A_823 = arith.constant 0 : i32
      %dma_wait3A_824 = tpu.memref_slice %arg10[%dma_wait3A_822, %dma_wait3A_823] : memref<512x128xf32, #tpu.memory_space<vmem>> -> memref<32x128xf32, #tpu.memory_space<vmem>>
      %dma_wait3A_825 = arith.constant 0 : i32
      %dma_wait3A_826 = arith.constant 0 : i32
      %dma_wait3A_827 = tpu.memref_slice %arg5[%dma_wait3A_825, %dma_wait3A_826] : memref<32x1000000xf32, #tpu.memory_space<hbm>> -> memref<32x128xf32, #tpu.memory_space<hbm>>
      tpu.wait_dma2 semaphore(%arg13 : memref<!tpu.dma_semaphore, #tpu.memory_space<semaphore_mem>>) src(%dma_wait3A_827 : memref<32x128xf32, #tpu.memory_space<hbm>>) dst(%dma_wait3A_824 : memref<32x128xf32, #tpu.memory_space<vmem>>)
      %dma_wait3A_828 = arith.constant 0 : i32
      %dma_wait3A_829 = arith.constant 0 : i32
      %dma_wait3A_830 = tpu.memref_slice %arg10[%dma_wait3A_828, %dma_wait3A_829] : memref<512x128xf32, #tpu.memory_space<vmem>> -> memref<32x128xf32, #tpu.memory_space<vmem>>
      %dma_wait3A_831 = arith.constant 0 : i32
      %dma_wait3A_832 = arith.constant 0 : i32
      %dma_wait3A_833 = tpu.memref_slice %arg5[%dma_wait3A_831, %dma_wait3A_832] : memref<32x1000000xf32, #tpu.memory_space<hbm>> -> memref<32x128xf32, #tpu.memory_space<hbm>>
      %dma_wait3A_834 = arith.constant 0 : i32
      %dma_wait3A_835 = arith.constant 0 : i32
      %dma_wait3A_836 = tpu.memref_slice %arg10[%dma_wait3A_834, %dma_wait3A_835] : memref<512x128xf32, #tpu.memory_space<vmem>> -> memref<32x128xf32, #tpu.memory_space<vmem>>
      %dma_wait3A_837 = arith.constant 0 : i32
      %dma_wait3A_838 = arith.constant 0 : i32
      %dma_wait3A_839 = tpu.memref_slice %arg5[%dma_wait3A_837, %dma_wait3A_838] : memref<32x1000000xf32, #tpu.memory_space<hbm>> -> memref<32x128xf32, #tpu.memory_space<hbm>>
      tpu.wait_dma2 semaphore(%arg13 : memref<!tpu.dma_semaphore, #tpu.memory_space<semaphore_mem>>) src(%dma_wait3A_839 : memref<32x128xf32, #tpu.memory_space<hbm>>) dst(%dma_wait3A_836 : memref<32x128xf32, #tpu.memory_space<vmem>>)
      %dma_wait3A_840 = arith.constant 0 : i32
      %dma_wait3A_841 = arith.constant 0 : i32
      %dma_wait3A_842 = tpu.memref_slice %arg10[%dma_wait3A_840, %dma_wait3A_841] : memref<512x128xf32, #tpu.memory_space<vmem>> -> memref<32x128xf32, #tpu.memory_space<vmem>>
      %dma_wait3A_843 = arith.constant 0 : i32
      %dma_wait3A_844 = arith.constant 0 : i32
      %dma_wait3A_845 = tpu.memref_slice %arg5[%dma_wait3A_843, %dma_wait3A_844] : memref<32x1000000xf32, #tpu.memory_space<hbm>> -> memref<32x128xf32, #tpu.memory_space<hbm>>
      %dma_wait3A_846 = arith.constant 0 : i32
      %dma_wait3A_847 = arith.constant 0 : i32
      %dma_wait3A_848 = tpu.memref_slice %arg10[%dma_wait3A_846, %dma_wait3A_847] : memref<512x128xf32, #tpu.memory_space<vmem>> -> memref<32x128xf32, #tpu.memory_space<vmem>>
      %dma_wait3A_849 = arith.constant 0 : i32
      %dma_wait3A_850 = arith.constant 0 : i32
      %dma_wait3A_851 = tpu.memref_slice %arg5[%dma_wait3A_849, %dma_wait3A_850] : memref<32x1000000xf32, #tpu.memory_space<hbm>> -> memref<32x128xf32, #tpu.memory_space<hbm>>
      tpu.wait_dma2 semaphore(%arg13 : memref<!tpu.dma_semaphore, #tpu.memory_space<semaphore_mem>>) src(%dma_wait3A_851 : memref<32x128xf32, #tpu.memory_space<hbm>>) dst(%dma_wait3A_848 : memref<32x128xf32, #tpu.memory_space<vmem>>)
      %slice3A_852 = vector.extract_strided_slice %get3A_567 {offsets = [4], sizes = [1], strides = [1]} : vector<16xi32> to vector<1xi32>
      %squeeze3A_853 = vector.extract %slice3A_852[0] : i32 from vector<1xi32>
      %and3A_854 = arith.constant 127 : i32
      %and3A_855 = arith.andi %squeeze3A_853, %and3A_854 : i32
      %broadcast_in_dim3A_856 = vector.broadcast %and3A_855 : i32 to vector<16xi32>
      %add3A_857 = arith.constant 4 : i32
      %add3A_858 = arith.addi %mul3A_565, %add3A_857 : i32
      %and3A_859 = arith.constant 127 : i32
      %and3A_860 = arith.andi %add3A_858, %and3A_859 : i32
      %broadcast_in_dim3A_861 = vector.broadcast %and3A_860 : i32 to vector<16xi32>
      %jit3A_862 = arith.constant 128 : i32
      %div3A_863 = arith.divsi %add3A_858, %jit3A_862 : i32
      %sign3A_864 = arith.constant 0 : i32
      %sign3A_865 = arith.cmpi sgt, %add3A_858, %sign3A_864 : i32
      %sign3A_866 = arith.extui %sign3A_865 : i1 to i32
      %sign3A_867 = arith.constant 0 : i32
      %sign3A_868 = arith.cmpi slt, %add3A_858, %sign3A_867 : i32
      %sign3A_869 = arith.extui %sign3A_868 : i1 to i32
      %sign3A_870 = arith.subi %sign3A_866, %sign3A_869 : i32
      %sign3A_871 = arith.constant 0 : i32
      %sign3A_872 = arith.cmpi sgt, %jit3A_862, %sign3A_871 : i32
      %sign3A_873 = arith.extui %sign3A_872 : i1 to i32
      %sign3A_874 = arith.constant 0 : i32
      %sign3A_875 = arith.cmpi slt, %jit3A_862, %sign3A_874 : i32
      %sign3A_876 = arith.extui %sign3A_875 : i1 to i32
      %sign3A_877 = arith.subi %sign3A_873, %sign3A_876 : i32
      %ne3A_878 = arith.cmpi ne, %sign3A_870, %sign3A_877 : i32
      %rem3A_879 = arith.remsi %add3A_858, %jit3A_862 : i32
      %ne3A_880 = arith.constant 0 : i32
      %ne3A_881 = arith.cmpi ne, %rem3A_879, %ne3A_880 : i32
      %and3A_882 = arith.andi %ne3A_878, %ne3A_881 : i1
      %sub3A_883 = arith.constant 1 : i32
      %sub3A_884 = arith.subi %div3A_863, %sub3A_883 : i32
      %select_n3A_885 = arith.select %and3A_882, %sub3A_884, %div3A_863 : i32
      %mul3A_886 = arith.constant 32 : i32
      %mul3A_887 = arith.muli %select_n3A_885, %mul3A_886 : i32
      %add3A_888 = arith.constant 128 : i32
      %add3A_889 = vector.broadcast %add3A_888 : i32 to vector<16xi32>
      %add3A_890 = arith.addi %iota3A, %add3A_889 : vector<16xi32>
      %gather3A_891 = tpu.vector_load_idx %arg10[%add3A_890, %broadcast_in_dim3A_856] : memref<512x128xf32, #tpu.memory_space<vmem>>[vector<16xi32>, vector<16xi32>], vector<16xf32>,
      %add3A_892 = vector.broadcast %mul3A_887 : i32 to vector<16xi32>
      %add3A_893 = arith.addi %iota3A, %add3A_892 : vector<16xi32>
      tpu.vector_store_idx %arg11[%add3A_893, %broadcast_in_dim3A_861], %gather3A_891 : memref<128x128xf32, #tpu.memory_space<vmem>>[vector<16xi32>, vector<16xi32>], vector<16xf32>,
      %add3A_894 = arith.constant 128 : i32
      %add3A_895 = vector.broadcast %add3A_894 : i32 to vector<16xi32>
      %add3A_896 = arith.addi %add3A_5, %add3A_895 : vector<16xi32>
      %gather3A_897 = tpu.vector_load_idx %arg10[%add3A_896, %broadcast_in_dim3A_856] : memref<512x128xf32, #tpu.memory_space<vmem>>[vector<16xi32>, vector<16xi32>], vector<16xf32>,
      %add3A_898 = vector.broadcast %mul3A_887 : i32 to vector<16xi32>
      %add3A_899 = arith.addi %add3A_5, %add3A_898 : vector<16xi32>
      tpu.vector_store_idx %arg11[%add3A_899, %broadcast_in_dim3A_861], %gather3A_897 : memref<128x128xf32, #tpu.memory_space<vmem>>[vector<16xi32>, vector<16xi32>], vector<16xf32>,
      %slice3A_900 = vector.extract_strided_slice %get3A_567 {offsets = [5], sizes = [1], strides = [1]} : vector<16xi32> to vector<1xi32>
      %squeeze3A_901 = vector.extract %slice3A_900[0] : i32 from vector<1xi32>
      %and3A_902 = arith.constant 127 : i32
      %and3A_903 = arith.andi %squeeze3A_901, %and3A_902 : i32
      %broadcast_in_dim3A_904 = vector.broadcast %and3A_903 : i32 to vector<16xi32>
      %add3A_905 = arith.constant 5 : i32
      %add3A_906 = arith.addi %mul3A_565, %add3A_905 : i32
      %and3A_907 = arith.constant 127 : i32
      %and3A_908 = arith.andi %add3A_906, %and3A_907 : i32
      %broadcast_in_dim3A_909 = vector.broadcast %and3A_908 : i32 to vector<16xi32>
      %jit3A_910 = arith.constant 128 : i32
      %div3A_911 = arith.divsi %add3A_906, %jit3A_910 : i32
      %sign3A_912 = arith.constant 0 : i32
      %sign3A_913 = arith.cmpi sgt, %add3A_906, %sign3A_912 : i32
      %sign3A_914 = arith.extui %sign3A_913 : i1 to i32
      %sign3A_915 = arith.constant 0 : i32
      %sign3A_916 = arith.cmpi slt, %add3A_906, %sign3A_915 : i32
      %sign3A_917 = arith.extui %sign3A_916 : i1 to i32
      %sign3A_918 = arith.subi %sign3A_914, %sign3A_917 : i32
      %sign3A_919 = arith.constant 0 : i32
      %sign3A_920 = arith.cmpi sgt, %jit3A_910, %sign3A_919 : i32
      %sign3A_921 = arith.extui %sign3A_920 : i1 to i32
      %sign3A_922 = arith.constant 0 : i32
      %sign3A_923 = arith.cmpi slt, %jit3A_910, %sign3A_922 : i32
      %sign3A_924 = arith.extui %sign3A_923 : i1 to i32
      %sign3A_925 = arith.subi %sign3A_921, %sign3A_924 : i32
      %ne3A_926 = arith.cmpi ne, %sign3A_918, %sign3A_925 : i32
      %rem3A_927 = arith.remsi %add3A_906, %jit3A_910 : i32
      %ne3A_928 = arith.constant 0 : i32
      %ne3A_929 = arith.cmpi ne, %rem3A_927, %ne3A_928 : i32
      %and3A_930 = arith.andi %ne3A_926, %ne3A_929 : i1
      %sub3A_931 = arith.constant 1 : i32
      %sub3A_932 = arith.subi %div3A_911, %sub3A_931 : i32
      %select_n3A_933 = arith.select %and3A_930, %sub3A_932, %div3A_911 : i32
      %mul3A_934 = arith.constant 32 : i32
      %mul3A_935 = arith.muli %select_n3A_933, %mul3A_934 : i32
      %add3A_936 = arith.constant 160 : i32
      %add3A_937 = vector.broadcast %add3A_936 : i32 to vector<16xi32>
      %add3A_938 = arith.addi %iota3A, %add3A_937 : vector<16xi32>
      %gather3A_939 = tpu.vector_load_idx %arg10[%add3A_938, %broadcast_in_dim3A_904] : memref<512x128xf32, #tpu.memory_space<vmem>>[vector<16xi32>, vector<16xi32>], vector<16xf32>,
      %add3A_940 = vector.broadcast %mul3A_935 : i32 to vector<16xi32>
      %add3A_941 = arith.addi %iota3A, %add3A_940 : vector<16xi32>
      tpu.vector_store_idx %arg11[%add3A_941, %broadcast_in_dim3A_909], %gather3A_939 : memref<128x128xf32, #tpu.memory_space<vmem>>[vector<16xi32>, vector<16xi32>], vector<16xf32>,
      %add3A_942 = arith.constant 160 : i32
      %add3A_943 = vector.broadcast %add3A_942 : i32 to vector<16xi32>
      %add3A_944 = arith.addi %add3A_5, %add3A_943 : vector<16xi32>
      %gather3A_945 = tpu.vector_load_idx %arg10[%add3A_944, %broadcast_in_dim3A_904] : memref<512x128xf32, #tpu.memory_space<vmem>>[vector<16xi32>, vector<16xi32>], vector<16xf32>,
      %add3A_946 = vector.broadcast %mul3A_935 : i32 to vector<16xi32>
      %add3A_947 = arith.addi %add3A_5, %add3A_946 : vector<16xi32>
      tpu.vector_store_idx %arg11[%add3A_947, %broadcast_in_dim3A_909], %gather3A_945 : memref<128x128xf32, #tpu.memory_space<vmem>>[vector<16xi32>, vector<16xi32>], vector<16xf32>,
      %slice3A_948 = vector.extract_strided_slice %get3A_567 {offsets = [6], sizes = [1], strides = [1]} : vector<16xi32> to vector<1xi32>
      %squeeze3A_949 = vector.extract %slice3A_948[0] : i32 from vector<1xi32>
      %and3A_950 = arith.constant 127 : i32
      %and3A_951 = arith.andi %squeeze3A_949, %and3A_950 : i32
      %broadcast_in_dim3A_952 = vector.broadcast %and3A_951 : i32 to vector<16xi32>
      %add3A_953 = arith.constant 6 : i32
      %add3A_954 = arith.addi %mul3A_565, %add3A_953 : i32
      %and3A_955 = arith.constant 127 : i32
      %and3A_956 = arith.andi %add3A_954, %and3A_955 : i32
      %broadcast_in_dim3A_957 = vector.broadcast %and3A_956 : i32 to vector<16xi32>
      %jit3A_958 = arith.constant 128 : i32
      %div3A_959 = arith.divsi %add3A_954, %jit3A_958 : i32
      %sign3A_960 = arith.constant 0 : i32
      %sign3A_961 = arith.cmpi sgt, %add3A_954, %sign3A_960 : i32
      %sign3A_962 = arith.extui %sign3A_961 : i1 to i32
      %sign3A_963 = arith.constant 0 : i32
      %sign3A_964 = arith.cmpi slt, %add3A_954, %sign3A_963 : i32
      %sign3A_965 = arith.extui %sign3A_964 : i1 to i32
      %sign3A_966 = arith.subi %sign3A_962, %sign3A_965 : i32
      %sign3A_967 = arith.constant 0 : i32
      %sign3A_968 = arith.cmpi sgt, %jit3A_958, %sign3A_967 : i32
      %sign3A_969 = arith.extui %sign3A_968 : i1 to i32
      %sign3A_970 = arith.constant 0 : i32
      %sign3A_971 = arith.cmpi slt, %jit3A_958, %sign3A_970 : i32
      %sign3A_972 = arith.extui %sign3A_971 : i1 to i32
      %sign3A_973 = arith.subi %sign3A_969, %sign3A_972 : i32
      %ne3A_974 = arith.cmpi ne, %sign3A_966, %sign3A_973 : i32
      %rem3A_975 = arith.remsi %add3A_954, %jit3A_958 : i32
      %ne3A_976 = arith.constant 0 : i32
      %ne3A_977 = arith.cmpi ne, %rem3A_975, %ne3A_976 : i32
      %and3A_978 = arith.andi %ne3A_974, %ne3A_977 : i1
      %sub3A_979 = arith.constant 1 : i32
      %sub3A_980 = arith.subi %div3A_959, %sub3A_979 : i32
      %select_n3A_981 = arith.select %and3A_978, %sub3A_980, %div3A_959 : i32
      %mul3A_982 = arith.constant 32 : i32
      %mul3A_983 = arith.muli %select_n3A_981, %mul3A_982 : i32
      %add3A_984 = arith.constant 192 : i32
      %add3A_985 = vector.broadcast %add3A_984 : i32 to vector<16xi32>
      %add3A_986 = arith.addi %iota3A, %add3A_985 : vector<16xi32>
      %gather3A_987 = tpu.vector_load_idx %arg10[%add3A_986, %broadcast_in_dim3A_952] : memref<512x128xf32, #tpu.memory_space<vmem>>[vector<16xi32>, vector<16xi32>], vector<16xf32>,
      %add3A_988 = vector.broadcast %mul3A_983 : i32 to vector<16xi32>
      %add3A_989 = arith.addi %iota3A, %add3A_988 : vector<16xi32>
      tpu.vector_store_idx %arg11[%add3A_989, %broadcast_in_dim3A_957], %gather3A_987 : memref<128x128xf32, #tpu.memory_space<vmem>>[vector<16xi32>, vector<16xi32>], vector<16xf32>,
      %add3A_990 = arith.constant 192 : i32
      %add3A_991 = vector.broadcast %add3A_990 : i32 to vector<16xi32>
      %add3A_992 = arith.addi %add3A_5, %add3A_991 : vector<16xi32>
      %gather3A_993 = tpu.vector_load_idx %arg10[%add3A_992, %broadcast_in_dim3A_952] : memref<512x128xf32, #tpu.memory_space<vmem>>[vector<16xi32>, vector<16xi32>], vector<16xf32>,
      %add3A_994 = vector.broadcast %mul3A_983 : i32 to vector<16xi32>
      %add3A_995 = arith.addi %add3A_5, %add3A_994 : vector<16xi32>
      tpu.vector_store_idx %arg11[%add3A_995, %broadcast_in_dim3A_957], %gather3A_993 : memref<128x128xf32, #tpu.memory_space<vmem>>[vector<16xi32>, vector<16xi32>], vector<16xf32>,
      %slice3A_996 = vector.extract_strided_slice %get3A_567 {offsets = [7], sizes = [1], strides = [1]} : vector<16xi32> to vector<1xi32>
      %squeeze3A_997 = vector.extract %slice3A_996[0] : i32 from vector<1xi32>
      %and3A_998 = arith.constant 127 : i32
      %and3A_999 = arith.andi %squeeze3A_997, %and3A_998 : i32
      %broadcast_in_dim3A_1000 = vector.broadcast %and3A_999 : i32 to vector<16xi32>
      %add3A_1001 = arith.constant 7 : i32
      %add3A_1002 = arith.addi %mul3A_565, %add3A_1001 : i32
      %and3A_1003 = arith.constant 127 : i32
      %and3A_1004 = arith.andi %add3A_1002, %and3A_1003 : i32
      %broadcast_in_dim3A_1005 = vector.broadcast %and3A_1004 : i32 to vector<16xi32>
      %jit3A_1006 = arith.constant 128 : i32
      %div3A_1007 = arith.divsi %add3A_1002, %jit3A_1006 : i32
      %sign3A_1008 = arith.constant 0 : i32
      %sign3A_1009 = arith.cmpi sgt, %add3A_1002, %sign3A_1008 : i32
      %sign3A_1010 = arith.extui %sign3A_1009 : i1 to i32
      %sign3A_1011 = arith.constant 0 : i32
      %sign3A_1012 = arith.cmpi slt, %add3A_1002, %sign3A_1011 : i32
      %sign3A_1013 = arith.extui %sign3A_1012 : i1 to i32
      %sign3A_1014 = arith.subi %sign3A_1010, %sign3A_1013 : i32
      %sign3A_1015 = arith.constant 0 : i32
      %sign3A_1016 = arith.cmpi sgt, %jit3A_1006, %sign3A_1015 : i32
      %sign3A_1017 = arith.extui %sign3A_1016 : i1 to i32
      %sign3A_1018 = arith.constant 0 : i32
      %sign3A_1019 = arith.cmpi slt, %jit3A_1006, %sign3A_1018 : i32
      %sign3A_1020 = arith.extui %sign3A_1019 : i1 to i32
      %sign3A_1021 = arith.subi %sign3A_1017, %sign3A_1020 : i32
      %ne3A_1022 = arith.cmpi ne, %sign3A_1014, %sign3A_1021 : i32
      %rem3A_1023 = arith.remsi %add3A_1002, %jit3A_1006 : i32
      %ne3A_1024 = arith.constant 0 : i32
      %ne3A_1025 = arith.cmpi ne, %rem3A_1023, %ne3A_1024 : i32
      %and3A_1026 = arith.andi %ne3A_1022, %ne3A_1025 : i1
      %sub3A_1027 = arith.constant 1 : i32
      %sub3A_1028 = arith.subi %div3A_1007, %sub3A_1027 : i32
      %select_n3A_1029 = arith.select %and3A_1026, %sub3A_1028, %div3A_1007 : i32
      %mul3A_1030 = arith.constant 32 : i32
      %mul3A_1031 = arith.muli %select_n3A_1029, %mul3A_1030 : i32
      %add3A_1032 = arith.constant 224 : i32
      %add3A_1033 = vector.broadcast %add3A_1032 : i32 to vector<16xi32>
      %add3A_1034 = arith.addi %iota3A, %add3A_1033 : vector<16xi32>
      %gather3A_1035 = tpu.vector_load_idx %arg10[%add3A_1034, %broadcast_in_dim3A_1000] : memref<512x128xf32, #tpu.memory_space<vmem>>[vector<16xi32>, vector<16xi32>], vector<16xf32>,
      %add3A_1036 = vector.broadcast %mul3A_1031 : i32 to vector<16xi32>
      %add3A_1037 = arith.addi %iota3A, %add3A_1036 : vector<16xi32>
      tpu.vector_store_idx %arg11[%add3A_1037, %broadcast_in_dim3A_1005], %gather3A_1035 : memref<128x128xf32, #tpu.memory_space<vmem>>[vector<16xi32>, vector<16xi32>], vector<16xf32>,
      %add3A_1038 = arith.constant 224 : i32
      %add3A_1039 = vector.broadcast %add3A_1038 : i32 to vector<16xi32>
      %add3A_1040 = arith.addi %add3A_5, %add3A_1039 : vector<16xi32>
      %gather3A_1041 = tpu.vector_load_idx %arg10[%add3A_1040, %broadcast_in_dim3A_1000] : memref<512x128xf32, #tpu.memory_space<vmem>>[vector<16xi32>, vector<16xi32>], vector<16xf32>,
      %add3A_1042 = vector.broadcast %mul3A_1031 : i32 to vector<16xi32>
      %add3A_1043 = arith.addi %add3A_5, %add3A_1042 : vector<16xi32>
      tpu.vector_store_idx %arg11[%add3A_1043, %broadcast_in_dim3A_1005], %gather3A_1041 : memref<128x128xf32, #tpu.memory_space<vmem>>[vector<16xi32>, vector<16xi32>], vector<16xf32>,
      %not3A_1044 = arith.constant true
      %not3A_1045 = arith.xori %eq3A_572, %not3A_1044 : i1
      %convert_element_type3A_1046 = arith.extui %not3A_1045 : i1 to i32
      %cond3A_1047 = arith.constant 0 : i32
      %cond3A_1048 = arith.cmpi ne, %convert_element_type3A_1046, %cond3A_1047 : i32
      scf.if %cond3A_1048 {
        %slice3A_1539 = vector.extract_strided_slice %get3A_571 {offsets = [4], sizes = [1], strides = [1]} : vector<16xi32> to vector<1xi32>
        %squeeze3A_1540 = vector.extract %slice3A_1539[0] : i32 from vector<1xi32>
        %shift_right_arithmetic3A_1541 = arith.constant 7 : i32
        %shift_right_arithmetic3A_1542 = arith.shrsi %squeeze3A_1540, %shift_right_arithmetic3A_1541 : i32
        %mul3A_1543 = arith.constant 128 : i32
        %mul3A_1544 = arith.muli %shift_right_arithmetic3A_1542, %mul3A_1543 : i32
        %multiple_of3A_1545 = tpu.assume_multiple %mul3A_1544, 128 : i32
        %dma_start3A_1546 = arith.constant 128 : i32
        %dma_start3A_1547 = arith.constant 0 : i32
        %dma_start3A_1548 = tpu.memref_slice %arg10[%dma_start3A_1546, %dma_start3A_1547] : memref<512x128xf32, #tpu.memory_space<vmem>> -> memref<32x128xf32, #tpu.memory_space<vmem>>
        %dma_start3A_1549 = arith.constant 0 : i32
        %dma_start3A_1550 = tpu.memref_slice %arg5[%dma_start3A_1549, %multiple_of3A_1545] : memref<32x1000000xf32, #tpu.memory_space<hbm>> -> memref<32x128xf32, #tpu.memory_space<hbm>>
        %dma_start3A_1551 = arith.constant 128 : i32
        %dma_start3A_1552 = arith.constant 0 : i32
        %dma_start3A_1553 = tpu.memref_slice %arg10[%dma_start3A_1551, %dma_start3A_1552] : memref<512x128xf32, #tpu.memory_space<vmem>> -> memref<32x128xf32, #tpu.memory_space<vmem>>
        %dma_start3A_1554 = arith.constant 0 : i32
        %dma_start3A_1555 = tpu.memref_slice %arg5[%dma_start3A_1554, %multiple_of3A_1545] : memref<32x1000000xf32, #tpu.memory_space<hbm>> -> memref<32x128xf32, #tpu.memory_space<hbm>>
        tpu.enqueue_dma source(%dma_start3A_1555 : memref<32x128xf32, #tpu.memory_space<hbm>>) target(%dma_start3A_1553 : memref<32x128xf32, #tpu.memory_space<vmem>>) target_semaphore(%arg13 : memref<!tpu.dma_semaphore, #tpu.memory_space<semaphore_mem>>)
        %slice3A_1556 = vector.extract_strided_slice %get3A_571 {offsets = [5], sizes = [1], strides = [1]} : vector<16xi32> to vector<1xi32>
        %squeeze3A_1557 = vector.extract %slice3A_1556[0] : i32 from vector<1xi32>
        %shift_right_arithmetic3A_1558 = arith.constant 7 : i32
        %shift_right_arithmetic3A_1559 = arith.shrsi %squeeze3A_1557, %shift_right_arithmetic3A_1558 : i32
        %mul3A_1560 = arith.constant 128 : i32
        %mul3A_1561 = arith.muli %shift_right_arithmetic3A_1559, %mul3A_1560 : i32
        %multiple_of3A_1562 = tpu.assume_multiple %mul3A_1561, 128 : i32
        %dma_start3A_1563 = arith.constant 160 : i32
        %dma_start3A_1564 = arith.constant 0 : i32
        %dma_start3A_1565 = tpu.memref_slice %arg10[%dma_start3A_1563, %dma_start3A_1564] : memref<512x128xf32, #tpu.memory_space<vmem>> -> memref<32x128xf32, #tpu.memory_space<vmem>>
        %dma_start3A_1566 = arith.constant 0 : i32
        %dma_start3A_1567 = tpu.memref_slice %arg5[%dma_start3A_1566, %multiple_of3A_1562] : memref<32x1000000xf32, #tpu.memory_space<hbm>> -> memref<32x128xf32, #tpu.memory_space<hbm>>
        %dma_start3A_1568 = arith.constant 160 : i32
        %dma_start3A_1569 = arith.constant 0 : i32
        %dma_start3A_1570 = tpu.memref_slice %arg10[%dma_start3A_1568, %dma_start3A_1569] : memref<512x128xf32, #tpu.memory_space<vmem>> -> memref<32x128xf32, #tpu.memory_space<vmem>>
        %dma_start3A_1571 = arith.constant 0 : i32
        %dma_start3A_1572 = tpu.memref_slice %arg5[%dma_start3A_1571, %multiple_of3A_1562] : memref<32x1000000xf32, #tpu.memory_space<hbm>> -> memref<32x128xf32, #tpu.memory_space<hbm>>
        tpu.enqueue_dma source(%dma_start3A_1572 : memref<32x128xf32, #tpu.memory_space<hbm>>) target(%dma_start3A_1570 : memref<32x128xf32, #tpu.memory_space<vmem>>) target_semaphore(%arg13 : memref<!tpu.dma_semaphore, #tpu.memory_space<semaphore_mem>>)
        %slice3A_1573 = vector.extract_strided_slice %get3A_571 {offsets = [6], sizes = [1], strides = [1]} : vector<16xi32> to vector<1xi32>
        %squeeze3A_1574 = vector.extract %slice3A_1573[0] : i32 from vector<1xi32>
        %shift_right_arithmetic3A_1575 = arith.constant 7 : i32
        %shift_right_arithmetic3A_1576 = arith.shrsi %squeeze3A_1574, %shift_right_arithmetic3A_1575 : i32
        %mul3A_1577 = arith.constant 128 : i32
        %mul3A_1578 = arith.muli %shift_right_arithmetic3A_1576, %mul3A_1577 : i32
        %multiple_of3A_1579 = tpu.assume_multiple %mul3A_1578, 128 : i32
        %dma_start3A_1580 = arith.constant 192 : i32
        %dma_start3A_1581 = arith.constant 0 : i32
        %dma_start3A_1582 = tpu.memref_slice %arg10[%dma_start3A_1580, %dma_start3A_1581] : memref<512x128xf32, #tpu.memory_space<vmem>> -> memref<32x128xf32, #tpu.memory_space<vmem>>
        %dma_start3A_1583 = arith.constant 0 : i32
        %dma_start3A_1584 = tpu.memref_slice %arg5[%dma_start3A_1583, %multiple_of3A_1579] : memref<32x1000000xf32, #tpu.memory_space<hbm>> -> memref<32x128xf32, #tpu.memory_space<hbm>>
        %dma_start3A_1585 = arith.constant 192 : i32
        %dma_start3A_1586 = arith.constant 0 : i32
        %dma_start3A_1587 = tpu.memref_slice %arg10[%dma_start3A_1585, %dma_start3A_1586] : memref<512x128xf32, #tpu.memory_space<vmem>> -> memref<32x128xf32, #tpu.memory_space<vmem>>
        %dma_start3A_1588 = arith.constant 0 : i32
        %dma_start3A_1589 = tpu.memref_slice %arg5[%dma_start3A_1588, %multiple_of3A_1579] : memref<32x1000000xf32, #tpu.memory_space<hbm>> -> memref<32x128xf32, #tpu.memory_space<hbm>>
        tpu.enqueue_dma source(%dma_start3A_1589 : memref<32x128xf32, #tpu.memory_space<hbm>>) target(%dma_start3A_1587 : memref<32x128xf32, #tpu.memory_space<vmem>>) target_semaphore(%arg13 : memref<!tpu.dma_semaphore, #tpu.memory_space<semaphore_mem>>)
        %slice3A_1590 = vector.extract_strided_slice %get3A_571 {offsets = [7], sizes = [1], strides = [1]} : vector<16xi32> to vector<1xi32>
        %squeeze3A_1591 = vector.extract %slice3A_1590[0] : i32 from vector<1xi32>
        %shift_right_arithmetic3A_1592 = arith.constant 7 : i32
        %shift_right_arithmetic3A_1593 = arith.shrsi %squeeze3A_1591, %shift_right_arithmetic3A_1592 : i32
        %mul3A_1594 = arith.constant 128 : i32
        %mul3A_1595 = arith.muli %shift_right_arithmetic3A_1593, %mul3A_1594 : i32
        %multiple_of3A_1596 = tpu.assume_multiple %mul3A_1595, 128 : i32
        %dma_start3A_1597 = arith.constant 224 : i32
        %dma_start3A_1598 = arith.constant 0 : i32
        %dma_start3A_1599 = tpu.memref_slice %arg10[%dma_start3A_1597, %dma_start3A_1598] : memref<512x128xf32, #tpu.memory_space<vmem>> -> memref<32x128xf32, #tpu.memory_space<vmem>>
        %dma_start3A_1600 = arith.constant 0 : i32
        %dma_start3A_1601 = tpu.memref_slice %arg5[%dma_start3A_1600, %multiple_of3A_1596] : memref<32x1000000xf32, #tpu.memory_space<hbm>> -> memref<32x128xf32, #tpu.memory_space<hbm>>
        %dma_start3A_1602 = arith.constant 224 : i32
        %dma_start3A_1603 = arith.constant 0 : i32
        %dma_start3A_1604 = tpu.memref_slice %arg10[%dma_start3A_1602, %dma_start3A_1603] : memref<512x128xf32, #tpu.memory_space<vmem>> -> memref<32x128xf32, #tpu.memory_space<vmem>>
        %dma_start3A_1605 = arith.constant 0 : i32
        %dma_start3A_1606 = tpu.memref_slice %arg5[%dma_start3A_1605, %multiple_of3A_1596] : memref<32x1000000xf32, #tpu.memory_space<hbm>> -> memref<32x128xf32, #tpu.memory_space<hbm>>
        tpu.enqueue_dma source(%dma_start3A_1606 : memref<32x128xf32, #tpu.memory_space<hbm>>) target(%dma_start3A_1604 : memref<32x128xf32, #tpu.memory_space<vmem>>) target_semaphore(%arg13 : memref<!tpu.dma_semaphore, #tpu.memory_space<semaphore_mem>>)
      } else {
      }
      %dma_wait3A_1049 = arith.constant 0 : i32
      %dma_wait3A_1050 = arith.constant 0 : i32
      %dma_wait3A_1051 = tpu.memref_slice %arg10[%dma_wait3A_1049, %dma_wait3A_1050] : memref<512x128xf32, #tpu.memory_space<vmem>> -> memref<32x128xf32, #tpu.memory_space<vmem>>
      %dma_wait3A_1052 = arith.constant 0 : i32
      %dma_wait3A_1053 = arith.constant 0 : i32
      %dma_wait3A_1054 = tpu.memref_slice %arg5[%dma_wait3A_1052, %dma_wait3A_1053] : memref<32x1000000xf32, #tpu.memory_space<hbm>> -> memref<32x128xf32, #tpu.memory_space<hbm>>
      %dma_wait3A_1055 = arith.constant 0 : i32
      %dma_wait3A_1056 = arith.constant 0 : i32
      %dma_wait3A_1057 = tpu.memref_slice %arg10[%dma_wait3A_1055, %dma_wait3A_1056] : memref<512x128xf32, #tpu.memory_space<vmem>> -> memref<32x128xf32, #tpu.memory_space<vmem>>
      %dma_wait3A_1058 = arith.constant 0 : i32
      %dma_wait3A_1059 = arith.constant 0 : i32
      %dma_wait3A_1060 = tpu.memref_slice %arg5[%dma_wait3A_1058, %dma_wait3A_1059] : memref<32x1000000xf32, #tpu.memory_space<hbm>> -> memref<32x128xf32, #tpu.memory_space<hbm>>
      tpu.wait_dma2 semaphore(%arg14 : memref<!tpu.dma_semaphore, #tpu.memory_space<semaphore_mem>>) src(%dma_wait3A_1060 : memref<32x128xf32, #tpu.memory_space<hbm>>) dst(%dma_wait3A_1057 : memref<32x128xf32, #tpu.memory_space<vmem>>)
      %dma_wait3A_1061 = arith.constant 0 : i32
      %dma_wait3A_1062 = arith.constant 0 : i32
      %dma_wait3A_1063 = tpu.memref_slice %arg10[%dma_wait3A_1061, %dma_wait3A_1062] : memref<512x128xf32, #tpu.memory_space<vmem>> -> memref<32x128xf32, #tpu.memory_space<vmem>>
      %dma_wait3A_1064 = arith.constant 0 : i32
      %dma_wait3A_1065 = arith.constant 0 : i32
      %dma_wait3A_1066 = tpu.memref_slice %arg5[%dma_wait3A_1064, %dma_wait3A_1065] : memref<32x1000000xf32, #tpu.memory_space<hbm>> -> memref<32x128xf32, #tpu.memory_space<hbm>>
      %dma_wait3A_1067 = arith.constant 0 : i32
      %dma_wait3A_1068 = arith.constant 0 : i32
      %dma_wait3A_1069 = tpu.memref_slice %arg10[%dma_wait3A_1067, %dma_wait3A_1068] : memref<512x128xf32, #tpu.memory_space<vmem>> -> memref<32x128xf32, #tpu.memory_space<vmem>>
      %dma_wait3A_1070 = arith.constant 0 : i32
      %dma_wait3A_1071 = arith.constant 0 : i32
      %dma_wait3A_1072 = tpu.memref_slice %arg5[%dma_wait3A_1070, %dma_wait3A_1071] : memref<32x1000000xf32, #tpu.memory_space<hbm>> -> memref<32x128xf32, #tpu.memory_space<hbm>>
      tpu.wait_dma2 semaphore(%arg14 : memref<!tpu.dma_semaphore, #tpu.memory_space<semaphore_mem>>) src(%dma_wait3A_1072 : memref<32x128xf32, #tpu.memory_space<hbm>>) dst(%dma_wait3A_1069 : memref<32x128xf32, #tpu.memory_space<vmem>>)
      %dma_wait3A_1073 = arith.constant 0 : i32
      %dma_wait3A_1074 = arith.constant 0 : i32
      %dma_wait3A_1075 = tpu.memref_slice %arg10[%dma_wait3A_1073, %dma_wait3A_1074] : memref<512x128xf32, #tpu.memory_space<vmem>> -> memref<32x128xf32, #tpu.memory_space<vmem>>
      %dma_wait3A_1076 = arith.constant 0 : i32
      %dma_wait3A_1077 = arith.constant 0 : i32
      %dma_wait3A_1078 = tpu.memref_slice %arg5[%dma_wait3A_1076, %dma_wait3A_1077] : memref<32x1000000xf32, #tpu.memory_space<hbm>> -> memref<32x128xf32, #tpu.memory_space<hbm>>
      %dma_wait3A_1079 = arith.constant 0 : i32
      %dma_wait3A_1080 = arith.constant 0 : i32
      %dma_wait3A_1081 = tpu.memref_slice %arg10[%dma_wait3A_1079, %dma_wait3A_1080] : memref<512x128xf32, #tpu.memory_space<vmem>> -> memref<32x128xf32, #tpu.memory_space<vmem>>
      %dma_wait3A_1082 = arith.constant 0 : i32
      %dma_wait3A_1083 = arith.constant 0 : i32
      %dma_wait3A_1084 = tpu.memref_slice %arg5[%dma_wait3A_1082, %dma_wait3A_1083] : memref<32x1000000xf32, #tpu.memory_space<hbm>> -> memref<32x128xf32, #tpu.memory_space<hbm>>
      tpu.wait_dma2 semaphore(%arg14 : memref<!tpu.dma_semaphore, #tpu.memory_space<semaphore_mem>>) src(%dma_wait3A_1084 : memref<32x128xf32, #tpu.memory_space<hbm>>) dst(%dma_wait3A_1081 : memref<32x128xf32, #tpu.memory_space<vmem>>)
      %dma_wait3A_1085 = arith.constant 0 : i32
      %dma_wait3A_1086 = arith.constant 0 : i32
      %dma_wait3A_1087 = tpu.memref_slice %arg10[%dma_wait3A_1085, %dma_wait3A_1086] : memref<512x128xf32, #tpu.memory_space<vmem>> -> memref<32x128xf32, #tpu.memory_space<vmem>>
      %dma_wait3A_1088 = arith.constant 0 : i32
      %dma_wait3A_1089 = arith.constant 0 : i32
      %dma_wait3A_1090 = tpu.memref_slice %arg5[%dma_wait3A_1088, %dma_wait3A_1089] : memref<32x1000000xf32, #tpu.memory_space<hbm>> -> memref<32x128xf32, #tpu.memory_space<hbm>>
      %dma_wait3A_1091 = arith.constant 0 : i32
      %dma_wait3A_1092 = arith.constant 0 : i32
      %dma_wait3A_1093 = tpu.memref_slice %arg10[%dma_wait3A_1091, %dma_wait3A_1092] : memref<512x128xf32, #tpu.memory_space<vmem>> -> memref<32x128xf32, #tpu.memory_space<vmem>>
      %dma_wait3A_1094 = arith.constant 0 : i32
      %dma_wait3A_1095 = arith.constant 0 : i32
      %dma_wait3A_1096 = tpu.memref_slice %arg5[%dma_wait3A_1094, %dma_wait3A_1095] : memref<32x1000000xf32, #tpu.memory_space<hbm>> -> memref<32x128xf32, #tpu.memory_space<hbm>>
      tpu.wait_dma2 semaphore(%arg14 : memref<!tpu.dma_semaphore, #tpu.memory_space<semaphore_mem>>) src(%dma_wait3A_1096 : memref<32x128xf32, #tpu.memory_space<hbm>>) dst(%dma_wait3A_1093 : memref<32x128xf32, #tpu.memory_space<vmem>>)
      %slice3A_1097 = vector.extract_strided_slice %get3A_567 {offsets = [8], sizes = [1], strides = [1]} : vector<16xi32> to vector<1xi32>
      %squeeze3A_1098 = vector.extract %slice3A_1097[0] : i32 from vector<1xi32>
      %and3A_1099 = arith.constant 127 : i32
      %and3A_1100 = arith.andi %squeeze3A_1098, %and3A_1099 : i32
      %broadcast_in_dim3A_1101 = vector.broadcast %and3A_1100 : i32 to vector<16xi32>
      %add3A_1102 = arith.constant 8 : i32
      %add3A_1103 = arith.addi %mul3A_565, %add3A_1102 : i32
      %and3A_1104 = arith.constant 127 : i32
      %and3A_1105 = arith.andi %add3A_1103, %and3A_1104 : i32
      %broadcast_in_dim3A_1106 = vector.broadcast %and3A_1105 : i32 to vector<16xi32>
      %jit3A_1107 = arith.constant 128 : i32
      %div3A_1108 = arith.divsi %add3A_1103, %jit3A_1107 : i32
      %sign3A_1109 = arith.constant 0 : i32
      %sign3A_1110 = arith.cmpi sgt, %add3A_1103, %sign3A_1109 : i32
      %sign3A_1111 = arith.extui %sign3A_1110 : i1 to i32
      %sign3A_1112 = arith.constant 0 : i32
      %sign3A_1113 = arith.cmpi slt, %add3A_1103, %sign3A_1112 : i32
      %sign3A_1114 = arith.extui %sign3A_1113 : i1 to i32
      %sign3A_1115 = arith.subi %sign3A_1111, %sign3A_1114 : i32
      %sign3A_1116 = arith.constant 0 : i32
      %sign3A_1117 = arith.cmpi sgt, %jit3A_1107, %sign3A_1116 : i32
      %sign3A_1118 = arith.extui %sign3A_1117 : i1 to i32
      %sign3A_1119 = arith.constant 0 : i32
      %sign3A_1120 = arith.cmpi slt, %jit3A_1107, %sign3A_1119 : i32
      %sign3A_1121 = arith.extui %sign3A_1120 : i1 to i32
      %sign3A_1122 = arith.subi %sign3A_1118, %sign3A_1121 : i32
      %ne3A_1123 = arith.cmpi ne, %sign3A_1115, %sign3A_1122 : i32
      %rem3A_1124 = arith.remsi %add3A_1103, %jit3A_1107 : i32
      %ne3A_1125 = arith.constant 0 : i32
      %ne3A_1126 = arith.cmpi ne, %rem3A_1124, %ne3A_1125 : i32
      %and3A_1127 = arith.andi %ne3A_1123, %ne3A_1126 : i1
      %sub3A_1128 = arith.constant 1 : i32
      %sub3A_1129 = arith.subi %div3A_1108, %sub3A_1128 : i32
      %select_n3A_1130 = arith.select %and3A_1127, %sub3A_1129, %div3A_1108 : i32
      %mul3A_1131 = arith.constant 32 : i32
      %mul3A_1132 = arith.muli %select_n3A_1130, %mul3A_1131 : i32
      %add3A_1133 = arith.constant 256 : i32
      %add3A_1134 = vector.broadcast %add3A_1133 : i32 to vector<16xi32>
      %add3A_1135 = arith.addi %iota3A, %add3A_1134 : vector<16xi32>
      %gather3A_1136 = tpu.vector_load_idx %arg10[%add3A_1135, %broadcast_in_dim3A_1101] : memref<512x128xf32, #tpu.memory_space<vmem>>[vector<16xi32>, vector<16xi32>], vector<16xf32>,
      %add3A_1137 = vector.broadcast %mul3A_1132 : i32 to vector<16xi32>
      %add3A_1138 = arith.addi %iota3A, %add3A_1137 : vector<16xi32>
      tpu.vector_store_idx %arg11[%add3A_1138, %broadcast_in_dim3A_1106], %gather3A_1136 : memref<128x128xf32, #tpu.memory_space<vmem>>[vector<16xi32>, vector<16xi32>], vector<16xf32>,
      %add3A_1139 = arith.constant 256 : i32
      %add3A_1140 = vector.broadcast %add3A_1139 : i32 to vector<16xi32>
      %add3A_1141 = arith.addi %add3A_5, %add3A_1140 : vector<16xi32>
      %gather3A_1142 = tpu.vector_load_idx %arg10[%add3A_1141, %broadcast_in_dim3A_1101] : memref<512x128xf32, #tpu.memory_space<vmem>>[vector<16xi32>, vector<16xi32>], vector<16xf32>,
      %add3A_1143 = vector.broadcast %mul3A_1132 : i32 to vector<16xi32>
      %add3A_1144 = arith.addi %add3A_5, %add3A_1143 : vector<16xi32>
      tpu.vector_store_idx %arg11[%add3A_1144, %broadcast_in_dim3A_1106], %gather3A_1142 : memref<128x128xf32, #tpu.memory_space<vmem>>[vector<16xi32>, vector<16xi32>], vector<16xf32>,
      %slice3A_1145 = vector.extract_strided_slice %get3A_567 {offsets = [9], sizes = [1], strides = [1]} : vector<16xi32> to vector<1xi32>
      %squeeze3A_1146 = vector.extract %slice3A_1145[0] : i32 from vector<1xi32>
      %and3A_1147 = arith.constant 127 : i32
      %and3A_1148 = arith.andi %squeeze3A_1146, %and3A_1147 : i32
      %broadcast_in_dim3A_1149 = vector.broadcast %and3A_1148 : i32 to vector<16xi32>
      %add3A_1150 = arith.constant 9 : i32
      %add3A_1151 = arith.addi %mul3A_565, %add3A_1150 : i32
      %and3A_1152 = arith.constant 127 : i32
      %and3A_1153 = arith.andi %add3A_1151, %and3A_1152 : i32
      %broadcast_in_dim3A_1154 = vector.broadcast %and3A_1153 : i32 to vector<16xi32>
      %jit3A_1155 = arith.constant 128 : i32
      %div3A_1156 = arith.divsi %add3A_1151, %jit3A_1155 : i32
      %sign3A_1157 = arith.constant 0 : i32
      %sign3A_1158 = arith.cmpi sgt, %add3A_1151, %sign3A_1157 : i32
      %sign3A_1159 = arith.extui %sign3A_1158 : i1 to i32
      %sign3A_1160 = arith.constant 0 : i32
      %sign3A_1161 = arith.cmpi slt, %add3A_1151, %sign3A_1160 : i32
      %sign3A_1162 = arith.extui %sign3A_1161 : i1 to i32
      %sign3A_1163 = arith.subi %sign3A_1159, %sign3A_1162 : i32
      %sign3A_1164 = arith.constant 0 : i32
      %sign3A_1165 = arith.cmpi sgt, %jit3A_1155, %sign3A_1164 : i32
      %sign3A_1166 = arith.extui %sign3A_1165 : i1 to i32
      %sign3A_1167 = arith.constant 0 : i32
      %sign3A_1168 = arith.cmpi slt, %jit3A_1155, %sign3A_1167 : i32
      %sign3A_1169 = arith.extui %sign3A_1168 : i1 to i32
      %sign3A_1170 = arith.subi %sign3A_1166, %sign3A_1169 : i32
      %ne3A_1171 = arith.cmpi ne, %sign3A_1163, %sign3A_1170 : i32
      %rem3A_1172 = arith.remsi %add3A_1151, %jit3A_1155 : i32
      %ne3A_1173 = arith.constant 0 : i32
      %ne3A_1174 = arith.cmpi ne, %rem3A_1172, %ne3A_1173 : i32
      %and3A_1175 = arith.andi %ne3A_1171, %ne3A_1174 : i1
      %sub3A_1176 = arith.constant 1 : i32
      %sub3A_1177 = arith.subi %div3A_1156, %sub3A_1176 : i32
      %select_n3A_1178 = arith.select %and3A_1175, %sub3A_1177, %div3A_1156 : i32
      %mul3A_1179 = arith.constant 32 : i32
      %mul3A_1180 = arith.muli %select_n3A_1178, %mul3A_1179 : i32
      %add3A_1181 = arith.constant 288 : i32
      %add3A_1182 = vector.broadcast %add3A_1181 : i32 to vector<16xi32>
      %add3A_1183 = arith.addi %iota3A, %add3A_1182 : vector<16xi32>
      %gather3A_1184 = tpu.vector_load_idx %arg10[%add3A_1183, %broadcast_in_dim3A_1149] : memref<512x128xf32, #tpu.memory_space<vmem>>[vector<16xi32>, vector<16xi32>], vector<16xf32>,
      %add3A_1185 = vector.broadcast %mul3A_1180 : i32 to vector<16xi32>
      %add3A_1186 = arith.addi %iota3A, %add3A_1185 : vector<16xi32>
      tpu.vector_store_idx %arg11[%add3A_1186, %broadcast_in_dim3A_1154], %gather3A_1184 : memref<128x128xf32, #tpu.memory_space<vmem>>[vector<16xi32>, vector<16xi32>], vector<16xf32>,
      %add3A_1187 = arith.constant 288 : i32
      %add3A_1188 = vector.broadcast %add3A_1187 : i32 to vector<16xi32>
      %add3A_1189 = arith.addi %add3A_5, %add3A_1188 : vector<16xi32>
      %gather3A_1190 = tpu.vector_load_idx %arg10[%add3A_1189, %broadcast_in_dim3A_1149] : memref<512x128xf32, #tpu.memory_space<vmem>>[vector<16xi32>, vector<16xi32>], vector<16xf32>,
      %add3A_1191 = vector.broadcast %mul3A_1180 : i32 to vector<16xi32>
      %add3A_1192 = arith.addi %add3A_5, %add3A_1191 : vector<16xi32>
      tpu.vector_store_idx %arg11[%add3A_1192, %broadcast_in_dim3A_1154], %gather3A_1190 : memref<128x128xf32, #tpu.memory_space<vmem>>[vector<16xi32>, vector<16xi32>], vector<16xf32>,
      %slice3A_1193 = vector.extract_strided_slice %get3A_567 {offsets = [10], sizes = [1], strides = [1]} : vector<16xi32> to vector<1xi32>
      %squeeze3A_1194 = vector.extract %slice3A_1193[0] : i32 from vector<1xi32>
      %and3A_1195 = arith.constant 127 : i32
      %and3A_1196 = arith.andi %squeeze3A_1194, %and3A_1195 : i32
      %broadcast_in_dim3A_1197 = vector.broadcast %and3A_1196 : i32 to vector<16xi32>
      %add3A_1198 = arith.constant 10 : i32
      %add3A_1199 = arith.addi %mul3A_565, %add3A_1198 : i32
      %and3A_1200 = arith.constant 127 : i32
      %and3A_1201 = arith.andi %add3A_1199, %and3A_1200 : i32
      %broadcast_in_dim3A_1202 = vector.broadcast %and3A_1201 : i32 to vector<16xi32>
      %jit3A_1203 = arith.constant 128 : i32
      %div3A_1204 = arith.divsi %add3A_1199, %jit3A_1203 : i32
      %sign3A_1205 = arith.constant 0 : i32
      %sign3A_1206 = arith.cmpi sgt, %add3A_1199, %sign3A_1205 : i32
      %sign3A_1207 = arith.extui %sign3A_1206 : i1 to i32
      %sign3A_1208 = arith.constant 0 : i32
      %sign3A_1209 = arith.cmpi slt, %add3A_1199, %sign3A_1208 : i32
      %sign3A_1210 = arith.extui %sign3A_1209 : i1 to i32
      %sign3A_1211 = arith.subi %sign3A_1207, %sign3A_1210 : i32
      %sign3A_1212 = arith.constant 0 : i32
      %sign3A_1213 = arith.cmpi sgt, %jit3A_1203, %sign3A_1212 : i32
      %sign3A_1214 = arith.extui %sign3A_1213 : i1 to i32
      %sign3A_1215 = arith.constant 0 : i32
      %sign3A_1216 = arith.cmpi slt, %jit3A_1203, %sign3A_1215 : i32
      %sign3A_1217 = arith.extui %sign3A_1216 : i1 to i32
      %sign3A_1218 = arith.subi %sign3A_1214, %sign3A_1217 : i32
      %ne3A_1219 = arith.cmpi ne, %sign3A_1211, %sign3A_1218 : i32
      %rem3A_1220 = arith.remsi %add3A_1199, %jit3A_1203 : i32
      %ne3A_1221 = arith.constant 0 : i32
      %ne3A_1222 = arith.cmpi ne, %rem3A_1220, %ne3A_1221 : i32
      %and3A_1223 = arith.andi %ne3A_1219, %ne3A_1222 : i1
      %sub3A_1224 = arith.constant 1 : i32
      %sub3A_1225 = arith.subi %div3A_1204, %sub3A_1224 : i32
      %select_n3A_1226 = arith.select %and3A_1223, %sub3A_1225, %div3A_1204 : i32
      %mul3A_1227 = arith.constant 32 : i32
      %mul3A_1228 = arith.muli %select_n3A_1226, %mul3A_1227 : i32
      %add3A_1229 = arith.constant 320 : i32
      %add3A_1230 = vector.broadcast %add3A_1229 : i32 to vector<16xi32>
      %add3A_1231 = arith.addi %iota3A, %add3A_1230 : vector<16xi32>
      %gather3A_1232 = tpu.vector_load_idx %arg10[%add3A_1231, %broadcast_in_dim3A_1197] : memref<512x128xf32, #tpu.memory_space<vmem>>[vector<16xi32>, vector<16xi32>], vector<16xf32>,
      %add3A_1233 = vector.broadcast %mul3A_1228 : i32 to vector<16xi32>
      %add3A_1234 = arith.addi %iota3A, %add3A_1233 : vector<16xi32>
      tpu.vector_store_idx %arg11[%add3A_1234, %broadcast_in_dim3A_1202], %gather3A_1232 : memref<128x128xf32, #tpu.memory_space<vmem>>[vector<16xi32>, vector<16xi32>], vector<16xf32>,
      %add3A_1235 = arith.constant 320 : i32
      %add3A_1236 = vector.broadcast %add3A_1235 : i32 to vector<16xi32>
      %add3A_1237 = arith.addi %add3A_5, %add3A_1236 : vector<16xi32>
      %gather3A_1238 = tpu.vector_load_idx %arg10[%add3A_1237, %broadcast_in_dim3A_1197] : memref<512x128xf32, #tpu.memory_space<vmem>>[vector<16xi32>, vector<16xi32>], vector<16xf32>,
      %add3A_1239 = vector.broadcast %mul3A_1228 : i32 to vector<16xi32>
      %add3A_1240 = arith.addi %add3A_5, %add3A_1239 : vector<16xi32>
      tpu.vector_store_idx %arg11[%add3A_1240, %broadcast_in_dim3A_1202], %gather3A_1238 : memref<128x128xf32, #tpu.memory_space<vmem>>[vector<16xi32>, vector<16xi32>], vector<16xf32>,
      %slice3A_1241 = vector.extract_strided_slice %get3A_567 {offsets = [11], sizes = [1], strides = [1]} : vector<16xi32> to vector<1xi32>
      %squeeze3A_1242 = vector.extract %slice3A_1241[0] : i32 from vector<1xi32>
      %and3A_1243 = arith.constant 127 : i32
      %and3A_1244 = arith.andi %squeeze3A_1242, %and3A_1243 : i32
      %broadcast_in_dim3A_1245 = vector.broadcast %and3A_1244 : i32 to vector<16xi32>
      %add3A_1246 = arith.constant 11 : i32
      %add3A_1247 = arith.addi %mul3A_565, %add3A_1246 : i32
      %and3A_1248 = arith.constant 127 : i32
      %and3A_1249 = arith.andi %add3A_1247, %and3A_1248 : i32
      %broadcast_in_dim3A_1250 = vector.broadcast %and3A_1249 : i32 to vector<16xi32>
      %jit3A_1251 = arith.constant 128 : i32
      %div3A_1252 = arith.divsi %add3A_1247, %jit3A_1251 : i32
      %sign3A_1253 = arith.constant 0 : i32
      %sign3A_1254 = arith.cmpi sgt, %add3A_1247, %sign3A_1253 : i32
      %sign3A_1255 = arith.extui %sign3A_1254 : i1 to i32
      %sign3A_1256 = arith.constant 0 : i32
      %sign3A_1257 = arith.cmpi slt, %add3A_1247, %sign3A_1256 : i32
      %sign3A_1258 = arith.extui %sign3A_1257 : i1 to i32
      %sign3A_1259 = arith.subi %sign3A_1255, %sign3A_1258 : i32
      %sign3A_1260 = arith.constant 0 : i32
      %sign3A_1261 = arith.cmpi sgt, %jit3A_1251, %sign3A_1260 : i32
      %sign3A_1262 = arith.extui %sign3A_1261 : i1 to i32
      %sign3A_1263 = arith.constant 0 : i32
      %sign3A_1264 = arith.cmpi slt, %jit3A_1251, %sign3A_1263 : i32
      %sign3A_1265 = arith.extui %sign3A_1264 : i1 to i32
      %sign3A_1266 = arith.subi %sign3A_1262, %sign3A_1265 : i32
      %ne3A_1267 = arith.cmpi ne, %sign3A_1259, %sign3A_1266 : i32
      %rem3A_1268 = arith.remsi %add3A_1247, %jit3A_1251 : i32
      %ne3A_1269 = arith.constant 0 : i32
      %ne3A_1270 = arith.cmpi ne, %rem3A_1268, %ne3A_1269 : i32
      %and3A_1271 = arith.andi %ne3A_1267, %ne3A_1270 : i1
      %sub3A_1272 = arith.constant 1 : i32
      %sub3A_1273 = arith.subi %div3A_1252, %sub3A_1272 : i32
      %select_n3A_1274 = arith.select %and3A_1271, %sub3A_1273, %div3A_1252 : i32
      %mul3A_1275 = arith.constant 32 : i32
      %mul3A_1276 = arith.muli %select_n3A_1274, %mul3A_1275 : i32
      %add3A_1277 = arith.constant 352 : i32
      %add3A_1278 = vector.broadcast %add3A_1277 : i32 to vector<16xi32>
      %add3A_1279 = arith.addi %iota3A, %add3A_1278 : vector<16xi32>
      %gather3A_1280 = tpu.vector_load_idx %arg10[%add3A_1279, %broadcast_in_dim3A_1245] : memref<512x128xf32, #tpu.memory_space<vmem>>[vector<16xi32>, vector<16xi32>], vector<16xf32>,
      %add3A_1281 = vector.broadcast %mul3A_1276 : i32 to vector<16xi32>
      %add3A_1282 = arith.addi %iota3A, %add3A_1281 : vector<16xi32>
      tpu.vector_store_idx %arg11[%add3A_1282, %broadcast_in_dim3A_1250], %gather3A_1280 : memref<128x128xf32, #tpu.memory_space<vmem>>[vector<16xi32>, vector<16xi32>], vector<16xf32>,
      %add3A_1283 = arith.constant 352 : i32
      %add3A_1284 = vector.broadcast %add3A_1283 : i32 to vector<16xi32>
      %add3A_1285 = arith.addi %add3A_5, %add3A_1284 : vector<16xi32>
      %gather3A_1286 = tpu.vector_load_idx %arg10[%add3A_1285, %broadcast_in_dim3A_1245] : memref<512x128xf32, #tpu.memory_space<vmem>>[vector<16xi32>, vector<16xi32>], vector<16xf32>,
      %add3A_1287 = vector.broadcast %mul3A_1276 : i32 to vector<16xi32>
      %add3A_1288 = arith.addi %add3A_5, %add3A_1287 : vector<16xi32>
      tpu.vector_store_idx %arg11[%add3A_1288, %broadcast_in_dim3A_1250], %gather3A_1286 : memref<128x128xf32, #tpu.memory_space<vmem>>[vector<16xi32>, vector<16xi32>], vector<16xf32>,
      %not3A_1289 = arith.constant true
      %not3A_1290 = arith.xori %eq3A_572, %not3A_1289 : i1
      %convert_element_type3A_1291 = arith.extui %not3A_1290 : i1 to i32
      %cond3A_1292 = arith.constant 0 : i32
      %cond3A_1293 = arith.cmpi ne, %convert_element_type3A_1291, %cond3A_1292 : i32
      scf.if %cond3A_1293 {
        %slice3A_1539 = vector.extract_strided_slice %get3A_571 {offsets = [8], sizes = [1], strides = [1]} : vector<16xi32> to vector<1xi32>
        %squeeze3A_1540 = vector.extract %slice3A_1539[0] : i32 from vector<1xi32>
        %shift_right_arithmetic3A_1541 = arith.constant 7 : i32
        %shift_right_arithmetic3A_1542 = arith.shrsi %squeeze3A_1540, %shift_right_arithmetic3A_1541 : i32
        %mul3A_1543 = arith.constant 128 : i32
        %mul3A_1544 = arith.muli %shift_right_arithmetic3A_1542, %mul3A_1543 : i32
        %multiple_of3A_1545 = tpu.assume_multiple %mul3A_1544, 128 : i32
        %dma_start3A_1546 = arith.constant 256 : i32
        %dma_start3A_1547 = arith.constant 0 : i32
        %dma_start3A_1548 = tpu.memref_slice %arg10[%dma_start3A_1546, %dma_start3A_1547] : memref<512x128xf32, #tpu.memory_space<vmem>> -> memref<32x128xf32, #tpu.memory_space<vmem>>
        %dma_start3A_1549 = arith.constant 0 : i32
        %dma_start3A_1550 = tpu.memref_slice %arg5[%dma_start3A_1549, %multiple_of3A_1545] : memref<32x1000000xf32, #tpu.memory_space<hbm>> -> memref<32x128xf32, #tpu.memory_space<hbm>>
        %dma_start3A_1551 = arith.constant 256 : i32
        %dma_start3A_1552 = arith.constant 0 : i32
        %dma_start3A_1553 = tpu.memref_slice %arg10[%dma_start3A_1551, %dma_start3A_1552] : memref<512x128xf32, #tpu.memory_space<vmem>> -> memref<32x128xf32, #tpu.memory_space<vmem>>
        %dma_start3A_1554 = arith.constant 0 : i32
        %dma_start3A_1555 = tpu.memref_slice %arg5[%dma_start3A_1554, %multiple_of3A_1545] : memref<32x1000000xf32, #tpu.memory_space<hbm>> -> memref<32x128xf32, #tpu.memory_space<hbm>>
        tpu.enqueue_dma source(%dma_start3A_1555 : memref<32x128xf32, #tpu.memory_space<hbm>>) target(%dma_start3A_1553 : memref<32x128xf32, #tpu.memory_space<vmem>>) target_semaphore(%arg14 : memref<!tpu.dma_semaphore, #tpu.memory_space<semaphore_mem>>)
        %slice3A_1556 = vector.extract_strided_slice %get3A_571 {offsets = [9], sizes = [1], strides = [1]} : vector<16xi32> to vector<1xi32>
        %squeeze3A_1557 = vector.extract %slice3A_1556[0] : i32 from vector<1xi32>
        %shift_right_arithmetic3A_1558 = arith.constant 7 : i32
        %shift_right_arithmetic3A_1559 = arith.shrsi %squeeze3A_1557, %shift_right_arithmetic3A_1558 : i32
        %mul3A_1560 = arith.constant 128 : i32
        %mul3A_1561 = arith.muli %shift_right_arithmetic3A_1559, %mul3A_1560 : i32
        %multiple_of3A_1562 = tpu.assume_multiple %mul3A_1561, 128 : i32
        %dma_start3A_1563 = arith.constant 288 : i32
        %dma_start3A_1564 = arith.constant 0 : i32
        %dma_start3A_1565 = tpu.memref_slice %arg10[%dma_start3A_1563, %dma_start3A_1564] : memref<512x128xf32, #tpu.memory_space<vmem>> -> memref<32x128xf32, #tpu.memory_space<vmem>>
        %dma_start3A_1566 = arith.constant 0 : i32
        %dma_start3A_1567 = tpu.memref_slice %arg5[%dma_start3A_1566, %multiple_of3A_1562] : memref<32x1000000xf32, #tpu.memory_space<hbm>> -> memref<32x128xf32, #tpu.memory_space<hbm>>
        %dma_start3A_1568 = arith.constant 288 : i32
        %dma_start3A_1569 = arith.constant 0 : i32
        %dma_start3A_1570 = tpu.memref_slice %arg10[%dma_start3A_1568, %dma_start3A_1569] : memref<512x128xf32, #tpu.memory_space<vmem>> -> memref<32x128xf32, #tpu.memory_space<vmem>>
        %dma_start3A_1571 = arith.constant 0 : i32
        %dma_start3A_1572 = tpu.memref_slice %arg5[%dma_start3A_1571, %multiple_of3A_1562] : memref<32x1000000xf32, #tpu.memory_space<hbm>> -> memref<32x128xf32, #tpu.memory_space<hbm>>
        tpu.enqueue_dma source(%dma_start3A_1572 : memref<32x128xf32, #tpu.memory_space<hbm>>) target(%dma_start3A_1570 : memref<32x128xf32, #tpu.memory_space<vmem>>) target_semaphore(%arg14 : memref<!tpu.dma_semaphore, #tpu.memory_space<semaphore_mem>>)
        %slice3A_1573 = vector.extract_strided_slice %get3A_571 {offsets = [10], sizes = [1], strides = [1]} : vector<16xi32> to vector<1xi32>
        %squeeze3A_1574 = vector.extract %slice3A_1573[0] : i32 from vector<1xi32>
        %shift_right_arithmetic3A_1575 = arith.constant 7 : i32
        %shift_right_arithmetic3A_1576 = arith.shrsi %squeeze3A_1574, %shift_right_arithmetic3A_1575 : i32
        %mul3A_1577 = arith.constant 128 : i32
        %mul3A_1578 = arith.muli %shift_right_arithmetic3A_1576, %mul3A_1577 : i32
        %multiple_of3A_1579 = tpu.assume_multiple %mul3A_1578, 128 : i32
        %dma_start3A_1580 = arith.constant 320 : i32
        %dma_start3A_1581 = arith.constant 0 : i32
        %dma_start3A_1582 = tpu.memref_slice %arg10[%dma_start3A_1580, %dma_start3A_1581] : memref<512x128xf32, #tpu.memory_space<vmem>> -> memref<32x128xf32, #tpu.memory_space<vmem>>
        %dma_start3A_1583 = arith.constant 0 : i32
        %dma_start3A_1584 = tpu.memref_slice %arg5[%dma_start3A_1583, %multiple_of3A_1579] : memref<32x1000000xf32, #tpu.memory_space<hbm>> -> memref<32x128xf32, #tpu.memory_space<hbm>>
        %dma_start3A_1585 = arith.constant 320 : i32
        %dma_start3A_1586 = arith.constant 0 : i32
        %dma_start3A_1587 = tpu.memref_slice %arg10[%dma_start3A_1585, %dma_start3A_1586] : memref<512x128xf32, #tpu.memory_space<vmem>> -> memref<32x128xf32, #tpu.memory_space<vmem>>
        %dma_start3A_1588 = arith.constant 0 : i32
        %dma_start3A_1589 = tpu.memref_slice %arg5[%dma_start3A_1588, %multiple_of3A_1579] : memref<32x1000000xf32, #tpu.memory_space<hbm>> -> memref<32x128xf32, #tpu.memory_space<hbm>>
        tpu.enqueue_dma source(%dma_start3A_1589 : memref<32x128xf32, #tpu.memory_space<hbm>>) target(%dma_start3A_1587 : memref<32x128xf32, #tpu.memory_space<vmem>>) target_semaphore(%arg14 : memref<!tpu.dma_semaphore, #tpu.memory_space<semaphore_mem>>)
        %slice3A_1590 = vector.extract_strided_slice %get3A_571 {offsets = [11], sizes = [1], strides = [1]} : vector<16xi32> to vector<1xi32>
        %squeeze3A_1591 = vector.extract %slice3A_1590[0] : i32 from vector<1xi32>
        %shift_right_arithmetic3A_1592 = arith.constant 7 : i32
        %shift_right_arithmetic3A_1593 = arith.shrsi %squeeze3A_1591, %shift_right_arithmetic3A_1592 : i32
        %mul3A_1594 = arith.constant 128 : i32
        %mul3A_1595 = arith.muli %shift_right_arithmetic3A_1593, %mul3A_1594 : i32
        %multiple_of3A_1596 = tpu.assume_multiple %mul3A_1595, 128 : i32
        %dma_start3A_1597 = arith.constant 352 : i32
        %dma_start3A_1598 = arith.constant 0 : i32
        %dma_start3A_1599 = tpu.memref_slice %arg10[%dma_start3A_1597, %dma_start3A_1598] : memref<512x128xf32, #tpu.memory_space<vmem>> -> memref<32x128xf32, #tpu.memory_space<vmem>>
        %dma_start3A_1600 = arith.constant 0 : i32
        %dma_start3A_1601 = tpu.memref_slice %arg5[%dma_start3A_1600, %multiple_of3A_1596] : memref<32x1000000xf32, #tpu.memory_space<hbm>> -> memref<32x128xf32, #tpu.memory_space<hbm>>
        %dma_start3A_1602 = arith.constant 352 : i32
        %dma_start3A_1603 = arith.constant 0 : i32
        %dma_start3A_1604 = tpu.memref_slice %arg10[%dma_start3A_1602, %dma_start3A_1603] : memref<512x128xf32, #tpu.memory_space<vmem>> -> memref<32x128xf32, #tpu.memory_space<vmem>>
        %dma_start3A_1605 = arith.constant 0 : i32
        %dma_start3A_1606 = tpu.memref_slice %arg5[%dma_start3A_1605, %multiple_of3A_1596] : memref<32x1000000xf32, #tpu.memory_space<hbm>> -> memref<32x128xf32, #tpu.memory_space<hbm>>
        tpu.enqueue_dma source(%dma_start3A_1606 : memref<32x128xf32, #tpu.memory_space<hbm>>) target(%dma_start3A_1604 : memref<32x128xf32, #tpu.memory_space<vmem>>) target_semaphore(%arg14 : memref<!tpu.dma_semaphore, #tpu.memory_space<semaphore_mem>>)
      } else {
      }
      %dma_wait3A_1294 = arith.constant 0 : i32
      %dma_wait3A_1295 = arith.constant 0 : i32
      %dma_wait3A_1296 = tpu.memref_slice %arg10[%dma_wait3A_1294, %dma_wait3A_1295] : memref<512x128xf32, #tpu.memory_space<vmem>> -> memref<32x128xf32, #tpu.memory_space<vmem>>
      %dma_wait3A_1297 = arith.constant 0 : i32
      %dma_wait3A_1298 = arith.constant 0 : i32
      %dma_wait3A_1299 = tpu.memref_slice %arg5[%dma_wait3A_1297, %dma_wait3A_1298] : memref<32x1000000xf32, #tpu.memory_space<hbm>> -> memref<32x128xf32, #tpu.memory_space<hbm>>
      %dma_wait3A_1300 = arith.constant 0 : i32
      %dma_wait3A_1301 = arith.constant 0 : i32
      %dma_wait3A_1302 = tpu.memref_slice %arg10[%dma_wait3A_1300, %dma_wait3A_1301] : memref<512x128xf32, #tpu.memory_space<vmem>> -> memref<32x128xf32, #tpu.memory_space<vmem>>
      %dma_wait3A_1303 = arith.constant 0 : i32
      %dma_wait3A_1304 = arith.constant 0 : i32
      %dma_wait3A_1305 = tpu.memref_slice %arg5[%dma_wait3A_1303, %dma_wait3A_1304] : memref<32x1000000xf32, #tpu.memory_space<hbm>> -> memref<32x128xf32, #tpu.memory_space<hbm>>
      tpu.wait_dma2 semaphore(%arg15 : memref<!tpu.dma_semaphore, #tpu.memory_space<semaphore_mem>>) src(%dma_wait3A_1305 : memref<32x128xf32, #tpu.memory_space<hbm>>) dst(%dma_wait3A_1302 : memref<32x128xf32, #tpu.memory_space<vmem>>)
      %dma_wait3A_1306 = arith.constant 0 : i32
      %dma_wait3A_1307 = arith.constant 0 : i32
      %dma_wait3A_1308 = tpu.memref_slice %arg10[%dma_wait3A_1306, %dma_wait3A_1307] : memref<512x128xf32, #tpu.memory_space<vmem>> -> memref<32x128xf32, #tpu.memory_space<vmem>>
      %dma_wait3A_1309 = arith.constant 0 : i32
      %dma_wait3A_1310 = arith.constant 0 : i32
      %dma_wait3A_1311 = tpu.memref_slice %arg5[%dma_wait3A_1309, %dma_wait3A_1310] : memref<32x1000000xf32, #tpu.memory_space<hbm>> -> memref<32x128xf32, #tpu.memory_space<hbm>>
      %dma_wait3A_1312 = arith.constant 0 : i32
      %dma_wait3A_1313 = arith.constant 0 : i32
      %dma_wait3A_1314 = tpu.memref_slice %arg10[%dma_wait3A_1312, %dma_wait3A_1313] : memref<512x128xf32, #tpu.memory_space<vmem>> -> memref<32x128xf32, #tpu.memory_space<vmem>>
      %dma_wait3A_1315 = arith.constant 0 : i32
      %dma_wait3A_1316 = arith.constant 0 : i32
      %dma_wait3A_1317 = tpu.memref_slice %arg5[%dma_wait3A_1315, %dma_wait3A_1316] : memref<32x1000000xf32, #tpu.memory_space<hbm>> -> memref<32x128xf32, #tpu.memory_space<hbm>>
      tpu.wait_dma2 semaphore(%arg15 : memref<!tpu.dma_semaphore, #tpu.memory_space<semaphore_mem>>) src(%dma_wait3A_1317 : memref<32x128xf32, #tpu.memory_space<hbm>>) dst(%dma_wait3A_1314 : memref<32x128xf32, #tpu.memory_space<vmem>>)
      %dma_wait3A_1318 = arith.constant 0 : i32
      %dma_wait3A_1319 = arith.constant 0 : i32
      %dma_wait3A_1320 = tpu.memref_slice %arg10[%dma_wait3A_1318, %dma_wait3A_1319] : memref<512x128xf32, #tpu.memory_space<vmem>> -> memref<32x128xf32, #tpu.memory_space<vmem>>
      %dma_wait3A_1321 = arith.constant 0 : i32
      %dma_wait3A_1322 = arith.constant 0 : i32
      %dma_wait3A_1323 = tpu.memref_slice %arg5[%dma_wait3A_1321, %dma_wait3A_1322] : memref<32x1000000xf32, #tpu.memory_space<hbm>> -> memref<32x128xf32, #tpu.memory_space<hbm>>
      %dma_wait3A_1324 = arith.constant 0 : i32
      %dma_wait3A_1325 = arith.constant 0 : i32
      %dma_wait3A_1326 = tpu.memref_slice %arg10[%dma_wait3A_1324, %dma_wait3A_1325] : memref<512x128xf32, #tpu.memory_space<vmem>> -> memref<32x128xf32, #tpu.memory_space<vmem>>
      %dma_wait3A_1327 = arith.constant 0 : i32
      %dma_wait3A_1328 = arith.constant 0 : i32
      %dma_wait3A_1329 = tpu.memref_slice %arg5[%dma_wait3A_1327, %dma_wait3A_1328] : memref<32x1000000xf32, #tpu.memory_space<hbm>> -> memref<32x128xf32, #tpu.memory_space<hbm>>
      tpu.wait_dma2 semaphore(%arg15 : memref<!tpu.dma_semaphore, #tpu.memory_space<semaphore_mem>>) src(%dma_wait3A_1329 : memref<32x128xf32, #tpu.memory_space<hbm>>) dst(%dma_wait3A_1326 : memref<32x128xf32, #tpu.memory_space<vmem>>)
      %dma_wait3A_1330 = arith.constant 0 : i32
      %dma_wait3A_1331 = arith.constant 0 : i32
      %dma_wait3A_1332 = tpu.memref_slice %arg10[%dma_wait3A_1330, %dma_wait3A_1331] : memref<512x128xf32, #tpu.memory_space<vmem>> -> memref<32x128xf32, #tpu.memory_space<vmem>>
      %dma_wait3A_1333 = arith.constant 0 : i32
      %dma_wait3A_1334 = arith.constant 0 : i32
      %dma_wait3A_1335 = tpu.memref_slice %arg5[%dma_wait3A_1333, %dma_wait3A_1334] : memref<32x1000000xf32, #tpu.memory_space<hbm>> -> memref<32x128xf32, #tpu.memory_space<hbm>>
      %dma_wait3A_1336 = arith.constant 0 : i32
      %dma_wait3A_1337 = arith.constant 0 : i32
      %dma_wait3A_1338 = tpu.memref_slice %arg10[%dma_wait3A_1336, %dma_wait3A_1337] : memref<512x128xf32, #tpu.memory_space<vmem>> -> memref<32x128xf32, #tpu.memory_space<vmem>>
      %dma_wait3A_1339 = arith.constant 0 : i32
      %dma_wait3A_1340 = arith.constant 0 : i32
      %dma_wait3A_1341 = tpu.memref_slice %arg5[%dma_wait3A_1339, %dma_wait3A_1340] : memref<32x1000000xf32, #tpu.memory_space<hbm>> -> memref<32x128xf32, #tpu.memory_space<hbm>>
      tpu.wait_dma2 semaphore(%arg15 : memref<!tpu.dma_semaphore, #tpu.memory_space<semaphore_mem>>) src(%dma_wait3A_1341 : memref<32x128xf32, #tpu.memory_space<hbm>>) dst(%dma_wait3A_1338 : memref<32x128xf32, #tpu.memory_space<vmem>>)
      %slice3A_1342 = vector.extract_strided_slice %get3A_567 {offsets = [12], sizes = [1], strides = [1]} : vector<16xi32> to vector<1xi32>
      %squeeze3A_1343 = vector.extract %slice3A_1342[0] : i32 from vector<1xi32>
      %and3A_1344 = arith.constant 127 : i32
      %and3A_1345 = arith.andi %squeeze3A_1343, %and3A_1344 : i32
      %broadcast_in_dim3A_1346 = vector.broadcast %and3A_1345 : i32 to vector<16xi32>
      %add3A_1347 = arith.constant 12 : i32
      %add3A_1348 = arith.addi %mul3A_565, %add3A_1347 : i32
      %and3A_1349 = arith.constant 127 : i32
      %and3A_1350 = arith.andi %add3A_1348, %and3A_1349 : i32
      %broadcast_in_dim3A_1351 = vector.broadcast %and3A_1350 : i32 to vector<16xi32>
      %jit3A_1352 = arith.constant 128 : i32
      %div3A_1353 = arith.divsi %add3A_1348, %jit3A_1352 : i32
      %sign3A_1354 = arith.constant 0 : i32
      %sign3A_1355 = arith.cmpi sgt, %add3A_1348, %sign3A_1354 : i32
      %sign3A_1356 = arith.extui %sign3A_1355 : i1 to i32
      %sign3A_1357 = arith.constant 0 : i32
      %sign3A_1358 = arith.cmpi slt, %add3A_1348, %sign3A_1357 : i32
      %sign3A_1359 = arith.extui %sign3A_1358 : i1 to i32
      %sign3A_1360 = arith.subi %sign3A_1356, %sign3A_1359 : i32
      %sign3A_1361 = arith.constant 0 : i32
      %sign3A_1362 = arith.cmpi sgt, %jit3A_1352, %sign3A_1361 : i32
      %sign3A_1363 = arith.extui %sign3A_1362 : i1 to i32
      %sign3A_1364 = arith.constant 0 : i32
      %sign3A_1365 = arith.cmpi slt, %jit3A_1352, %sign3A_1364 : i32
      %sign3A_1366 = arith.extui %sign3A_1365 : i1 to i32
      %sign3A_1367 = arith.subi %sign3A_1363, %sign3A_1366 : i32
      %ne3A_1368 = arith.cmpi ne, %sign3A_1360, %sign3A_1367 : i32
      %rem3A_1369 = arith.remsi %add3A_1348, %jit3A_1352 : i32
      %ne3A_1370 = arith.constant 0 : i32
      %ne3A_1371 = arith.cmpi ne, %rem3A_1369, %ne3A_1370 : i32
      %and3A_1372 = arith.andi %ne3A_1368, %ne3A_1371 : i1
      %sub3A_1373 = arith.constant 1 : i32
      %sub3A_1374 = arith.subi %div3A_1353, %sub3A_1373 : i32
      %select_n3A_1375 = arith.select %and3A_1372, %sub3A_1374, %div3A_1353 : i32
      %mul3A_1376 = arith.constant 32 : i32
      %mul3A_1377 = arith.muli %select_n3A_1375, %mul3A_1376 : i32
      %add3A_1378 = arith.constant 384 : i32
      %add3A_1379 = vector.broadcast %add3A_1378 : i32 to vector<16xi32>
      %add3A_1380 = arith.addi %iota3A, %add3A_1379 : vector<16xi32>
      %gather3A_1381 = tpu.vector_load_idx %arg10[%add3A_1380, %broadcast_in_dim3A_1346] : memref<512x128xf32, #tpu.memory_space<vmem>>[vector<16xi32>, vector<16xi32>], vector<16xf32>,
      %add3A_1382 = vector.broadcast %mul3A_1377 : i32 to vector<16xi32>
      %add3A_1383 = arith.addi %iota3A, %add3A_1382 : vector<16xi32>
      tpu.vector_store_idx %arg11[%add3A_1383, %broadcast_in_dim3A_1351], %gather3A_1381 : memref<128x128xf32, #tpu.memory_space<vmem>>[vector<16xi32>, vector<16xi32>], vector<16xf32>,
      %add3A_1384 = arith.constant 384 : i32
      %add3A_1385 = vector.broadcast %add3A_1384 : i32 to vector<16xi32>
      %add3A_1386 = arith.addi %add3A_5, %add3A_1385 : vector<16xi32>
      %gather3A_1387 = tpu.vector_load_idx %arg10[%add3A_1386, %broadcast_in_dim3A_1346] : memref<512x128xf32, #tpu.memory_space<vmem>>[vector<16xi32>, vector<16xi32>], vector<16xf32>,
      %add3A_1388 = vector.broadcast %mul3A_1377 : i32 to vector<16xi32>
      %add3A_1389 = arith.addi %add3A_5, %add3A_1388 : vector<16xi32>
      tpu.vector_store_idx %arg11[%add3A_1389, %broadcast_in_dim3A_1351], %gather3A_1387 : memref<128x128xf32, #tpu.memory_space<vmem>>[vector<16xi32>, vector<16xi32>], vector<16xf32>,
      %slice3A_1390 = vector.extract_strided_slice %get3A_567 {offsets = [13], sizes = [1], strides = [1]} : vector<16xi32> to vector<1xi32>
      %squeeze3A_1391 = vector.extract %slice3A_1390[0] : i32 from vector<1xi32>
      %and3A_1392 = arith.constant 127 : i32
      %and3A_1393 = arith.andi %squeeze3A_1391, %and3A_1392 : i32
      %broadcast_in_dim3A_1394 = vector.broadcast %and3A_1393 : i32 to vector<16xi32>
      %add3A_1395 = arith.constant 13 : i32
      %add3A_1396 = arith.addi %mul3A_565, %add3A_1395 : i32
      %and3A_1397 = arith.constant 127 : i32
      %and3A_1398 = arith.andi %add3A_1396, %and3A_1397 : i32
      %broadcast_in_dim3A_1399 = vector.broadcast %and3A_1398 : i32 to vector<16xi32>
      %jit3A_1400 = arith.constant 128 : i32
      %div3A_1401 = arith.divsi %add3A_1396, %jit3A_1400 : i32
      %sign3A_1402 = arith.constant 0 : i32
      %sign3A_1403 = arith.cmpi sgt, %add3A_1396, %sign3A_1402 : i32
      %sign3A_1404 = arith.extui %sign3A_1403 : i1 to i32
      %sign3A_1405 = arith.constant 0 : i32
      %sign3A_1406 = arith.cmpi slt, %add3A_1396, %sign3A_1405 : i32
      %sign3A_1407 = arith.extui %sign3A_1406 : i1 to i32
      %sign3A_1408 = arith.subi %sign3A_1404, %sign3A_1407 : i32
      %sign3A_1409 = arith.constant 0 : i32
      %sign3A_1410 = arith.cmpi sgt, %jit3A_1400, %sign3A_1409 : i32
      %sign3A_1411 = arith.extui %sign3A_1410 : i1 to i32
      %sign3A_1412 = arith.constant 0 : i32
      %sign3A_1413 = arith.cmpi slt, %jit3A_1400, %sign3A_1412 : i32
      %sign3A_1414 = arith.extui %sign3A_1413 : i1 to i32
      %sign3A_1415 = arith.subi %sign3A_1411, %sign3A_1414 : i32
      %ne3A_1416 = arith.cmpi ne, %sign3A_1408, %sign3A_1415 : i32
      %rem3A_1417 = arith.remsi %add3A_1396, %jit3A_1400 : i32
      %ne3A_1418 = arith.constant 0 : i32
      %ne3A_1419 = arith.cmpi ne, %rem3A_1417, %ne3A_1418 : i32
      %and3A_1420 = arith.andi %ne3A_1416, %ne3A_1419 : i1
      %sub3A_1421 = arith.constant 1 : i32
      %sub3A_1422 = arith.subi %div3A_1401, %sub3A_1421 : i32
      %select_n3A_1423 = arith.select %and3A_1420, %sub3A_1422, %div3A_1401 : i32
      %mul3A_1424 = arith.constant 32 : i32
      %mul3A_1425 = arith.muli %select_n3A_1423, %mul3A_1424 : i32
      %add3A_1426 = arith.constant 416 : i32
      %add3A_1427 = vector.broadcast %add3A_1426 : i32 to vector<16xi32>
      %add3A_1428 = arith.addi %iota3A, %add3A_1427 : vector<16xi32>
      %gather3A_1429 = tpu.vector_load_idx %arg10[%add3A_1428, %broadcast_in_dim3A_1394] : memref<512x128xf32, #tpu.memory_space<vmem>>[vector<16xi32>, vector<16xi32>], vector<16xf32>,
      %add3A_1430 = vector.broadcast %mul3A_1425 : i32 to vector<16xi32>
      %add3A_1431 = arith.addi %iota3A, %add3A_1430 : vector<16xi32>
      tpu.vector_store_idx %arg11[%add3A_1431, %broadcast_in_dim3A_1399], %gather3A_1429 : memref<128x128xf32, #tpu.memory_space<vmem>>[vector<16xi32>, vector<16xi32>], vector<16xf32>,
      %add3A_1432 = arith.constant 416 : i32
      %add3A_1433 = vector.broadcast %add3A_1432 : i32 to vector<16xi32>
      %add3A_1434 = arith.addi %add3A_5, %add3A_1433 : vector<16xi32>
      %gather3A_1435 = tpu.vector_load_idx %arg10[%add3A_1434, %broadcast_in_dim3A_1394] : memref<512x128xf32, #tpu.memory_space<vmem>>[vector<16xi32>, vector<16xi32>], vector<16xf32>,
      %add3A_1436 = vector.broadcast %mul3A_1425 : i32 to vector<16xi32>
      %add3A_1437 = arith.addi %add3A_5, %add3A_1436 : vector<16xi32>
      tpu.vector_store_idx %arg11[%add3A_1437, %broadcast_in_dim3A_1399], %gather3A_1435 : memref<128x128xf32, #tpu.memory_space<vmem>>[vector<16xi32>, vector<16xi32>], vector<16xf32>,
      %slice3A_1438 = vector.extract_strided_slice %get3A_567 {offsets = [14], sizes = [1], strides = [1]} : vector<16xi32> to vector<1xi32>
      %squeeze3A_1439 = vector.extract %slice3A_1438[0] : i32 from vector<1xi32>
      %and3A_1440 = arith.constant 127 : i32
      %and3A_1441 = arith.andi %squeeze3A_1439, %and3A_1440 : i32
      %broadcast_in_dim3A_1442 = vector.broadcast %and3A_1441 : i32 to vector<16xi32>
      %add3A_1443 = arith.constant 14 : i32
      %add3A_1444 = arith.addi %mul3A_565, %add3A_1443 : i32
      %and3A_1445 = arith.constant 127 : i32
      %and3A_1446 = arith.andi %add3A_1444, %and3A_1445 : i32
      %broadcast_in_dim3A_1447 = vector.broadcast %and3A_1446 : i32 to vector<16xi32>
      %jit3A_1448 = arith.constant 128 : i32
      %div3A_1449 = arith.divsi %add3A_1444, %jit3A_1448 : i32
      %sign3A_1450 = arith.constant 0 : i32
      %sign3A_1451 = arith.cmpi sgt, %add3A_1444, %sign3A_1450 : i32
      %sign3A_1452 = arith.extui %sign3A_1451 : i1 to i32
      %sign3A_1453 = arith.constant 0 : i32
      %sign3A_1454 = arith.cmpi slt, %add3A_1444, %sign3A_1453 : i32
      %sign3A_1455 = arith.extui %sign3A_1454 : i1 to i32
      %sign3A_1456 = arith.subi %sign3A_1452, %sign3A_1455 : i32
      %sign3A_1457 = arith.constant 0 : i32
      %sign3A_1458 = arith.cmpi sgt, %jit3A_1448, %sign3A_1457 : i32
      %sign3A_1459 = arith.extui %sign3A_1458 : i1 to i32
      %sign3A_1460 = arith.constant 0 : i32
      %sign3A_1461 = arith.cmpi slt, %jit3A_1448, %sign3A_1460 : i32
      %sign3A_1462 = arith.extui %sign3A_1461 : i1 to i32
      %sign3A_1463 = arith.subi %sign3A_1459, %sign3A_1462 : i32
      %ne3A_1464 = arith.cmpi ne, %sign3A_1456, %sign3A_1463 : i32
      %rem3A_1465 = arith.remsi %add3A_1444, %jit3A_1448 : i32
      %ne3A_1466 = arith.constant 0 : i32
      %ne3A_1467 = arith.cmpi ne, %rem3A_1465, %ne3A_1466 : i32
      %and3A_1468 = arith.andi %ne3A_1464, %ne3A_1467 : i1
      %sub3A_1469 = arith.constant 1 : i32
      %sub3A_1470 = arith.subi %div3A_1449, %sub3A_1469 : i32
      %select_n3A_1471 = arith.select %and3A_1468, %sub3A_1470, %div3A_1449 : i32
      %mul3A_1472 = arith.constant 32 : i32
      %mul3A_1473 = arith.muli %select_n3A_1471, %mul3A_1472 : i32
      %add3A_1474 = arith.constant 448 : i32
      %add3A_1475 = vector.broadcast %add3A_1474 : i32 to vector<16xi32>
      %add3A_1476 = arith.addi %iota3A, %add3A_1475 : vector<16xi32>
      %gather3A_1477 = tpu.vector_load_idx %arg10[%add3A_1476, %broadcast_in_dim3A_1442] : memref<512x128xf32, #tpu.memory_space<vmem>>[vector<16xi32>, vector<16xi32>], vector<16xf32>,
      %add3A_1478 = vector.broadcast %mul3A_1473 : i32 to vector<16xi32>
      %add3A_1479 = arith.addi %iota3A, %add3A_1478 : vector<16xi32>
      tpu.vector_store_idx %arg11[%add3A_1479, %broadcast_in_dim3A_1447], %gather3A_1477 : memref<128x128xf32, #tpu.memory_space<vmem>>[vector<16xi32>, vector<16xi32>], vector<16xf32>,
      %add3A_1480 = arith.constant 448 : i32
      %add3A_1481 = vector.broadcast %add3A_1480 : i32 to vector<16xi32>
      %add3A_1482 = arith.addi %add3A_5, %add3A_1481 : vector<16xi32>
      %gather3A_1483 = tpu.vector_load_idx %arg10[%add3A_1482, %broadcast_in_dim3A_1442] : memref<512x128xf32, #tpu.memory_space<vmem>>[vector<16xi32>, vector<16xi32>], vector<16xf32>,
      %add3A_1484 = vector.broadcast %mul3A_1473 : i32 to vector<16xi32>
      %add3A_1485 = arith.addi %add3A_5, %add3A_1484 : vector<16xi32>
      tpu.vector_store_idx %arg11[%add3A_1485, %broadcast_in_dim3A_1447], %gather3A_1483 : memref<128x128xf32, #tpu.memory_space<vmem>>[vector<16xi32>, vector<16xi32>], vector<16xf32>,
      %slice3A_1486 = vector.extract_strided_slice %get3A_567 {offsets = [15], sizes = [1], strides = [1]} : vector<16xi32> to vector<1xi32>
      %squeeze3A_1487 = vector.extract %slice3A_1486[0] : i32 from vector<1xi32>
      %and3A_1488 = arith.constant 127 : i32
      %and3A_1489 = arith.andi %squeeze3A_1487, %and3A_1488 : i32
      %broadcast_in_dim3A_1490 = vector.broadcast %and3A_1489 : i32 to vector<16xi32>
      %add3A_1491 = arith.constant 15 : i32
      %add3A_1492 = arith.addi %mul3A_565, %add3A_1491 : i32
      %and3A_1493 = arith.constant 127 : i32
      %and3A_1494 = arith.andi %add3A_1492, %and3A_1493 : i32
      %broadcast_in_dim3A_1495 = vector.broadcast %and3A_1494 : i32 to vector<16xi32>
      %jit3A_1496 = arith.constant 128 : i32
      %div3A_1497 = arith.divsi %add3A_1492, %jit3A_1496 : i32
      %sign3A_1498 = arith.constant 0 : i32
      %sign3A_1499 = arith.cmpi sgt, %add3A_1492, %sign3A_1498 : i32
      %sign3A_1500 = arith.extui %sign3A_1499 : i1 to i32
      %sign3A_1501 = arith.constant 0 : i32
      %sign3A_1502 = arith.cmpi slt, %add3A_1492, %sign3A_1501 : i32
      %sign3A_1503 = arith.extui %sign3A_1502 : i1 to i32
      %sign3A_1504 = arith.subi %sign3A_1500, %sign3A_1503 : i32
      %sign3A_1505 = arith.constant 0 : i32
      %sign3A_1506 = arith.cmpi sgt, %jit3A_1496, %sign3A_1505 : i32
      %sign3A_1507 = arith.extui %sign3A_1506 : i1 to i32
      %sign3A_1508 = arith.constant 0 : i32
      %sign3A_1509 = arith.cmpi slt, %jit3A_1496, %sign3A_1508 : i32
      %sign3A_1510 = arith.extui %sign3A_1509 : i1 to i32
      %sign3A_1511 = arith.subi %sign3A_1507, %sign3A_1510 : i32
      %ne3A_1512 = arith.cmpi ne, %sign3A_1504, %sign3A_1511 : i32
      %rem3A_1513 = arith.remsi %add3A_1492, %jit3A_1496 : i32
      %ne3A_1514 = arith.constant 0 : i32
      %ne3A_1515 = arith.cmpi ne, %rem3A_1513, %ne3A_1514 : i32
      %and3A_1516 = arith.andi %ne3A_1512, %ne3A_1515 : i1
      %sub3A_1517 = arith.constant 1 : i32
      %sub3A_1518 = arith.subi %div3A_1497, %sub3A_1517 : i32
      %select_n3A_1519 = arith.select %and3A_1516, %sub3A_1518, %div3A_1497 : i32
      %mul3A_1520 = arith.constant 32 : i32
      %mul3A_1521 = arith.muli %select_n3A_1519, %mul3A_1520 : i32
      %add3A_1522 = arith.constant 480 : i32
      %add3A_1523 = vector.broadcast %add3A_1522 : i32 to vector<16xi32>
      %add3A_1524 = arith.addi %iota3A, %add3A_1523 : vector<16xi32>
      %gather3A_1525 = tpu.vector_load_idx %arg10[%add3A_1524, %broadcast_in_dim3A_1490] : memref<512x128xf32, #tpu.memory_space<vmem>>[vector<16xi32>, vector<16xi32>], vector<16xf32>,
      %add3A_1526 = vector.broadcast %mul3A_1521 : i32 to vector<16xi32>
      %add3A_1527 = arith.addi %iota3A, %add3A_1526 : vector<16xi32>
      tpu.vector_store_idx %arg11[%add3A_1527, %broadcast_in_dim3A_1495], %gather3A_1525 : memref<128x128xf32, #tpu.memory_space<vmem>>[vector<16xi32>, vector<16xi32>], vector<16xf32>,
      %add3A_1528 = arith.constant 480 : i32
      %add3A_1529 = vector.broadcast %add3A_1528 : i32 to vector<16xi32>
      %add3A_1530 = arith.addi %add3A_5, %add3A_1529 : vector<16xi32>
      %gather3A_1531 = tpu.vector_load_idx %arg10[%add3A_1530, %broadcast_in_dim3A_1490] : memref<512x128xf32, #tpu.memory_space<vmem>>[vector<16xi32>, vector<16xi32>], vector<16xf32>,
      %add3A_1532 = vector.broadcast %mul3A_1521 : i32 to vector<16xi32>
      %add3A_1533 = arith.addi %add3A_5, %add3A_1532 : vector<16xi32>
      tpu.vector_store_idx %arg11[%add3A_1533, %broadcast_in_dim3A_1495], %gather3A_1531 : memref<128x128xf32, #tpu.memory_space<vmem>>[vector<16xi32>, vector<16xi32>], vector<16xf32>,
      %not3A_1534 = arith.constant true
      %not3A_1535 = arith.xori %eq3A_572, %not3A_1534 : i1
      %convert_element_type3A_1536 = arith.extui %not3A_1535 : i1 to i32
      %cond3A_1537 = arith.constant 0 : i32
      %cond3A_1538 = arith.cmpi ne, %convert_element_type3A_1536, %cond3A_1537 : i32
      scf.if %cond3A_1538 {
        %slice3A_1539 = vector.extract_strided_slice %get3A_571 {offsets = [12], sizes = [1], strides = [1]} : vector<16xi32> to vector<1xi32>
        %squeeze3A_1540 = vector.extract %slice3A_1539[0] : i32 from vector<1xi32>
        %shift_right_arithmetic3A_1541 = arith.constant 7 : i32
        %shift_right_arithmetic3A_1542 = arith.shrsi %squeeze3A_1540, %shift_right_arithmetic3A_1541 : i32
        %mul3A_1543 = arith.constant 128 : i32
        %mul3A_1544 = arith.muli %shift_right_arithmetic3A_1542, %mul3A_1543 : i32
        %multiple_of3A_1545 = tpu.assume_multiple %mul3A_1544, 128 : i32
        %dma_start3A_1546 = arith.constant 384 : i32
        %dma_start3A_1547 = arith.constant 0 : i32
        %dma_start3A_1548 = tpu.memref_slice %arg10[%dma_start3A_1546, %dma_start3A_1547] : memref<512x128xf32, #tpu.memory_space<vmem>> -> memref<32x128xf32, #tpu.memory_space<vmem>>
        %dma_start3A_1549 = arith.constant 0 : i32
        %dma_start3A_1550 = tpu.memref_slice %arg5[%dma_start3A_1549, %multiple_of3A_1545] : memref<32x1000000xf32, #tpu.memory_space<hbm>> -> memref<32x128xf32, #tpu.memory_space<hbm>>
        %dma_start3A_1551 = arith.constant 384 : i32
        %dma_start3A_1552 = arith.constant 0 : i32
        %dma_start3A_1553 = tpu.memref_slice %arg10[%dma_start3A_1551, %dma_start3A_1552] : memref<512x128xf32, #tpu.memory_space<vmem>> -> memref<32x128xf32, #tpu.memory_space<vmem>>
        %dma_start3A_1554 = arith.constant 0 : i32
        %dma_start3A_1555 = tpu.memref_slice %arg5[%dma_start3A_1554, %multiple_of3A_1545] : memref<32x1000000xf32, #tpu.memory_space<hbm>> -> memref<32x128xf32, #tpu.memory_space<hbm>>
        tpu.enqueue_dma source(%dma_start3A_1555 : memref<32x128xf32, #tpu.memory_space<hbm>>) target(%dma_start3A_1553 : memref<32x128xf32, #tpu.memory_space<vmem>>) target_semaphore(%arg15 : memref<!tpu.dma_semaphore, #tpu.memory_space<semaphore_mem>>)
        %slice3A_1556 = vector.extract_strided_slice %get3A_571 {offsets = [13], sizes = [1], strides = [1]} : vector<16xi32> to vector<1xi32>
        %squeeze3A_1557 = vector.extract %slice3A_1556[0] : i32 from vector<1xi32>
        %shift_right_arithmetic3A_1558 = arith.constant 7 : i32
        %shift_right_arithmetic3A_1559 = arith.shrsi %squeeze3A_1557, %shift_right_arithmetic3A_1558 : i32
        %mul3A_1560 = arith.constant 128 : i32
        %mul3A_1561 = arith.muli %shift_right_arithmetic3A_1559, %mul3A_1560 : i32
        %multiple_of3A_1562 = tpu.assume_multiple %mul3A_1561, 128 : i32
        %dma_start3A_1563 = arith.constant 416 : i32
        %dma_start3A_1564 = arith.constant 0 : i32
        %dma_start3A_1565 = tpu.memref_slice %arg10[%dma_start3A_1563, %dma_start3A_1564] : memref<512x128xf32, #tpu.memory_space<vmem>> -> memref<32x128xf32, #tpu.memory_space<vmem>>
        %dma_start3A_1566 = arith.constant 0 : i32
        %dma_start3A_1567 = tpu.memref_slice %arg5[%dma_start3A_1566, %multiple_of3A_1562] : memref<32x1000000xf32, #tpu.memory_space<hbm>> -> memref<32x128xf32, #tpu.memory_space<hbm>>
        %dma_start3A_1568 = arith.constant 416 : i32
        %dma_start3A_1569 = arith.constant 0 : i32
        %dma_start3A_1570 = tpu.memref_slice %arg10[%dma_start3A_1568, %dma_start3A_1569] : memref<512x128xf32, #tpu.memory_space<vmem>> -> memref<32x128xf32, #tpu.memory_space<vmem>>
        %dma_start3A_1571 = arith.constant 0 : i32
        %dma_start3A_1572 = tpu.memref_slice %arg5[%dma_start3A_1571, %multiple_of3A_1562] : memref<32x1000000xf32, #tpu.memory_space<hbm>> -> memref<32x128xf32, #tpu.memory_space<hbm>>
        tpu.enqueue_dma source(%dma_start3A_1572 : memref<32x128xf32, #tpu.memory_space<hbm>>) target(%dma_start3A_1570 : memref<32x128xf32, #tpu.memory_space<vmem>>) target_semaphore(%arg15 : memref<!tpu.dma_semaphore, #tpu.memory_space<semaphore_mem>>)
        %slice3A_1573 = vector.extract_strided_slice %get3A_571 {offsets = [14], sizes = [1], strides = [1]} : vector<16xi32> to vector<1xi32>
        %squeeze3A_1574 = vector.extract %slice3A_1573[0] : i32 from vector<1xi32>
        %shift_right_arithmetic3A_1575 = arith.constant 7 : i32
        %shift_right_arithmetic3A_1576 = arith.shrsi %squeeze3A_1574, %shift_right_arithmetic3A_1575 : i32
        %mul3A_1577 = arith.constant 128 : i32
        %mul3A_1578 = arith.muli %shift_right_arithmetic3A_1576, %mul3A_1577 : i32
        %multiple_of3A_1579 = tpu.assume_multiple %mul3A_1578, 128 : i32
        %dma_start3A_1580 = arith.constant 448 : i32
        %dma_start3A_1581 = arith.constant 0 : i32
        %dma_start3A_1582 = tpu.memref_slice %arg10[%dma_start3A_1580, %dma_start3A_1581] : memref<512x128xf32, #tpu.memory_space<vmem>> -> memref<32x128xf32, #tpu.memory_space<vmem>>
        %dma_start3A_1583 = arith.constant 0 : i32
        %dma_start3A_1584 = tpu.memref_slice %arg5[%dma_start3A_1583, %multiple_of3A_1579] : memref<32x1000000xf32, #tpu.memory_space<hbm>> -> memref<32x128xf32, #tpu.memory_space<hbm>>
        %dma_start3A_1585 = arith.constant 448 : i32
        %dma_start3A_1586 = arith.constant 0 : i32
        %dma_start3A_1587 = tpu.memref_slice %arg10[%dma_start3A_1585, %dma_start3A_1586] : memref<512x128xf32, #tpu.memory_space<vmem>> -> memref<32x128xf32, #tpu.memory_space<vmem>>
        %dma_start3A_1588 = arith.constant 0 : i32
        %dma_start3A_1589 = tpu.memref_slice %arg5[%dma_start3A_1588, %multiple_of3A_1579] : memref<32x1000000xf32, #tpu.memory_space<hbm>> -> memref<32x128xf32, #tpu.memory_space<hbm>>
        tpu.enqueue_dma source(%dma_start3A_1589 : memref<32x128xf32, #tpu.memory_space<hbm>>) target(%dma_start3A_1587 : memref<32x128xf32, #tpu.memory_space<vmem>>) target_semaphore(%arg15 : memref<!tpu.dma_semaphore, #tpu.memory_space<semaphore_mem>>)
        %slice3A_1590 = vector.extract_strided_slice %get3A_571 {offsets = [15], sizes = [1], strides = [1]} : vector<16xi32> to vector<1xi32>
        %squeeze3A_1591 = vector.extract %slice3A_1590[0] : i32 from vector<1xi32>
        %shift_right_arithmetic3A_1592 = arith.constant 7 : i32
        %shift_right_arithmetic3A_1593 = arith.shrsi %squeeze3A_1591, %shift_right_arithmetic3A_1592 : i32
        %mul3A_1594 = arith.constant 128 : i32
        %mul3A_1595 = arith.muli %shift_right_arithmetic3A_1593, %mul3A_1594 : i32
        %multiple_of3A_1596 = tpu.assume_multiple %mul3A_1595, 128 : i32
        %dma_start3A_1597 = arith.constant 480 : i32
        %dma_start3A_1598 = arith.constant 0 : i32
        %dma_start3A_1599 = tpu.memref_slice %arg10[%dma_start3A_1597, %dma_start3A_1598] : memref<512x128xf32, #tpu.memory_space<vmem>> -> memref<32x128xf32, #tpu.memory_space<vmem>>
        %dma_start3A_1600 = arith.constant 0 : i32
        %dma_start3A_1601 = tpu.memref_slice %arg5[%dma_start3A_1600, %multiple_of3A_1596] : memref<32x1000000xf32, #tpu.memory_space<hbm>> -> memref<32x128xf32, #tpu.memory_space<hbm>>
        %dma_start3A_1602 = arith.constant 480 : i32
        %dma_start3A_1603 = arith.constant 0 : i32
        %dma_start3A_1604 = tpu.memref_slice %arg10[%dma_start3A_1602, %dma_start3A_1603] : memref<512x128xf32, #tpu.memory_space<vmem>> -> memref<32x128xf32, #tpu.memory_space<vmem>>
        %dma_start3A_1605 = arith.constant 0 : i32
        %dma_start3A_1606 = tpu.memref_slice %arg5[%dma_start3A_1605, %multiple_of3A_1596] : memref<32x1000000xf32, #tpu.memory_space<hbm>> -> memref<32x128xf32, #tpu.memory_space<hbm>>
        tpu.enqueue_dma source(%dma_start3A_1606 : memref<32x128xf32, #tpu.memory_space<hbm>>) target(%dma_start3A_1604 : memref<32x128xf32, #tpu.memory_space<vmem>>) target_semaphore(%arg15 : memref<!tpu.dma_semaphore, #tpu.memory_space<semaphore_mem>>)
      } else {
      }
    }
    %scan3A_562 = arith.constant 32 : i32
    "tpu.region"() ({
      %run_scoped3A = tpu.sem_alloc : memref<!tpu.dma_semaphore, #tpu.memory_space<semaphore_mem>>
      %dma_start3A_563 = arith.constant 0 : i32
      %dma_start3A_564 = tpu.memref_slice %arg7[%mul3A_9, %dma_start3A_563] : memref<4096x128xf32, #tpu.memory_space<hbm>> -> memref<128x128xf32, #tpu.memory_space<hbm>>
      %dma_start3A_565 = arith.constant 0 : i32
      %dma_start3A_566 = tpu.memref_slice %arg7[%mul3A_9, %dma_start3A_565] : memref<4096x128xf32, #tpu.memory_space<hbm>> -> memref<128x128xf32, #tpu.memory_space<hbm>>
      tpu.enqueue_dma source(%arg11 : memref<128x128xf32, #tpu.memory_space<vmem>>) target(%dma_start3A_566 : memref<128x128xf32, #tpu.memory_space<hbm>>) target_semaphore(%run_scoped3A : memref<!tpu.dma_semaphore, #tpu.memory_space<semaphore_mem>>)
      %dma_wait3A = arith.constant 0 : i32
      %dma_wait3A_567 = tpu.memref_slice %arg7[%mul3A_9, %dma_wait3A] : memref<4096x128xf32, #tpu.memory_space<hbm>> -> memref<128x128xf32, #tpu.memory_space<hbm>>
      %dma_wait3A_568 = arith.constant 0 : i32
      %dma_wait3A_569 = tpu.memref_slice %arg7[%mul3A_9, %dma_wait3A_568] : memref<4096x128xf32, #tpu.memory_space<hbm>> -> memref<128x128xf32, #tpu.memory_space<hbm>>
      tpu.wait_dma2 semaphore(%run_scoped3A : memref<!tpu.dma_semaphore, #tpu.memory_space<semaphore_mem>>) src(%arg11 : memref<128x128xf32, #tpu.memory_space<vmem>>) dst(%dma_wait3A_569 : memref<128x128xf32, #tpu.memory_space<hbm>>)
      tpu.yield
    }) : () -> ()
    return
  }
}

module attributes {stable_mosaic.version = 14 : i64} {
  func.func @_mlp_body(%arg0: i32, %arg1: memref<512x128xf32, #tpu.memory_space<vmem>>, %arg2: memref<512x128xf32, #tpu.memory_space<vmem>>, %arg3: memref<1024x512xf32, #tpu.memory_space<vmem>>, %arg4: memref<1024x512xf32, #tpu.memory_space<vmem>>, %arg5: memref<1024x1xf32, #tpu.memory_space<vmem>>, %arg6: memref<512x1024xf32, #tpu.memory_space<vmem>>, %arg7: memref<512x1xf32, #tpu.memory_space<vmem>>, %arg8: memref<256x512xf32, #tpu.memory_space<vmem>>, %arg9: memref<256x1xf32, #tpu.memory_space<vmem>>, %arg10: memref<16x256xf32, #tpu.memory_space<vmem>>, %arg11: memref<1x1xf32, #tpu.memory_space<vmem>>, %arg12: memref<16x128xf32, #tpu.memory_space<vmem>>) attributes {dimension_semantics = [#tpu.dimension_semantics<arbitrary>], iteration_bounds = array<i64: 8>, scalar_prefetch = 0 : i64, scratch_operands = 0 : i64, tpu.core_type = #tpu.core_type<tc>, window_params = [{transform_indices = @transform_0, window_bounds = array<i64: 512, 128>}, {transform_indices = @transform_1, window_bounds = array<i64: 512, 128>}, {pipeline_mode = #tpu.pipeline_mode<synchronous>, transform_indices = @transform_2, window_bounds = array<i64: 1024, 512>}, {pipeline_mode = #tpu.pipeline_mode<synchronous>, transform_indices = @transform_3, window_bounds = array<i64: 1024, 512>}, {pipeline_mode = #tpu.pipeline_mode<synchronous>, transform_indices = @transform_4, window_bounds = array<i64: 1024, 1>}, {pipeline_mode = #tpu.pipeline_mode<synchronous>, transform_indices = @transform_5, window_bounds = array<i64: 512, 1024>}, {pipeline_mode = #tpu.pipeline_mode<synchronous>, transform_indices = @transform_6, window_bounds = array<i64: 512, 1>}, {pipeline_mode = #tpu.pipeline_mode<synchronous>, transform_indices = @transform_7, window_bounds = array<i64: 256, 512>}, {pipeline_mode = #tpu.pipeline_mode<synchronous>, transform_indices = @transform_8, window_bounds = array<i64: 256, 1>}, {pipeline_mode = #tpu.pipeline_mode<synchronous>, transform_indices = @transform_9, window_bounds = array<i64: 16, 256>}, {pipeline_mode = #tpu.pipeline_mode<synchronous>, transform_indices = @transform_10, window_bounds = array<i64: 1, 1>}, {transform_indices = @transform_11, window_bounds = array<i64: 16, 128>}]} {
    %get3A = arith.constant 0 : index
    %get3A_0 = arith.constant 0 : index
    %get3A_1 = vector.load %arg3[%get3A, %get3A_0] : memref<1024x512xf32, #tpu.memory_space<vmem>>, vector<1024x512xf32>
    %get3A_2 = arith.constant 0 : index
    %get3A_3 = arith.constant 0 : index
    %get3A_4 = vector.load %arg1[%get3A_2, %get3A_3] : memref<512x128xf32, #tpu.memory_space<vmem>>, vector<512x128xf32>
    %dot_general3A = arith.constant dense<0.000000e+00> : vector<1024x128xf32>
    %dot_general3A_5 = tpu.matmul %get3A_1, %get3A_4, %dot_general3A {dimension_numbers = #tpu.dot_dimension_numbers<[1], [0], [0], [1], [0, 0, 1, 1], [], []>, transpose_lhs_hint = false} : vector<1024x512xf32>, vector<512x128xf32>, vector<1024x128xf32> -> vector<1024x128xf32>
    %get3A_6 = arith.constant 0 : index
    %get3A_7 = arith.constant 0 : index
    %get3A_8 = vector.load %arg4[%get3A_6, %get3A_7] : memref<1024x512xf32, #tpu.memory_space<vmem>>, vector<1024x512xf32>
    %get3A_9 = arith.constant 0 : index
    %get3A_10 = arith.constant 0 : index
    %get3A_11 = vector.load %arg2[%get3A_9, %get3A_10] : memref<512x128xf32, #tpu.memory_space<vmem>>, vector<512x128xf32>
    %dot_general3A_12 = arith.constant dense<0.000000e+00> : vector<1024x128xf32>
    %dot_general3A_13 = tpu.matmul %get3A_8, %get3A_11, %dot_general3A_12 {dimension_numbers = #tpu.dot_dimension_numbers<[1], [0], [0], [1], [0, 0, 1, 1], [], []>, transpose_lhs_hint = false} : vector<1024x512xf32>, vector<512x128xf32>, vector<1024x128xf32> -> vector<1024x128xf32>
    %add3A = arith.addf %dot_general3A_5, %dot_general3A_13 : vector<1024x128xf32>
    %get3A_14 = arith.constant 0 : index
    %get3A_15 = arith.constant 0 : index
    %get3A_16 = vector.load %arg5[%get3A_14, %get3A_15] : memref<1024x1xf32, #tpu.memory_space<vmem>>, vector<1024x1xf32>
    %add3A_17 = vector.broadcast %get3A_16 : vector<1024x1xf32> to vector<1024x128xf32>
    %add3A_18 = arith.addf %add3A, %add3A_17 : vector<1024x128xf32>
    %max3A = arith.constant 0.000000e+00 : f32
    %max3A_19 = vector.broadcast %max3A : f32 to vector<1024x128xf32>
    %max3A_20 = arith.maximumf %add3A_18, %max3A_19 : vector<1024x128xf32>
    %get3A_21 = arith.constant 0 : index
    %get3A_22 = arith.constant 0 : index
    %get3A_23 = vector.load %arg6[%get3A_21, %get3A_22] : memref<512x1024xf32, #tpu.memory_space<vmem>>, vector<512x1024xf32>
    %dot_general3A_24 = arith.constant dense<0.000000e+00> : vector<512x128xf32>
    %dot_general3A_25 = tpu.matmul %get3A_23, %max3A_20, %dot_general3A_24 {dimension_numbers = #tpu.dot_dimension_numbers<[1], [0], [0], [1], [0, 0, 1, 1], [], []>, transpose_lhs_hint = false} : vector<512x1024xf32>, vector<1024x128xf32>, vector<512x128xf32> -> vector<512x128xf32>
    %get3A_26 = arith.constant 0 : index
    %get3A_27 = arith.constant 0 : index
    %get3A_28 = vector.load %arg7[%get3A_26, %get3A_27] : memref<512x1xf32, #tpu.memory_space<vmem>>, vector<512x1xf32>
    %add3A_29 = vector.broadcast %get3A_28 : vector<512x1xf32> to vector<512x128xf32>
    %add3A_30 = arith.addf %dot_general3A_25, %add3A_29 : vector<512x128xf32>
    %max3A_31 = arith.constant 0.000000e+00 : f32
    %max3A_32 = vector.broadcast %max3A_31 : f32 to vector<512x128xf32>
    %max3A_33 = arith.maximumf %add3A_30, %max3A_32 : vector<512x128xf32>
    %get3A_34 = arith.constant 0 : index
    %get3A_35 = arith.constant 0 : index
    %get3A_36 = vector.load %arg8[%get3A_34, %get3A_35] : memref<256x512xf32, #tpu.memory_space<vmem>>, vector<256x512xf32>
    %dot_general3A_37 = arith.constant dense<0.000000e+00> : vector<256x128xf32>
    %dot_general3A_38 = tpu.matmul %get3A_36, %max3A_33, %dot_general3A_37 {dimension_numbers = #tpu.dot_dimension_numbers<[1], [0], [0], [1], [0, 0, 1, 1], [], []>, transpose_lhs_hint = false} : vector<256x512xf32>, vector<512x128xf32>, vector<256x128xf32> -> vector<256x128xf32>
    %get3A_39 = arith.constant 0 : index
    %get3A_40 = arith.constant 0 : index
    %get3A_41 = vector.load %arg9[%get3A_39, %get3A_40] : memref<256x1xf32, #tpu.memory_space<vmem>>, vector<256x1xf32>
    %add3A_42 = vector.broadcast %get3A_41 : vector<256x1xf32> to vector<256x128xf32>
    %add3A_43 = arith.addf %dot_general3A_38, %add3A_42 : vector<256x128xf32>
    %max3A_44 = arith.constant 0.000000e+00 : f32
    %max3A_45 = vector.broadcast %max3A_44 : f32 to vector<256x128xf32>
    %max3A_46 = arith.maximumf %add3A_43, %max3A_45 : vector<256x128xf32>
    %get3A_47 = arith.constant 0 : index
    %get3A_48 = arith.constant 0 : index
    %get3A_49 = vector.load %arg10[%get3A_47, %get3A_48] : memref<16x256xf32, #tpu.memory_space<vmem>>, vector<16x256xf32>
    %dot_general3A_50 = arith.constant dense<0.000000e+00> : vector<16x128xf32>
    %dot_general3A_51 = tpu.matmul %get3A_49, %max3A_46, %dot_general3A_50 {dimension_numbers = #tpu.dot_dimension_numbers<[1], [0], [0], [1], [0, 0, 1, 1], [], []>, transpose_lhs_hint = false} : vector<16x256xf32>, vector<256x128xf32>, vector<16x128xf32> -> vector<16x128xf32>
    %get3A_52 = arith.constant 0 : index
    %get3A_53 = arith.constant 0 : index
    %get3A_54 = vector.load %arg11[%get3A_52, %get3A_53] : memref<1x1xf32, #tpu.memory_space<vmem>>, vector<1x1xf32>
    %add3A_55 = vector.broadcast %get3A_54 : vector<1x1xf32> to vector<16x128xf32>
    %add3A_56 = arith.addf %dot_general3A_51, %add3A_55 : vector<16x128xf32>
    %logistic3A = arith.negf %add3A_56 : vector<16x128xf32>
    %logistic3A_57 = math.exp %logistic3A : vector<16x128xf32>
    %logistic3A_58 = arith.constant 1.000000e+00 : f32
    %logistic3A_59 = vector.broadcast %logistic3A_58 : f32 to vector<16x128xf32>
    %logistic3A_60 = arith.addf %logistic3A_59, %logistic3A_57 : vector<16x128xf32>
    %logistic3A_61 = arith.divf %logistic3A_59, %logistic3A_60 : vector<16x128xf32>
    %swap3A = arith.constant 0 : index
    %swap3A_62 = arith.constant 0 : index
    %swap3A_63 = vector.load %arg12[%swap3A, %swap3A_62] : memref<16x128xf32, #tpu.memory_space<vmem>>, vector<16x128xf32>
    tpu.vector_store %arg12[%swap3A, %swap3A_62], %logistic3A_61 {strides = array<i32>} : memref<16x128xf32, #tpu.memory_space<vmem>>, vector<16x128xf32>,
    return
  }
  func.func @transform_0(%arg0: i32) -> (i32, i32) {
    %c0_i32 = arith.constant 0 : i32
    %c0_i32_0 = arith.constant 0 : i32
    return %arg0, %c0_i32 : i32, i32
  }
  func.func @transform_1(%arg0: i32) -> (i32, i32) {
    %c0_i32 = arith.constant 0 : i32
    %c0_i32_0 = arith.constant 0 : i32
    return %arg0, %c0_i32 : i32, i32
  }
  func.func @transform_2(%arg0: i32) -> (i32, i32) {
    %c0_i32 = arith.constant 0 : i32
    %c0_i32_0 = arith.constant 0 : i32
    %c0_i32_1 = arith.constant 0 : i32
    return %c0_i32, %c0_i32_0 : i32, i32
  }
  func.func @transform_3(%arg0: i32) -> (i32, i32) {
    %c0_i32 = arith.constant 0 : i32
    %c0_i32_0 = arith.constant 0 : i32
    %c0_i32_1 = arith.constant 0 : i32
    return %c0_i32, %c0_i32_0 : i32, i32
  }
  func.func @transform_4(%arg0: i32) -> (i32, i32) {
    %c0_i32 = arith.constant 0 : i32
    %c0_i32_0 = arith.constant 0 : i32
    %c0_i32_1 = arith.constant 0 : i32
    return %c0_i32, %c0_i32_0 : i32, i32
  }
  func.func @transform_5(%arg0: i32) -> (i32, i32) {
    %c0_i32 = arith.constant 0 : i32
    %c0_i32_0 = arith.constant 0 : i32
    %c0_i32_1 = arith.constant 0 : i32
    return %c0_i32, %c0_i32_0 : i32, i32
  }
  func.func @transform_6(%arg0: i32) -> (i32, i32) {
    %c0_i32 = arith.constant 0 : i32
    %c0_i32_0 = arith.constant 0 : i32
    %c0_i32_1 = arith.constant 0 : i32
    return %c0_i32, %c0_i32_0 : i32, i32
  }
  func.func @transform_7(%arg0: i32) -> (i32, i32) {
    %c0_i32 = arith.constant 0 : i32
    %c0_i32_0 = arith.constant 0 : i32
    %c0_i32_1 = arith.constant 0 : i32
    return %c0_i32, %c0_i32_0 : i32, i32
  }
  func.func @transform_8(%arg0: i32) -> (i32, i32) {
    %c0_i32 = arith.constant 0 : i32
    %c0_i32_0 = arith.constant 0 : i32
    %c0_i32_1 = arith.constant 0 : i32
    return %c0_i32, %c0_i32_0 : i32, i32
  }
  func.func @transform_9(%arg0: i32) -> (i32, i32) {
    %c0_i32 = arith.constant 0 : i32
    %c0_i32_0 = arith.constant 0 : i32
    %c0_i32_1 = arith.constant 0 : i32
    return %c0_i32, %c0_i32_0 : i32, i32
  }
  func.func @transform_10(%arg0: i32) -> (i32, i32) {
    %c0_i32 = arith.constant 0 : i32
    %c0_i32_0 = arith.constant 0 : i32
    %c0_i32_1 = arith.constant 0 : i32
    return %c0_i32, %c0_i32_0 : i32, i32
  }
  func.func @transform_11(%arg0: i32) -> (i32, i32) {
    %c0_i32 = arith.constant 0 : i32
    %c0_i32_0 = arith.constant 0 : i32
    return %arg0, %c0_i32 : i32, i32
  }
}

</mosaic_0001>

<sc_bundles>
// kernel: kernel.4.cloned.1.call-start
scs
__scs_entry_jumppad:
0x0: {  	(pc) =	sbr.rel $0x88, $3  }
0x1: {  	(tag) =	ssettag $0x0;
	lr =	simm.s32 $0x1  }
0x2: {  	[smem:$0x3F95] =	sst lr;
	_ =	strace $0xD0000000  }
0x3: {  	_ = 	snop  }
0x4: {  	_ = 	snop  }
0x5: {  	_ = 	snop  }
0x6: {  	_ = 	snop  }
0x7: {  	_ = 	snop  }
__scs_overlays_trampoline_lowered:
0x8: {  	[smem:$0x3FA4] =	sst s0  }
0x9: {  	[smem:$0x3FA5] =	sst s1  }
0xa: {  	[smem:$0x3FA6] =	sst s2  }
0xb: {  	[smem:$0x3FA7] =	sst s3  }
0xc: {  	[smem:$0x3FA8] =	sst s4  }
0xd: {  	[smem:$0x3FA9] =	sst s5  }
0xe: {  	[smem:$0x3FAA] =	sst s6  }
0xf: {  	[smem:$0x3FAB] =	sst s7  }
0x10: {  	[smem:$0x3FAC] =	sst s8  }
0x11: {  	[smem:$0x3FAD] =	sst s9;
	s0 =	simm.s32 @!p0 $0x0  }
0x12: {  	s1 =	sld [smem:$0x3F93];
	s0 =	simm.s32 @p0 $0x1  }
0x13: {  	[smem:$0x3FAE] =	sst s0;
	s0 =	simm.s32 @!p1 $0x0  }
0x14: {  	s2 =	sld [smem:$0x3F92];
	s0 =	simm.s32 @p1 $0x1  }
0x15: {  	[smem:$0x3FAF] =	sst s0;
	s0 =	simm.s32 @!p2 $0x0  }
0x16: {  	s3 =	sld [smem:$0x3FDB];
	s0 =	simm.s32 @p2 $0x1  }
0x17: {  	s4 =	simm.s32 $0x1BF5;
	[smem:$0x3FB1] =	sst s0  }
0x18: {  	s0 =	sld [smem:$0x3F94];
	_ =	swait.ge [sflag:s4], $0x0  }
0x19: {  	s7 =	sld [smem:$0x3F95]  }
0x1a: {  	s8 =	sadd.s32 $0xFFFFE003, lr  }
0x1b: {  	s9 =	sadd.s32 $0xFFFFFEF7, lr;
	s5 =	simm.s32 $0xFFFFFFFF;
	p2 =	slt.u32 s8, $0xFFFFF086  }
0x1c: {  	p1 =	slt.u32 s9, $0xF7A;
	s5 =	simm.s32 @!p2 $0x0  }
0x1d: {  	s5 =	simm.s32 @p1 $0x1;
	p0 =	seq.s32 s7, s2  }
0x1e: {  	s7 =	smul.u32 @!p0 $0xF7A, s2;
	p2 =	seq.s32 @!p0 s5, $0x0  }
0x1f: {  	s9 =	smul.u32 $0xF7A, s1;
	s8 =	simm.s32 @!p0 $0x1BF5;
	p2 =	por !p2, p0  }
0x20: {  	[sflag:s8] =	ssyncset.s32 @!p0 $0xFFFFF086;
	s6 =	sadd.s32 @!p0 s3, s7;
	s7 =	simm.s32 @!p0 $0x108  }
0x21: {  	s3 =	sadd.s32 s3, s9;
	s6 =	sadd.s32 @!p0 $0x88, s6;
	s7 =	simm.s32 @p2 $0x1082  }
0x22: {  	[simem:s7], [sflag:s8] =	dma.local @!p0 [hbm:s6], $0xF7A  }
0x23: {  	s9 =	sor.u32 $0xD0000000, s2;
	s6 =	simm.s32 $0x108;
	_ =	swait.ge @!p0 [sflag:s8], $0x0  }
0x24: {  	s3 =	sadd.s32 $0x88, s3;
	s6 =	simm.s32 @!p1 $0x1082;
	[sflag:s4] =	ssyncset.s32 $0xFFFFF086  }
0x25: {  	[simem:s6], [sflag:s4] =	dma.local [hbm:s3], $0xF7A  }
0x26: {  	[smem:$0x3F95] =	sst s1;
	(tag) =	ssettag s2;
	_ =	strace s9  }
0x27: {  	s1 =	sld [smem:$0x3FA5]  }
0x28: {  	s2 =	sld [smem:$0x3FA6]  }
0x29: {  	s4 =	sld [smem:$0x3FA8]  }
0x2a: {  	p0 =	seq.s32 s5, $0x0;
	s5 =	sld [smem:$0x3FA9]  }
0x2b: {  	s6 =	sld [smem:$0x3FAA]  }
0x2c: {  	s7 =	sld [smem:$0x3FAB]  }
0x2d: {  	s3 =	simm.s32 $0x108;
	s8 =	sld [smem:$0x3FAC]  }
0x2e: {  	s3 =	simm.s32 @!p0 $0x1082;
	s9 =	sld [smem:$0x3FAD]  }
0x2f: {  	lr =	sadd.s32 s0, s3;
	s0 =	sld [smem:$0x3FA4]  }
0x30: {  	s3 =	sld [smem:$0x3FA7]  }
0x31: {  	[smem:$0x3FB0] =	sst s10  }
0x32: {  	s10 =	sld [smem:$0x3FAE];
	_ =	sdelay $0x3  }
0x33: {  	p0 =	seq.s32 s10, $0x1;
	s10 =	sld [smem:$0x3FB0];
	_ =	sdelay $0x3  }
0x34: {  	[smem:$0x3FB0] =	sst s10  }
0x35: {  	s10 =	sld [smem:$0x3FAF];
	_ =	sdelay $0x3  }
0x36: {  	p1 =	seq.s32 s10, $0x1;
	s10 =	sld [smem:$0x3FB0];
	_ =	sdelay $0x3  }
0x37: {  	[smem:$0x3FB0] =	sst s10  }
0x38: {  	s10 =	sld [smem:$0x3FB1]  }
0x39: {  	_ = 	snop;
	(pc) =	sbr.ind lr, $3  }
0x3a: {  	_ = 	snop  }
0x3b: {  	_ = 	snop  }
0x3c: {  	p2 =	seq.s32 s10, $0x1;
	s10 =	sld [smem:$0x3FB0]  }
0x3d: {  	_ =	shalt  }
0x3e: {  	_ =	shalt  }
0x3f: {  	_ =	shalt  }
0x40: {  	_ =	shalt  }
0x41: {  	_ =	shalt  }
0x42: {  	_ =	shalt  }
0x43: {  	_ =	shalt  }
0x44: {  	_ =	shalt  }
0x45: {  	_ =	shalt  }
0x46: {  	_ =	shalt  }
0x47: {  	_ =	shalt  }
0x48: {  	_ =	shalt  }
0x49: {  	_ =	shalt  }
0x4a: {  	_ =	shalt  }
0x4b: {  	_ =	shalt  }
0x4c: {  	_ =	shalt  }
0x4d: {  	_ =	shalt  }
0x4e: {  	_ =	shalt  }
0x4f: {  	_ =	shalt  }
0x50: {  	_ =	shalt  }
0x51: {  	_ =	shalt  }
0x52: {  	_ =	shalt  }
0x53: {  	_ =	shalt  }
0x54: {  	_ =	shalt  }
0x55: {  	_ =	shalt  }
0x56: {  	_ =	shalt  }
0x57: {  	_ =	shalt  }
0x58: {  	_ =	shalt  }
0x59: {  	_ =	shalt  }
0x5a: {  	_ =	shalt  }
0x5b: {  	_ =	shalt  }
0x5c: {  	_ =	shalt  }
0x5d: {  	_ =	shalt  }
0x5e: {  	_ =	shalt  }
0x5f: {  	_ =	shalt  }
0x60: {  	_ =	shalt  }
0x61: {  	_ =	shalt  }
0x62: {  	_ =	shalt  }
0x63: {  	_ =	shalt  }
0x64: {  	_ =	shalt  }
0x65: {  	_ =	shalt  }
0x66: {  	_ =	shalt  }
0x67: {  	_ =	shalt  }
0x68: {  	_ =	shalt  }
0x69: {  	_ =	shalt  }
0x6a: {  	_ =	shalt  }
0x6b: {  	_ =	shalt  }
0x6c: {  	_ =	shalt  }
0x6d: {  	_ =	shalt  }
0x6e: {  	_ =	shalt  }
0x6f: {  	_ =	shalt  }
0x70: {  	_ =	shalt  }
0x71: {  	_ =	shalt  }
0x72: {  	_ =	shalt  }
0x73: {  	_ =	shalt  }
0x74: {  	_ =	shalt  }
0x75: {  	_ =	shalt  }
0x76: {  	_ =	shalt  }
0x77: {  	_ =	shalt  }
0x78: {  	_ =	shalt  }
0x79: {  	_ =	shalt  }
0x7a: {  	_ =	shalt  }
0x7b: {  	_ =	shalt  }
0x7c: {  	_ =	shalt  }
0x7d: {  	_ =	shalt  }
0x7e: {  	_ =	shalt  }
0x7f: {  	_ =	shalt  }
0x80: {  	_ =	shalt  }
0x81: {  	_ =	shalt  }
0x82: {  	_ =	shalt  }
0x83: {  	_ =	shalt  }
0x84: {  	_ =	shalt  }
0x85: {  	_ =	shalt  }
0x86: {  	_ =	shalt  }
0x87: {  	_ =	shalt  }
.Lfunc_end0:
.L_simem_size_0:
called_computation_lowered:
.L_overlay_start_0:
0x88: {  	s2 =	sld [smem:$0x3FD9]  }
0x89: {  	s3 =	sld [smem:$0x3FFE];
	_ =	sdelay $0x1  }
0x8a: {  	s1 =	srdreg.scid  }
0x8b: {  	s0 =	sand.u32 $0x1, s1  }
0x8c: {  	s17 =	sshll.u32 s0, $0xA;
	s2 =	sadd.s32 s3, s2  }
0x8d: {  	s2 =	sadd.s32 s2, s17  }
0x8e: {  	[smem:$0x3FBC] =	sst s2  }
0x8f: {  	_ = 	snop  }
0x90: {  	s2 =	sld [smem:$0x3FC9]  }
0x91: {  	s18 =	sld [smem:$0x3FC8]  }
0x92: {  	s4 =	sld [smem:$0x3FC7]  }
0x93: {  	s5 =	sld [smem:$0x3FC6];
	(tm) =	ssettm $0x1  }
0x94: {  	s6 =	sld [smem:$0x3FFB];
	_ =	sdelay $0x3  }
0x95: {  	_ =	strace s6  }
0x96: {  	s6 =	sld [smem:$0x3FFC];
	_ =	sdelay $0x3  }
0x97: {  	_ =	strace s6  }
0x98: {  	s6 =	sld [smem:$0x3FFD];
	_ =	sdelay $0x3  }
0x99: {  	_ =	strace s6  }
0x9a: {  	_ =	strace $0x8FFFFFFF  }
0x9b: {  	s19 =	sld [smem:$0x3FDB];
	_ =	sdelay $0x1  }
0x9c: {  	s7 =	simm.s32 $_scs_section_size  }
0x9d: {  	s8 =	simm.s32 $_size__tile_overlayer_lowered;
	s9 =	simm.s32 $_tile_overlayer_lowered  }
0x9e: {  	s22 =	simm.s32 $0x1BFF;
	s21 =	sshll.u32 s9, $0x1;
	s6 =	sadd.s32 s7, s19  }
0x9f: {  	s10 =	simm.s32 $0x0;
	s20 =	sshll.u32 s8, $0x1;
	s8 =	sadd.s32 s21, s6  }
0xa0: {  	[timem:s10], [sflag:s22] =	dma.local [hbm:s8], s20  }
0xa1: {  	_ =	swait.ge [sflag:s22], s20  }
0xa2: {  	s7 =	ssub.s32 $0x0, s20;
	[sflag:s22] =	ssyncset.done $0x0  }
0xa3: {  	[sflag:s22] =	ssyncadd.s32 s7;
	_ =	sdelay $0x1  }
0xa4: {  	s23 =	simm.s32 $0x1B8B  }
0xa5: {  	_ =	swait.ge [sflag:s23], $0x1  }
0xa6: {  	[sflag:s23] =	ssyncset.done $0x0  }
0xa7: {  	s25 =	simm.s32 $0x1B8E;
	s24 =	sld [smem:$0x3FFE];
	[sflag:s23] =	ssyncadd.s32 $0xFFFFFFFF  }
0xa8: {  	s26 =	simm.s32 $execute0_lowered;
	[smem:$0x3FD2] =	sst s25  }
0xa9: {  	s8 =	sshll.u32 s26, $0x1;
	_ =	strace $0x80000046;
	[dreg:$0x1] =	wrdreg $0xFFFFFFFF  }
0xaa: {  	s28 =	simm.s32 $_size_execute0_lowered;
	s6 =	sadd.s32 s6, s8;
	[dreg:$0x0] =	wrdreg $0x0  }
0xab: {  	s8 =	sshll.u32 s28, $0x1;
	[dreg:$0x2] =	wrdreg s6  }
0xac: {  	[dreg:$0x3] =	wrdreg s8  }
0xad: {  	[dreg:$0x4] =	wrdreg $0xC0  }
0xae: {  	_ =	task [dreg:s10], $0x5FFFF  }
0xaf: {  	[dreg:$0x1] =	wrdreg $0xFFFFFFFF  }
0xb0: {  	[dreg:$0x0] =	wrdreg $0x60  }
0xb1: {  	[dreg:$0x2] =	wrdreg s2  }
0xb2: {  	[dreg:$0x3] =	wrdreg s18  }
0xb3: {  	[dreg:$0x4] =	wrdreg s4  }
0xb4: {  	[dreg:$0x5] =	wrdreg s5  }
0xb5: {  	[dreg:$0x6] =	wrdreg s24  }
0xb6: {  	[dreg:$0x7] =	wrdreg $0x9  }
0xb7: {  	_ =	task.clear_ibuf [dreg:s10], $0x8FFFF;
	_ =	strace $0x90000046  }
0xb8: {  	s29 =	simm.s32 $0x9;
	_ =	strace $0x80000048  }
0xb9: {  	_ =	swait.ge [sflag:s29], $0x1  }
0xba: {  	[sflag:s29] =	ssyncadd.s32 $0xFFFFFFFF  }
0xbb: {  	_ =	strace $0x90000048  }
0xbc: {  	_ =	sfence  }
0xbd: {  	s30 =	sld [smem:$0x0];
	_ =	sdelay $0x2  }
0xbe: {  	s31 =	sshll.u32 s1, $0xD;
	s1 =	sshrl.u32 s1, $0x2  }
0xbf: {  	s3 =	sand.u32 $0x4000, s31;
	s1 =	sadd.s32 s1, s30  }
0xc0: {  	s0 =	sor.u32 s3, s0;
	s1 =	sshll.u32 s1, $0x11  }
0xc1: {  	s0 =	sor.u32 s1, s0  }
0xc2: {  	s0 =	sadd.s32 $0x8F2B, s0  }
0xc3: {  	[sflag:s0] =	ssyncadd.remote.s32 $0x1  }
0xc4: {  	_ =	sfence.sel $0xFFFF  }
0xc5: {  	[dreg:$0x0] =	wrdreg $0xFFFFFFFF;
	(pc) =	sbr.abs _section_cstart, $3  }
0xc6: {  	[dreg:$0x1] =	wrdreg $0xFFFFFFFF  }
0xc7: {  	_ =	task.clear_ibuf [dreg:s10], $0x2FFFF;
	_ =	strace $0x9FFFFFFF  }
0xc8: {  	(tm) =	ssettm $0x7FFFFFFF  }
0xc9: {  	_ =	shalt  }
tec
execute0_lowered:
.L_overlay_start_1:
0x0: {  	(tag) =	ssettag $0x1  }
0x1: {  	s0 =	rddreg [dreg:$0x0]  }
0x2: {  	s3 =	rddreg [dreg:$0x1]  }
0x3: {  	s1 =	rddreg [dreg:$0x2]  }
0x4: {  	s2 =	rddreg [dreg:$0x3]  }
0x5: {  	s5 =	rddreg [dreg:$0x4]  }
0x6: {  	s4 =	simm.s32 $0x0;
	s6 =	srdreg.scid;
	s7 =	stileid.u32  }
0x7: {  	v0 =	vlaneseq.u32;
	s11 =	simm.s32 $0x400;
	s12 =	simm.s32 $0x5;
	s13 =	simm.s32 $0x7A1400  }
0x8: {  	s14 =	simm.s32 $0x500;
	s20 =	simm.s32 $0x6500;
	s21 =	simm.s32 $0x7500;
	v0 =	vmul.u32 $0x80, v0  }
0x9: {  	s22 =	simm.s32 $0x8500;
	s28 =	simm.s32 $0xD500;
	s29 =	simm.s32 $0xE500  }
0xa: {  	s30 =	simm.s32 $0xF500;
	s31 =	simm.s32 $0x1;
	s10 =	simm.s32 $0x3;
	v1 =	vor.u32 $0x800, v0  }
0xb: {  	[smem:$0x7FF] =	sst s4;
	s6 =	sand.u32 $0x1, s6;
	s7 =	sshll.u32 s7, $0x1;
	v2 =	vor.u32 $0x1000, v0;
	v3 =	vor.u32 $0x1800, v0;
	v4 =	vor.u32 $0x2000, v0  }
0xc: {  	_ =	strace $0x80000047;
	s7 =	sor.u32 s6, s7;
	s6 =	ssub.s32 $0x2, s6;
	v5 =	vor.u32 $0x2800, v0;
	v6 =	vor.u32 $0x3000, v0;
	v7 =	vor.u32 $0x3800, v0  }
0xd: {  	s8 =	sshll.u32 s7, $0xB;
	s9 =	sshrl.u32 s6, $0x1;
	s7 =	sshll.u32 s7, $0x6;
	v8 =	vor.u32 $0x4000, v0;
	v9 =	vor.u32 $0x4800, v0;
	v10 =	vor.u32 $0x5000, v0  }
0xe: {  	v11 =	vor.u32 $0x5800, v0;
	v12 =	vor.u32 $0x6000, v0;
	v13 =	vor.u32 $0x6800, v0;
	s5 =	sadd.s32 s8, s5;
	s6 =	ssub.s32 s6, s9;
	s0 =	sadd.s32 s0, s7  }
0xf: {  	v14 =	vor.u32 $0x7000, v0;
	v15 =	vor.u32 $0x7800, v0;
	v16 =	vor.u32 $0x8000, v0;
	s23 =	sadd.s32 s3, s7;
	s3 =	simm.s32 $0x2;
	[dreg:$0x6] =	wrdreg s0  }
.Ltmp0:
0x10: {  	v17 =	vor.u32 $0x8800, v0;
	v18 =	vor.u32 $0x9000, v0;
	v19 =	vor.u32 $0x9800, v0;
	[dreg:$0x7] =	wrdreg s23;
	s24 =	sadd.s32 $0x1E00, s5;
	(pc) =	sbr.rel .LBB2_1-.Ltmp0, $4  }
0x11: {  	v20 =	vor.u32 $0xA000, v0;
	v21 =	vor.u32 $0xA800, v0;
	v22 =	vor.u32 $0xB000, v0;
	s25 =	sadd.s32 $0x11E00, s5;
	s26 =	smax.u32 s6, $0x1;
	[dreg:$0x8] =	wrdreg s24  }
0x12: {  	v23 =	vor.u32 $0xB800, v0;
	v24 =	vor.u32 $0xC000, v0;
	v25 =	vor.u32 $0xC800, v0;
	s23 =	simm.s32 $0x9500;
	s0 =	simm.s32 $0x10500;
	[dreg:$0x9] =	wrdreg s25  }
0x13: {  	v26 =	vor.u32 $0xD000, v0;
	v27 =	vor.u32 $0xD800, v0;
	v28 =	vor.u32 $0xE000, v0;
	s5 =	simm.s32 $0x4;
	s6 =	simm.s32 $0x0;
	[dreg:$0xa] =	wrdreg s26  }
0x14: {  	v29 =	vor.u32 $0xE800, v0;
	v30 =	vor.u32 $0xF000, v0;
	v31 =	vor.u32 $0xF800, v0;
	s24 =	simm.s32 $0xA500;
	s25 =	simm.s32 $0xB500;
	s26 =	simm.s32 $0xC500  }
.LBB2_7:
0x15: {  	s7 =	rddreg [dreg:$0x9]  }
0x16: {  	[hbm4b:s7+s4] =	stream.linear.scatter [tilespmem:s0], [sflag:$0x5], $0x4000, $0x38;
	[tilespmem:$0x14500] =	vst v63  }
0x17: {  	_ =	swait.ge [sflag:s12], $0x4000  }
0x18: {  	s6 =	sadd.s32 $0x1, s6;
	s19 =	rddreg [dreg:$0xa]  }
0x19: {  	p0 =	sne.s32 s6, s19  }
.Ltmp1:
0x1a: {  	_ = 	snop;
	(pc) =	sbr.rel @!p0 .LBB2_8-.Ltmp1, $3  }
0x1b: {  	_ =	sdelay $0x1  }
0x1c: {  	[sflag:s12] =	ssyncset.done $0x0  }
0x1d: {  	[sflag:s12] =	ssyncadd.s32 $0xFFFFC000  }
.LBB2_1:
0x1e: {  	s7 =	rddreg [dreg:$0x6]  }
0x1f: {  	[tilespmem:s4], [sflag:$0x5] =	stream.linear.gather [hbm4b:s7+s4], $0x200, $0x38;
	[tilespmem:$0x14500] =	vst v63  }
0x20: {  	_ =	swait.ge [sflag:s12], $0x200  }
0x21: {  	[sflag:s12] =	ssyncset.done $0x0  }
0x22: {  	s8 =	simm.s32 $0x280;
	s9 =	rddreg [dreg:$0x7];
	[sflag:s12] =	ssyncadd.s32 $0xFFFFFE00  }
0x23: {  	[tilespmem:s8], [sflag:$0x5] =	stream.linear.gather [hbm4b:s9+s4], $0x200, $0x38;
	[tilespmem:$0x14500] =	vst v63  }
0x24: {  	_ =	swait.ge [sflag:s12], $0x200  }
0x25: {  	[sflag:s12] =	ssyncset.done $0x0  }
0x26: {  	[sflag:s12] =	ssyncadd.s32 $0xFFFFFE00  }
0x27: {  	v32 =	vld [tilespmem:$0x0];
	_ =	sdelay $0x4  }
0x28: {  	(v2sf) =	vpush v32, $0x0  }
0x29: {  	(v2sf) =	vpush v32, $0x1;
	_ =	sdelay $0x5  }
0x2a: {  	(v2sf) =	vpush v32, $0x2;
	_ =	sdelay $0x1  }
0x2b: {  	(v2sf) =	vpush v32, $0x3;
	_ =	sdelay $0x5  }
0x2c: {  	s15 =	spop (v2sf);
	(v2sf) =	vpush v32, $0x4  }
0x2d: {  	s16 =	spop (v2sf);
	(v2sf) =	vpush v32, $0x5;
	_ =	sdelay $0x4  }
0x2e: {  	s7 =	sand.u32 $0xFFFFF80, s15  }
0x2f: {  	s7 =	sadd.s32 s1, s7;
	s18 =	spop (v2sf);
	(v2sf) =	vpush v32, $0x6  }
0x30: {  	[tilespmem:s14], [sflag:$0x1] =	stream.strided.gather [hbm4b:s7+s11], $0x1000, s13, s11, $0x38;
	[tilespmem:$0x14500] =	vst v63  }
0x31: {  	s7 =	sand.u32 $0xFFFFF80, s16;
	s8 =	spop (v2sf);
	(v2sf) =	vpush v32, $0x7  }
0x32: {  	s17 =	simm.s32 $0x1500;
	s7 =	sadd.s32 s1, s7  }
0x33: {  	[tilespmem:s17], [sflag:$0x1] =	stream.strided.gather [hbm4b:s7+s11], $0x1000, s13, s11, $0x38;
	[tilespmem:$0x14500] =	vst v63  }
0x34: {  	s7 =	sand.u32 $0xFFFFF80, s18  }
0x35: {  	s19 =	simm.s32 $0x2500;
	s7 =	sadd.s32 s1, s7  }
0x36: {  	[tilespmem:s19], [sflag:$0x1] =	stream.strided.gather [hbm4b:s7+s11], $0x1000, s13, s11, $0x38;
	[tilespmem:$0x14500] =	vst v63  }
0x37: {  	s7 =	sand.u32 $0xFFFFF80, s8;
	s15 =	spop (v2sf);
	(v2sf) =	vpush v32, $0x8  }
0x38: {  	s9 =	simm.s32 $0x3500;
	s7 =	sadd.s32 s1, s7;
	s17 =	spop (v2sf);
	(v2sf) =	vpush v32, $0x9  }
0x39: {  	[tilespmem:s9], [sflag:$0x1] =	stream.strided.gather [hbm4b:s7+s11], $0x1000, s13, s11, $0x38;
	[tilespmem:$0x14500] =	vst v63  }
0x3a: {  	s7 =	sand.u32 $0xFFFFF80, s15;
	(v2sf) =	vpush v32, $0xA  }
0x3b: {  	s16 =	simm.s32 $0x4500;
	s7 =	sadd.s32 s1, s7  }
0x3c: {  	[tilespmem:s16], [sflag:$0x2] =	stream.strided.gather [hbm4b:s7+s11], $0x1000, s13, s11, $0x38;
	[tilespmem:$0x14500] =	vst v63  }
0x3d: {  	s7 =	sand.u32 $0xFFFFF80, s17  }
0x3e: {  	s18 =	simm.s32 $0x5500;
	s19 =	spop (v2sf);
	s7 =	sadd.s32 s1, s7  }
0x3f: {  	(v2sf) =	vpush v32, $0xB;
	[tilespmem:s18], [sflag:$0x2] =	stream.strided.gather [hbm4b:s7+s11], $0x1000, s13, s11, $0x38;
	[tilespmem:$0x14500] =	vst v63  }
0x40: {  	s8 =	spop (v2sf);
	(v2sf) =	vpush v32, $0xC;
	s7 =	sand.u32 $0xFFFFF80, s19  }
0x41: {  	s7 =	sadd.s32 s1, s7  }
0x42: {  	[tilespmem:s20], [sflag:$0x2] =	stream.strided.gather [hbm4b:s7+s11], $0x1000, s13, s11, $0x38;
	[tilespmem:$0x14500] =	vst v63  }
0x43: {  	s7 =	sand.u32 $0xFFFFF80, s8  }
0x44: {  	s7 =	sadd.s32 s1, s7  }
0x45: {  	[tilespmem:s21], [sflag:$0x2] =	stream.strided.gather [hbm4b:s7+s11], $0x1000, s13, s11, $0x38;
	[tilespmem:$0x14500] =	vst v63  }
0x46: {  	s9 =	spop (v2sf);
	(v2sf) =	vpush v32, $0xD  }
0x47: {  	s15 =	spop (v2sf);
	(v2sf) =	vpush v32, $0xE  }
0x48: {  	s7 =	sand.u32 $0xFFFFF80, s9  }
0x49: {  	s7 =	sadd.s32 s1, s7;
	s16 =	spop (v2sf)  }
0x4a: {  	(v2sf) =	vpush v32, $0xF;
	[tilespmem:s22], [sflag:$0x3] =	stream.strided.gather [hbm4b:s7+s11], $0x1000, s13, s11, $0x38;
	[tilespmem:$0x14500] =	vst v63  }
0x4b: {  	s7 =	sand.u32 $0xFFFFF80, s15  }
0x4c: {  	s7 =	sadd.s32 s1, s7  }
0x4d: {  	[tilespmem:s23], [sflag:$0x3] =	stream.strided.gather [hbm4b:s7+s11], $0x1000, s13, s11, $0x38;
	[tilespmem:$0x14500] =	vst v63  }
0x4e: {  	s17 =	spop (v2sf);
	s7 =	sand.u32 $0xFFFFF80, s16  }
0x4f: {  	s18 =	sand.u32 $0xFFFFF80, s17;
	s19 =	spop (v2sf);
	s7 =	sadd.s32 s1, s7  }
0x50: {  	[tilespmem:s24], [sflag:$0x3] =	stream.strided.gather [hbm4b:s7+s11], $0x1000, s13, s11, $0x38;
	[tilespmem:$0x14500] =	vst v63  }
0x51: {  	s9 =	sand.u32 $0xFFFFF80, s19;
	s7 =	sadd.s32 s1, s18  }
0x52: {  	[tilespmem:s25], [sflag:$0x3] =	stream.strided.gather [hbm4b:s7+s11], $0x1000, s13, s11, $0x38;
	[tilespmem:$0x14500] =	vst v63  }
0x53: {  	s7 =	sadd.s32 s1, s9  }
0x54: {  	[tilespmem:s26], [sflag:$0x4] =	stream.strided.gather [hbm4b:s7+s11], $0x1000, s13, s11, $0x38;
	[tilespmem:$0x14500] =	vst v63  }
0x55: {  	s15 =	spop (v2sf)  }
0x56: {  	s16 =	sand.u32 $0xFFFFF80, s15;
	s17 =	spop (v2sf)  }
0x57: {  	s7 =	sadd.s32 s1, s16;
	s18 =	sand.u32 $0xFFFFF80, s17  }
0x58: {  	[tilespmem:s28], [sflag:$0x4] =	stream.strided.gather [hbm4b:s7+s11], $0x1000, s13, s11, $0x38;
	[tilespmem:$0x14500] =	vst v63  }
0x59: {  	s19 =	spop (v2sf);
	s7 =	sadd.s32 s1, s18  }
0x5a: {  	[tilespmem:s29], [sflag:$0x4] =	stream.strided.gather [hbm4b:s7+s11], $0x1000, s13, s11, $0x38;
	[tilespmem:$0x14500] =	vst v63  }
0x5b: {  	s7 =	sand.u32 $0xFFFFF80, s19  }
0x5c: {  	s7 =	sadd.s32 s1, s7  }
0x5d: {  	[tilespmem:s30], [sflag:$0x4] =	stream.strided.gather [hbm4b:s7+s11], $0x1000, s13, s11, $0x38;
	[tilespmem:$0x14500] =	vst v63  }
0x5e: {  	s8 =	simm.s32 $0x0;
	s15 =	simm.s32 $0x0;
	s7 =	simm.s32 $0x10  }
.LBB2_2:
0x5f: {  	v33 =	vld [tilespmem:s7+$0xFFFFFFF0]  }
0x60: {  	v32 =	vld [tilespmem:s7+$0x0];
	_ =	swait.ge [sflag:s31], $0x1000  }
0x61: {  	[sflag:s31] =	ssyncset.done $0x0  }
0x62: {  	[sflag:s31] =	ssyncadd.s32 $0xFFFFF000  }
0x63: {  	_ =	swait.ge [sflag:s31], $0x1000  }
0x64: {  	[sflag:s31] =	ssyncset.done $0x0  }
0x65: {  	[sflag:s31] =	ssyncadd.s32 $0xFFFFF000  }
0x66: {  	_ =	swait.ge [sflag:s31], $0x1000  }
0x67: {  	[sflag:s31] =	ssyncset.done $0x0  }
0x68: {  	[sflag:s31] =	ssyncadd.s32 $0xFFFFF000  }
0x69: {  	_ =	swait.ge [sflag:s31], $0x1000  }
0x6a: {  	(v2sf) =	vpush v33, $0x0;
	_ =	sdelay $0xb  }
0x6b: {  	(v2sf) =	vpush v33, $0x1;
	_ =	sdelay $0x2  }
0x6c: {  	s9 =	spop (v2sf)  }
0x6d: {  	s9 =	sand.u32 $0x7F, s9  }
0x6e: {  	v35 =	vor.u32 s9, v0  }
0x6f: {  	s16 =	sand.u32 $0x60, s15  }
0x70: {  	v34 =	vmov s16  }
0x71: {  	v36 =	vshll.u32 v34, $0x7;
	[sflag:s31] =	ssyncset.done $0x0  }
0x72: {  	s16 =	sand.u32 $0x70, s8;
	v34 =	vor.u32 v0, v36;
	[sflag:s31] =	ssyncadd.s32 $0xFFFFF000  }
0x73: {  	v37 =	vor.u32 s16, v34;
	v35 =	vld.idx.msk [tilespmem:v35+s14+$0x0], $0xffff  }
0x74: {  	v38 =	vor.u32 s9, v1  }
0x75: {  	(v2sf) =	vpush v33, $0x2;
	_ =	sdelay $0x2  }
0x76: {  	s18 =	spop (v2sf);
	[tilespmem:v37+s0+$0x0] =	vst.idx.msk $0xffff, v35;
	v35 =	vor.u32 v1, v36  }
0x77: {  	s9 =	sand.u32 $0x7F, s18;
	v50 =	vld.idx.msk [tilespmem:v38+s14+$0x0], $0xffff;
	v51 =	vor.u32 s16, v35  }
0x78: {  	v52 =	vor.u32 s9, v2;
	_ =	sdelay $0x3  }
0x79: {  	s17 =	sor.u32 $0x1, s16;
	[tilespmem:v51+s0+$0x0] =	vst.idx.msk $0xffff, v50  }
0x7a: {  	v53 =	vor.u32 s17, v34;
	v36 =	vld.idx.msk [tilespmem:v52+s14+$0x0], $0xffff  }
0x7b: {  	v54 =	vor.u32 s9, v3  }
0x7c: {  	(v2sf) =	vpush v33, $0x3;
	_ =	sdelay $0x2  }
0x7d: {  	s19 =	spop (v2sf);
	[tilespmem:v53+s0+$0x0] =	vst.idx.msk $0xffff, v36  }
0x7e: {  	s9 =	sand.u32 $0x7F, s19;
	v55 =	vor.u32 s17, v35;
	v36 =	vld.idx.msk [tilespmem:v54+s14+$0x0], $0xffff  }
0x7f: {  	v56 =	vor.u32 s9, v4;
	_ =	sdelay $0x3  }
0x80: {  	s18 =	sor.u32 $0x2, s16;
	[tilespmem:v55+s0+$0x0] =	vst.idx.msk $0xffff, v36  }
0x81: {  	v57 =	vor.u32 s18, v34;
	v36 =	vld.idx.msk [tilespmem:v56+s14+$0x0], $0xffff  }
0x82: {  	v58 =	vor.u32 s9, v5;
	_ =	sdelay $0x3  }
0x83: {  	p0 =	seq.s32 s15, $0x7C;
	s19 =	spop (v2sf);
	[tilespmem:v57+s0+$0x0] =	vst.idx.msk $0xffff, v36  }
0x84: {  	(v2sf) =	vpush @!p0 v32, $0x0;
	s9 =	sand.u32 $0x7F, s19;
	v59 =	vor.u32 s18, v35;
	v36 =	vld.idx.msk [tilespmem:v58+s14+$0x0], $0xffff  }
0x85: {  	v60 =	vor.u32 s9, v6;
	_ =	sdelay $0x2  }
0x86: {  	(v2sf) =	vpush @!p0 v32, $0x1  }
0x87: {  	s18 =	sor.u32 $0x3, s16;
	[tilespmem:v59+s0+$0x0] =	vst.idx.msk $0xffff, v36  }
0x88: {  	v61 =	vor.u32 s18, v34;
	v36 =	vld.idx.msk [tilespmem:v60+s14+$0x0], $0xffff  }
0x89: {  	v62 =	vor.u32 s9, v7  }
0x8a: {  	(v2sf) =	vpush @!p0 v32, $0x2;
	_ =	sdelay $0x2  }
0x8b: {  	[tilespmem:v61+s0+$0x0] =	vst.idx.msk $0xffff, v36  }
0x8c: {  	(v2sf) =	vpush @!p0 v32, $0x3;
	v63 =	vor.u32 s18, v35;
	v36 =	vld.idx.msk [tilespmem:v62+s14+$0x0], $0xffff;
	_ =	sdelay $0x2  }
0x8d: {  	s9 =	spop @!p0 (v2sf)  }
0x8e: {  	s19 =	simm.s32 @!p0 $0x500;
	s9 =	sand.u32 @!p0 $0xFFFFF80, s9  }
0x8f: {  	s17 =	simm.s32 @!p0 $0x400;
	s18 =	sadd.s32 @!p0 s1, s9;
	s9 =	simm.s32 @!p0 $0x7A1400;
	[tilespmem:v63+s0+$0x0] =	vst.idx.msk $0xffff, v36  }
0x90: {  	[tilespmem:s19], [sflag:$0x1] =	stream.strided.gather @!p0 [hbm4b:s18+s17], $0x1000, s9, s17, $0x38;
	[tilespmem:$0x14500] =	vst v63  }
0x91: {  	s18 =	spop @!p0 (v2sf)  }
0x92: {  	s18 =	sand.u32 @!p0 $0xFFFFF80, s18  }
0x93: {  	s19 =	simm.s32 @!p0 $0x1500;
	s18 =	sadd.s32 @!p0 s1, s18  }
0x94: {  	[tilespmem:s19], [sflag:$0x1] =	stream.strided.gather @!p0 [hbm4b:s18+s17], $0x1000, s9, s17, $0x38;
	[tilespmem:$0x14500] =	vst v63  }
0x95: {  	s18 =	spop @!p0 (v2sf)  }
0x96: {  	s18 =	sand.u32 @!p0 $0xFFFFF80, s18  }
0x97: {  	s19 =	simm.s32 @!p0 $0x2500;
	s18 =	sadd.s32 @!p0 s1, s18  }
0x98: {  	[tilespmem:s19], [sflag:$0x1] =	stream.strided.gather @!p0 [hbm4b:s18+s17], $0x1000, s9, s17, $0x38;
	[tilespmem:$0x14500] =	vst v63  }
0x99: {  	s18 =	spop @!p0 (v2sf)  }
0x9a: {  	s18 =	sand.u32 @!p0 $0xFFFFF80, s18  }
0x9b: {  	s19 =	simm.s32 @!p0 $0x3500;
	s18 =	sadd.s32 @!p0 s1, s18  }
0x9c: {  	[tilespmem:s19], [sflag:$0x1] =	stream.strided.gather @!p0 [hbm4b:s18+s17], $0x1000, s9, s17, $0x38;
	[tilespmem:$0x14500] =	vst v63  }
0x9d: {  	_ =	swait.ge [sflag:s3], $0x1000  }
0x9e: {  	[sflag:s3] =	ssyncset.done $0x0  }
0x9f: {  	[sflag:s3] =	ssyncadd.s32 $0xFFFFF000  }
0xa0: {  	_ =	swait.ge [sflag:s3], $0x1000  }
0xa1: {  	[sflag:s3] =	ssyncset.done $0x0  }
0xa2: {  	[sflag:s3] =	ssyncadd.s32 $0xFFFFF000  }
0xa3: {  	_ =	swait.ge [sflag:s3], $0x1000  }
0xa4: {  	[sflag:s3] =	ssyncset.done $0x0  }
0xa5: {  	[sflag:s3] =	ssyncadd.s32 $0xFFFFF000  }
0xa6: {  	_ =	swait.ge [sflag:s3], $0x1000  }
0xa7: {  	(v2sf) =	vpush v33, $0x4;
	_ =	sdelay $0xb  }
0xa8: {  	(v2sf) =	vpush v33, $0x5;
	_ =	sdelay $0x2  }
0xa9: {  	s19 =	spop (v2sf)  }
0xaa: {  	s18 =	sand.u32 $0x7F, s19  }
0xab: {  	v40 =	vor.u32 s18, v8;
	_ =	sdelay $0x2  }
0xac: {  	[sflag:s3] =	ssyncset.done $0x0  }
0xad: {  	[sflag:s3] =	ssyncadd.s32 $0xFFFFF000;
	s19 =	sor.u32 $0x4, s16  }
0xae: {  	v41 =	vor.u32 s19, v34;
	v36 =	vld.idx.msk [tilespmem:v40+s14+$0x0], $0xffff  }
0xaf: {  	v42 =	vor.u32 s18, v9  }
0xb0: {  	(v2sf) =	vpush v33, $0x6;
	_ =	sdelay $0x2  }
0xb1: {  	s18 =	spop (v2sf);
	[tilespmem:v41+s0+$0x0] =	vst.idx.msk $0xffff, v36  }
0xb2: {  	v43 =	vor.u32 s19, v35;
	s18 =	sand.u32 $0x7F, s18;
	v36 =	vld.idx.msk [tilespmem:v42+s14+$0x0], $0xffff  }
0xb3: {  	v44 =	vor.u32 s18, v10;
	_ =	sdelay $0x3  }
0xb4: {  	s19 =	sor.u32 $0x5, s16;
	[tilespmem:v43+s0+$0x0] =	vst.idx.msk $0xffff, v36  }
0xb5: {  	v45 =	vor.u32 s19, v34;
	v36 =	vld.idx.msk [tilespmem:v44+s14+$0x0], $0xffff  }
0xb6: {  	v46 =	vor.u32 s18, v11  }
0xb7: {  	(v2sf) =	vpush v33, $0x7;
	_ =	sdelay $0x2  }
0xb8: {  	s18 =	spop (v2sf);
	[tilespmem:v45+s0+$0x0] =	vst.idx.msk $0xffff, v36  }
0xb9: {  	v47 =	vor.u32 s19, v35;
	s18 =	sand.u32 $0x7F, s18;
	v36 =	vld.idx.msk [tilespmem:v46+s14+$0x0], $0xffff  }
0xba: {  	v48 =	vor.u32 s18, v12;
	_ =	sdelay $0x3  }
0xbb: {  	s19 =	sor.u32 $0x6, s16;
	[tilespmem:v47+s0+$0x0] =	vst.idx.msk $0xffff, v36  }
0xbc: {  	v49 =	vor.u32 s19, v34;
	v36 =	vld.idx.msk [tilespmem:v48+s14+$0x0], $0xffff  }
0xbd: {  	v50 =	vor.u32 s18, v13;
	_ =	sdelay $0x3  }
0xbe: {  	s18 =	spop (v2sf);
	[tilespmem:v49+s0+$0x0] =	vst.idx.msk $0xffff, v36  }
0xbf: {  	(v2sf) =	vpush @!p0 v32, $0x4;
	v51 =	vor.u32 s19, v35;
	s18 =	sand.u32 $0x7F, s18;
	v36 =	vld.idx.msk [tilespmem:v50+s14+$0x0], $0xffff  }
0xc0: {  	v52 =	vor.u32 s18, v14;
	_ =	sdelay $0x2  }
0xc1: {  	(v2sf) =	vpush @!p0 v32, $0x5  }
0xc2: {  	s19 =	sor.u32 $0x7, s16;
	[tilespmem:v51+s0+$0x0] =	vst.idx.msk $0xffff, v36  }
0xc3: {  	v53 =	vor.u32 s19, v34;
	v36 =	vld.idx.msk [tilespmem:v52+s14+$0x0], $0xffff  }
0xc4: {  	v54 =	vor.u32 s18, v15  }
0xc5: {  	(v2sf) =	vpush @!p0 v32, $0x6;
	_ =	sdelay $0x2  }
0xc6: {  	[tilespmem:v53+s0+$0x0] =	vst.idx.msk $0xffff, v36  }
0xc7: {  	v55 =	vor.u32 s19, v35;
	(v2sf) =	vpush @!p0 v32, $0x7;
	v36 =	vld.idx.msk [tilespmem:v54+s14+$0x0], $0xffff;
	_ =	sdelay $0x2  }
0xc8: {  	s18 =	spop @!p0 (v2sf)  }
0xc9: {  	s18 =	sand.u32 @!p0 $0xFFFFF80, s18  }
0xca: {  	s19 =	simm.s32 @!p0 $0x4500;
	s18 =	sadd.s32 @!p0 s1, s18;
	[tilespmem:v55+s0+$0x0] =	vst.idx.msk $0xffff, v36  }
0xcb: {  	[tilespmem:s19], [sflag:$0x2] =	stream.strided.gather @!p0 [hbm4b:s18+s17], $0x1000, s9, s17, $0x38;
	[tilespmem:$0x14500] =	vst v63  }
0xcc: {  	s18 =	spop @!p0 (v2sf)  }
0xcd: {  	s18 =	sand.u32 @!p0 $0xFFFFF80, s18  }
0xce: {  	s19 =	simm.s32 @!p0 $0x5500;
	s18 =	sadd.s32 @!p0 s1, s18  }
0xcf: {  	[tilespmem:s19], [sflag:$0x2] =	stream.strided.gather @!p0 [hbm4b:s18+s17], $0x1000, s9, s17, $0x38;
	[tilespmem:$0x14500] =	vst v63  }
0xd0: {  	s18 =	spop @!p0 (v2sf)  }
0xd1: {  	s18 =	sand.u32 @!p0 $0xFFFFF80, s18  }
0xd2: {  	s19 =	simm.s32 @!p0 $0x6500;
	s18 =	sadd.s32 @!p0 s1, s18  }
0xd3: {  	[tilespmem:s19], [sflag:$0x2] =	stream.strided.gather @!p0 [hbm4b:s18+s17], $0x1000, s9, s17, $0x38;
	[tilespmem:$0x14500] =	vst v63  }
0xd4: {  	s18 =	spop @!p0 (v2sf)  }
0xd5: {  	s18 =	sand.u32 @!p0 $0xFFFFF80, s18  }
0xd6: {  	s19 =	simm.s32 @!p0 $0x7500;
	s18 =	sadd.s32 @!p0 s1, s18  }
0xd7: {  	[tilespmem:s19], [sflag:$0x2] =	stream.strided.gather @!p0 [hbm4b:s18+s17], $0x1000, s9, s17, $0x38;
	[tilespmem:$0x14500] =	vst v63  }
0xd8: {  	_ =	swait.ge [sflag:s10], $0x1000  }
0xd9: {  	[sflag:s10] =	ssyncset.done $0x0  }
0xda: {  	[sflag:s10] =	ssyncadd.s32 $0xFFFFF000  }
0xdb: {  	_ =	swait.ge [sflag:s10], $0x1000  }
0xdc: {  	[sflag:s10] =	ssyncset.done $0x0  }
0xdd: {  	[sflag:s10] =	ssyncadd.s32 $0xFFFFF000  }
0xde: {  	_ =	swait.ge [sflag:s10], $0x1000  }
0xdf: {  	[sflag:s10] =	ssyncset.done $0x0  }
0xe0: {  	[sflag:s10] =	ssyncadd.s32 $0xFFFFF000  }
0xe1: {  	_ =	swait.ge [sflag:s10], $0x1000  }
0xe2: {  	(v2sf) =	vpush v33, $0x8;
	_ =	sdelay $0xb  }
0xe3: {  	(v2sf) =	vpush v33, $0x9;
	_ =	sdelay $0x2  }
0xe4: {  	s19 =	spop (v2sf)  }
0xe5: {  	s18 =	sand.u32 $0x7F, s19  }
0xe6: {  	v56 =	vor.u32 s18, v16;
	_ =	sdelay $0x2  }
0xe7: {  	[sflag:s10] =	ssyncset.done $0x0  }
0xe8: {  	[sflag:s10] =	ssyncadd.s32 $0xFFFFF000;
	s19 =	sor.u32 $0x8, s16  }
0xe9: {  	v57 =	vor.u32 s19, v34;
	v36 =	vld.idx.msk [tilespmem:v56+s14+$0x0], $0xffff  }
0xea: {  	v58 =	vor.u32 s18, v17  }
0xeb: {  	(v2sf) =	vpush v33, $0xA;
	_ =	sdelay $0x2  }
0xec: {  	s18 =	spop (v2sf);
	[tilespmem:v57+s0+$0x0] =	vst.idx.msk $0xffff, v36  }
0xed: {  	v59 =	vor.u32 s19, v35;
	s18 =	sand.u32 $0x7F, s18;
	v36 =	vld.idx.msk [tilespmem:v58+s14+$0x0], $0xffff  }
0xee: {  	v60 =	vor.u32 s18, v18;
	_ =	sdelay $0x3  }
0xef: {  	s19 =	sor.u32 $0x9, s16;
	[tilespmem:v59+s0+$0x0] =	vst.idx.msk $0xffff, v36  }
0xf0: {  	v61 =	vor.u32 s19, v34;
	v36 =	vld.idx.msk [tilespmem:v60+s14+$0x0], $0xffff  }
0xf1: {  	v62 =	vor.u32 s18, v19  }
0xf2: {  	(v2sf) =	vpush v33, $0xB;
	_ =	sdelay $0x2  }
0xf3: {  	s18 =	spop (v2sf);
	[tilespmem:v61+s0+$0x0] =	vst.idx.msk $0xffff, v36  }
0xf4: {  	v63 =	vor.u32 s19, v35;
	s18 =	sand.u32 $0x7F, s18;
	v36 =	vld.idx.msk [tilespmem:v62+s14+$0x0], $0xffff  }
0xf5: {  	v40 =	vor.u32 s18, v20;
	_ =	sdelay $0x3  }
0xf6: {  	s19 =	sor.u32 $0xA, s16;
	[tilespmem:v63+s0+$0x0] =	vst.idx.msk $0xffff, v36  }
0xf7: {  	v41 =	vor.u32 s19, v34;
	v36 =	vld.idx.msk [tilespmem:v40+s14+$0x0], $0xffff  }
0xf8: {  	v42 =	vor.u32 s18, v21;
	_ =	sdelay $0x3  }
0xf9: {  	s18 =	spop (v2sf);
	[tilespmem:v41+s0+$0x0] =	vst.idx.msk $0xffff, v36  }
0xfa: {  	(v2sf) =	vpush @!p0 v32, $0x8;
	v43 =	vor.u32 s19, v35;
	s18 =	sand.u32 $0x7F, s18;
	v36 =	vld.idx.msk [tilespmem:v42+s14+$0x0], $0xffff  }
0xfb: {  	v44 =	vor.u32 s18, v22;
	_ =	sdelay $0x2  }
0xfc: {  	(v2sf) =	vpush @!p0 v32, $0x9  }
0xfd: {  	s19 =	sor.u32 $0xB, s16;
	[tilespmem:v43+s0+$0x0] =	vst.idx.msk $0xffff, v36  }
0xfe: {  	v45 =	vor.u32 s19, v34;
	v36 =	vld.idx.msk [tilespmem:v44+s14+$0x0], $0xffff  }
0xff: {  	v46 =	vor.u32 s18, v23  }
0x100: {  	(v2sf) =	vpush @!p0 v32, $0xA;
	_ =	sdelay $0x2  }
0x101: {  	[tilespmem:v45+s0+$0x0] =	vst.idx.msk $0xffff, v36  }
0x102: {  	v47 =	vor.u32 s19, v35;
	(v2sf) =	vpush @!p0 v32, $0xB;
	v36 =	vld.idx.msk [tilespmem:v46+s14+$0x0], $0xffff;
	_ =	sdelay $0x2  }
0x103: {  	s18 =	spop @!p0 (v2sf)  }
0x104: {  	s18 =	sand.u32 @!p0 $0xFFFFF80, s18  }
0x105: {  	s19 =	simm.s32 @!p0 $0x8500;
	s18 =	sadd.s32 @!p0 s1, s18;
	[tilespmem:v47+s0+$0x0] =	vst.idx.msk $0xffff, v36  }
0x106: {  	[tilespmem:s19], [sflag:$0x3] =	stream.strided.gather @!p0 [hbm4b:s18+s17], $0x1000, s9, s17, $0x38;
	[tilespmem:$0x14500] =	vst v63  }
0x107: {  	s18 =	spop @!p0 (v2sf)  }
0x108: {  	s18 =	sand.u32 @!p0 $0xFFFFF80, s18  }
0x109: {  	s19 =	simm.s32 @!p0 $0x9500;
	s18 =	sadd.s32 @!p0 s1, s18  }
0x10a: {  	[tilespmem:s19], [sflag:$0x3] =	stream.strided.gather @!p0 [hbm4b:s18+s17], $0x1000, s9, s17, $0x38;
	[tilespmem:$0x14500] =	vst v63  }
0x10b: {  	s18 =	spop @!p0 (v2sf)  }
0x10c: {  	s18 =	sand.u32 @!p0 $0xFFFFF80, s18  }
0x10d: {  	s19 =	simm.s32 @!p0 $0xA500;
	s18 =	sadd.s32 @!p0 s1, s18  }
0x10e: {  	[tilespmem:s19], [sflag:$0x3] =	stream.strided.gather @!p0 [hbm4b:s18+s17], $0x1000, s9, s17, $0x38;
	[tilespmem:$0x14500] =	vst v63  }
0x10f: {  	s18 =	spop @!p0 (v2sf)  }
0x110: {  	s18 =	sand.u32 @!p0 $0xFFFFF80, s18  }
0x111: {  	s19 =	simm.s32 @!p0 $0xB500;
	s18 =	sadd.s32 @!p0 s1, s18  }
0x112: {  	[tilespmem:s19], [sflag:$0x3] =	stream.strided.gather @!p0 [hbm4b:s18+s17], $0x1000, s9, s17, $0x38;
	[tilespmem:$0x14500] =	vst v63  }
0x113: {  	_ =	swait.ge [sflag:s5], $0x1000  }
0x114: {  	[sflag:s5] =	ssyncset.done $0x0  }
0x115: {  	[sflag:s5] =	ssyncadd.s32 $0xFFFFF000  }
0x116: {  	_ =	swait.ge [sflag:s5], $0x1000  }
0x117: {  	[sflag:s5] =	ssyncset.done $0x0  }
0x118: {  	[sflag:s5] =	ssyncadd.s32 $0xFFFFF000  }
0x119: {  	_ =	swait.ge [sflag:s5], $0x1000  }
0x11a: {  	[sflag:s5] =	ssyncset.done $0x0  }
0x11b: {  	[sflag:s5] =	ssyncadd.s32 $0xFFFFF000  }
0x11c: {  	_ =	swait.ge [sflag:s5], $0x1000  }
0x11d: {  	(v2sf) =	vpush v33, $0xC;
	_ =	sdelay $0xb  }
0x11e: {  	(v2sf) =	vpush v33, $0xD;
	_ =	sdelay $0x2  }
0x11f: {  	s17 =	spop (v2sf)  }
0x120: {  	s9 =	sand.u32 $0x7F, s17  }
0x121: {  	v48 =	vor.u32 s9, v24;
	_ =	sdelay $0x2  }
0x122: {  	[sflag:s5] =	ssyncset.done $0x0  }
0x123: {  	s18 =	sor.u32 $0xC, s16;
	[sflag:s5] =	ssyncadd.s32 $0xFFFFF000  }
0x124: {  	v49 =	vor.u32 s18, v34;
	v36 =	vld.idx.msk [tilespmem:v48+s14+$0x0], $0xffff  }
0x125: {  	v50 =	vor.u32 s9, v25  }
0x126: {  	(v2sf) =	vpush v33, $0xE;
	_ =	sdelay $0x2  }
0x127: {  	s19 =	spop (v2sf);
	[tilespmem:v49+s0+$0x0] =	vst.idx.msk $0xffff, v36  }
0x128: {  	v51 =	vor.u32 s18, v35;
	s9 =	sand.u32 $0x7F, s19;
	v36 =	vld.idx.msk [tilespmem:v50+s14+$0x0], $0xffff  }
0x129: {  	v52 =	vor.u32 s9, v26;
	_ =	sdelay $0x3  }
0x12a: {  	s18 =	sor.u32 $0xD, s16;
	[tilespmem:v51+s0+$0x0] =	vst.idx.msk $0xffff, v36  }
0x12b: {  	v53 =	vor.u32 s18, v34;
	v36 =	vld.idx.msk [tilespmem:v52+s14+$0x0], $0xffff  }
0x12c: {  	v54 =	vor.u32 s9, v27  }
0x12d: {  	(v2sf) =	vpush v33, $0xF;
	_ =	sdelay $0x2  }
0x12e: {  	s19 =	spop (v2sf);
	[tilespmem:v53+s0+$0x0] =	vst.idx.msk $0xffff, v36  }
0x12f: {  	v56 =	vor.u32 s18, v35;
	s9 =	sand.u32 $0x7F, s19;
	v55 =	vld.idx.msk [tilespmem:v54+s14+$0x0], $0xffff  }
0x130: {  	v57 =	vor.u32 s9, v28;
	_ =	sdelay $0x3  }
0x131: {  	s18 =	sor.u32 $0xE, s16;
	[tilespmem:v56+s0+$0x0] =	vst.idx.msk $0xffff, v55  }
0x132: {  	v58 =	vor.u32 s18, v34;
	v33 =	vld.idx.msk [tilespmem:v57+s14+$0x0], $0xffff  }
0x133: {  	v59 =	vor.u32 s9, v29;
	_ =	sdelay $0x3  }
0x134: {  	s19 =	spop (v2sf);
	[tilespmem:v58+s0+$0x0] =	vst.idx.msk $0xffff, v33  }
0x135: {  	v60 =	vor.u32 s18, v35;
	s9 =	sand.u32 $0x7F, s19;
	v33 =	vld.idx.msk [tilespmem:v59+s14+$0x0], $0xffff  }
0x136: {  	v61 =	vor.u32 s9, v30;
	_ =	sdelay $0x3  }
0x137: {  	s16 =	sor.u32 $0xF, s16;
	[tilespmem:v60+s0+$0x0] =	vst.idx.msk $0xffff, v33  }
0x138: {  	v34 =	vor.u32 s16, v34;
	v33 =	vld.idx.msk [tilespmem:v61+s14+$0x0], $0xffff  }
0x139: {  	v62 =	vor.u32 s9, v31;
	_ =	sdelay $0x3  }
0x13a: {  	[tilespmem:v34+s0+$0x0] =	vst.idx.msk $0xffff, v33  }
0x13b: {  	v63 =	vor.u32 s16, v35;
	v33 =	vld.idx.msk [tilespmem:v62+s14+$0x0], $0xffff  }
.Ltmp2:
0x13c: {  	_ = 	snop;
	(pc) =	sbr.rel @p0 .LBB2_4-.Ltmp2, $2  }
0x13d: {  	_ =	sdelay $0x2  }
0x13e: {  	[tilespmem:v63+s0+$0x0] =	vst.idx.msk $0xffff, v33  }
0x13f: {  	(v2sf) =	vpush v32, $0xC;
	_ =	sdelay $0x1  }
0x140: {  	(v2sf) =	vpush v32, $0xD;
	_ =	sdelay $0x2  }
0x141: {  	(v2sf) =	vpush v32, $0xE;
	_ =	sdelay $0x2  }
0x142: {  	(v2sf) =	vpush v32, $0xF;
	_ =	sdelay $0x6  }
0x143: {  	s9 =	spop (v2sf)  }
0x144: {  	s9 =	sand.u32 $0xFFFFF80, s9  }
0x145: {  	s17 =	spop (v2sf);
	s9 =	sadd.s32 s1, s9  }
0x146: {  	[tilespmem:s26], [sflag:$0x4] =	stream.strided.gather [hbm4b:s9+s11], $0x1000, s13, s11, $0x38;
	[tilespmem:$0x14500] =	vst v63  }
0x147: {  	s9 =	sand.u32 $0xFFFFF80, s17  }
0x148: {  	s18 =	spop (v2sf);
	s9 =	sadd.s32 s1, s9  }
0x149: {  	[tilespmem:s28], [sflag:$0x4] =	stream.strided.gather [hbm4b:s9+s11], $0x1000, s13, s11, $0x38;
	[tilespmem:$0x14500] =	vst v63  }
0x14a: {  	s9 =	sand.u32 $0xFFFFF80, s18  }
.Ltmp3:
0x14b: {  	s19 =	spop (v2sf);
	s9 =	sadd.s32 s1, s9;
	(pc) =	sbr.rel .LBB2_2-.Ltmp3, $4  }
0x14c: {  	[tilespmem:s29], [sflag:$0x4] =	stream.strided.gather [hbm4b:s9+s11], $0x1000, s13, s11, $0x38;
	[tilespmem:$0x14500] =	vst v63  }
0x14d: {  	s15 =	sadd.s32 $0x4, s15;
	s9 =	sand.u32 $0xFFFFF80, s19  }
0x14e: {  	s7 =	sadd.s32 $0x10, s7;
	s8 =	sadd.s32 $0x10, s8;
	s9 =	sadd.s32 s1, s9  }
0x14f: {  	[tilespmem:s30], [sflag:$0x4] =	stream.strided.gather [hbm4b:s9+s11], $0x1000, s13, s11, $0x38;
	[tilespmem:$0x14500] =	vst v63  }
.LBB2_4:
0x150: {  	s7 =	simm.s32 $0x0;
	s8 =	rddreg [dreg:$0x8]  }
0x151: {  	[hbm4b:s8+s7] =	stream.linear.scatter [tilespmem:s0], [sflag:$0x5], $0x4000, $0x38;
	[tilespmem:$0x14500] =	vst v63  }
0x152: {  	_ =	swait.ge [sflag:s12], $0x4000  }
0x153: {  	[sflag:s12] =	ssyncset.done $0x0  }
0x154: {  	[sflag:s12] =	ssyncadd.s32 $0xFFFFC000  }
0x155: {  	v32 =	vld [tilespmem:$0x280];
	_ =	sdelay $0x4  }
0x156: {  	(v2sf) =	vpush v32, $0x0  }
0x157: {  	(v2sf) =	vpush v32, $0x1;
	_ =	sdelay $0x5  }
0x158: {  	(v2sf) =	vpush v32, $0x2;
	_ =	sdelay $0x1  }
0x159: {  	(v2sf) =	vpush v32, $0x3;
	_ =	sdelay $0x5  }
0x15a: {  	s9 =	spop (v2sf);
	(v2sf) =	vpush v32, $0x4  }
0x15b: {  	s15 =	spop (v2sf);
	(v2sf) =	vpush v32, $0x5;
	_ =	sdelay $0x4  }
0x15c: {  	s8 =	sand.u32 $0xFFFFF80, s9  }
0x15d: {  	s8 =	sadd.s32 s2, s8;
	s16 =	spop (v2sf);
	(v2sf) =	vpush v32, $0x6  }
0x15e: {  	[tilespmem:s14], [sflag:$0x1] =	stream.strided.gather [hbm4b:s8+s11], $0x1000, s13, s11, $0x38;
	[tilespmem:$0x14500] =	vst v63  }
0x15f: {  	s8 =	sand.u32 $0xFFFFF80, s15;
	s18 =	spop (v2sf);
	(v2sf) =	vpush v32, $0x7  }
0x160: {  	s9 =	simm.s32 $0x1500;
	s8 =	sadd.s32 s2, s8  }
0x161: {  	[tilespmem:s9], [sflag:$0x1] =	stream.strided.gather [hbm4b:s8+s11], $0x1000, s13, s11, $0x38;
	[tilespmem:$0x14500] =	vst v63  }
0x162: {  	s8 =	sand.u32 $0xFFFFF80, s16  }
0x163: {  	s17 =	simm.s32 $0x2500;
	s8 =	sadd.s32 s2, s8  }
0x164: {  	[tilespmem:s17], [sflag:$0x1] =	stream.strided.gather [hbm4b:s8+s11], $0x1000, s13, s11, $0x38;
	[tilespmem:$0x14500] =	vst v63  }
0x165: {  	s8 =	sand.u32 $0xFFFFF80, s18;
	s9 =	spop (v2sf);
	(v2sf) =	vpush v32, $0x8  }
0x166: {  	s19 =	simm.s32 $0x3500;
	s8 =	sadd.s32 s2, s8;
	s16 =	spop (v2sf);
	(v2sf) =	vpush v32, $0x9  }
0x167: {  	[tilespmem:s19], [sflag:$0x1] =	stream.strided.gather [hbm4b:s8+s11], $0x1000, s13, s11, $0x38;
	[tilespmem:$0x14500] =	vst v63  }
0x168: {  	s8 =	sand.u32 $0xFFFFF80, s9;
	(v2sf) =	vpush v32, $0xA  }
0x169: {  	s15 =	simm.s32 $0x4500;
	s8 =	sadd.s32 s2, s8  }
0x16a: {  	[tilespmem:s15], [sflag:$0x2] =	stream.strided.gather [hbm4b:s8+s11], $0x1000, s13, s11, $0x38;
	[tilespmem:$0x14500] =	vst v63  }
0x16b: {  	s8 =	sand.u32 $0xFFFFF80, s16  }
0x16c: {  	s17 =	simm.s32 $0x5500;
	s18 =	spop (v2sf);
	s8 =	sadd.s32 s2, s8  }
0x16d: {  	(v2sf) =	vpush v32, $0xB;
	[tilespmem:s17], [sflag:$0x2] =	stream.strided.gather [hbm4b:s8+s11], $0x1000, s13, s11, $0x38;
	[tilespmem:$0x14500] =	vst v63  }
0x16e: {  	s19 =	spop (v2sf);
	(v2sf) =	vpush v32, $0xC;
	s8 =	sand.u32 $0xFFFFF80, s18  }
0x16f: {  	s8 =	sadd.s32 s2, s8  }
0x170: {  	[tilespmem:s20], [sflag:$0x2] =	stream.strided.gather [hbm4b:s8+s11], $0x1000, s13, s11, $0x38;
	[tilespmem:$0x14500] =	vst v63  }
0x171: {  	s8 =	sand.u32 $0xFFFFF80, s19  }
0x172: {  	s8 =	sadd.s32 s2, s8  }
0x173: {  	[tilespmem:s21], [sflag:$0x2] =	stream.strided.gather [hbm4b:s8+s11], $0x1000, s13, s11, $0x38;
	[tilespmem:$0x14500] =	vst v63  }
0x174: {  	s9 =	spop (v2sf);
	(v2sf) =	vpush v32, $0xD  }
0x175: {  	s15 =	spop (v2sf);
	(v2sf) =	vpush v32, $0xE  }
0x176: {  	s8 =	sand.u32 $0xFFFFF80, s9  }
0x177: {  	s8 =	sadd.s32 s2, s8;
	s16 =	spop (v2sf)  }
0x178: {  	(v2sf) =	vpush v32, $0xF;
	[tilespmem:s22], [sflag:$0x3] =	stream.strided.gather [hbm4b:s8+s11], $0x1000, s13, s11, $0x38;
	[tilespmem:$0x14500] =	vst v63  }
0x179: {  	s8 =	sand.u32 $0xFFFFF80, s15  }
0x17a: {  	s8 =	sadd.s32 s2, s8  }
0x17b: {  	[tilespmem:s23], [sflag:$0x3] =	stream.strided.gather [hbm4b:s8+s11], $0x1000, s13, s11, $0x38;
	[tilespmem:$0x14500] =	vst v63  }
0x17c: {  	s17 =	spop (v2sf);
	s8 =	sand.u32 $0xFFFFF80, s16  }
0x17d: {  	s18 =	sand.u32 $0xFFFFF80, s17;
	s19 =	spop (v2sf);
	s8 =	sadd.s32 s2, s8  }
0x17e: {  	[tilespmem:s24], [sflag:$0x3] =	stream.strided.gather [hbm4b:s8+s11], $0x1000, s13, s11, $0x38;
	[tilespmem:$0x14500] =	vst v63  }
0x17f: {  	s9 =	sand.u32 $0xFFFFF80, s19;
	s8 =	sadd.s32 s2, s18  }
0x180: {  	[tilespmem:s25], [sflag:$0x3] =	stream.strided.gather [hbm4b:s8+s11], $0x1000, s13, s11, $0x38;
	[tilespmem:$0x14500] =	vst v63  }
0x181: {  	s8 =	sadd.s32 s2, s9  }
0x182: {  	[tilespmem:s26], [sflag:$0x4] =	stream.strided.gather [hbm4b:s8+s11], $0x1000, s13, s11, $0x38;
	[tilespmem:$0x14500] =	vst v63  }
0x183: {  	s15 =	spop (v2sf)  }
0x184: {  	s16 =	sand.u32 $0xFFFFF80, s15;
	s17 =	spop (v2sf)  }
0x185: {  	s8 =	sadd.s32 s2, s16;
	s18 =	sand.u32 $0xFFFFF80, s17  }
0x186: {  	[tilespmem:s28], [sflag:$0x4] =	stream.strided.gather [hbm4b:s8+s11], $0x1000, s13, s11, $0x38;
	[tilespmem:$0x14500] =	vst v63  }
0x187: {  	s19 =	spop (v2sf);
	s8 =	sadd.s32 s2, s18  }
0x188: {  	[tilespmem:s29], [sflag:$0x4] =	stream.strided.gather [hbm4b:s8+s11], $0x1000, s13, s11, $0x38;
	[tilespmem:$0x14500] =	vst v63  }
0x189: {  	s8 =	sand.u32 $0xFFFFF80, s19  }
0x18a: {  	s8 =	sadd.s32 s2, s8  }
0x18b: {  	[tilespmem:s30], [sflag:$0x4] =	stream.strided.gather [hbm4b:s8+s11], $0x1000, s13, s11, $0x38;
	[tilespmem:$0x14500] =	vst v63  }
0x18c: {  	s15 =	simm.s32 $0x0;
	s8 =	simm.s32 $0x290  }
.LBB2_5:
0x18d: {  	v33 =	vld [tilespmem:s8+$0xFFFFFFF0]  }
0x18e: {  	v32 =	vld [tilespmem:s8+$0x0];
	_ =	swait.ge [sflag:s31], $0x1000  }
0x18f: {  	[sflag:s31] =	ssyncset.done $0x0  }
0x190: {  	[sflag:s31] =	ssyncadd.s32 $0xFFFFF000  }
0x191: {  	_ =	swait.ge [sflag:s31], $0x1000  }
0x192: {  	[sflag:s31] =	ssyncset.done $0x0  }
0x193: {  	[sflag:s31] =	ssyncadd.s32 $0xFFFFF000  }
0x194: {  	_ =	swait.ge [sflag:s31], $0x1000  }
0x195: {  	[sflag:s31] =	ssyncset.done $0x0  }
0x196: {  	[sflag:s31] =	ssyncadd.s32 $0xFFFFF000  }
0x197: {  	_ =	swait.ge [sflag:s31], $0x1000  }
0x198: {  	(v2sf) =	vpush v33, $0x0;
	_ =	sdelay $0xb  }
0x199: {  	(v2sf) =	vpush v33, $0x1;
	_ =	sdelay $0x2  }
0x19a: {  	s9 =	spop (v2sf)  }
0x19b: {  	s9 =	sand.u32 $0x7F, s9  }
0x19c: {  	v35 =	vor.u32 s9, v0  }
0x19d: {  	s16 =	sand.u32 $0x60, s15  }
0x19e: {  	v34 =	vmov s16  }
0x19f: {  	v36 =	vshll.u32 v34, $0x7;
	[sflag:s31] =	ssyncset.done $0x0  }
0x1a0: {  	s16 =	sand.u32 $0x70, s7;
	v34 =	vor.u32 v0, v36;
	[sflag:s31] =	ssyncadd.s32 $0xFFFFF000  }
0x1a1: {  	v37 =	vor.u32 s16, v34;
	v35 =	vld.idx.msk [tilespmem:v35+s14+$0x0], $0xffff  }
0x1a2: {  	v38 =	vor.u32 s9, v1  }
0x1a3: {  	(v2sf) =	vpush v33, $0x2;
	_ =	sdelay $0x2  }
0x1a4: {  	s18 =	spop (v2sf);
	[tilespmem:v37+s0+$0x0] =	vst.idx.msk $0xffff, v35;
	v35 =	vor.u32 v1, v36  }
0x1a5: {  	s9 =	sand.u32 $0x7F, s18;
	v50 =	vld.idx.msk [tilespmem:v38+s14+$0x0], $0xffff;
	v51 =	vor.u32 s16, v35  }
0x1a6: {  	v52 =	vor.u32 s9, v2;
	_ =	sdelay $0x3  }
0x1a7: {  	s17 =	sor.u32 $0x1, s16;
	[tilespmem:v51+s0+$0x0] =	vst.idx.msk $0xffff, v50  }
0x1a8: {  	v53 =	vor.u32 s17, v34;
	v36 =	vld.idx.msk [tilespmem:v52+s14+$0x0], $0xffff  }
0x1a9: {  	v54 =	vor.u32 s9, v3  }
0x1aa: {  	(v2sf) =	vpush v33, $0x3;
	_ =	sdelay $0x2  }
0x1ab: {  	s19 =	spop (v2sf);
	[tilespmem:v53+s0+$0x0] =	vst.idx.msk $0xffff, v36  }
0x1ac: {  	s9 =	sand.u32 $0x7F, s19;
	v55 =	vor.u32 s17, v35;
	v36 =	vld.idx.msk [tilespmem:v54+s14+$0x0], $0xffff  }
0x1ad: {  	v56 =	vor.u32 s9, v4;
	_ =	sdelay $0x3  }
0x1ae: {  	s18 =	sor.u32 $0x2, s16;
	[tilespmem:v55+s0+$0x0] =	vst.idx.msk $0xffff, v36  }
0x1af: {  	v57 =	vor.u32 s18, v34;
	v36 =	vld.idx.msk [tilespmem:v56+s14+$0x0], $0xffff  }
0x1b0: {  	v58 =	vor.u32 s9, v5;
	_ =	sdelay $0x3  }
0x1b1: {  	p0 =	seq.s32 s15, $0x7C;
	s19 =	spop (v2sf);
	[tilespmem:v57+s0+$0x0] =	vst.idx.msk $0xffff, v36  }
0x1b2: {  	(v2sf) =	vpush @!p0 v32, $0x0;
	s9 =	sand.u32 $0x7F, s19;
	v59 =	vor.u32 s18, v35;
	v36 =	vld.idx.msk [tilespmem:v58+s14+$0x0], $0xffff  }
0x1b3: {  	v60 =	vor.u32 s9, v6;
	_ =	sdelay $0x2  }
0x1b4: {  	(v2sf) =	vpush @!p0 v32, $0x1  }
0x1b5: {  	s18 =	sor.u32 $0x3, s16;
	[tilespmem:v59+s0+$0x0] =	vst.idx.msk $0xffff, v36  }
0x1b6: {  	v61 =	vor.u32 s18, v34;
	v36 =	vld.idx.msk [tilespmem:v60+s14+$0x0], $0xffff  }
0x1b7: {  	v62 =	vor.u32 s9, v7  }
0x1b8: {  	(v2sf) =	vpush @!p0 v32, $0x2;
	_ =	sdelay $0x2  }
0x1b9: {  	[tilespmem:v61+s0+$0x0] =	vst.idx.msk $0xffff, v36  }
0x1ba: {  	(v2sf) =	vpush @!p0 v32, $0x3;
	v63 =	vor.u32 s18, v35;
	v36 =	vld.idx.msk [tilespmem:v62+s14+$0x0], $0xffff;
	_ =	sdelay $0x2  }
0x1bb: {  	s9 =	spop @!p0 (v2sf)  }
0x1bc: {  	s19 =	simm.s32 @!p0 $0x500;
	s9 =	sand.u32 @!p0 $0xFFFFF80, s9  }
0x1bd: {  	s17 =	simm.s32 @!p0 $0x400;
	s18 =	sadd.s32 @!p0 s2, s9;
	s9 =	simm.s32 @!p0 $0x7A1400;
	[tilespmem:v63+s0+$0x0] =	vst.idx.msk $0xffff, v36  }
0x1be: {  	[tilespmem:s19], [sflag:$0x1] =	stream.strided.gather @!p0 [hbm4b:s18+s17], $0x1000, s9, s17, $0x38;
	[tilespmem:$0x14500] =	vst v63  }
0x1bf: {  	s18 =	spop @!p0 (v2sf)  }
0x1c0: {  	s18 =	sand.u32 @!p0 $0xFFFFF80, s18  }
0x1c1: {  	s19 =	simm.s32 @!p0 $0x1500;
	s18 =	sadd.s32 @!p0 s2, s18  }
0x1c2: {  	[tilespmem:s19], [sflag:$0x1] =	stream.strided.gather @!p0 [hbm4b:s18+s17], $0x1000, s9, s17, $0x38;
	[tilespmem:$0x14500] =	vst v63  }
0x1c3: {  	s18 =	spop @!p0 (v2sf)  }
0x1c4: {  	s18 =	sand.u32 @!p0 $0xFFFFF80, s18  }
0x1c5: {  	s19 =	simm.s32 @!p0 $0x2500;
	s18 =	sadd.s32 @!p0 s2, s18  }
0x1c6: {  	[tilespmem:s19], [sflag:$0x1] =	stream.strided.gather @!p0 [hbm4b:s18+s17], $0x1000, s9, s17, $0x38;
	[tilespmem:$0x14500] =	vst v63  }
0x1c7: {  	s18 =	spop @!p0 (v2sf)  }
0x1c8: {  	s18 =	sand.u32 @!p0 $0xFFFFF80, s18  }
0x1c9: {  	s19 =	simm.s32 @!p0 $0x3500;
	s18 =	sadd.s32 @!p0 s2, s18  }
0x1ca: {  	[tilespmem:s19], [sflag:$0x1] =	stream.strided.gather @!p0 [hbm4b:s18+s17], $0x1000, s9, s17, $0x38;
	[tilespmem:$0x14500] =	vst v63  }
0x1cb: {  	_ =	swait.ge [sflag:s3], $0x1000  }
0x1cc: {  	[sflag:s3] =	ssyncset.done $0x0  }
0x1cd: {  	[sflag:s3] =	ssyncadd.s32 $0xFFFFF000  }
0x1ce: {  	_ =	swait.ge [sflag:s3], $0x1000  }
0x1cf: {  	[sflag:s3] =	ssyncset.done $0x0  }
0x1d0: {  	[sflag:s3] =	ssyncadd.s32 $0xFFFFF000  }
0x1d1: {  	_ =	swait.ge [sflag:s3], $0x1000  }
0x1d2: {  	[sflag:s3] =	ssyncset.done $0x0  }
0x1d3: {  	[sflag:s3] =	ssyncadd.s32 $0xFFFFF000  }
0x1d4: {  	_ =	swait.ge [sflag:s3], $0x1000  }
0x1d5: {  	(v2sf) =	vpush v33, $0x4;
	_ =	sdelay $0xb  }
0x1d6: {  	(v2sf) =	vpush v33, $0x5;
	_ =	sdelay $0x2  }
0x1d7: {  	s19 =	spop (v2sf)  }
0x1d8: {  	s18 =	sand.u32 $0x7F, s19  }
0x1d9: {  	v40 =	vor.u32 s18, v8;
	_ =	sdelay $0x2  }
0x1da: {  	[sflag:s3] =	ssyncset.done $0x0  }
0x1db: {  	[sflag:s3] =	ssyncadd.s32 $0xFFFFF000;
	s19 =	sor.u32 $0x4, s16  }
0x1dc: {  	v41 =	vor.u32 s19, v34;
	v36 =	vld.idx.msk [tilespmem:v40+s14+$0x0], $0xffff  }
0x1dd: {  	v42 =	vor.u32 s18, v9  }
0x1de: {  	(v2sf) =	vpush v33, $0x6;
	_ =	sdelay $0x2  }
0x1df: {  	s18 =	spop (v2sf);
	[tilespmem:v41+s0+$0x0] =	vst.idx.msk $0xffff, v36  }
0x1e0: {  	v43 =	vor.u32 s19, v35;
	s18 =	sand.u32 $0x7F, s18;
	v36 =	vld.idx.msk [tilespmem:v42+s14+$0x0], $0xffff  }
0x1e1: {  	v44 =	vor.u32 s18, v10;
	_ =	sdelay $0x3  }
0x1e2: {  	s19 =	sor.u32 $0x5, s16;
	[tilespmem:v43+s0+$0x0] =	vst.idx.msk $0xffff, v36  }
0x1e3: {  	v45 =	vor.u32 s19, v34;
	v36 =	vld.idx.msk [tilespmem:v44+s14+$0x0], $0xffff  }
0x1e4: {  	v46 =	vor.u32 s18, v11  }
0x1e5: {  	(v2sf) =	vpush v33, $0x7;
	_ =	sdelay $0x2  }
0x1e6: {  	s18 =	spop (v2sf);
	[tilespmem:v45+s0+$0x0] =	vst.idx.msk $0xffff, v36  }
0x1e7: {  	v47 =	vor.u32 s19, v35;
	s18 =	sand.u32 $0x7F, s18;
	v36 =	vld.idx.msk [tilespmem:v46+s14+$0x0], $0xffff  }
0x1e8: {  	v48 =	vor.u32 s18, v12;
	_ =	sdelay $0x3  }
0x1e9: {  	s19 =	sor.u32 $0x6, s16;
	[tilespmem:v47+s0+$0x0] =	vst.idx.msk $0xffff, v36  }
0x1ea: {  	v49 =	vor.u32 s19, v34;
	v36 =	vld.idx.msk [tilespmem:v48+s14+$0x0], $0xffff  }
0x1eb: {  	v50 =	vor.u32 s18, v13;
	_ =	sdelay $0x3  }
0x1ec: {  	s18 =	spop (v2sf);
	[tilespmem:v49+s0+$0x0] =	vst.idx.msk $0xffff, v36  }
0x1ed: {  	(v2sf) =	vpush @!p0 v32, $0x4;
	v51 =	vor.u32 s19, v35;
	s18 =	sand.u32 $0x7F, s18;
	v36 =	vld.idx.msk [tilespmem:v50+s14+$0x0], $0xffff  }
0x1ee: {  	v52 =	vor.u32 s18, v14;
	_ =	sdelay $0x2  }
0x1ef: {  	(v2sf) =	vpush @!p0 v32, $0x5  }
0x1f0: {  	s19 =	sor.u32 $0x7, s16;
	[tilespmem:v51+s0+$0x0] =	vst.idx.msk $0xffff, v36  }
0x1f1: {  	v53 =	vor.u32 s19, v34;
	v36 =	vld.idx.msk [tilespmem:v52+s14+$0x0], $0xffff  }
0x1f2: {  	v54 =	vor.u32 s18, v15  }
0x1f3: {  	(v2sf) =	vpush @!p0 v32, $0x6;
	_ =	sdelay $0x2  }
0x1f4: {  	[tilespmem:v53+s0+$0x0] =	vst.idx.msk $0xffff, v36  }
0x1f5: {  	v55 =	vor.u32 s19, v35;
	(v2sf) =	vpush @!p0 v32, $0x7;
	v36 =	vld.idx.msk [tilespmem:v54+s14+$0x0], $0xffff;
	_ =	sdelay $0x2  }
0x1f6: {  	s18 =	spop @!p0 (v2sf)  }
0x1f7: {  	s18 =	sand.u32 @!p0 $0xFFFFF80, s18  }
0x1f8: {  	s19 =	simm.s32 @!p0 $0x4500;
	s18 =	sadd.s32 @!p0 s2, s18;
	[tilespmem:v55+s0+$0x0] =	vst.idx.msk $0xffff, v36  }
0x1f9: {  	[tilespmem:s19], [sflag:$0x2] =	stream.strided.gather @!p0 [hbm4b:s18+s17], $0x1000, s9, s17, $0x38;
	[tilespmem:$0x14500] =	vst v63  }
0x1fa: {  	s18 =	spop @!p0 (v2sf)  }
0x1fb: {  	s18 =	sand.u32 @!p0 $0xFFFFF80, s18  }
0x1fc: {  	s19 =	simm.s32 @!p0 $0x5500;
	s18 =	sadd.s32 @!p0 s2, s18  }
0x1fd: {  	[tilespmem:s19], [sflag:$0x2] =	stream.strided.gather @!p0 [hbm4b:s18+s17], $0x1000, s9, s17, $0x38;
	[tilespmem:$0x14500] =	vst v63  }
0x1fe: {  	s18 =	spop @!p0 (v2sf)  }
0x1ff: {  	s18 =	sand.u32 @!p0 $0xFFFFF80, s18  }
0x200: {  	s19 =	simm.s32 @!p0 $0x6500;
	s18 =	sadd.s32 @!p0 s2, s18  }
0x201: {  	[tilespmem:s19], [sflag:$0x2] =	stream.strided.gather @!p0 [hbm4b:s18+s17], $0x1000, s9, s17, $0x38;
	[tilespmem:$0x14500] =	vst v63  }
0x202: {  	s18 =	spop @!p0 (v2sf)  }
0x203: {  	s18 =	sand.u32 @!p0 $0xFFFFF80, s18  }
0x204: {  	s19 =	simm.s32 @!p0 $0x7500;
	s18 =	sadd.s32 @!p0 s2, s18  }
0x205: {  	[tilespmem:s19], [sflag:$0x2] =	stream.strided.gather @!p0 [hbm4b:s18+s17], $0x1000, s9, s17, $0x38;
	[tilespmem:$0x14500] =	vst v63  }
0x206: {  	_ =	swait.ge [sflag:s10], $0x1000  }
0x207: {  	[sflag:s10] =	ssyncset.done $0x0  }
0x208: {  	[sflag:s10] =	ssyncadd.s32 $0xFFFFF000  }
0x209: {  	_ =	swait.ge [sflag:s10], $0x1000  }
0x20a: {  	[sflag:s10] =	ssyncset.done $0x0  }
0x20b: {  	[sflag:s10] =	ssyncadd.s32 $0xFFFFF000  }
0x20c: {  	_ =	swait.ge [sflag:s10], $0x1000  }
0x20d: {  	[sflag:s10] =	ssyncset.done $0x0  }
0x20e: {  	[sflag:s10] =	ssyncadd.s32 $0xFFFFF000  }
0x20f: {  	_ =	swait.ge [sflag:s10], $0x1000  }
0x210: {  	(v2sf) =	vpush v33, $0x8;
	_ =	sdelay $0xb  }
0x211: {  	(v2sf) =	vpush v33, $0x9;
	_ =	sdelay $0x2  }
0x212: {  	s19 =	spop (v2sf)  }
0x213: {  	s18 =	sand.u32 $0x7F, s19  }
0x214: {  	v56 =	vor.u32 s18, v16;
	_ =	sdelay $0x2  }
0x215: {  	[sflag:s10] =	ssyncset.done $0x0  }
0x216: {  	[sflag:s10] =	ssyncadd.s32 $0xFFFFF000;
	s19 =	sor.u32 $0x8, s16  }
0x217: {  	v57 =	vor.u32 s19, v34;
	v36 =	vld.idx.msk [tilespmem:v56+s14+$0x0], $0xffff  }
0x218: {  	v58 =	vor.u32 s18, v17  }
0x219: {  	(v2sf) =	vpush v33, $0xA;
	_ =	sdelay $0x2  }
0x21a: {  	s18 =	spop (v2sf);
	[tilespmem:v57+s0+$0x0] =	vst.idx.msk $0xffff, v36  }
0x21b: {  	v59 =	vor.u32 s19, v35;
	s18 =	sand.u32 $0x7F, s18;
	v36 =	vld.idx.msk [tilespmem:v58+s14+$0x0], $0xffff  }
0x21c: {  	v60 =	vor.u32 s18, v18;
	_ =	sdelay $0x3  }
0x21d: {  	s19 =	sor.u32 $0x9, s16;
	[tilespmem:v59+s0+$0x0] =	vst.idx.msk $0xffff, v36  }
0x21e: {  	v61 =	vor.u32 s19, v34;
	v36 =	vld.idx.msk [tilespmem:v60+s14+$0x0], $0xffff  }
0x21f: {  	v62 =	vor.u32 s18, v19  }
0x220: {  	(v2sf) =	vpush v33, $0xB;
	_ =	sdelay $0x2  }
0x221: {  	s18 =	spop (v2sf);
	[tilespmem:v61+s0+$0x0] =	vst.idx.msk $0xffff, v36  }
0x222: {  	v63 =	vor.u32 s19, v35;
	s18 =	sand.u32 $0x7F, s18;
	v36 =	vld.idx.msk [tilespmem:v62+s14+$0x0], $0xffff  }
0x223: {  	v40 =	vor.u32 s18, v20;
	_ =	sdelay $0x3  }
0x224: {  	s19 =	sor.u32 $0xA, s16;
	[tilespmem:v63+s0+$0x0] =	vst.idx.msk $0xffff, v36  }
0x225: {  	v41 =	vor.u32 s19, v34;
	v36 =	vld.idx.msk [tilespmem:v40+s14+$0x0], $0xffff  }
0x226: {  	v42 =	vor.u32 s18, v21;
	_ =	sdelay $0x3  }
0x227: {  	s18 =	spop (v2sf);
	[tilespmem:v41+s0+$0x0] =	vst.idx.msk $0xffff, v36  }
0x228: {  	(v2sf) =	vpush @!p0 v32, $0x8;
	v43 =	vor.u32 s19, v35;
	s18 =	sand.u32 $0x7F, s18;
	v36 =	vld.idx.msk [tilespmem:v42+s14+$0x0], $0xffff  }
0x229: {  	v44 =	vor.u32 s18, v22;
	_ =	sdelay $0x2  }
0x22a: {  	(v2sf) =	vpush @!p0 v32, $0x9  }
0x22b: {  	s19 =	sor.u32 $0xB, s16;
	[tilespmem:v43+s0+$0x0] =	vst.idx.msk $0xffff, v36  }
0x22c: {  	v45 =	vor.u32 s19, v34;
	v36 =	vld.idx.msk [tilespmem:v44+s14+$0x0], $0xffff  }
0x22d: {  	v46 =	vor.u32 s18, v23  }
0x22e: {  	(v2sf) =	vpush @!p0 v32, $0xA;
	_ =	sdelay $0x2  }
0x22f: {  	[tilespmem:v45+s0+$0x0] =	vst.idx.msk $0xffff, v36  }
0x230: {  	v47 =	vor.u32 s19, v35;
	(v2sf) =	vpush @!p0 v32, $0xB;
	v36 =	vld.idx.msk [tilespmem:v46+s14+$0x0], $0xffff;
	_ =	sdelay $0x2  }
0x231: {  	s18 =	spop @!p0 (v2sf)  }
0x232: {  	s18 =	sand.u32 @!p0 $0xFFFFF80, s18  }
0x233: {  	s19 =	simm.s32 @!p0 $0x8500;
	s18 =	sadd.s32 @!p0 s2, s18;
	[tilespmem:v47+s0+$0x0] =	vst.idx.msk $0xffff, v36  }
0x234: {  	[tilespmem:s19], [sflag:$0x3] =	stream.strided.gather @!p0 [hbm4b:s18+s17], $0x1000, s9, s17, $0x38;
	[tilespmem:$0x14500] =	vst v63  }
0x235: {  	s18 =	spop @!p0 (v2sf)  }
0x236: {  	s18 =	sand.u32 @!p0 $0xFFFFF80, s18  }
0x237: {  	s19 =	simm.s32 @!p0 $0x9500;
	s18 =	sadd.s32 @!p0 s2, s18  }
0x238: {  	[tilespmem:s19], [sflag:$0x3] =	stream.strided.gather @!p0 [hbm4b:s18+s17], $0x1000, s9, s17, $0x38;
	[tilespmem:$0x14500] =	vst v63  }
0x239: {  	s18 =	spop @!p0 (v2sf)  }
0x23a: {  	s18 =	sand.u32 @!p0 $0xFFFFF80, s18  }
0x23b: {  	s19 =	simm.s32 @!p0 $0xA500;
	s18 =	sadd.s32 @!p0 s2, s18  }
0x23c: {  	[tilespmem:s19], [sflag:$0x3] =	stream.strided.gather @!p0 [hbm4b:s18+s17], $0x1000, s9, s17, $0x38;
	[tilespmem:$0x14500] =	vst v63  }
0x23d: {  	s18 =	spop @!p0 (v2sf)  }
0x23e: {  	s18 =	sand.u32 @!p0 $0xFFFFF80, s18  }
0x23f: {  	s19 =	simm.s32 @!p0 $0xB500;
	s18 =	sadd.s32 @!p0 s2, s18  }
0x240: {  	[tilespmem:s19], [sflag:$0x3] =	stream.strided.gather @!p0 [hbm4b:s18+s17], $0x1000, s9, s17, $0x38;
	[tilespmem:$0x14500] =	vst v63  }
0x241: {  	_ =	swait.ge [sflag:s5], $0x1000  }
0x242: {  	[sflag:s5] =	ssyncset.done $0x0  }
0x243: {  	[sflag:s5] =	ssyncadd.s32 $0xFFFFF000  }
0x244: {  	_ =	swait.ge [sflag:s5], $0x1000  }
0x245: {  	[sflag:s5] =	ssyncset.done $0x0  }
0x246: {  	[sflag:s5] =	ssyncadd.s32 $0xFFFFF000  }
0x247: {  	_ =	swait.ge [sflag:s5], $0x1000  }
0x248: {  	[sflag:s5] =	ssyncset.done $0x0  }
0x249: {  	[sflag:s5] =	ssyncadd.s32 $0xFFFFF000  }
0x24a: {  	_ =	swait.ge [sflag:s5], $0x1000  }
0x24b: {  	(v2sf) =	vpush v33, $0xC;
	_ =	sdelay $0xb  }
0x24c: {  	(v2sf) =	vpush v33, $0xD;
	_ =	sdelay $0x2  }
0x24d: {  	s17 =	spop (v2sf)  }
0x24e: {  	s9 =	sand.u32 $0x7F, s17  }
0x24f: {  	v48 =	vor.u32 s9, v24;
	_ =	sdelay $0x2  }
0x250: {  	[sflag:s5] =	ssyncset.done $0x0  }
0x251: {  	s18 =	sor.u32 $0xC, s16;
	[sflag:s5] =	ssyncadd.s32 $0xFFFFF000  }
0x252: {  	v49 =	vor.u32 s18, v34;
	v36 =	vld.idx.msk [tilespmem:v48+s14+$0x0], $0xffff  }
0x253: {  	v50 =	vor.u32 s9, v25  }
0x254: {  	(v2sf) =	vpush v33, $0xE;
	_ =	sdelay $0x2  }
0x255: {  	s19 =	spop (v2sf);
	[tilespmem:v49+s0+$0x0] =	vst.idx.msk $0xffff, v36  }
0x256: {  	v51 =	vor.u32 s18, v35;
	s9 =	sand.u32 $0x7F, s19;
	v36 =	vld.idx.msk [tilespmem:v50+s14+$0x0], $0xffff  }
0x257: {  	v52 =	vor.u32 s9, v26;
	_ =	sdelay $0x3  }
0x258: {  	s18 =	sor.u32 $0xD, s16;
	[tilespmem:v51+s0+$0x0] =	vst.idx.msk $0xffff, v36  }
0x259: {  	v53 =	vor.u32 s18, v34;
	v36 =	vld.idx.msk [tilespmem:v52+s14+$0x0], $0xffff  }
0x25a: {  	v54 =	vor.u32 s9, v27  }
0x25b: {  	(v2sf) =	vpush v33, $0xF;
	_ =	sdelay $0x2  }
0x25c: {  	s19 =	spop (v2sf);
	[tilespmem:v53+s0+$0x0] =	vst.idx.msk $0xffff, v36  }
0x25d: {  	v56 =	vor.u32 s18, v35;
	s9 =	sand.u32 $0x7F, s19;
	v55 =	vld.idx.msk [tilespmem:v54+s14+$0x0], $0xffff  }
0x25e: {  	v57 =	vor.u32 s9, v28;
	_ =	sdelay $0x3  }
0x25f: {  	s18 =	sor.u32 $0xE, s16;
	[tilespmem:v56+s0+$0x0] =	vst.idx.msk $0xffff, v55  }
0x260: {  	v58 =	vor.u32 s18, v34;
	v33 =	vld.idx.msk [tilespmem:v57+s14+$0x0], $0xffff  }
0x261: {  	v59 =	vor.u32 s9, v29;
	_ =	sdelay $0x3  }
0x262: {  	s19 =	spop (v2sf);
	[tilespmem:v58+s0+$0x0] =	vst.idx.msk $0xffff, v33  }
0x263: {  	v60 =	vor.u32 s18, v35;
	s9 =	sand.u32 $0x7F, s19;
	v33 =	vld.idx.msk [tilespmem:v59+s14+$0x0], $0xffff  }
0x264: {  	v61 =	vor.u32 s9, v30;
	_ =	sdelay $0x3  }
0x265: {  	s16 =	sor.u32 $0xF, s16;
	[tilespmem:v60+s0+$0x0] =	vst.idx.msk $0xffff, v33  }
0x266: {  	v34 =	vor.u32 s16, v34;
	v33 =	vld.idx.msk [tilespmem:v61+s14+$0x0], $0xffff  }
0x267: {  	v62 =	vor.u32 s9, v31;
	_ =	sdelay $0x3  }
0x268: {  	[tilespmem:v34+s0+$0x0] =	vst.idx.msk $0xffff, v33  }
0x269: {  	v63 =	vor.u32 s16, v35;
	v33 =	vld.idx.msk [tilespmem:v62+s14+$0x0], $0xffff  }
.Ltmp4:
0x26a: {  	_ = 	snop;
	(pc) =	sbr.rel @p0 .LBB2_7-.Ltmp4, $2  }
0x26b: {  	_ =	sdelay $0x2  }
0x26c: {  	[tilespmem:v63+s0+$0x0] =	vst.idx.msk $0xffff, v33  }
0x26d: {  	(v2sf) =	vpush v32, $0xC;
	_ =	sdelay $0x1  }
0x26e: {  	(v2sf) =	vpush v32, $0xD;
	_ =	sdelay $0x2  }
0x26f: {  	(v2sf) =	vpush v32, $0xE;
	_ =	sdelay $0x2  }
0x270: {  	(v2sf) =	vpush v32, $0xF;
	_ =	sdelay $0x6  }
0x271: {  	s9 =	spop (v2sf)  }
0x272: {  	s9 =	sand.u32 $0xFFFFF80, s9  }
0x273: {  	s17 =	spop (v2sf);
	s9 =	sadd.s32 s2, s9  }
0x274: {  	[tilespmem:s26], [sflag:$0x4] =	stream.strided.gather [hbm4b:s9+s11], $0x1000, s13, s11, $0x38;
	[tilespmem:$0x14500] =	vst v63  }
0x275: {  	s9 =	sand.u32 $0xFFFFF80, s17  }
0x276: {  	s18 =	spop (v2sf);
	s9 =	sadd.s32 s2, s9  }
0x277: {  	[tilespmem:s28], [sflag:$0x4] =	stream.strided.gather [hbm4b:s9+s11], $0x1000, s13, s11, $0x38;
	[tilespmem:$0x14500] =	vst v63  }
0x278: {  	s9 =	sand.u32 $0xFFFFF80, s18  }
.Ltmp5:
0x279: {  	s19 =	spop (v2sf);
	s9 =	sadd.s32 s2, s9;
	(pc) =	sbr.rel .LBB2_5-.Ltmp5, $4  }
0x27a: {  	[tilespmem:s29], [sflag:$0x4] =	stream.strided.gather [hbm4b:s9+s11], $0x1000, s13, s11, $0x38;
	[tilespmem:$0x14500] =	vst v63  }
0x27b: {  	s15 =	sadd.s32 $0x4, s15;
	s9 =	sand.u32 $0xFFFFF80, s19  }
0x27c: {  	s8 =	sadd.s32 $0x10, s8;
	s7 =	sadd.s32 $0x10, s7;
	s9 =	sadd.s32 s2, s9  }
0x27d: {  	[tilespmem:s30], [sflag:$0x4] =	stream.strided.gather [hbm4b:s9+s11], $0x1000, s13, s11, $0x38;
	[tilespmem:$0x14500] =	vst v63  }
.LBB2_8:
0x27e: {  	_ =	sfence.sel $0x180000  }
0x27f: {  	[bflag:$0x0] =	sbarrier.arrive $0xFFFF  }
0x280: {  	_ =	strace $0x90000047  }
0x281: {  	s0 =	stileid.u32;
	[bflag:$0x2] =	sbarrier.arrive $0xFFFF  }
0x282: {  	p0 =	sne.s32 s0, $0x0;
	s0 =	rddreg [dreg:$0x5]  }
0x283: {  	s0 =	sadd.s32 @!p0 $0x100000, s0  }
0x284: {  	[sflag:s0] =	ssyncadd.tile.s32 @!p0 $0x1;
	_ =	shalt  }
.Lfunc_end2:
_tile_overlayer_lowered:
.L_overlay_start_2:
0x285: {  	(tag) =	ssettag $0x2  }
0x286: {  	s0 =	rddreg [dreg:$0x0];
	s2 =	stileid.u32  }
0x287: {  	s1 =	rddreg [dreg:$0x1];
	p0 =	sne.s32 s2, $0x0  }
0x288: {  	s3 =	rddreg [dreg:$0x2];
	[bflag:$0x3] =	sbarrier.arrive $0xFFFF;
	s2 =	simm.s32 @!p0 $0x1C05  }
0x289: {  	[timem:s3], [sflag:s2] =	dma.local @!p0 [hbm:s0], s1  }
0x28a: {  	s0 =	simm.s32 @!p0 $0x5  }
0x28b: {  	_ =	swait.ge @!p0 [sflag:s0], s1  }
0x28c: {  	s1 =	ssub.s32 @!p0 $0x0, s1;
	[sflag:s0] =	ssyncset.done @!p0 $0x0  }
0x28d: {  	[sflag:s0] =	ssyncadd.s32 @!p0 s1  }
0x28e: {  	[bflag:$0x3] =	sbarrier.arrive $0xFFFF  }
0x28f: {  	_ =	shalt  }

</sc_bundles>
